<compile_context>
chip_gen: v7x
topology: tpu7x:2x2x1
jax: 0.10.2.dev20260603
libtpu: 0.0.44.dev20260713+nightly
codegen_flags: <defaults>
</compile_context>

<pallas_src>
import functools

import jax
import jax.numpy as jnp
from jax import lax
from jax.experimental import pallas as pl
from jax.experimental.pallas import tpu as pltpu
from jax.experimental.pallas import tpu_sc as plsc

N_NODES = 10000
N_EDGES = 320000
D_IN = 128
H_DIM = 32
W_AUG = H_DIM + 8

NC = 2
NS = 16
NW = NC * NS

CHUNK = 128
TOT_CHUNKS = 2560
E_PAD = TOT_CHUNKS * CHUNK
CH0 = 120
CH1 = TOT_CHUNKS // NS - CH0
N_PAD = 10112
NBUF = 8
ROWS_PER_TILE = N_PAD // NS


def _tc1_body(x_ref, wl_ref, wr_ref, b_ref, y_ref, r_ref):
    x = x_ref[...]
    y = jnp.dot(x, wl_ref[...], preferred_element_type=jnp.float32)
    yaug = jnp.concatenate(
        [y, jnp.ones((N_PAD, W_AUG - H_DIM), jnp.float32)], axis=1
    )
    row = lax.broadcasted_iota(jnp.int32, (N_PAD, 1), 0)
    y_ref[...] = jnp.where(row < N_NODES, yaug, 0.0)
    r_ref[...] = (
        jnp.dot(x, wr_ref[...], preferred_element_type=jnp.float32) + b_ref[...]
    )


def _tc_stage1(x_pad, W1l, W1r, b1):
    return pl.pallas_call(
        _tc1_body,
        out_shape=(
            jax.ShapeDtypeStruct((N_PAD, W_AUG), jnp.float32),
            jax.ShapeDtypeStruct((N_PAD, H_DIM), jnp.float32),
        ),
    )(x_pad, W1l, W1r, b1)


def _sc_edge_body(width, y_hbm, src_hbm, dst_hbm, zeros_hbm, sums_hbm,
                  src_v, dst_v, rows_v, acc_sh, *sems):
    gsems, ssems = sems[:NBUF], sems[NBUF:]
    c = lax.axis_index("c")
    s = lax.axis_index("s")

    def run(base, nch):
        zero = pltpu.async_copy(
            zeros_hbm,
            acc_sh.at[pl.ds(s * ROWS_PER_TILE, ROWS_PER_TILE)],
            ssems[0],
        )
        pltpu.sync_copy(src_hbm.at[pl.ds(base, nch)], src_v.at[pl.ds(0, nch)])
        pltpu.sync_copy(dst_hbm.at[pl.ds(base, nch)], dst_v.at[pl.ds(0, nch)])

        for b in range(NBUF):
            pltpu.async_copy(y_hbm.at[src_v.at[b]], rows_v.at[b], gsems[b])
        zero.wait()
        plsc.subcore_barrier()

        def group_step(g, carry):
            scatters = []
            for b in range(NBUF):
                j = g * NBUF + b
                pltpu.make_async_copy(
                    y_hbm.at[src_v.at[j]], rows_v.at[b], gsems[b]
                ).wait()
                scatters.append(
                    pltpu.async_copy(
                        rows_v.at[b], acc_sh.at[dst_v.at[j]], ssems[b],
                        add=True,
                    )
                )
            for b in range(NBUF):
                j = g * NBUF + b
                scatters[b].wait()

                @pl.when(g < nch // NBUF - 1)
                def _():
                    pltpu.async_copy(
                        y_hbm.at[src_v.at[j + NBUF]], rows_v.at[b], gsems[b]
                    )

            return carry

        lax.fori_loop(0, nch // NBUF, group_step, 0)

    @pl.when(c == 0)
    def _():
        run(s * CH0, CH0)

    @pl.when(c == 1)
    def _():
        run(NS * CH0 + s * CH1, CH1)

    plsc.subcore_barrier()

    sl = pl.ds(s * ROWS_PER_TILE, ROWS_PER_TILE)
    pltpu.sync_copy(acc_sh.at[sl], sums_hbm.at[c].at[sl])


def _sc_edge_pass(y, src2d, dst2d, width):
    mesh = plsc.VectorSubcoreMesh(
        core_axis_name="c", subcore_axis_name="s", num_cores=NC, num_subcores=NS
    )
    scratch = [
        pltpu.VMEM((max(CH0, CH1), CHUNK), jnp.int32),
        pltpu.VMEM((max(CH0, CH1), CHUNK), jnp.int32),
        pltpu.VMEM((NBUF, CHUNK, width), jnp.float32),
        pltpu.VMEM_SHARED((N_PAD, width), jnp.float32),
    ] + [pltpu.SemaphoreType.DMA] * (2 * NBUF)
    zeros = jnp.zeros((ROWS_PER_TILE, width), jnp.float32)
    fn = pl.kernel(
        functools.partial(_sc_edge_body, width),
        out_type=jax.ShapeDtypeStruct((NC, N_PAD, width), jnp.float32),
        mesh=mesh,
        scratch_types=scratch,
        compiler_params=pltpu.CompilerParams(use_tc_tiling_on_sc=False),
    )
    return fn(y, src2d, dst2d, zeros)


def _tc2_body(s_ref, r_ref, wl_ref, wr_ref, b_ref, y_ref, r2_ref):
    ssum = s_ref[0, :, :H_DIM] + s_ref[1, :, :H_DIM]
    cnt = s_ref[0, :, H_DIM:H_DIM + 1] + s_ref[1, :, H_DIM:H_DIM + 1]
    mean = ssum / jnp.maximum(cnt, 1.0)
    h = jnp.maximum(mean + r_ref[...], 0.0)
    y2 = jnp.dot(h, wl_ref[...], preferred_element_type=jnp.float32)
    row = lax.broadcasted_iota(jnp.int32, (N_PAD, 1), 0)
    y_ref[...] = jnp.where(row < N_NODES, y2, 0.0)
    r2_ref[...] = (
        jnp.dot(h, wr_ref[...], preferred_element_type=jnp.float32) + b_ref[...]
    )


def _tc_stage2(sums1, r1, W2l, W2r, b2):
    return pl.pallas_call(
        _tc2_body,
        out_shape=(
            jax.ShapeDtypeStruct((N_PAD, H_DIM), jnp.float32),
            jax.ShapeDtypeStruct((N_PAD, H_DIM), jnp.float32),
        ),
    )(sums1, r1, W2l, W2r, b2)


def _tc3_body(s2_ref, s1_ref, r_ref, w_ref, b_ref, o_ref):
    ssum = s2_ref[0] + s2_ref[1]
    cnt = s1_ref[0, :, H_DIM:H_DIM + 1] + s1_ref[1, :, H_DIM:H_DIM + 1]
    mean = ssum / jnp.maximum(cnt, 1.0)
    h2 = mean + r_ref[...]
    o_ref[...] = (
        jnp.sum(h2 * w_ref[...], axis=1, keepdims=True) + b_ref[...]
    )


def _tc_stage3(sums2, sums1, r2, wvec, blin):
    return pl.pallas_call(
        _tc3_body,
        out_shape=jax.ShapeDtypeStruct((N_PAD, 1), jnp.float32),
    )(sums2, sums1, r2, wvec, blin)


def kernel(x, edge_index, W1l, b1, W1r, W2l, b2, W2r, Wlin, blin):
    x_pad = jnp.zeros((N_PAD, D_IN), x.dtype).at[:N_NODES].set(x)

    pad = E_PAD - N_EDGES
    src = jnp.concatenate(
        [edge_index[0], jnp.full((pad,), N_NODES, jnp.int32)]
    ).reshape(E_PAD // CHUNK, CHUNK)
    dst = jnp.concatenate(
        [edge_index[1], jnp.arange(pad, dtype=jnp.int32) % N_PAD]
    ).reshape(E_PAD // CHUNK, CHUNK)

    y1, r1 = _tc_stage1(x_pad, W1l, W1r, b1.reshape(1, H_DIM))
    sums1 = _sc_edge_pass(y1, src, dst, W_AUG)
    y2, r2 = _tc_stage2(sums1, r1, W2l, W2r, b2.reshape(1, H_DIM))
    sums2 = _sc_edge_pass(y2, src, dst, H_DIM)
    out = _tc_stage3(sums2, sums1, r2, Wlin.reshape(1, H_DIM),
                     blin.reshape(1, 1))
    return out[:N_NODES]

# --- scband reference (transcript-rebuilt; emitter-appended) ---
"""Pipeline reference for scband-hetero-sage-30605936951692 (READ-ONLY COPY).

The authoritative reference and input builder live on the scoring server;
editing this copy changes nothing except your own understanding.
"""

import jax, jax.numpy as jnp
import numpy as np

N = 10000
E = 320000
D = 128
H = 32
OUT = 1


def setup_inputs(seed: int = 0) -> dict:
    key = jax.random.key(seed)
    ks = jax.random.split(key, 12)
    x = jax.random.normal(ks[0], (N, D), dtype=jnp.float32)
    edge_index = jax.random.randint(ks[1], (2, E), 0, N, dtype=jnp.int32)
    # SAGEConv1 (paper,cites,paper): lin_l (neighbor agg, with bias), lin_r (root, no bias)
    W1l = jax.random.normal(ks[2], (D, H), dtype=jnp.float32) / np.sqrt(D)
    b1 = jnp.zeros((H,), dtype=jnp.float32)
    W1r = jax.random.normal(ks[3], (D, H), dtype=jnp.float32) / np.sqrt(D)
    # SAGEConv2
    W2l = jax.random.normal(ks[4], (H, H), dtype=jnp.float32) / np.sqrt(H)
    b2 = jnp.zeros((H,), dtype=jnp.float32)
    W2r = jax.random.normal(ks[5], (H, H), dtype=jnp.float32) / np.sqrt(H)
    # final linear 32 -> 1
    Wlin = jax.random.normal(ks[6], (H, OUT), dtype=jnp.float32) / np.sqrt(H)
    blin = jnp.zeros((OUT,), dtype=jnp.float32)
    return {
        "x": x,
        "edge_index": edge_index,
        "W1l": W1l, "b1": b1, "W1r": W1r,
        "W2l": W2l, "b2": b2, "W2r": W2r,
        "Wlin": Wlin, "blin": blin,
    }


def _sage_conv(x, edge_index, Wl, b, Wr):
    src = edge_index[0]
    dst = edge_index[1]
    msgs = jnp.take(x, src, axis=0)                       # gather source features
    sums = jax.ops.segment_sum(msgs, dst, num_segments=N)  # scatter-add by dst
    cnt = jax.ops.segment_sum(jnp.ones((E,), x.dtype), dst, num_segments=N)
    mean = sums / jnp.clip(cnt, 1.0, None)[:, None]        # mean aggregation
    return mean @ Wl + b + x @ Wr


def reference(x, edge_index, W1l, b1, W1r, W2l, b2, W2r, Wlin, blin):
    # to_hetero with single node type 'paper' and single edge type
    # ('paper','cites','paper') reduces to homogeneous 2-layer GraphSAGE.
    h = jax.nn.relu(_sage_conv(x, edge_index, W1l, b1, W1r))
    h = _sage_conv(h, edge_index, W2l, b2, W2r)
    # model_config is None -> raw logits, out_channels = 1
    return h @ Wlin + blin

if __name__ == "__main__":
    import jax
    _d = setup_inputs()
    print(jax.jit(kernel)(*tuple(_d.values())))

</pallas_src>

<mosaic_0001>
#map = affine_map<(d0, d1) -> (0, 0)>
#map1 = affine_map<(d0, d1) -> (0, 0, 0)>
module attributes {stable_mosaic.version = 14 : i64} {
  func.func @_sc_edge_body(%arg0: i32, %arg1: i32, %arg2: memref<10112x32xf32, #tpu.memory_space<hbm>>, %arg3: memref<2560x128xi32, #tpu.memory_space<hbm>>, %arg4: memref<2560x128xi32, #tpu.memory_space<hbm>>, %arg5: memref<632x32xf32, #tpu.memory_space<hbm>>, %arg6: memref<2x10112x32xf32, #tpu.memory_space<hbm>>, %arg7: memref<120x128xi32, #tpu.memory_space<vmem>>, %arg8: memref<120x128xi32, #tpu.memory_space<vmem>>, %arg9: memref<8x128x32xf32, #tpu.memory_space<vmem>>, %arg10: memref<10112x32xf32, #tpu.memory_space<vmem_shared>>, %arg11: memref<!tpu.dma_semaphore, #tpu.memory_space<semaphore_mem>>, %arg12: memref<!tpu.dma_semaphore, #tpu.memory_space<semaphore_mem>>, %arg13: memref<!tpu.dma_semaphore, #tpu.memory_space<semaphore_mem>>, %arg14: memref<!tpu.dma_semaphore, #tpu.memory_space<semaphore_mem>>, %arg15: memref<!tpu.dma_semaphore, #tpu.memory_space<semaphore_mem>>, %arg16: memref<!tpu.dma_semaphore, #tpu.memory_space<semaphore_mem>>, %arg17: memref<!tpu.dma_semaphore, #tpu.memory_space<semaphore_mem>>, %arg18: memref<!tpu.dma_semaphore, #tpu.memory_space<semaphore_mem>>, %arg19: memref<!tpu.dma_semaphore, #tpu.memory_space<semaphore_mem>>, %arg20: memref<!tpu.dma_semaphore, #tpu.memory_space<semaphore_mem>>, %arg21: memref<!tpu.dma_semaphore, #tpu.memory_space<semaphore_mem>>, %arg22: memref<!tpu.dma_semaphore, #tpu.memory_space<semaphore_mem>>, %arg23: memref<!tpu.dma_semaphore, #tpu.memory_space<semaphore_mem>>, %arg24: memref<!tpu.dma_semaphore, #tpu.memory_space<semaphore_mem>>, %arg25: memref<!tpu.dma_semaphore, #tpu.memory_space<semaphore_mem>>, %arg26: memref<!tpu.dma_semaphore, #tpu.memory_space<semaphore_mem>>) attributes {dimension_semantics = [#tpu.dimension_semantics<core_parallel>, #tpu.dimension_semantics<subcore_parallel>], iteration_bounds = array<i64: 2, 16>, scalar_prefetch = 0 : i64, scratch_operands = 20 : i64, tpu.core_type = #tpu.core_type<sc_vector_subcore>, window_params = [{transform_indices = #map}, {transform_indices = #map}, {transform_indices = #map}, {transform_indices = #map}, {transform_indices = #map1}]} {
    %eq3A = arith.constant 0 : i32
    %eq3A_0 = arith.cmpi eq, %arg0, %eq3A : i32
    %convert_element_type3A = arith.extui %eq3A_0 : i1 to i32
    %cond3A = arith.constant 0 : i32
    %cond3A_1 = arith.cmpi ne, %convert_element_type3A, %cond3A : i32
    scf.if %cond3A_1 {
      %mul3A_8 = arith.constant 120 : i32
      %mul3A_9 = arith.muli %arg1, %mul3A_8 : i32
      %mul3A_10 = arith.constant 632 : i32
      %mul3A_11 = arith.muli %arg1, %mul3A_10 : i32
      %dma_start3A = arith.constant 0 : i32
      %dma_start3A_12 = tpu.memref_slice %arg10[%mul3A_11, %dma_start3A] : memref<10112x32xf32, #tpu.memory_space<vmem_shared>> -> memref<632x32xf32, #tpu.memory_space<vmem_shared>>
      tpu.enqueue_dma source(%arg5 : memref<632x32xf32, #tpu.memory_space<hbm>>) target(%dma_start3A_12 : memref<632x32xf32, #tpu.memory_space<vmem_shared>>) target_semaphore(%arg19 : memref<!tpu.dma_semaphore, #tpu.memory_space<semaphore_mem>>)
      "tpu.region"() ({
        %run_scoped3A = tpu.sem_alloc : memref<!tpu.dma_semaphore, #tpu.memory_space<semaphore_mem>>
        %dma_start3A_116 = arith.constant 0 : i32
        %dma_start3A_117 = arith.constant 0 : i32
        %dma_start3A_118 = tpu.memref_slice %arg7[%dma_start3A_116, %dma_start3A_117] : memref<120x128xi32, #tpu.memory_space<vmem>> -> memref<120x128xi32, #tpu.memory_space<vmem>>
        %dma_start3A_119 = arith.constant 0 : i32
        %dma_start3A_120 = tpu.memref_slice %arg3[%mul3A_9, %dma_start3A_119] : memref<2560x128xi32, #tpu.memory_space<hbm>> -> memref<120x128xi32, #tpu.memory_space<hbm>>
        %dma_start3A_121 = arith.constant 0 : i32
        %dma_start3A_122 = arith.constant 0 : i32
        %dma_start3A_123 = tpu.memref_slice %arg7[%dma_start3A_121, %dma_start3A_122] : memref<120x128xi32, #tpu.memory_space<vmem>> -> memref<120x128xi32, #tpu.memory_space<vmem>>
        %dma_start3A_124 = arith.constant 0 : i32
        %dma_start3A_125 = tpu.memref_slice %arg3[%mul3A_9, %dma_start3A_124] : memref<2560x128xi32, #tpu.memory_space<hbm>> -> memref<120x128xi32, #tpu.memory_space<hbm>>
        tpu.enqueue_dma source(%dma_start3A_125 : memref<120x128xi32, #tpu.memory_space<hbm>>) target(%dma_start3A_123 : memref<120x128xi32, #tpu.memory_space<vmem>>) target_semaphore(%run_scoped3A : memref<!tpu.dma_semaphore, #tpu.memory_space<semaphore_mem>>)
        %dma_wait3A_126 = arith.constant 0 : i32
        %dma_wait3A_127 = arith.constant 0 : i32
        %dma_wait3A_128 = tpu.memref_slice %arg7[%dma_wait3A_126, %dma_wait3A_127] : memref<120x128xi32, #tpu.memory_space<vmem>> -> memref<120x128xi32, #tpu.memory_space<vmem>>
        %dma_wait3A_129 = arith.constant 0 : i32
        %dma_wait3A_130 = tpu.memref_slice %arg3[%mul3A_9, %dma_wait3A_129] : memref<2560x128xi32, #tpu.memory_space<hbm>> -> memref<120x128xi32, #tpu.memory_space<hbm>>
        %dma_wait3A_131 = arith.constant 0 : i32
        %dma_wait3A_132 = arith.constant 0 : i32
        %dma_wait3A_133 = tpu.memref_slice %arg7[%dma_wait3A_131, %dma_wait3A_132] : memref<120x128xi32, #tpu.memory_space<vmem>> -> memref<120x128xi32, #tpu.memory_space<vmem>>
        %dma_wait3A_134 = arith.constant 0 : i32
        %dma_wait3A_135 = tpu.memref_slice %arg3[%mul3A_9, %dma_wait3A_134] : memref<2560x128xi32, #tpu.memory_space<hbm>> -> memref<120x128xi32, #tpu.memory_space<hbm>>
        tpu.wait_dma2 semaphore(%run_scoped3A : memref<!tpu.dma_semaphore, #tpu.memory_space<semaphore_mem>>) src(%dma_wait3A_135 : memref<120x128xi32, #tpu.memory_space<hbm>>) dst(%dma_wait3A_133 : memref<120x128xi32, #tpu.memory_space<vmem>>)
        tpu.yield
      }) : () -> ()
      "tpu.region"() ({
        %run_scoped3A = tpu.sem_alloc : memref<!tpu.dma_semaphore, #tpu.memory_space<semaphore_mem>>
        %dma_start3A_116 = arith.constant 0 : i32
        %dma_start3A_117 = arith.constant 0 : i32
        %dma_start3A_118 = tpu.memref_slice %arg8[%dma_start3A_116, %dma_start3A_117] : memref<120x128xi32, #tpu.memory_space<vmem>> -> memref<120x128xi32, #tpu.memory_space<vmem>>
        %dma_start3A_119 = arith.constant 0 : i32
        %dma_start3A_120 = tpu.memref_slice %arg4[%mul3A_9, %dma_start3A_119] : memref<2560x128xi32, #tpu.memory_space<hbm>> -> memref<120x128xi32, #tpu.memory_space<hbm>>
        %dma_start3A_121 = arith.constant 0 : i32
        %dma_start3A_122 = arith.constant 0 : i32
        %dma_start3A_123 = tpu.memref_slice %arg8[%dma_start3A_121, %dma_start3A_122] : memref<120x128xi32, #tpu.memory_space<vmem>> -> memref<120x128xi32, #tpu.memory_space<vmem>>
        %dma_start3A_124 = arith.constant 0 : i32
        %dma_start3A_125 = tpu.memref_slice %arg4[%mul3A_9, %dma_start3A_124] : memref<2560x128xi32, #tpu.memory_space<hbm>> -> memref<120x128xi32, #tpu.memory_space<hbm>>
        tpu.enqueue_dma source(%dma_start3A_125 : memref<120x128xi32, #tpu.memory_space<hbm>>) target(%dma_start3A_123 : memref<120x128xi32, #tpu.memory_space<vmem>>) target_semaphore(%run_scoped3A : memref<!tpu.dma_semaphore, #tpu.memory_space<semaphore_mem>>)
        %dma_wait3A_126 = arith.constant 0 : i32
        %dma_wait3A_127 = arith.constant 0 : i32
        %dma_wait3A_128 = tpu.memref_slice %arg8[%dma_wait3A_126, %dma_wait3A_127] : memref<120x128xi32, #tpu.memory_space<vmem>> -> memref<120x128xi32, #tpu.memory_space<vmem>>
        %dma_wait3A_129 = arith.constant 0 : i32
        %dma_wait3A_130 = tpu.memref_slice %arg4[%mul3A_9, %dma_wait3A_129] : memref<2560x128xi32, #tpu.memory_space<hbm>> -> memref<120x128xi32, #tpu.memory_space<hbm>>
        %dma_wait3A_131 = arith.constant 0 : i32
        %dma_wait3A_132 = arith.constant 0 : i32
        %dma_wait3A_133 = tpu.memref_slice %arg8[%dma_wait3A_131, %dma_wait3A_132] : memref<120x128xi32, #tpu.memory_space<vmem>> -> memref<120x128xi32, #tpu.memory_space<vmem>>
        %dma_wait3A_134 = arith.constant 0 : i32
        %dma_wait3A_135 = tpu.memref_slice %arg4[%mul3A_9, %dma_wait3A_134] : memref<2560x128xi32, #tpu.memory_space<hbm>> -> memref<120x128xi32, #tpu.memory_space<hbm>>
        tpu.wait_dma2 semaphore(%run_scoped3A : memref<!tpu.dma_semaphore, #tpu.memory_space<semaphore_mem>>) src(%dma_wait3A_135 : memref<120x128xi32, #tpu.memory_space<hbm>>) dst(%dma_wait3A_133 : memref<120x128xi32, #tpu.memory_space<vmem>>)
        tpu.yield
      }) : () -> ()
      %dma_start3A_13 = arith.constant 0 : i32
      %dma_start3A_14 = arith.constant 0 : i32
      %dma_start3A_15 = arith.constant 0 : i32
      %dma_start3A_16 = arith.constant 0 : i32
      %dma_start3A_17 = tpu.memref_slice %arg9[%dma_start3A_14, %dma_start3A_15, %dma_start3A_16] : memref<8x128x32xf32, #tpu.memory_space<vmem>> -> memref<1x128x32xf32, #tpu.memory_space<vmem>>
      %dma_start3A_18 = tpu.memref_squeeze %dma_start3A_17 : memref<1x128x32xf32, #tpu.memory_space<vmem>> -> memref<128x32xf32, #tpu.memory_space<vmem>>
      %dma_start3A_19 = arith.constant 0 : i32
      %dma_start3A_20 = tpu.memref_slice %arg7[%dma_start3A_13, %dma_start3A_19] : memref<120x128xi32, #tpu.memory_space<vmem>> -> memref<1x128xi32, #tpu.memory_space<vmem>>
      %dma_start3A_21 = tpu.memref_squeeze %dma_start3A_20 : memref<1x128xi32, #tpu.memory_space<vmem>> -> memref<128xi32, #tpu.memory_space<vmem>>
      %dma_start3A_22 = arith.constant 0 : i32
      %dma_start3A_23 = arith.constant 0 : i32
      %dma_start3A_24 = tpu.memref_slice %arg2[%dma_start3A_22, %dma_start3A_23] : memref<10112x32xf32, #tpu.memory_space<hbm>> -> memref<10112x32xf32, #tpu.memory_space<hbm>>
      tpu.enqueue_indirect_dma source(%dma_start3A_24 : memref<10112x32xf32, #tpu.memory_space<hbm>>) target(%dma_start3A_18 : memref<128x32xf32, #tpu.memory_space<vmem>>) offsets(%dma_start3A_21 : memref<128xi32, #tpu.memory_space<vmem>>) semaphore(%arg11 : memref<!tpu.dma_semaphore, #tpu.memory_space<semaphore_mem>>)
      %dma_start3A_25 = arith.constant 1 : i32
      %dma_start3A_26 = arith.constant 1 : i32
      %dma_start3A_27 = arith.constant 0 : i32
      %dma_start3A_28 = arith.constant 0 : i32
      %dma_start3A_29 = tpu.memref_slice %arg9[%dma_start3A_26, %dma_start3A_27, %dma_start3A_28] : memref<8x128x32xf32, #tpu.memory_space<vmem>> -> memref<1x128x32xf32, #tpu.memory_space<vmem>>
      %dma_start3A_30 = tpu.memref_squeeze %dma_start3A_29 : memref<1x128x32xf32, #tpu.memory_space<vmem>> -> memref<128x32xf32, #tpu.memory_space<vmem>>
      %dma_start3A_31 = arith.constant 0 : i32
      %dma_start3A_32 = tpu.memref_slice %arg7[%dma_start3A_25, %dma_start3A_31] : memref<120x128xi32, #tpu.memory_space<vmem>> -> memref<1x128xi32, #tpu.memory_space<vmem>>
      %dma_start3A_33 = tpu.memref_squeeze %dma_start3A_32 : memref<1x128xi32, #tpu.memory_space<vmem>> -> memref<128xi32, #tpu.memory_space<vmem>>
      %dma_start3A_34 = arith.constant 0 : i32
      %dma_start3A_35 = arith.constant 0 : i32
      %dma_start3A_36 = tpu.memref_slice %arg2[%dma_start3A_34, %dma_start3A_35] : memref<10112x32xf32, #tpu.memory_space<hbm>> -> memref<10112x32xf32, #tpu.memory_space<hbm>>
      tpu.enqueue_indirect_dma source(%dma_start3A_36 : memref<10112x32xf32, #tpu.memory_space<hbm>>) target(%dma_start3A_30 : memref<128x32xf32, #tpu.memory_space<vmem>>) offsets(%dma_start3A_33 : memref<128xi32, #tpu.memory_space<vmem>>) semaphore(%arg12 : memref<!tpu.dma_semaphore, #tpu.memory_space<semaphore_mem>>)
      %dma_start3A_37 = arith.constant 2 : i32
      %dma_start3A_38 = arith.constant 2 : i32
      %dma_start3A_39 = arith.constant 0 : i32
      %dma_start3A_40 = arith.constant 0 : i32
      %dma_start3A_41 = tpu.memref_slice %arg9[%dma_start3A_38, %dma_start3A_39, %dma_start3A_40] : memref<8x128x32xf32, #tpu.memory_space<vmem>> -> memref<1x128x32xf32, #tpu.memory_space<vmem>>
      %dma_start3A_42 = tpu.memref_squeeze %dma_start3A_41 : memref<1x128x32xf32, #tpu.memory_space<vmem>> -> memref<128x32xf32, #tpu.memory_space<vmem>>
      %dma_start3A_43 = arith.constant 0 : i32
      %dma_start3A_44 = tpu.memref_slice %arg7[%dma_start3A_37, %dma_start3A_43] : memref<120x128xi32, #tpu.memory_space<vmem>> -> memref<1x128xi32, #tpu.memory_space<vmem>>
      %dma_start3A_45 = tpu.memref_squeeze %dma_start3A_44 : memref<1x128xi32, #tpu.memory_space<vmem>> -> memref<128xi32, #tpu.memory_space<vmem>>
      %dma_start3A_46 = arith.constant 0 : i32
      %dma_start3A_47 = arith.constant 0 : i32
      %dma_start3A_48 = tpu.memref_slice %arg2[%dma_start3A_46, %dma_start3A_47] : memref<10112x32xf32, #tpu.memory_space<hbm>> -> memref<10112x32xf32, #tpu.memory_space<hbm>>
      tpu.enqueue_indirect_dma source(%dma_start3A_48 : memref<10112x32xf32, #tpu.memory_space<hbm>>) target(%dma_start3A_42 : memref<128x32xf32, #tpu.memory_space<vmem>>) offsets(%dma_start3A_45 : memref<128xi32, #tpu.memory_space<vmem>>) semaphore(%arg13 : memref<!tpu.dma_semaphore, #tpu.memory_space<semaphore_mem>>)
      %dma_start3A_49 = arith.constant 3 : i32
      %dma_start3A_50 = arith.constant 3 : i32
      %dma_start3A_51 = arith.constant 0 : i32
      %dma_start3A_52 = arith.constant 0 : i32
      %dma_start3A_53 = tpu.memref_slice %arg9[%dma_start3A_50, %dma_start3A_51, %dma_start3A_52] : memref<8x128x32xf32, #tpu.memory_space<vmem>> -> memref<1x128x32xf32, #tpu.memory_space<vmem>>
      %dma_start3A_54 = tpu.memref_squeeze %dma_start3A_53 : memref<1x128x32xf32, #tpu.memory_space<vmem>> -> memref<128x32xf32, #tpu.memory_space<vmem>>
      %dma_start3A_55 = arith.constant 0 : i32
      %dma_start3A_56 = tpu.memref_slice %arg7[%dma_start3A_49, %dma_start3A_55] : memref<120x128xi32, #tpu.memory_space<vmem>> -> memref<1x128xi32, #tpu.memory_space<vmem>>
      %dma_start3A_57 = tpu.memref_squeeze %dma_start3A_56 : memref<1x128xi32, #tpu.memory_space<vmem>> -> memref<128xi32, #tpu.memory_space<vmem>>
      %dma_start3A_58 = arith.constant 0 : i32
      %dma_start3A_59 = arith.constant 0 : i32
      %dma_start3A_60 = tpu.memref_slice %arg2[%dma_start3A_58, %dma_start3A_59] : memref<10112x32xf32, #tpu.memory_space<hbm>> -> memref<10112x32xf32, #tpu.memory_space<hbm>>
      tpu.enqueue_indirect_dma source(%dma_start3A_60 : memref<10112x32xf32, #tpu.memory_space<hbm>>) target(%dma_start3A_54 : memref<128x32xf32, #tpu.memory_space<vmem>>) offsets(%dma_start3A_57 : memref<128xi32, #tpu.memory_space<vmem>>) semaphore(%arg14 : memref<!tpu.dma_semaphore, #tpu.memory_space<semaphore_mem>>)
      %dma_start3A_61 = arith.constant 4 : i32
      %dma_start3A_62 = arith.constant 4 : i32
      %dma_start3A_63 = arith.constant 0 : i32
      %dma_start3A_64 = arith.constant 0 : i32
      %dma_start3A_65 = tpu.memref_slice %arg9[%dma_start3A_62, %dma_start3A_63, %dma_start3A_64] : memref<8x128x32xf32, #tpu.memory_space<vmem>> -> memref<1x128x32xf32, #tpu.memory_space<vmem>>
      %dma_start3A_66 = tpu.memref_squeeze %dma_start3A_65 : memref<1x128x32xf32, #tpu.memory_space<vmem>> -> memref<128x32xf32, #tpu.memory_space<vmem>>
      %dma_start3A_67 = arith.constant 0 : i32
      %dma_start3A_68 = tpu.memref_slice %arg7[%dma_start3A_61, %dma_start3A_67] : memref<120x128xi32, #tpu.memory_space<vmem>> -> memref<1x128xi32, #tpu.memory_space<vmem>>
      %dma_start3A_69 = tpu.memref_squeeze %dma_start3A_68 : memref<1x128xi32, #tpu.memory_space<vmem>> -> memref<128xi32, #tpu.memory_space<vmem>>
      %dma_start3A_70 = arith.constant 0 : i32
      %dma_start3A_71 = arith.constant 0 : i32
      %dma_start3A_72 = tpu.memref_slice %arg2[%dma_start3A_70, %dma_start3A_71] : memref<10112x32xf32, #tpu.memory_space<hbm>> -> memref<10112x32xf32, #tpu.memory_space<hbm>>
      tpu.enqueue_indirect_dma source(%dma_start3A_72 : memref<10112x32xf32, #tpu.memory_space<hbm>>) target(%dma_start3A_66 : memref<128x32xf32, #tpu.memory_space<vmem>>) offsets(%dma_start3A_69 : memref<128xi32, #tpu.memory_space<vmem>>) semaphore(%arg15 : memref<!tpu.dma_semaphore, #tpu.memory_space<semaphore_mem>>)
      %dma_start3A_73 = arith.constant 5 : i32
      %dma_start3A_74 = arith.constant 5 : i32
      %dma_start3A_75 = arith.constant 0 : i32
      %dma_start3A_76 = arith.constant 0 : i32
      %dma_start3A_77 = tpu.memref_slice %arg9[%dma_start3A_74, %dma_start3A_75, %dma_start3A_76] : memref<8x128x32xf32, #tpu.memory_space<vmem>> -> memref<1x128x32xf32, #tpu.memory_space<vmem>>
      %dma_start3A_78 = tpu.memref_squeeze %dma_start3A_77 : memref<1x128x32xf32, #tpu.memory_space<vmem>> -> memref<128x32xf32, #tpu.memory_space<vmem>>
      %dma_start3A_79 = arith.constant 0 : i32
      %dma_start3A_80 = tpu.memref_slice %arg7[%dma_start3A_73, %dma_start3A_79] : memref<120x128xi32, #tpu.memory_space<vmem>> -> memref<1x128xi32, #tpu.memory_space<vmem>>
      %dma_start3A_81 = tpu.memref_squeeze %dma_start3A_80 : memref<1x128xi32, #tpu.memory_space<vmem>> -> memref<128xi32, #tpu.memory_space<vmem>>
      %dma_start3A_82 = arith.constant 0 : i32
      %dma_start3A_83 = arith.constant 0 : i32
      %dma_start3A_84 = tpu.memref_slice %arg2[%dma_start3A_82, %dma_start3A_83] : memref<10112x32xf32, #tpu.memory_space<hbm>> -> memref<10112x32xf32, #tpu.memory_space<hbm>>
      tpu.enqueue_indirect_dma source(%dma_start3A_84 : memref<10112x32xf32, #tpu.memory_space<hbm>>) target(%dma_start3A_78 : memref<128x32xf32, #tpu.memory_space<vmem>>) offsets(%dma_start3A_81 : memref<128xi32, #tpu.memory_space<vmem>>) semaphore(%arg16 : memref<!tpu.dma_semaphore, #tpu.memory_space<semaphore_mem>>)
      %dma_start3A_85 = arith.constant 6 : i32
      %dma_start3A_86 = arith.constant 6 : i32
      %dma_start3A_87 = arith.constant 0 : i32
      %dma_start3A_88 = arith.constant 0 : i32
      %dma_start3A_89 = tpu.memref_slice %arg9[%dma_start3A_86, %dma_start3A_87, %dma_start3A_88] : memref<8x128x32xf32, #tpu.memory_space<vmem>> -> memref<1x128x32xf32, #tpu.memory_space<vmem>>
      %dma_start3A_90 = tpu.memref_squeeze %dma_start3A_89 : memref<1x128x32xf32, #tpu.memory_space<vmem>> -> memref<128x32xf32, #tpu.memory_space<vmem>>
      %dma_start3A_91 = arith.constant 0 : i32
      %dma_start3A_92 = tpu.memref_slice %arg7[%dma_start3A_85, %dma_start3A_91] : memref<120x128xi32, #tpu.memory_space<vmem>> -> memref<1x128xi32, #tpu.memory_space<vmem>>
      %dma_start3A_93 = tpu.memref_squeeze %dma_start3A_92 : memref<1x128xi32, #tpu.memory_space<vmem>> -> memref<128xi32, #tpu.memory_space<vmem>>
      %dma_start3A_94 = arith.constant 0 : i32
      %dma_start3A_95 = arith.constant 0 : i32
      %dma_start3A_96 = tpu.memref_slice %arg2[%dma_start3A_94, %dma_start3A_95] : memref<10112x32xf32, #tpu.memory_space<hbm>> -> memref<10112x32xf32, #tpu.memory_space<hbm>>
      tpu.enqueue_indirect_dma source(%dma_start3A_96 : memref<10112x32xf32, #tpu.memory_space<hbm>>) target(%dma_start3A_90 : memref<128x32xf32, #tpu.memory_space<vmem>>) offsets(%dma_start3A_93 : memref<128xi32, #tpu.memory_space<vmem>>) semaphore(%arg17 : memref<!tpu.dma_semaphore, #tpu.memory_space<semaphore_mem>>)
      %dma_start3A_97 = arith.constant 7 : i32
      %dma_start3A_98 = arith.constant 7 : i32
      %dma_start3A_99 = arith.constant 0 : i32
      %dma_start3A_100 = arith.constant 0 : i32
      %dma_start3A_101 = tpu.memref_slice %arg9[%dma_start3A_98, %dma_start3A_99, %dma_start3A_100] : memref<8x128x32xf32, #tpu.memory_space<vmem>> -> memref<1x128x32xf32, #tpu.memory_space<vmem>>
      %dma_start3A_102 = tpu.memref_squeeze %dma_start3A_101 : memref<1x128x32xf32, #tpu.memory_space<vmem>> -> memref<128x32xf32, #tpu.memory_space<vmem>>
      %dma_start3A_103 = arith.constant 0 : i32
      %dma_start3A_104 = tpu.memref_slice %arg7[%dma_start3A_97, %dma_start3A_103] : memref<120x128xi32, #tpu.memory_space<vmem>> -> memref<1x128xi32, #tpu.memory_space<vmem>>
      %dma_start3A_105 = tpu.memref_squeeze %dma_start3A_104 : memref<1x128xi32, #tpu.memory_space<vmem>> -> memref<128xi32, #tpu.memory_space<vmem>>
      %dma_start3A_106 = arith.constant 0 : i32
      %dma_start3A_107 = arith.constant 0 : i32
      %dma_start3A_108 = tpu.memref_slice %arg2[%dma_start3A_106, %dma_start3A_107] : memref<10112x32xf32, #tpu.memory_space<hbm>> -> memref<10112x32xf32, #tpu.memory_space<hbm>>
      tpu.enqueue_indirect_dma source(%dma_start3A_108 : memref<10112x32xf32, #tpu.memory_space<hbm>>) target(%dma_start3A_102 : memref<128x32xf32, #tpu.memory_space<vmem>>) offsets(%dma_start3A_105 : memref<128xi32, #tpu.memory_space<vmem>>) semaphore(%arg18 : memref<!tpu.dma_semaphore, #tpu.memory_space<semaphore_mem>>)
      %dma_wait3A = arith.constant 0 : i32
      %dma_wait3A_109 = tpu.memref_slice %arg10[%mul3A_11, %dma_wait3A] : memref<10112x32xf32, #tpu.memory_space<vmem_shared>> -> memref<632x32xf32, #tpu.memory_space<vmem_shared>>
      tpu.wait_dma2 semaphore(%arg19 : memref<!tpu.dma_semaphore, #tpu.memory_space<semaphore_mem>>) src(%arg5 : memref<632x32xf32, #tpu.memory_space<hbm>>) dst(%dma_wait3A_109 : memref<632x32xf32, #tpu.memory_space<vmem_shared>>)
      %barrier3A_110 = arith.constant 0 : index
      tpu.barrier barrier_id(%barrier3A_110)
      %scan3A = arith.constant 0 : i32
      %scan3A_111 = arith.constant 0 : i32
      %scan3A_112 = arith.constant 15 : i32
      %scan3A_113 = arith.addi %scan3A_111, %scan3A_112 : i32
      %scan3A_114 = arith.constant 1 : i32
      scf.for %scan3A_116 = %scan3A_111 to %scan3A_113 step %scan3A_114  : i32 {
        %mul3A_117 = arith.constant 8 : i32
        %mul3A_118 = arith.muli %scan3A_116, %mul3A_117 : i32
        %add3A = arith.constant 0 : i32
        %add3A_119 = arith.addi %mul3A_118, %add3A : i32
        %dma_wait3A_120 = arith.constant 0 : i32
        %dma_wait3A_121 = arith.constant 0 : i32
        %dma_wait3A_122 = arith.constant 0 : i32
        %dma_wait3A_123 = tpu.memref_slice %arg9[%dma_wait3A_120, %dma_wait3A_121, %dma_wait3A_122] : memref<8x128x32xf32, #tpu.memory_space<vmem>> -> memref<1x128x32xf32, #tpu.memory_space<vmem>>
        %dma_wait3A_124 = tpu.memref_squeeze %dma_wait3A_123 : memref<1x128x32xf32, #tpu.memory_space<vmem>> -> memref<128x32xf32, #tpu.memory_space<vmem>>
        %dma_wait3A_125 = arith.constant 0 : i32
        %dma_wait3A_126 = tpu.memref_slice %arg7[%add3A_119, %dma_wait3A_125] : memref<120x128xi32, #tpu.memory_space<vmem>> -> memref<1x128xi32, #tpu.memory_space<vmem>>
        %dma_wait3A_127 = tpu.memref_squeeze %dma_wait3A_126 : memref<1x128xi32, #tpu.memory_space<vmem>> -> memref<128xi32, #tpu.memory_space<vmem>>
        %dma_wait3A_128 = arith.constant 0 : i32
        %dma_wait3A_129 = arith.constant 0 : i32
        %dma_wait3A_130 = tpu.memref_slice %arg2[%dma_wait3A_128, %dma_wait3A_129] : memref<10112x32xf32, #tpu.memory_space<hbm>> -> memref<10112x32xf32, #tpu.memory_space<hbm>>
        tpu.wait_indirect_dma semaphore(%arg11 : memref<!tpu.dma_semaphore, #tpu.memory_space<semaphore_mem>>) src(%dma_wait3A_130 : memref<10112x32xf32, #tpu.memory_space<hbm>>) dst(%dma_wait3A_124 : memref<128x32xf32, #tpu.memory_space<vmem>>)
        %dma_start3A_131 = arith.constant 0 : i32
        %dma_start3A_132 = arith.constant 0 : i32
        %dma_start3A_133 = arith.constant 0 : i32
        %dma_start3A_134 = tpu.memref_slice %arg9[%dma_start3A_131, %dma_start3A_132, %dma_start3A_133] : memref<8x128x32xf32, #tpu.memory_space<vmem>> -> memref<1x128x32xf32, #tpu.memory_space<vmem>>
        %dma_start3A_135 = tpu.memref_squeeze %dma_start3A_134 : memref<1x128x32xf32, #tpu.memory_space<vmem>> -> memref<128x32xf32, #tpu.memory_space<vmem>>
        %dma_start3A_136 = arith.constant 0 : i32
        %dma_start3A_137 = tpu.memref_slice %arg8[%add3A_119, %dma_start3A_136] : memref<120x128xi32, #tpu.memory_space<vmem>> -> memref<1x128xi32, #tpu.memory_space<vmem>>
        %dma_start3A_138 = tpu.memref_squeeze %dma_start3A_137 : memref<1x128xi32, #tpu.memory_space<vmem>> -> memref<128xi32, #tpu.memory_space<vmem>>
        %dma_start3A_139 = arith.constant 0 : i32
        %dma_start3A_140 = arith.constant 0 : i32
        %dma_start3A_141 = tpu.memref_slice %arg10[%dma_start3A_139, %dma_start3A_140] : memref<10112x32xf32, #tpu.memory_space<vmem_shared>> -> memref<10112x32xf32, #tpu.memory_space<vmem_shared>>
        tpu.enqueue_indirect_dma source(%dma_start3A_135 : memref<128x32xf32, #tpu.memory_space<vmem>>) target(%dma_start3A_141 : memref<10112x32xf32, #tpu.memory_space<vmem_shared>>) offsets(%dma_start3A_138 : memref<128xi32, #tpu.memory_space<vmem>>) semaphore(%arg19 : memref<!tpu.dma_semaphore, #tpu.memory_space<semaphore_mem>>) {add = true}
        %mul3A_142 = arith.constant 8 : i32
        %mul3A_143 = arith.muli %scan3A_116, %mul3A_142 : i32
        %add3A_144 = arith.constant 1 : i32
        %add3A_145 = arith.addi %mul3A_143, %add3A_144 : i32
        %dma_wait3A_146 = arith.constant 1 : i32
        %dma_wait3A_147 = arith.constant 0 : i32
        %dma_wait3A_148 = arith.constant 0 : i32
        %dma_wait3A_149 = tpu.memref_slice %arg9[%dma_wait3A_146, %dma_wait3A_147, %dma_wait3A_148] : memref<8x128x32xf32, #tpu.memory_space<vmem>> -> memref<1x128x32xf32, #tpu.memory_space<vmem>>
        %dma_wait3A_150 = tpu.memref_squeeze %dma_wait3A_149 : memref<1x128x32xf32, #tpu.memory_space<vmem>> -> memref<128x32xf32, #tpu.memory_space<vmem>>
        %dma_wait3A_151 = arith.constant 0 : i32
        %dma_wait3A_152 = tpu.memref_slice %arg7[%add3A_145, %dma_wait3A_151] : memref<120x128xi32, #tpu.memory_space<vmem>> -> memref<1x128xi32, #tpu.memory_space<vmem>>
        %dma_wait3A_153 = tpu.memref_squeeze %dma_wait3A_152 : memref<1x128xi32, #tpu.memory_space<vmem>> -> memref<128xi32, #tpu.memory_space<vmem>>
        %dma_wait3A_154 = arith.constant 0 : i32
        %dma_wait3A_155 = arith.constant 0 : i32
        %dma_wait3A_156 = tpu.memref_slice %arg2[%dma_wait3A_154, %dma_wait3A_155] : memref<10112x32xf32, #tpu.memory_space<hbm>> -> memref<10112x32xf32, #tpu.memory_space<hbm>>
        tpu.wait_indirect_dma semaphore(%arg12 : memref<!tpu.dma_semaphore, #tpu.memory_space<semaphore_mem>>) src(%dma_wait3A_156 : memref<10112x32xf32, #tpu.memory_space<hbm>>) dst(%dma_wait3A_150 : memref<128x32xf32, #tpu.memory_space<vmem>>)
        %dma_start3A_157 = arith.constant 1 : i32
        %dma_start3A_158 = arith.constant 0 : i32
        %dma_start3A_159 = arith.constant 0 : i32
        %dma_start3A_160 = tpu.memref_slice %arg9[%dma_start3A_157, %dma_start3A_158, %dma_start3A_159] : memref<8x128x32xf32, #tpu.memory_space<vmem>> -> memref<1x128x32xf32, #tpu.memory_space<vmem>>
        %dma_start3A_161 = tpu.memref_squeeze %dma_start3A_160 : memref<1x128x32xf32, #tpu.memory_space<vmem>> -> memref<128x32xf32, #tpu.memory_space<vmem>>
        %dma_start3A_162 = arith.constant 0 : i32
        %dma_start3A_163 = tpu.memref_slice %arg8[%add3A_145, %dma_start3A_162] : memref<120x128xi32, #tpu.memory_space<vmem>> -> memref<1x128xi32, #tpu.memory_space<vmem>>
        %dma_start3A_164 = tpu.memref_squeeze %dma_start3A_163 : memref<1x128xi32, #tpu.memory_space<vmem>> -> memref<128xi32, #tpu.memory_space<vmem>>
        %dma_start3A_165 = arith.constant 0 : i32
        %dma_start3A_166 = arith.constant 0 : i32
        %dma_start3A_167 = tpu.memref_slice %arg10[%dma_start3A_165, %dma_start3A_166] : memref<10112x32xf32, #tpu.memory_space<vmem_shared>> -> memref<10112x32xf32, #tpu.memory_space<vmem_shared>>
        tpu.enqueue_indirect_dma source(%dma_start3A_161 : memref<128x32xf32, #tpu.memory_space<vmem>>) target(%dma_start3A_167 : memref<10112x32xf32, #tpu.memory_space<vmem_shared>>) offsets(%dma_start3A_164 : memref<128xi32, #tpu.memory_space<vmem>>) semaphore(%arg20 : memref<!tpu.dma_semaphore, #tpu.memory_space<semaphore_mem>>) {add = true}
        %mul3A_168 = arith.constant 8 : i32
        %mul3A_169 = arith.muli %scan3A_116, %mul3A_168 : i32
        %add3A_170 = arith.constant 2 : i32
        %add3A_171 = arith.addi %mul3A_169, %add3A_170 : i32
        %dma_wait3A_172 = arith.constant 2 : i32
        %dma_wait3A_173 = arith.constant 0 : i32
        %dma_wait3A_174 = arith.constant 0 : i32
        %dma_wait3A_175 = tpu.memref_slice %arg9[%dma_wait3A_172, %dma_wait3A_173, %dma_wait3A_174] : memref<8x128x32xf32, #tpu.memory_space<vmem>> -> memref<1x128x32xf32, #tpu.memory_space<vmem>>
        %dma_wait3A_176 = tpu.memref_squeeze %dma_wait3A_175 : memref<1x128x32xf32, #tpu.memory_space<vmem>> -> memref<128x32xf32, #tpu.memory_space<vmem>>
        %dma_wait3A_177 = arith.constant 0 : i32
        %dma_wait3A_178 = tpu.memref_slice %arg7[%add3A_171, %dma_wait3A_177] : memref<120x128xi32, #tpu.memory_space<vmem>> -> memref<1x128xi32, #tpu.memory_space<vmem>>
        %dma_wait3A_179 = tpu.memref_squeeze %dma_wait3A_178 : memref<1x128xi32, #tpu.memory_space<vmem>> -> memref<128xi32, #tpu.memory_space<vmem>>
        %dma_wait3A_180 = arith.constant 0 : i32
        %dma_wait3A_181 = arith.constant 0 : i32
        %dma_wait3A_182 = tpu.memref_slice %arg2[%dma_wait3A_180, %dma_wait3A_181] : memref<10112x32xf32, #tpu.memory_space<hbm>> -> memref<10112x32xf32, #tpu.memory_space<hbm>>
        tpu.wait_indirect_dma semaphore(%arg13 : memref<!tpu.dma_semaphore, #tpu.memory_space<semaphore_mem>>) src(%dma_wait3A_182 : memref<10112x32xf32, #tpu.memory_space<hbm>>) dst(%dma_wait3A_176 : memref<128x32xf32, #tpu.memory_space<vmem>>)
        %dma_start3A_183 = arith.constant 2 : i32
        %dma_start3A_184 = arith.constant 0 : i32
        %dma_start3A_185 = arith.constant 0 : i32
        %dma_start3A_186 = tpu.memref_slice %arg9[%dma_start3A_183, %dma_start3A_184, %dma_start3A_185] : memref<8x128x32xf32, #tpu.memory_space<vmem>> -> memref<1x128x32xf32, #tpu.memory_space<vmem>>
        %dma_start3A_187 = tpu.memref_squeeze %dma_start3A_186 : memref<1x128x32xf32, #tpu.memory_space<vmem>> -> memref<128x32xf32, #tpu.memory_space<vmem>>
        %dma_start3A_188 = arith.constant 0 : i32
        %dma_start3A_189 = tpu.memref_slice %arg8[%add3A_171, %dma_start3A_188] : memref<120x128xi32, #tpu.memory_space<vmem>> -> memref<1x128xi32, #tpu.memory_space<vmem>>
        %dma_start3A_190 = tpu.memref_squeeze %dma_start3A_189 : memref<1x128xi32, #tpu.memory_space<vmem>> -> memref<128xi32, #tpu.memory_space<vmem>>
        %dma_start3A_191 = arith.constant 0 : i32
        %dma_start3A_192 = arith.constant 0 : i32
        %dma_start3A_193 = tpu.memref_slice %arg10[%dma_start3A_191, %dma_start3A_192] : memref<10112x32xf32, #tpu.memory_space<vmem_shared>> -> memref<10112x32xf32, #tpu.memory_space<vmem_shared>>
        tpu.enqueue_indirect_dma source(%dma_start3A_187 : memref<128x32xf32, #tpu.memory_space<vmem>>) target(%dma_start3A_193 : memref<10112x32xf32, #tpu.memory_space<vmem_shared>>) offsets(%dma_start3A_190 : memref<128xi32, #tpu.memory_space<vmem>>) semaphore(%arg21 : memref<!tpu.dma_semaphore, #tpu.memory_space<semaphore_mem>>) {add = true}
        %mul3A_194 = arith.constant 8 : i32
        %mul3A_195 = arith.muli %scan3A_116, %mul3A_194 : i32
        %add3A_196 = arith.constant 3 : i32
        %add3A_197 = arith.addi %mul3A_195, %add3A_196 : i32
        %dma_wait3A_198 = arith.constant 3 : i32
        %dma_wait3A_199 = arith.constant 0 : i32
        %dma_wait3A_200 = arith.constant 0 : i32
        %dma_wait3A_201 = tpu.memref_slice %arg9[%dma_wait3A_198, %dma_wait3A_199, %dma_wait3A_200] : memref<8x128x32xf32, #tpu.memory_space<vmem>> -> memref<1x128x32xf32, #tpu.memory_space<vmem>>
        %dma_wait3A_202 = tpu.memref_squeeze %dma_wait3A_201 : memref<1x128x32xf32, #tpu.memory_space<vmem>> -> memref<128x32xf32, #tpu.memory_space<vmem>>
        %dma_wait3A_203 = arith.constant 0 : i32
        %dma_wait3A_204 = tpu.memref_slice %arg7[%add3A_197, %dma_wait3A_203] : memref<120x128xi32, #tpu.memory_space<vmem>> -> memref<1x128xi32, #tpu.memory_space<vmem>>
        %dma_wait3A_205 = tpu.memref_squeeze %dma_wait3A_204 : memref<1x128xi32, #tpu.memory_space<vmem>> -> memref<128xi32, #tpu.memory_space<vmem>>
        %dma_wait3A_206 = arith.constant 0 : i32
        %dma_wait3A_207 = arith.constant 0 : i32
        %dma_wait3A_208 = tpu.memref_slice %arg2[%dma_wait3A_206, %dma_wait3A_207] : memref<10112x32xf32, #tpu.memory_space<hbm>> -> memref<10112x32xf32, #tpu.memory_space<hbm>>
        tpu.wait_indirect_dma semaphore(%arg14 : memref<!tpu.dma_semaphore, #tpu.memory_space<semaphore_mem>>) src(%dma_wait3A_208 : memref<10112x32xf32, #tpu.memory_space<hbm>>) dst(%dma_wait3A_202 : memref<128x32xf32, #tpu.memory_space<vmem>>)
        %dma_start3A_209 = arith.constant 3 : i32
        %dma_start3A_210 = arith.constant 0 : i32
        %dma_start3A_211 = arith.constant 0 : i32
        %dma_start3A_212 = tpu.memref_slice %arg9[%dma_start3A_209, %dma_start3A_210, %dma_start3A_211] : memref<8x128x32xf32, #tpu.memory_space<vmem>> -> memref<1x128x32xf32, #tpu.memory_space<vmem>>
        %dma_start3A_213 = tpu.memref_squeeze %dma_start3A_212 : memref<1x128x32xf32, #tpu.memory_space<vmem>> -> memref<128x32xf32, #tpu.memory_space<vmem>>
        %dma_start3A_214 = arith.constant 0 : i32
        %dma_start3A_215 = tpu.memref_slice %arg8[%add3A_197, %dma_start3A_214] : memref<120x128xi32, #tpu.memory_space<vmem>> -> memref<1x128xi32, #tpu.memory_space<vmem>>
        %dma_start3A_216 = tpu.memref_squeeze %dma_start3A_215 : memref<1x128xi32, #tpu.memory_space<vmem>> -> memref<128xi32, #tpu.memory_space<vmem>>
        %dma_start3A_217 = arith.constant 0 : i32
        %dma_start3A_218 = arith.constant 0 : i32
        %dma_start3A_219 = tpu.memref_slice %arg10[%dma_start3A_217, %dma_start3A_218] : memref<10112x32xf32, #tpu.memory_space<vmem_shared>> -> memref<10112x32xf32, #tpu.memory_space<vmem_shared>>
        tpu.enqueue_indirect_dma source(%dma_start3A_213 : memref<128x32xf32, #tpu.memory_space<vmem>>) target(%dma_start3A_219 : memref<10112x32xf32, #tpu.memory_space<vmem_shared>>) offsets(%dma_start3A_216 : memref<128xi32, #tpu.memory_space<vmem>>) semaphore(%arg22 : memref<!tpu.dma_semaphore, #tpu.memory_space<semaphore_mem>>) {add = true}
        %mul3A_220 = arith.constant 8 : i32
        %mul3A_221 = arith.muli %scan3A_116, %mul3A_220 : i32
        %add3A_222 = arith.constant 4 : i32
        %add3A_223 = arith.addi %mul3A_221, %add3A_222 : i32
        %dma_wait3A_224 = arith.constant 4 : i32
        %dma_wait3A_225 = arith.constant 0 : i32
        %dma_wait3A_226 = arith.constant 0 : i32
        %dma_wait3A_227 = tpu.memref_slice %arg9[%dma_wait3A_224, %dma_wait3A_225, %dma_wait3A_226] : memref<8x128x32xf32, #tpu.memory_space<vmem>> -> memref<1x128x32xf32, #tpu.memory_space<vmem>>
        %dma_wait3A_228 = tpu.memref_squeeze %dma_wait3A_227 : memref<1x128x32xf32, #tpu.memory_space<vmem>> -> memref<128x32xf32, #tpu.memory_space<vmem>>
        %dma_wait3A_229 = arith.constant 0 : i32
        %dma_wait3A_230 = tpu.memref_slice %arg7[%add3A_223, %dma_wait3A_229] : memref<120x128xi32, #tpu.memory_space<vmem>> -> memref<1x128xi32, #tpu.memory_space<vmem>>
        %dma_wait3A_231 = tpu.memref_squeeze %dma_wait3A_230 : memref<1x128xi32, #tpu.memory_space<vmem>> -> memref<128xi32, #tpu.memory_space<vmem>>
        %dma_wait3A_232 = arith.constant 0 : i32
        %dma_wait3A_233 = arith.constant 0 : i32
        %dma_wait3A_234 = tpu.memref_slice %arg2[%dma_wait3A_232, %dma_wait3A_233] : memref<10112x32xf32, #tpu.memory_space<hbm>> -> memref<10112x32xf32, #tpu.memory_space<hbm>>
        tpu.wait_indirect_dma semaphore(%arg15 : memref<!tpu.dma_semaphore, #tpu.memory_space<semaphore_mem>>) src(%dma_wait3A_234 : memref<10112x32xf32, #tpu.memory_space<hbm>>) dst(%dma_wait3A_228 : memref<128x32xf32, #tpu.memory_space<vmem>>)
        %dma_start3A_235 = arith.constant 4 : i32
        %dma_start3A_236 = arith.constant 0 : i32
        %dma_start3A_237 = arith.constant 0 : i32
        %dma_start3A_238 = tpu.memref_slice %arg9[%dma_start3A_235, %dma_start3A_236, %dma_start3A_237] : memref<8x128x32xf32, #tpu.memory_space<vmem>> -> memref<1x128x32xf32, #tpu.memory_space<vmem>>
        %dma_start3A_239 = tpu.memref_squeeze %dma_start3A_238 : memref<1x128x32xf32, #tpu.memory_space<vmem>> -> memref<128x32xf32, #tpu.memory_space<vmem>>
        %dma_start3A_240 = arith.constant 0 : i32
        %dma_start3A_241 = tpu.memref_slice %arg8[%add3A_223, %dma_start3A_240] : memref<120x128xi32, #tpu.memory_space<vmem>> -> memref<1x128xi32, #tpu.memory_space<vmem>>
        %dma_start3A_242 = tpu.memref_squeeze %dma_start3A_241 : memref<1x128xi32, #tpu.memory_space<vmem>> -> memref<128xi32, #tpu.memory_space<vmem>>
        %dma_start3A_243 = arith.constant 0 : i32
        %dma_start3A_244 = arith.constant 0 : i32
        %dma_start3A_245 = tpu.memref_slice %arg10[%dma_start3A_243, %dma_start3A_244] : memref<10112x32xf32, #tpu.memory_space<vmem_shared>> -> memref<10112x32xf32, #tpu.memory_space<vmem_shared>>
        tpu.enqueue_indirect_dma source(%dma_start3A_239 : memref<128x32xf32, #tpu.memory_space<vmem>>) target(%dma_start3A_245 : memref<10112x32xf32, #tpu.memory_space<vmem_shared>>) offsets(%dma_start3A_242 : memref<128xi32, #tpu.memory_space<vmem>>) semaphore(%arg23 : memref<!tpu.dma_semaphore, #tpu.memory_space<semaphore_mem>>) {add = true}
        %mul3A_246 = arith.constant 8 : i32
        %mul3A_247 = arith.muli %scan3A_116, %mul3A_246 : i32
        %add3A_248 = arith.constant 5 : i32
        %add3A_249 = arith.addi %mul3A_247, %add3A_248 : i32
        %dma_wait3A_250 = arith.constant 5 : i32
        %dma_wait3A_251 = arith.constant 0 : i32
        %dma_wait3A_252 = arith.constant 0 : i32
        %dma_wait3A_253 = tpu.memref_slice %arg9[%dma_wait3A_250, %dma_wait3A_251, %dma_wait3A_252] : memref<8x128x32xf32, #tpu.memory_space<vmem>> -> memref<1x128x32xf32, #tpu.memory_space<vmem>>
        %dma_wait3A_254 = tpu.memref_squeeze %dma_wait3A_253 : memref<1x128x32xf32, #tpu.memory_space<vmem>> -> memref<128x32xf32, #tpu.memory_space<vmem>>
        %dma_wait3A_255 = arith.constant 0 : i32
        %dma_wait3A_256 = tpu.memref_slice %arg7[%add3A_249, %dma_wait3A_255] : memref<120x128xi32, #tpu.memory_space<vmem>> -> memref<1x128xi32, #tpu.memory_space<vmem>>
        %dma_wait3A_257 = tpu.memref_squeeze %dma_wait3A_256 : memref<1x128xi32, #tpu.memory_space<vmem>> -> memref<128xi32, #tpu.memory_space<vmem>>
        %dma_wait3A_258 = arith.constant 0 : i32
        %dma_wait3A_259 = arith.constant 0 : i32
        %dma_wait3A_260 = tpu.memref_slice %arg2[%dma_wait3A_258, %dma_wait3A_259] : memref<10112x32xf32, #tpu.memory_space<hbm>> -> memref<10112x32xf32, #tpu.memory_space<hbm>>
        tpu.wait_indirect_dma semaphore(%arg16 : memref<!tpu.dma_semaphore, #tpu.memory_space<semaphore_mem>>) src(%dma_wait3A_260 : memref<10112x32xf32, #tpu.memory_space<hbm>>) dst(%dma_wait3A_254 : memref<128x32xf32, #tpu.memory_space<vmem>>)
        %dma_start3A_261 = arith.constant 5 : i32
        %dma_start3A_262 = arith.constant 0 : i32
        %dma_start3A_263 = arith.constant 0 : i32
        %dma_start3A_264 = tpu.memref_slice %arg9[%dma_start3A_261, %dma_start3A_262, %dma_start3A_263] : memref<8x128x32xf32, #tpu.memory_space<vmem>> -> memref<1x128x32xf32, #tpu.memory_space<vmem>>
        %dma_start3A_265 = tpu.memref_squeeze %dma_start3A_264 : memref<1x128x32xf32, #tpu.memory_space<vmem>> -> memref<128x32xf32, #tpu.memory_space<vmem>>
        %dma_start3A_266 = arith.constant 0 : i32
        %dma_start3A_267 = tpu.memref_slice %arg8[%add3A_249, %dma_start3A_266] : memref<120x128xi32, #tpu.memory_space<vmem>> -> memref<1x128xi32, #tpu.memory_space<vmem>>
        %dma_start3A_268 = tpu.memref_squeeze %dma_start3A_267 : memref<1x128xi32, #tpu.memory_space<vmem>> -> memref<128xi32, #tpu.memory_space<vmem>>
        %dma_start3A_269 = arith.constant 0 : i32
        %dma_start3A_270 = arith.constant 0 : i32
        %dma_start3A_271 = tpu.memref_slice %arg10[%dma_start3A_269, %dma_start3A_270] : memref<10112x32xf32, #tpu.memory_space<vmem_shared>> -> memref<10112x32xf32, #tpu.memory_space<vmem_shared>>
        tpu.enqueue_indirect_dma source(%dma_start3A_265 : memref<128x32xf32, #tpu.memory_space<vmem>>) target(%dma_start3A_271 : memref<10112x32xf32, #tpu.memory_space<vmem_shared>>) offsets(%dma_start3A_268 : memref<128xi32, #tpu.memory_space<vmem>>) semaphore(%arg24 : memref<!tpu.dma_semaphore, #tpu.memory_space<semaphore_mem>>) {add = true}
        %mul3A_272 = arith.constant 8 : i32
        %mul3A_273 = arith.muli %scan3A_116, %mul3A_272 : i32
        %add3A_274 = arith.constant 6 : i32
        %add3A_275 = arith.addi %mul3A_273, %add3A_274 : i32
        %dma_wait3A_276 = arith.constant 6 : i32
        %dma_wait3A_277 = arith.constant 0 : i32
        %dma_wait3A_278 = arith.constant 0 : i32
        %dma_wait3A_279 = tpu.memref_slice %arg9[%dma_wait3A_276, %dma_wait3A_277, %dma_wait3A_278] : memref<8x128x32xf32, #tpu.memory_space<vmem>> -> memref<1x128x32xf32, #tpu.memory_space<vmem>>
        %dma_wait3A_280 = tpu.memref_squeeze %dma_wait3A_279 : memref<1x128x32xf32, #tpu.memory_space<vmem>> -> memref<128x32xf32, #tpu.memory_space<vmem>>
        %dma_wait3A_281 = arith.constant 0 : i32
        %dma_wait3A_282 = tpu.memref_slice %arg7[%add3A_275, %dma_wait3A_281] : memref<120x128xi32, #tpu.memory_space<vmem>> -> memref<1x128xi32, #tpu.memory_space<vmem>>
        %dma_wait3A_283 = tpu.memref_squeeze %dma_wait3A_282 : memref<1x128xi32, #tpu.memory_space<vmem>> -> memref<128xi32, #tpu.memory_space<vmem>>
        %dma_wait3A_284 = arith.constant 0 : i32
        %dma_wait3A_285 = arith.constant 0 : i32
        %dma_wait3A_286 = tpu.memref_slice %arg2[%dma_wait3A_284, %dma_wait3A_285] : memref<10112x32xf32, #tpu.memory_space<hbm>> -> memref<10112x32xf32, #tpu.memory_space<hbm>>
        tpu.wait_indirect_dma semaphore(%arg17 : memref<!tpu.dma_semaphore, #tpu.memory_space<semaphore_mem>>) src(%dma_wait3A_286 : memref<10112x32xf32, #tpu.memory_space<hbm>>) dst(%dma_wait3A_280 : memref<128x32xf32, #tpu.memory_space<vmem>>)
        %dma_start3A_287 = arith.constant 6 : i32
        %dma_start3A_288 = arith.constant 0 : i32
        %dma_start3A_289 = arith.constant 0 : i32
        %dma_start3A_290 = tpu.memref_slice %arg9[%dma_start3A_287, %dma_start3A_288, %dma_start3A_289] : memref<8x128x32xf32, #tpu.memory_space<vmem>> -> memref<1x128x32xf32, #tpu.memory_space<vmem>>
        %dma_start3A_291 = tpu.memref_squeeze %dma_start3A_290 : memref<1x128x32xf32, #tpu.memory_space<vmem>> -> memref<128x32xf32, #tpu.memory_space<vmem>>
        %dma_start3A_292 = arith.constant 0 : i32
        %dma_start3A_293 = tpu.memref_slice %arg8[%add3A_275, %dma_start3A_292] : memref<120x128xi32, #tpu.memory_space<vmem>> -> memref<1x128xi32, #tpu.memory_space<vmem>>
        %dma_start3A_294 = tpu.memref_squeeze %dma_start3A_293 : memref<1x128xi32, #tpu.memory_space<vmem>> -> memref<128xi32, #tpu.memory_space<vmem>>
        %dma_start3A_295 = arith.constant 0 : i32
        %dma_start3A_296 = arith.constant 0 : i32
        %dma_start3A_297 = tpu.memref_slice %arg10[%dma_start3A_295, %dma_start3A_296] : memref<10112x32xf32, #tpu.memory_space<vmem_shared>> -> memref<10112x32xf32, #tpu.memory_space<vmem_shared>>
        tpu.enqueue_indirect_dma source(%dma_start3A_291 : memref<128x32xf32, #tpu.memory_space<vmem>>) target(%dma_start3A_297 : memref<10112x32xf32, #tpu.memory_space<vmem_shared>>) offsets(%dma_start3A_294 : memref<128xi32, #tpu.memory_space<vmem>>) semaphore(%arg25 : memref<!tpu.dma_semaphore, #tpu.memory_space<semaphore_mem>>) {add = true}
        %mul3A_298 = arith.constant 8 : i32
        %mul3A_299 = arith.muli %scan3A_116, %mul3A_298 : i32
        %add3A_300 = arith.constant 7 : i32
        %add3A_301 = arith.addi %mul3A_299, %add3A_300 : i32
        %dma_wait3A_302 = arith.constant 7 : i32
        %dma_wait3A_303 = arith.constant 0 : i32
        %dma_wait3A_304 = arith.constant 0 : i32
        %dma_wait3A_305 = tpu.memref_slice %arg9[%dma_wait3A_302, %dma_wait3A_303, %dma_wait3A_304] : memref<8x128x32xf32, #tpu.memory_space<vmem>> -> memref<1x128x32xf32, #tpu.memory_space<vmem>>
        %dma_wait3A_306 = tpu.memref_squeeze %dma_wait3A_305 : memref<1x128x32xf32, #tpu.memory_space<vmem>> -> memref<128x32xf32, #tpu.memory_space<vmem>>
        %dma_wait3A_307 = arith.constant 0 : i32
        %dma_wait3A_308 = tpu.memref_slice %arg7[%add3A_301, %dma_wait3A_307] : memref<120x128xi32, #tpu.memory_space<vmem>> -> memref<1x128xi32, #tpu.memory_space<vmem>>
        %dma_wait3A_309 = tpu.memref_squeeze %dma_wait3A_308 : memref<1x128xi32, #tpu.memory_space<vmem>> -> memref<128xi32, #tpu.memory_space<vmem>>
        %dma_wait3A_310 = arith.constant 0 : i32
        %dma_wait3A_311 = arith.constant 0 : i32
        %dma_wait3A_312 = tpu.memref_slice %arg2[%dma_wait3A_310, %dma_wait3A_311] : memref<10112x32xf32, #tpu.memory_space<hbm>> -> memref<10112x32xf32, #tpu.memory_space<hbm>>
        tpu.wait_indirect_dma semaphore(%arg18 : memref<!tpu.dma_semaphore, #tpu.memory_space<semaphore_mem>>) src(%dma_wait3A_312 : memref<10112x32xf32, #tpu.memory_space<hbm>>) dst(%dma_wait3A_306 : memref<128x32xf32, #tpu.memory_space<vmem>>)
        %dma_start3A_313 = arith.constant 7 : i32
        %dma_start3A_314 = arith.constant 0 : i32
        %dma_start3A_315 = arith.constant 0 : i32
        %dma_start3A_316 = tpu.memref_slice %arg9[%dma_start3A_313, %dma_start3A_314, %dma_start3A_315] : memref<8x128x32xf32, #tpu.memory_space<vmem>> -> memref<1x128x32xf32, #tpu.memory_space<vmem>>
        %dma_start3A_317 = tpu.memref_squeeze %dma_start3A_316 : memref<1x128x32xf32, #tpu.memory_space<vmem>> -> memref<128x32xf32, #tpu.memory_space<vmem>>
        %dma_start3A_318 = arith.constant 0 : i32
        %dma_start3A_319 = tpu.memref_slice %arg8[%add3A_301, %dma_start3A_318] : memref<120x128xi32, #tpu.memory_space<vmem>> -> memref<1x128xi32, #tpu.memory_space<vmem>>
        %dma_start3A_320 = tpu.memref_squeeze %dma_start3A_319 : memref<1x128xi32, #tpu.memory_space<vmem>> -> memref<128xi32, #tpu.memory_space<vmem>>
        %dma_start3A_321 = arith.constant 0 : i32
        %dma_start3A_322 = arith.constant 0 : i32
        %dma_start3A_323 = tpu.memref_slice %arg10[%dma_start3A_321, %dma_start3A_322] : memref<10112x32xf32, #tpu.memory_space<vmem_shared>> -> memref<10112x32xf32, #tpu.memory_space<vmem_shared>>
        tpu.enqueue_indirect_dma source(%dma_start3A_317 : memref<128x32xf32, #tpu.memory_space<vmem>>) target(%dma_start3A_323 : memref<10112x32xf32, #tpu.memory_space<vmem_shared>>) offsets(%dma_start3A_320 : memref<128xi32, #tpu.memory_space<vmem>>) semaphore(%arg26 : memref<!tpu.dma_semaphore, #tpu.memory_space<semaphore_mem>>) {add = true}
        %mul3A_324 = arith.constant 8 : i32
        %mul3A_325 = arith.muli %scan3A_116, %mul3A_324 : i32
        %add3A_326 = arith.constant 0 : i32
        %add3A_327 = arith.addi %mul3A_325, %add3A_326 : i32
        %dma_wait3A_328 = arith.constant 0 : i32
        %dma_wait3A_329 = arith.constant 0 : i32
        %dma_wait3A_330 = arith.constant 0 : i32
        %dma_wait3A_331 = tpu.memref_slice %arg9[%dma_wait3A_328, %dma_wait3A_329, %dma_wait3A_330] : memref<8x128x32xf32, #tpu.memory_space<vmem>> -> memref<1x128x32xf32, #tpu.memory_space<vmem>>
        %dma_wait3A_332 = tpu.memref_squeeze %dma_wait3A_331 : memref<1x128x32xf32, #tpu.memory_space<vmem>> -> memref<128x32xf32, #tpu.memory_space<vmem>>
        %dma_wait3A_333 = arith.constant 0 : i32
        %dma_wait3A_334 = tpu.memref_slice %arg8[%add3A_119, %dma_wait3A_333] : memref<120x128xi32, #tpu.memory_space<vmem>> -> memref<1x128xi32, #tpu.memory_space<vmem>>
        %dma_wait3A_335 = tpu.memref_squeeze %dma_wait3A_334 : memref<1x128xi32, #tpu.memory_space<vmem>> -> memref<128xi32, #tpu.memory_space<vmem>>
        %dma_wait3A_336 = arith.constant 0 : i32
        %dma_wait3A_337 = arith.constant 0 : i32
        %dma_wait3A_338 = tpu.memref_slice %arg10[%dma_wait3A_336, %dma_wait3A_337] : memref<10112x32xf32, #tpu.memory_space<vmem_shared>> -> memref<10112x32xf32, #tpu.memory_space<vmem_shared>>
        tpu.wait_indirect_dma semaphore(%arg19 : memref<!tpu.dma_semaphore, #tpu.memory_space<semaphore_mem>>) src(%dma_wait3A_332 : memref<128x32xf32, #tpu.memory_space<vmem>>) dst(%dma_wait3A_338 : memref<10112x32xf32, #tpu.memory_space<vmem_shared>>)
        %lt3A = arith.constant 14 : i32
        %lt3A_339 = arith.cmpi slt, %scan3A_116, %lt3A : i32
        %convert_element_type3A_340 = arith.extui %lt3A_339 : i1 to i32
        %cond3A_341 = arith.constant 0 : i32
        %cond3A_342 = arith.cmpi ne, %convert_element_type3A_340, %cond3A_341 : i32
        scf.if %cond3A_342 {
          %add3A_483 = arith.constant 8 : i32
          %add3A_484 = arith.addi %add3A_327, %add3A_483 : i32
          %dma_start3A_485 = arith.constant 0 : i32
          %dma_start3A_486 = arith.constant 0 : i32
          %dma_start3A_487 = arith.constant 0 : i32
          %dma_start3A_488 = tpu.memref_slice %arg9[%dma_start3A_485, %dma_start3A_486, %dma_start3A_487] : memref<8x128x32xf32, #tpu.memory_space<vmem>> -> memref<1x128x32xf32, #tpu.memory_space<vmem>>
          %dma_start3A_489 = tpu.memref_squeeze %dma_start3A_488 : memref<1x128x32xf32, #tpu.memory_space<vmem>> -> memref<128x32xf32, #tpu.memory_space<vmem>>
          %dma_start3A_490 = arith.constant 0 : i32
          %dma_start3A_491 = tpu.memref_slice %arg7[%add3A_484, %dma_start3A_490] : memref<120x128xi32, #tpu.memory_space<vmem>> -> memref<1x128xi32, #tpu.memory_space<vmem>>
          %dma_start3A_492 = tpu.memref_squeeze %dma_start3A_491 : memref<1x128xi32, #tpu.memory_space<vmem>> -> memref<128xi32, #tpu.memory_space<vmem>>
          %dma_start3A_493 = arith.constant 0 : i32
          %dma_start3A_494 = arith.constant 0 : i32
          %dma_start3A_495 = tpu.memref_slice %arg2[%dma_start3A_493, %dma_start3A_494] : memref<10112x32xf32, #tpu.memory_space<hbm>> -> memref<10112x32xf32, #tpu.memory_space<hbm>>
          tpu.enqueue_indirect_dma source(%dma_start3A_495 : memref<10112x32xf32, #tpu.memory_space<hbm>>) target(%dma_start3A_489 : memref<128x32xf32, #tpu.memory_space<vmem>>) offsets(%dma_start3A_492 : memref<128xi32, #tpu.memory_space<vmem>>) semaphore(%arg11 : memref<!tpu.dma_semaphore, #tpu.memory_space<semaphore_mem>>)
        } else {
        }
        %mul3A_343 = arith.constant 8 : i32
        %mul3A_344 = arith.muli %scan3A_116, %mul3A_343 : i32
        %add3A_345 = arith.constant 1 : i32
        %add3A_346 = arith.addi %mul3A_344, %add3A_345 : i32
        %dma_wait3A_347 = arith.constant 1 : i32
        %dma_wait3A_348 = arith.constant 0 : i32
        %dma_wait3A_349 = arith.constant 0 : i32
        %dma_wait3A_350 = tpu.memref_slice %arg9[%dma_wait3A_347, %dma_wait3A_348, %dma_wait3A_349] : memref<8x128x32xf32, #tpu.memory_space<vmem>> -> memref<1x128x32xf32, #tpu.memory_space<vmem>>
        %dma_wait3A_351 = tpu.memref_squeeze %dma_wait3A_350 : memref<1x128x32xf32, #tpu.memory_space<vmem>> -> memref<128x32xf32, #tpu.memory_space<vmem>>
        %dma_wait3A_352 = arith.constant 0 : i32
        %dma_wait3A_353 = tpu.memref_slice %arg8[%add3A_145, %dma_wait3A_352] : memref<120x128xi32, #tpu.memory_space<vmem>> -> memref<1x128xi32, #tpu.memory_space<vmem>>
        %dma_wait3A_354 = tpu.memref_squeeze %dma_wait3A_353 : memref<1x128xi32, #tpu.memory_space<vmem>> -> memref<128xi32, #tpu.memory_space<vmem>>
        %dma_wait3A_355 = arith.constant 0 : i32
        %dma_wait3A_356 = arith.constant 0 : i32
        %dma_wait3A_357 = tpu.memref_slice %arg10[%dma_wait3A_355, %dma_wait3A_356] : memref<10112x32xf32, #tpu.memory_space<vmem_shared>> -> memref<10112x32xf32, #tpu.memory_space<vmem_shared>>
        tpu.wait_indirect_dma semaphore(%arg20 : memref<!tpu.dma_semaphore, #tpu.memory_space<semaphore_mem>>) src(%dma_wait3A_351 : memref<128x32xf32, #tpu.memory_space<vmem>>) dst(%dma_wait3A_357 : memref<10112x32xf32, #tpu.memory_space<vmem_shared>>)
        %lt3A_358 = arith.constant 14 : i32
        %lt3A_359 = arith.cmpi slt, %scan3A_116, %lt3A_358 : i32
        %convert_element_type3A_360 = arith.extui %lt3A_359 : i1 to i32
        %cond3A_361 = arith.constant 0 : i32
        %cond3A_362 = arith.cmpi ne, %convert_element_type3A_360, %cond3A_361 : i32
        scf.if %cond3A_362 {
          %add3A_483 = arith.constant 8 : i32
          %add3A_484 = arith.addi %add3A_346, %add3A_483 : i32
          %dma_start3A_485 = arith.constant 1 : i32
          %dma_start3A_486 = arith.constant 0 : i32
          %dma_start3A_487 = arith.constant 0 : i32
          %dma_start3A_488 = tpu.memref_slice %arg9[%dma_start3A_485, %dma_start3A_486, %dma_start3A_487] : memref<8x128x32xf32, #tpu.memory_space<vmem>> -> memref<1x128x32xf32, #tpu.memory_space<vmem>>
          %dma_start3A_489 = tpu.memref_squeeze %dma_start3A_488 : memref<1x128x32xf32, #tpu.memory_space<vmem>> -> memref<128x32xf32, #tpu.memory_space<vmem>>
          %dma_start3A_490 = arith.constant 0 : i32
          %dma_start3A_491 = tpu.memref_slice %arg7[%add3A_484, %dma_start3A_490] : memref<120x128xi32, #tpu.memory_space<vmem>> -> memref<1x128xi32, #tpu.memory_space<vmem>>
          %dma_start3A_492 = tpu.memref_squeeze %dma_start3A_491 : memref<1x128xi32, #tpu.memory_space<vmem>> -> memref<128xi32, #tpu.memory_space<vmem>>
          %dma_start3A_493 = arith.constant 0 : i32
          %dma_start3A_494 = arith.constant 0 : i32
          %dma_start3A_495 = tpu.memref_slice %arg2[%dma_start3A_493, %dma_start3A_494] : memref<10112x32xf32, #tpu.memory_space<hbm>> -> memref<10112x32xf32, #tpu.memory_space<hbm>>
          tpu.enqueue_indirect_dma source(%dma_start3A_495 : memref<10112x32xf32, #tpu.memory_space<hbm>>) target(%dma_start3A_489 : memref<128x32xf32, #tpu.memory_space<vmem>>) offsets(%dma_start3A_492 : memref<128xi32, #tpu.memory_space<vmem>>) semaphore(%arg12 : memref<!tpu.dma_semaphore, #tpu.memory_space<semaphore_mem>>)
        } else {
        }
        %mul3A_363 = arith.constant 8 : i32
        %mul3A_364 = arith.muli %scan3A_116, %mul3A_363 : i32
        %add3A_365 = arith.constant 2 : i32
        %add3A_366 = arith.addi %mul3A_364, %add3A_365 : i32
        %dma_wait3A_367 = arith.constant 2 : i32
        %dma_wait3A_368 = arith.constant 0 : i32
        %dma_wait3A_369 = arith.constant 0 : i32
        %dma_wait3A_370 = tpu.memref_slice %arg9[%dma_wait3A_367, %dma_wait3A_368, %dma_wait3A_369] : memref<8x128x32xf32, #tpu.memory_space<vmem>> -> memref<1x128x32xf32, #tpu.memory_space<vmem>>
        %dma_wait3A_371 = tpu.memref_squeeze %dma_wait3A_370 : memref<1x128x32xf32, #tpu.memory_space<vmem>> -> memref<128x32xf32, #tpu.memory_space<vmem>>
        %dma_wait3A_372 = arith.constant 0 : i32
        %dma_wait3A_373 = tpu.memref_slice %arg8[%add3A_171, %dma_wait3A_372] : memref<120x128xi32, #tpu.memory_space<vmem>> -> memref<1x128xi32, #tpu.memory_space<vmem>>
        %dma_wait3A_374 = tpu.memref_squeeze %dma_wait3A_373 : memref<1x128xi32, #tpu.memory_space<vmem>> -> memref<128xi32, #tpu.memory_space<vmem>>
        %dma_wait3A_375 = arith.constant 0 : i32
        %dma_wait3A_376 = arith.constant 0 : i32
        %dma_wait3A_377 = tpu.memref_slice %arg10[%dma_wait3A_375, %dma_wait3A_376] : memref<10112x32xf32, #tpu.memory_space<vmem_shared>> -> memref<10112x32xf32, #tpu.memory_space<vmem_shared>>
        tpu.wait_indirect_dma semaphore(%arg21 : memref<!tpu.dma_semaphore, #tpu.memory_space<semaphore_mem>>) src(%dma_wait3A_371 : memref<128x32xf32, #tpu.memory_space<vmem>>) dst(%dma_wait3A_377 : memref<10112x32xf32, #tpu.memory_space<vmem_shared>>)
        %lt3A_378 = arith.constant 14 : i32
        %lt3A_379 = arith.cmpi slt, %scan3A_116, %lt3A_378 : i32
        %convert_element_type3A_380 = arith.extui %lt3A_379 : i1 to i32
        %cond3A_381 = arith.constant 0 : i32
        %cond3A_382 = arith.cmpi ne, %convert_element_type3A_380, %cond3A_381 : i32
        scf.if %cond3A_382 {
          %add3A_483 = arith.constant 8 : i32
          %add3A_484 = arith.addi %add3A_366, %add3A_483 : i32
          %dma_start3A_485 = arith.constant 2 : i32
          %dma_start3A_486 = arith.constant 0 : i32
          %dma_start3A_487 = arith.constant 0 : i32
          %dma_start3A_488 = tpu.memref_slice %arg9[%dma_start3A_485, %dma_start3A_486, %dma_start3A_487] : memref<8x128x32xf32, #tpu.memory_space<vmem>> -> memref<1x128x32xf32, #tpu.memory_space<vmem>>
          %dma_start3A_489 = tpu.memref_squeeze %dma_start3A_488 : memref<1x128x32xf32, #tpu.memory_space<vmem>> -> memref<128x32xf32, #tpu.memory_space<vmem>>
          %dma_start3A_490 = arith.constant 0 : i32
          %dma_start3A_491 = tpu.memref_slice %arg7[%add3A_484, %dma_start3A_490] : memref<120x128xi32, #tpu.memory_space<vmem>> -> memref<1x128xi32, #tpu.memory_space<vmem>>
          %dma_start3A_492 = tpu.memref_squeeze %dma_start3A_491 : memref<1x128xi32, #tpu.memory_space<vmem>> -> memref<128xi32, #tpu.memory_space<vmem>>
          %dma_start3A_493 = arith.constant 0 : i32
          %dma_start3A_494 = arith.constant 0 : i32
          %dma_start3A_495 = tpu.memref_slice %arg2[%dma_start3A_493, %dma_start3A_494] : memref<10112x32xf32, #tpu.memory_space<hbm>> -> memref<10112x32xf32, #tpu.memory_space<hbm>>
          tpu.enqueue_indirect_dma source(%dma_start3A_495 : memref<10112x32xf32, #tpu.memory_space<hbm>>) target(%dma_start3A_489 : memref<128x32xf32, #tpu.memory_space<vmem>>) offsets(%dma_start3A_492 : memref<128xi32, #tpu.memory_space<vmem>>) semaphore(%arg13 : memref<!tpu.dma_semaphore, #tpu.memory_space<semaphore_mem>>)
        } else {
        }
        %mul3A_383 = arith.constant 8 : i32
        %mul3A_384 = arith.muli %scan3A_116, %mul3A_383 : i32
        %add3A_385 = arith.constant 3 : i32
        %add3A_386 = arith.addi %mul3A_384, %add3A_385 : i32
        %dma_wait3A_387 = arith.constant 3 : i32
        %dma_wait3A_388 = arith.constant 0 : i32
        %dma_wait3A_389 = arith.constant 0 : i32
        %dma_wait3A_390 = tpu.memref_slice %arg9[%dma_wait3A_387, %dma_wait3A_388, %dma_wait3A_389] : memref<8x128x32xf32, #tpu.memory_space<vmem>> -> memref<1x128x32xf32, #tpu.memory_space<vmem>>
        %dma_wait3A_391 = tpu.memref_squeeze %dma_wait3A_390 : memref<1x128x32xf32, #tpu.memory_space<vmem>> -> memref<128x32xf32, #tpu.memory_space<vmem>>
        %dma_wait3A_392 = arith.constant 0 : i32
        %dma_wait3A_393 = tpu.memref_slice %arg8[%add3A_197, %dma_wait3A_392] : memref<120x128xi32, #tpu.memory_space<vmem>> -> memref<1x128xi32, #tpu.memory_space<vmem>>
        %dma_wait3A_394 = tpu.memref_squeeze %dma_wait3A_393 : memref<1x128xi32, #tpu.memory_space<vmem>> -> memref<128xi32, #tpu.memory_space<vmem>>
        %dma_wait3A_395 = arith.constant 0 : i32
        %dma_wait3A_396 = arith.constant 0 : i32
        %dma_wait3A_397 = tpu.memref_slice %arg10[%dma_wait3A_395, %dma_wait3A_396] : memref<10112x32xf32, #tpu.memory_space<vmem_shared>> -> memref<10112x32xf32, #tpu.memory_space<vmem_shared>>
        tpu.wait_indirect_dma semaphore(%arg22 : memref<!tpu.dma_semaphore, #tpu.memory_space<semaphore_mem>>) src(%dma_wait3A_391 : memref<128x32xf32, #tpu.memory_space<vmem>>) dst(%dma_wait3A_397 : memref<10112x32xf32, #tpu.memory_space<vmem_shared>>)
        %lt3A_398 = arith.constant 14 : i32
        %lt3A_399 = arith.cmpi slt, %scan3A_116, %lt3A_398 : i32
        %convert_element_type3A_400 = arith.extui %lt3A_399 : i1 to i32
        %cond3A_401 = arith.constant 0 : i32
        %cond3A_402 = arith.cmpi ne, %convert_element_type3A_400, %cond3A_401 : i32
        scf.if %cond3A_402 {
          %add3A_483 = arith.constant 8 : i32
          %add3A_484 = arith.addi %add3A_386, %add3A_483 : i32
          %dma_start3A_485 = arith.constant 3 : i32
          %dma_start3A_486 = arith.constant 0 : i32
          %dma_start3A_487 = arith.constant 0 : i32
          %dma_start3A_488 = tpu.memref_slice %arg9[%dma_start3A_485, %dma_start3A_486, %dma_start3A_487] : memref<8x128x32xf32, #tpu.memory_space<vmem>> -> memref<1x128x32xf32, #tpu.memory_space<vmem>>
          %dma_start3A_489 = tpu.memref_squeeze %dma_start3A_488 : memref<1x128x32xf32, #tpu.memory_space<vmem>> -> memref<128x32xf32, #tpu.memory_space<vmem>>
          %dma_start3A_490 = arith.constant 0 : i32
          %dma_start3A_491 = tpu.memref_slice %arg7[%add3A_484, %dma_start3A_490] : memref<120x128xi32, #tpu.memory_space<vmem>> -> memref<1x128xi32, #tpu.memory_space<vmem>>
          %dma_start3A_492 = tpu.memref_squeeze %dma_start3A_491 : memref<1x128xi32, #tpu.memory_space<vmem>> -> memref<128xi32, #tpu.memory_space<vmem>>
          %dma_start3A_493 = arith.constant 0 : i32
          %dma_start3A_494 = arith.constant 0 : i32
          %dma_start3A_495 = tpu.memref_slice %arg2[%dma_start3A_493, %dma_start3A_494] : memref<10112x32xf32, #tpu.memory_space<hbm>> -> memref<10112x32xf32, #tpu.memory_space<hbm>>
          tpu.enqueue_indirect_dma source(%dma_start3A_495 : memref<10112x32xf32, #tpu.memory_space<hbm>>) target(%dma_start3A_489 : memref<128x32xf32, #tpu.memory_space<vmem>>) offsets(%dma_start3A_492 : memref<128xi32, #tpu.memory_space<vmem>>) semaphore(%arg14 : memref<!tpu.dma_semaphore, #tpu.memory_space<semaphore_mem>>)
        } else {
        }
        %mul3A_403 = arith.constant 8 : i32
        %mul3A_404 = arith.muli %scan3A_116, %mul3A_403 : i32
        %add3A_405 = arith.constant 4 : i32
        %add3A_406 = arith.addi %mul3A_404, %add3A_405 : i32
        %dma_wait3A_407 = arith.constant 4 : i32
        %dma_wait3A_408 = arith.constant 0 : i32
        %dma_wait3A_409 = arith.constant 0 : i32
        %dma_wait3A_410 = tpu.memref_slice %arg9[%dma_wait3A_407, %dma_wait3A_408, %dma_wait3A_409] : memref<8x128x32xf32, #tpu.memory_space<vmem>> -> memref<1x128x32xf32, #tpu.memory_space<vmem>>
        %dma_wait3A_411 = tpu.memref_squeeze %dma_wait3A_410 : memref<1x128x32xf32, #tpu.memory_space<vmem>> -> memref<128x32xf32, #tpu.memory_space<vmem>>
        %dma_wait3A_412 = arith.constant 0 : i32
        %dma_wait3A_413 = tpu.memref_slice %arg8[%add3A_223, %dma_wait3A_412] : memref<120x128xi32, #tpu.memory_space<vmem>> -> memref<1x128xi32, #tpu.memory_space<vmem>>
        %dma_wait3A_414 = tpu.memref_squeeze %dma_wait3A_413 : memref<1x128xi32, #tpu.memory_space<vmem>> -> memref<128xi32, #tpu.memory_space<vmem>>
        %dma_wait3A_415 = arith.constant 0 : i32
        %dma_wait3A_416 = arith.constant 0 : i32
        %dma_wait3A_417 = tpu.memref_slice %arg10[%dma_wait3A_415, %dma_wait3A_416] : memref<10112x32xf32, #tpu.memory_space<vmem_shared>> -> memref<10112x32xf32, #tpu.memory_space<vmem_shared>>
        tpu.wait_indirect_dma semaphore(%arg23 : memref<!tpu.dma_semaphore, #tpu.memory_space<semaphore_mem>>) src(%dma_wait3A_411 : memref<128x32xf32, #tpu.memory_space<vmem>>) dst(%dma_wait3A_417 : memref<10112x32xf32, #tpu.memory_space<vmem_shared>>)
        %lt3A_418 = arith.constant 14 : i32
        %lt3A_419 = arith.cmpi slt, %scan3A_116, %lt3A_418 : i32
        %convert_element_type3A_420 = arith.extui %lt3A_419 : i1 to i32
        %cond3A_421 = arith.constant 0 : i32
        %cond3A_422 = arith.cmpi ne, %convert_element_type3A_420, %cond3A_421 : i32
        scf.if %cond3A_422 {
          %add3A_483 = arith.constant 8 : i32
          %add3A_484 = arith.addi %add3A_406, %add3A_483 : i32
          %dma_start3A_485 = arith.constant 4 : i32
          %dma_start3A_486 = arith.constant 0 : i32
          %dma_start3A_487 = arith.constant 0 : i32
          %dma_start3A_488 = tpu.memref_slice %arg9[%dma_start3A_485, %dma_start3A_486, %dma_start3A_487] : memref<8x128x32xf32, #tpu.memory_space<vmem>> -> memref<1x128x32xf32, #tpu.memory_space<vmem>>
          %dma_start3A_489 = tpu.memref_squeeze %dma_start3A_488 : memref<1x128x32xf32, #tpu.memory_space<vmem>> -> memref<128x32xf32, #tpu.memory_space<vmem>>
          %dma_start3A_490 = arith.constant 0 : i32
          %dma_start3A_491 = tpu.memref_slice %arg7[%add3A_484, %dma_start3A_490] : memref<120x128xi32, #tpu.memory_space<vmem>> -> memref<1x128xi32, #tpu.memory_space<vmem>>
          %dma_start3A_492 = tpu.memref_squeeze %dma_start3A_491 : memref<1x128xi32, #tpu.memory_space<vmem>> -> memref<128xi32, #tpu.memory_space<vmem>>
          %dma_start3A_493 = arith.constant 0 : i32
          %dma_start3A_494 = arith.constant 0 : i32
          %dma_start3A_495 = tpu.memref_slice %arg2[%dma_start3A_493, %dma_start3A_494] : memref<10112x32xf32, #tpu.memory_space<hbm>> -> memref<10112x32xf32, #tpu.memory_space<hbm>>
          tpu.enqueue_indirect_dma source(%dma_start3A_495 : memref<10112x32xf32, #tpu.memory_space<hbm>>) target(%dma_start3A_489 : memref<128x32xf32, #tpu.memory_space<vmem>>) offsets(%dma_start3A_492 : memref<128xi32, #tpu.memory_space<vmem>>) semaphore(%arg15 : memref<!tpu.dma_semaphore, #tpu.memory_space<semaphore_mem>>)
        } else {
        }
        %mul3A_423 = arith.constant 8 : i32
        %mul3A_424 = arith.muli %scan3A_116, %mul3A_423 : i32
        %add3A_425 = arith.constant 5 : i32
        %add3A_426 = arith.addi %mul3A_424, %add3A_425 : i32
        %dma_wait3A_427 = arith.constant 5 : i32
        %dma_wait3A_428 = arith.constant 0 : i32
        %dma_wait3A_429 = arith.constant 0 : i32
        %dma_wait3A_430 = tpu.memref_slice %arg9[%dma_wait3A_427, %dma_wait3A_428, %dma_wait3A_429] : memref<8x128x32xf32, #tpu.memory_space<vmem>> -> memref<1x128x32xf32, #tpu.memory_space<vmem>>
        %dma_wait3A_431 = tpu.memref_squeeze %dma_wait3A_430 : memref<1x128x32xf32, #tpu.memory_space<vmem>> -> memref<128x32xf32, #tpu.memory_space<vmem>>
        %dma_wait3A_432 = arith.constant 0 : i32
        %dma_wait3A_433 = tpu.memref_slice %arg8[%add3A_249, %dma_wait3A_432] : memref<120x128xi32, #tpu.memory_space<vmem>> -> memref<1x128xi32, #tpu.memory_space<vmem>>
        %dma_wait3A_434 = tpu.memref_squeeze %dma_wait3A_433 : memref<1x128xi32, #tpu.memory_space<vmem>> -> memref<128xi32, #tpu.memory_space<vmem>>
        %dma_wait3A_435 = arith.constant 0 : i32
        %dma_wait3A_436 = arith.constant 0 : i32
        %dma_wait3A_437 = tpu.memref_slice %arg10[%dma_wait3A_435, %dma_wait3A_436] : memref<10112x32xf32, #tpu.memory_space<vmem_shared>> -> memref<10112x32xf32, #tpu.memory_space<vmem_shared>>
        tpu.wait_indirect_dma semaphore(%arg24 : memref<!tpu.dma_semaphore, #tpu.memory_space<semaphore_mem>>) src(%dma_wait3A_431 : memref<128x32xf32, #tpu.memory_space<vmem>>) dst(%dma_wait3A_437 : memref<10112x32xf32, #tpu.memory_space<vmem_shared>>)
        %lt3A_438 = arith.constant 14 : i32
        %lt3A_439 = arith.cmpi slt, %scan3A_116, %lt3A_438 : i32
        %convert_element_type3A_440 = arith.extui %lt3A_439 : i1 to i32
        %cond3A_441 = arith.constant 0 : i32
        %cond3A_442 = arith.cmpi ne, %convert_element_type3A_440, %cond3A_441 : i32
        scf.if %cond3A_442 {
          %add3A_483 = arith.constant 8 : i32
          %add3A_484 = arith.addi %add3A_426, %add3A_483 : i32
          %dma_start3A_485 = arith.constant 5 : i32
          %dma_start3A_486 = arith.constant 0 : i32
          %dma_start3A_487 = arith.constant 0 : i32
          %dma_start3A_488 = tpu.memref_slice %arg9[%dma_start3A_485, %dma_start3A_486, %dma_start3A_487] : memref<8x128x32xf32, #tpu.memory_space<vmem>> -> memref<1x128x32xf32, #tpu.memory_space<vmem>>
          %dma_start3A_489 = tpu.memref_squeeze %dma_start3A_488 : memref<1x128x32xf32, #tpu.memory_space<vmem>> -> memref<128x32xf32, #tpu.memory_space<vmem>>
          %dma_start3A_490 = arith.constant 0 : i32
          %dma_start3A_491 = tpu.memref_slice %arg7[%add3A_484, %dma_start3A_490] : memref<120x128xi32, #tpu.memory_space<vmem>> -> memref<1x128xi32, #tpu.memory_space<vmem>>
          %dma_start3A_492 = tpu.memref_squeeze %dma_start3A_491 : memref<1x128xi32, #tpu.memory_space<vmem>> -> memref<128xi32, #tpu.memory_space<vmem>>
          %dma_start3A_493 = arith.constant 0 : i32
          %dma_start3A_494 = arith.constant 0 : i32
          %dma_start3A_495 = tpu.memref_slice %arg2[%dma_start3A_493, %dma_start3A_494] : memref<10112x32xf32, #tpu.memory_space<hbm>> -> memref<10112x32xf32, #tpu.memory_space<hbm>>
          tpu.enqueue_indirect_dma source(%dma_start3A_495 : memref<10112x32xf32, #tpu.memory_space<hbm>>) target(%dma_start3A_489 : memref<128x32xf32, #tpu.memory_space<vmem>>) offsets(%dma_start3A_492 : memref<128xi32, #tpu.memory_space<vmem>>) semaphore(%arg16 : memref<!tpu.dma_semaphore, #tpu.memory_space<semaphore_mem>>)
        } else {
        }
        %mul3A_443 = arith.constant 8 : i32
        %mul3A_444 = arith.muli %scan3A_116, %mul3A_443 : i32
        %add3A_445 = arith.constant 6 : i32
        %add3A_446 = arith.addi %mul3A_444, %add3A_445 : i32
        %dma_wait3A_447 = arith.constant 6 : i32
        %dma_wait3A_448 = arith.constant 0 : i32
        %dma_wait3A_449 = arith.constant 0 : i32
        %dma_wait3A_450 = tpu.memref_slice %arg9[%dma_wait3A_447, %dma_wait3A_448, %dma_wait3A_449] : memref<8x128x32xf32, #tpu.memory_space<vmem>> -> memref<1x128x32xf32, #tpu.memory_space<vmem>>
        %dma_wait3A_451 = tpu.memref_squeeze %dma_wait3A_450 : memref<1x128x32xf32, #tpu.memory_space<vmem>> -> memref<128x32xf32, #tpu.memory_space<vmem>>
        %dma_wait3A_452 = arith.constant 0 : i32
        %dma_wait3A_453 = tpu.memref_slice %arg8[%add3A_275, %dma_wait3A_452] : memref<120x128xi32, #tpu.memory_space<vmem>> -> memref<1x128xi32, #tpu.memory_space<vmem>>
        %dma_wait3A_454 = tpu.memref_squeeze %dma_wait3A_453 : memref<1x128xi32, #tpu.memory_space<vmem>> -> memref<128xi32, #tpu.memory_space<vmem>>
        %dma_wait3A_455 = arith.constant 0 : i32
        %dma_wait3A_456 = arith.constant 0 : i32
        %dma_wait3A_457 = tpu.memref_slice %arg10[%dma_wait3A_455, %dma_wait3A_456] : memref<10112x32xf32, #tpu.memory_space<vmem_shared>> -> memref<10112x32xf32, #tpu.memory_space<vmem_shared>>
        tpu.wait_indirect_dma semaphore(%arg25 : memref<!tpu.dma_semaphore, #tpu.memory_space<semaphore_mem>>) src(%dma_wait3A_451 : memref<128x32xf32, #tpu.memory_space<vmem>>) dst(%dma_wait3A_457 : memref<10112x32xf32, #tpu.memory_space<vmem_shared>>)
        %lt3A_458 = arith.constant 14 : i32
        %lt3A_459 = arith.cmpi slt, %scan3A_116, %lt3A_458 : i32
        %convert_element_type3A_460 = arith.extui %lt3A_459 : i1 to i32
        %cond3A_461 = arith.constant 0 : i32
        %cond3A_462 = arith.cmpi ne, %convert_element_type3A_460, %cond3A_461 : i32
        scf.if %cond3A_462 {
          %add3A_483 = arith.constant 8 : i32
          %add3A_484 = arith.addi %add3A_446, %add3A_483 : i32
          %dma_start3A_485 = arith.constant 6 : i32
          %dma_start3A_486 = arith.constant 0 : i32
          %dma_start3A_487 = arith.constant 0 : i32
          %dma_start3A_488 = tpu.memref_slice %arg9[%dma_start3A_485, %dma_start3A_486, %dma_start3A_487] : memref<8x128x32xf32, #tpu.memory_space<vmem>> -> memref<1x128x32xf32, #tpu.memory_space<vmem>>
          %dma_start3A_489 = tpu.memref_squeeze %dma_start3A_488 : memref<1x128x32xf32, #tpu.memory_space<vmem>> -> memref<128x32xf32, #tpu.memory_space<vmem>>
          %dma_start3A_490 = arith.constant 0 : i32
          %dma_start3A_491 = tpu.memref_slice %arg7[%add3A_484, %dma_start3A_490] : memref<120x128xi32, #tpu.memory_space<vmem>> -> memref<1x128xi32, #tpu.memory_space<vmem>>
          %dma_start3A_492 = tpu.memref_squeeze %dma_start3A_491 : memref<1x128xi32, #tpu.memory_space<vmem>> -> memref<128xi32, #tpu.memory_space<vmem>>
          %dma_start3A_493 = arith.constant 0 : i32
          %dma_start3A_494 = arith.constant 0 : i32
          %dma_start3A_495 = tpu.memref_slice %arg2[%dma_start3A_493, %dma_start3A_494] : memref<10112x32xf32, #tpu.memory_space<hbm>> -> memref<10112x32xf32, #tpu.memory_space<hbm>>
          tpu.enqueue_indirect_dma source(%dma_start3A_495 : memref<10112x32xf32, #tpu.memory_space<hbm>>) target(%dma_start3A_489 : memref<128x32xf32, #tpu.memory_space<vmem>>) offsets(%dma_start3A_492 : memref<128xi32, #tpu.memory_space<vmem>>) semaphore(%arg17 : memref<!tpu.dma_semaphore, #tpu.memory_space<semaphore_mem>>)
        } else {
        }
        %mul3A_463 = arith.constant 8 : i32
        %mul3A_464 = arith.muli %scan3A_116, %mul3A_463 : i32
        %add3A_465 = arith.constant 7 : i32
        %add3A_466 = arith.addi %mul3A_464, %add3A_465 : i32
        %dma_wait3A_467 = arith.constant 7 : i32
        %dma_wait3A_468 = arith.constant 0 : i32
        %dma_wait3A_469 = arith.constant 0 : i32
        %dma_wait3A_470 = tpu.memref_slice %arg9[%dma_wait3A_467, %dma_wait3A_468, %dma_wait3A_469] : memref<8x128x32xf32, #tpu.memory_space<vmem>> -> memref<1x128x32xf32, #tpu.memory_space<vmem>>
        %dma_wait3A_471 = tpu.memref_squeeze %dma_wait3A_470 : memref<1x128x32xf32, #tpu.memory_space<vmem>> -> memref<128x32xf32, #tpu.memory_space<vmem>>
        %dma_wait3A_472 = arith.constant 0 : i32
        %dma_wait3A_473 = tpu.memref_slice %arg8[%add3A_301, %dma_wait3A_472] : memref<120x128xi32, #tpu.memory_space<vmem>> -> memref<1x128xi32, #tpu.memory_space<vmem>>
        %dma_wait3A_474 = tpu.memref_squeeze %dma_wait3A_473 : memref<1x128xi32, #tpu.memory_space<vmem>> -> memref<128xi32, #tpu.memory_space<vmem>>
        %dma_wait3A_475 = arith.constant 0 : i32
        %dma_wait3A_476 = arith.constant 0 : i32
        %dma_wait3A_477 = tpu.memref_slice %arg10[%dma_wait3A_475, %dma_wait3A_476] : memref<10112x32xf32, #tpu.memory_space<vmem_shared>> -> memref<10112x32xf32, #tpu.memory_space<vmem_shared>>
        tpu.wait_indirect_dma semaphore(%arg26 : memref<!tpu.dma_semaphore, #tpu.memory_space<semaphore_mem>>) src(%dma_wait3A_471 : memref<128x32xf32, #tpu.memory_space<vmem>>) dst(%dma_wait3A_477 : memref<10112x32xf32, #tpu.memory_space<vmem_shared>>)
        %lt3A_478 = arith.constant 14 : i32
        %lt3A_479 = arith.cmpi slt, %scan3A_116, %lt3A_478 : i32
        %convert_element_type3A_480 = arith.extui %lt3A_479 : i1 to i32
        %cond3A_481 = arith.constant 0 : i32
        %cond3A_482 = arith.cmpi ne, %convert_element_type3A_480, %cond3A_481 : i32
        scf.if %cond3A_482 {
          %add3A_483 = arith.constant 8 : i32
          %add3A_484 = arith.addi %add3A_466, %add3A_483 : i32
          %dma_start3A_485 = arith.constant 7 : i32
          %dma_start3A_486 = arith.constant 0 : i32
          %dma_start3A_487 = arith.constant 0 : i32
          %dma_start3A_488 = tpu.memref_slice %arg9[%dma_start3A_485, %dma_start3A_486, %dma_start3A_487] : memref<8x128x32xf32, #tpu.memory_space<vmem>> -> memref<1x128x32xf32, #tpu.memory_space<vmem>>
          %dma_start3A_489 = tpu.memref_squeeze %dma_start3A_488 : memref<1x128x32xf32, #tpu.memory_space<vmem>> -> memref<128x32xf32, #tpu.memory_space<vmem>>
          %dma_start3A_490 = arith.constant 0 : i32
          %dma_start3A_491 = tpu.memref_slice %arg7[%add3A_484, %dma_start3A_490] : memref<120x128xi32, #tpu.memory_space<vmem>> -> memref<1x128xi32, #tpu.memory_space<vmem>>
          %dma_start3A_492 = tpu.memref_squeeze %dma_start3A_491 : memref<1x128xi32, #tpu.memory_space<vmem>> -> memref<128xi32, #tpu.memory_space<vmem>>
          %dma_start3A_493 = arith.constant 0 : i32
          %dma_start3A_494 = arith.constant 0 : i32
          %dma_start3A_495 = tpu.memref_slice %arg2[%dma_start3A_493, %dma_start3A_494] : memref<10112x32xf32, #tpu.memory_space<hbm>> -> memref<10112x32xf32, #tpu.memory_space<hbm>>
          tpu.enqueue_indirect_dma source(%dma_start3A_495 : memref<10112x32xf32, #tpu.memory_space<hbm>>) target(%dma_start3A_489 : memref<128x32xf32, #tpu.memory_space<vmem>>) offsets(%dma_start3A_492 : memref<128xi32, #tpu.memory_space<vmem>>) semaphore(%arg18 : memref<!tpu.dma_semaphore, #tpu.memory_space<semaphore_mem>>)
        } else {
        }
      }
      %scan3A_115 = arith.constant 15 : i32
    } else {
    }
    %eq3A_2 = arith.constant 1 : i32
    %eq3A_3 = arith.cmpi eq, %arg0, %eq3A_2 : i32
    %convert_element_type3A_4 = arith.extui %eq3A_3 : i1 to i32
    %cond3A_5 = arith.constant 0 : i32
    %cond3A_6 = arith.cmpi ne, %convert_element_type3A_4, %cond3A_5 : i32
    scf.if %cond3A_6 {
      %mul3A_8 = arith.constant 40 : i32
      %mul3A_9 = arith.muli %arg1, %mul3A_8 : i32
      %add3A = arith.constant 1920 : i32
      %add3A_10 = arith.addi %add3A, %mul3A_9 : i32
      %mul3A_11 = arith.constant 632 : i32
      %mul3A_12 = arith.muli %arg1, %mul3A_11 : i32
      %dma_start3A = arith.constant 0 : i32
      %dma_start3A_13 = tpu.memref_slice %arg10[%mul3A_12, %dma_start3A] : memref<10112x32xf32, #tpu.memory_space<vmem_shared>> -> memref<632x32xf32, #tpu.memory_space<vmem_shared>>
      tpu.enqueue_dma source(%arg5 : memref<632x32xf32, #tpu.memory_space<hbm>>) target(%dma_start3A_13 : memref<632x32xf32, #tpu.memory_space<vmem_shared>>) target_semaphore(%arg19 : memref<!tpu.dma_semaphore, #tpu.memory_space<semaphore_mem>>)
      "tpu.region"() ({
        %run_scoped3A = tpu.sem_alloc : memref<!tpu.dma_semaphore, #tpu.memory_space<semaphore_mem>>
        %dma_start3A_117 = arith.constant 0 : i32
        %dma_start3A_118 = arith.constant 0 : i32
        %dma_start3A_119 = tpu.memref_slice %arg7[%dma_start3A_117, %dma_start3A_118] : memref<120x128xi32, #tpu.memory_space<vmem>> -> memref<40x128xi32, #tpu.memory_space<vmem>>
        %dma_start3A_120 = arith.constant 0 : i32
        %dma_start3A_121 = tpu.memref_slice %arg3[%add3A_10, %dma_start3A_120] : memref<2560x128xi32, #tpu.memory_space<hbm>> -> memref<40x128xi32, #tpu.memory_space<hbm>>
        %dma_start3A_122 = arith.constant 0 : i32
        %dma_start3A_123 = arith.constant 0 : i32
        %dma_start3A_124 = tpu.memref_slice %arg7[%dma_start3A_122, %dma_start3A_123] : memref<120x128xi32, #tpu.memory_space<vmem>> -> memref<40x128xi32, #tpu.memory_space<vmem>>
        %dma_start3A_125 = arith.constant 0 : i32
        %dma_start3A_126 = tpu.memref_slice %arg3[%add3A_10, %dma_start3A_125] : memref<2560x128xi32, #tpu.memory_space<hbm>> -> memref<40x128xi32, #tpu.memory_space<hbm>>
        tpu.enqueue_dma source(%dma_start3A_126 : memref<40x128xi32, #tpu.memory_space<hbm>>) target(%dma_start3A_124 : memref<40x128xi32, #tpu.memory_space<vmem>>) target_semaphore(%run_scoped3A : memref<!tpu.dma_semaphore, #tpu.memory_space<semaphore_mem>>)
        %dma_wait3A_127 = arith.constant 0 : i32
        %dma_wait3A_128 = arith.constant 0 : i32
        %dma_wait3A_129 = tpu.memref_slice %arg7[%dma_wait3A_127, %dma_wait3A_128] : memref<120x128xi32, #tpu.memory_space<vmem>> -> memref<40x128xi32, #tpu.memory_space<vmem>>
        %dma_wait3A_130 = arith.constant 0 : i32
        %dma_wait3A_131 = tpu.memref_slice %arg3[%add3A_10, %dma_wait3A_130] : memref<2560x128xi32, #tpu.memory_space<hbm>> -> memref<40x128xi32, #tpu.memory_space<hbm>>
        %dma_wait3A_132 = arith.constant 0 : i32
        %dma_wait3A_133 = arith.constant 0 : i32
        %dma_wait3A_134 = tpu.memref_slice %arg7[%dma_wait3A_132, %dma_wait3A_133] : memref<120x128xi32, #tpu.memory_space<vmem>> -> memref<40x128xi32, #tpu.memory_space<vmem>>
        %dma_wait3A_135 = arith.constant 0 : i32
        %dma_wait3A_136 = tpu.memref_slice %arg3[%add3A_10, %dma_wait3A_135] : memref<2560x128xi32, #tpu.memory_space<hbm>> -> memref<40x128xi32, #tpu.memory_space<hbm>>
        tpu.wait_dma2 semaphore(%run_scoped3A : memref<!tpu.dma_semaphore, #tpu.memory_space<semaphore_mem>>) src(%dma_wait3A_136 : memref<40x128xi32, #tpu.memory_space<hbm>>) dst(%dma_wait3A_134 : memref<40x128xi32, #tpu.memory_space<vmem>>)
        tpu.yield
      }) : () -> ()
      "tpu.region"() ({
        %run_scoped3A = tpu.sem_alloc : memref<!tpu.dma_semaphore, #tpu.memory_space<semaphore_mem>>
        %dma_start3A_117 = arith.constant 0 : i32
        %dma_start3A_118 = arith.constant 0 : i32
        %dma_start3A_119 = tpu.memref_slice %arg8[%dma_start3A_117, %dma_start3A_118] : memref<120x128xi32, #tpu.memory_space<vmem>> -> memref<40x128xi32, #tpu.memory_space<vmem>>
        %dma_start3A_120 = arith.constant 0 : i32
        %dma_start3A_121 = tpu.memref_slice %arg4[%add3A_10, %dma_start3A_120] : memref<2560x128xi32, #tpu.memory_space<hbm>> -> memref<40x128xi32, #tpu.memory_space<hbm>>
        %dma_start3A_122 = arith.constant 0 : i32
        %dma_start3A_123 = arith.constant 0 : i32
        %dma_start3A_124 = tpu.memref_slice %arg8[%dma_start3A_122, %dma_start3A_123] : memref<120x128xi32, #tpu.memory_space<vmem>> -> memref<40x128xi32, #tpu.memory_space<vmem>>
        %dma_start3A_125 = arith.constant 0 : i32
        %dma_start3A_126 = tpu.memref_slice %arg4[%add3A_10, %dma_start3A_125] : memref<2560x128xi32, #tpu.memory_space<hbm>> -> memref<40x128xi32, #tpu.memory_space<hbm>>
        tpu.enqueue_dma source(%dma_start3A_126 : memref<40x128xi32, #tpu.memory_space<hbm>>) target(%dma_start3A_124 : memref<40x128xi32, #tpu.memory_space<vmem>>) target_semaphore(%run_scoped3A : memref<!tpu.dma_semaphore, #tpu.memory_space<semaphore_mem>>)
        %dma_wait3A_127 = arith.constant 0 : i32
        %dma_wait3A_128 = arith.constant 0 : i32
        %dma_wait3A_129 = tpu.memref_slice %arg8[%dma_wait3A_127, %dma_wait3A_128] : memref<120x128xi32, #tpu.memory_space<vmem>> -> memref<40x128xi32, #tpu.memory_space<vmem>>
        %dma_wait3A_130 = arith.constant 0 : i32
        %dma_wait3A_131 = tpu.memref_slice %arg4[%add3A_10, %dma_wait3A_130] : memref<2560x128xi32, #tpu.memory_space<hbm>> -> memref<40x128xi32, #tpu.memory_space<hbm>>
        %dma_wait3A_132 = arith.constant 0 : i32
        %dma_wait3A_133 = arith.constant 0 : i32
        %dma_wait3A_134 = tpu.memref_slice %arg8[%dma_wait3A_132, %dma_wait3A_133] : memref<120x128xi32, #tpu.memory_space<vmem>> -> memref<40x128xi32, #tpu.memory_space<vmem>>
        %dma_wait3A_135 = arith.constant 0 : i32
        %dma_wait3A_136 = tpu.memref_slice %arg4[%add3A_10, %dma_wait3A_135] : memref<2560x128xi32, #tpu.memory_space<hbm>> -> memref<40x128xi32, #tpu.memory_space<hbm>>
        tpu.wait_dma2 semaphore(%run_scoped3A : memref<!tpu.dma_semaphore, #tpu.memory_space<semaphore_mem>>) src(%dma_wait3A_136 : memref<40x128xi32, #tpu.memory_space<hbm>>) dst(%dma_wait3A_134 : memref<40x128xi32, #tpu.memory_space<vmem>>)
        tpu.yield
      }) : () -> ()
      %dma_start3A_14 = arith.constant 0 : i32
      %dma_start3A_15 = arith.constant 0 : i32
      %dma_start3A_16 = arith.constant 0 : i32
      %dma_start3A_17 = arith.constant 0 : i32
      %dma_start3A_18 = tpu.memref_slice %arg9[%dma_start3A_15, %dma_start3A_16, %dma_start3A_17] : memref<8x128x32xf32, #tpu.memory_space<vmem>> -> memref<1x128x32xf32, #tpu.memory_space<vmem>>
      %dma_start3A_19 = tpu.memref_squeeze %dma_start3A_18 : memref<1x128x32xf32, #tpu.memory_space<vmem>> -> memref<128x32xf32, #tpu.memory_space<vmem>>
      %dma_start3A_20 = arith.constant 0 : i32
      %dma_start3A_21 = tpu.memref_slice %arg7[%dma_start3A_14, %dma_start3A_20] : memref<120x128xi32, #tpu.memory_space<vmem>> -> memref<1x128xi32, #tpu.memory_space<vmem>>
      %dma_start3A_22 = tpu.memref_squeeze %dma_start3A_21 : memref<1x128xi32, #tpu.memory_space<vmem>> -> memref<128xi32, #tpu.memory_space<vmem>>
      %dma_start3A_23 = arith.constant 0 : i32
      %dma_start3A_24 = arith.constant 0 : i32
      %dma_start3A_25 = tpu.memref_slice %arg2[%dma_start3A_23, %dma_start3A_24] : memref<10112x32xf32, #tpu.memory_space<hbm>> -> memref<10112x32xf32, #tpu.memory_space<hbm>>
      tpu.enqueue_indirect_dma source(%dma_start3A_25 : memref<10112x32xf32, #tpu.memory_space<hbm>>) target(%dma_start3A_19 : memref<128x32xf32, #tpu.memory_space<vmem>>) offsets(%dma_start3A_22 : memref<128xi32, #tpu.memory_space<vmem>>) semaphore(%arg11 : memref<!tpu.dma_semaphore, #tpu.memory_space<semaphore_mem>>)
      %dma_start3A_26 = arith.constant 1 : i32
      %dma_start3A_27 = arith.constant 1 : i32
      %dma_start3A_28 = arith.constant 0 : i32
      %dma_start3A_29 = arith.constant 0 : i32
      %dma_start3A_30 = tpu.memref_slice %arg9[%dma_start3A_27, %dma_start3A_28, %dma_start3A_29] : memref<8x128x32xf32, #tpu.memory_space<vmem>> -> memref<1x128x32xf32, #tpu.memory_space<vmem>>
      %dma_start3A_31 = tpu.memref_squeeze %dma_start3A_30 : memref<1x128x32xf32, #tpu.memory_space<vmem>> -> memref<128x32xf32, #tpu.memory_space<vmem>>
      %dma_start3A_32 = arith.constant 0 : i32
      %dma_start3A_33 = tpu.memref_slice %arg7[%dma_start3A_26, %dma_start3A_32] : memref<120x128xi32, #tpu.memory_space<vmem>> -> memref<1x128xi32, #tpu.memory_space<vmem>>
      %dma_start3A_34 = tpu.memref_squeeze %dma_start3A_33 : memref<1x128xi32, #tpu.memory_space<vmem>> -> memref<128xi32, #tpu.memory_space<vmem>>
      %dma_start3A_35 = arith.constant 0 : i32
      %dma_start3A_36 = arith.constant 0 : i32
      %dma_start3A_37 = tpu.memref_slice %arg2[%dma_start3A_35, %dma_start3A_36] : memref<10112x32xf32, #tpu.memory_space<hbm>> -> memref<10112x32xf32, #tpu.memory_space<hbm>>
      tpu.enqueue_indirect_dma source(%dma_start3A_37 : memref<10112x32xf32, #tpu.memory_space<hbm>>) target(%dma_start3A_31 : memref<128x32xf32, #tpu.memory_space<vmem>>) offsets(%dma_start3A_34 : memref<128xi32, #tpu.memory_space<vmem>>) semaphore(%arg12 : memref<!tpu.dma_semaphore, #tpu.memory_space<semaphore_mem>>)
      %dma_start3A_38 = arith.constant 2 : i32
      %dma_start3A_39 = arith.constant 2 : i32
      %dma_start3A_40 = arith.constant 0 : i32
      %dma_start3A_41 = arith.constant 0 : i32
      %dma_start3A_42 = tpu.memref_slice %arg9[%dma_start3A_39, %dma_start3A_40, %dma_start3A_41] : memref<8x128x32xf32, #tpu.memory_space<vmem>> -> memref<1x128x32xf32, #tpu.memory_space<vmem>>
      %dma_start3A_43 = tpu.memref_squeeze %dma_start3A_42 : memref<1x128x32xf32, #tpu.memory_space<vmem>> -> memref<128x32xf32, #tpu.memory_space<vmem>>
      %dma_start3A_44 = arith.constant 0 : i32
      %dma_start3A_45 = tpu.memref_slice %arg7[%dma_start3A_38, %dma_start3A_44] : memref<120x128xi32, #tpu.memory_space<vmem>> -> memref<1x128xi32, #tpu.memory_space<vmem>>
      %dma_start3A_46 = tpu.memref_squeeze %dma_start3A_45 : memref<1x128xi32, #tpu.memory_space<vmem>> -> memref<128xi32, #tpu.memory_space<vmem>>
      %dma_start3A_47 = arith.constant 0 : i32
      %dma_start3A_48 = arith.constant 0 : i32
      %dma_start3A_49 = tpu.memref_slice %arg2[%dma_start3A_47, %dma_start3A_48] : memref<10112x32xf32, #tpu.memory_space<hbm>> -> memref<10112x32xf32, #tpu.memory_space<hbm>>
      tpu.enqueue_indirect_dma source(%dma_start3A_49 : memref<10112x32xf32, #tpu.memory_space<hbm>>) target(%dma_start3A_43 : memref<128x32xf32, #tpu.memory_space<vmem>>) offsets(%dma_start3A_46 : memref<128xi32, #tpu.memory_space<vmem>>) semaphore(%arg13 : memref<!tpu.dma_semaphore, #tpu.memory_space<semaphore_mem>>)
      %dma_start3A_50 = arith.constant 3 : i32
      %dma_start3A_51 = arith.constant 3 : i32
      %dma_start3A_52 = arith.constant 0 : i32
      %dma_start3A_53 = arith.constant 0 : i32
      %dma_start3A_54 = tpu.memref_slice %arg9[%dma_start3A_51, %dma_start3A_52, %dma_start3A_53] : memref<8x128x32xf32, #tpu.memory_space<vmem>> -> memref<1x128x32xf32, #tpu.memory_space<vmem>>
      %dma_start3A_55 = tpu.memref_squeeze %dma_start3A_54 : memref<1x128x32xf32, #tpu.memory_space<vmem>> -> memref<128x32xf32, #tpu.memory_space<vmem>>
      %dma_start3A_56 = arith.constant 0 : i32
      %dma_start3A_57 = tpu.memref_slice %arg7[%dma_start3A_50, %dma_start3A_56] : memref<120x128xi32, #tpu.memory_space<vmem>> -> memref<1x128xi32, #tpu.memory_space<vmem>>
      %dma_start3A_58 = tpu.memref_squeeze %dma_start3A_57 : memref<1x128xi32, #tpu.memory_space<vmem>> -> memref<128xi32, #tpu.memory_space<vmem>>
      %dma_start3A_59 = arith.constant 0 : i32
      %dma_start3A_60 = arith.constant 0 : i32
      %dma_start3A_61 = tpu.memref_slice %arg2[%dma_start3A_59, %dma_start3A_60] : memref<10112x32xf32, #tpu.memory_space<hbm>> -> memref<10112x32xf32, #tpu.memory_space<hbm>>
      tpu.enqueue_indirect_dma source(%dma_start3A_61 : memref<10112x32xf32, #tpu.memory_space<hbm>>) target(%dma_start3A_55 : memref<128x32xf32, #tpu.memory_space<vmem>>) offsets(%dma_start3A_58 : memref<128xi32, #tpu.memory_space<vmem>>) semaphore(%arg14 : memref<!tpu.dma_semaphore, #tpu.memory_space<semaphore_mem>>)
      %dma_start3A_62 = arith.constant 4 : i32
      %dma_start3A_63 = arith.constant 4 : i32
      %dma_start3A_64 = arith.constant 0 : i32
      %dma_start3A_65 = arith.constant 0 : i32
      %dma_start3A_66 = tpu.memref_slice %arg9[%dma_start3A_63, %dma_start3A_64, %dma_start3A_65] : memref<8x128x32xf32, #tpu.memory_space<vmem>> -> memref<1x128x32xf32, #tpu.memory_space<vmem>>
      %dma_start3A_67 = tpu.memref_squeeze %dma_start3A_66 : memref<1x128x32xf32, #tpu.memory_space<vmem>> -> memref<128x32xf32, #tpu.memory_space<vmem>>
      %dma_start3A_68 = arith.constant 0 : i32
      %dma_start3A_69 = tpu.memref_slice %arg7[%dma_start3A_62, %dma_start3A_68] : memref<120x128xi32, #tpu.memory_space<vmem>> -> memref<1x128xi32, #tpu.memory_space<vmem>>
      %dma_start3A_70 = tpu.memref_squeeze %dma_start3A_69 : memref<1x128xi32, #tpu.memory_space<vmem>> -> memref<128xi32, #tpu.memory_space<vmem>>
      %dma_start3A_71 = arith.constant 0 : i32
      %dma_start3A_72 = arith.constant 0 : i32
      %dma_start3A_73 = tpu.memref_slice %arg2[%dma_start3A_71, %dma_start3A_72] : memref<10112x32xf32, #tpu.memory_space<hbm>> -> memref<10112x32xf32, #tpu.memory_space<hbm>>
      tpu.enqueue_indirect_dma source(%dma_start3A_73 : memref<10112x32xf32, #tpu.memory_space<hbm>>) target(%dma_start3A_67 : memref<128x32xf32, #tpu.memory_space<vmem>>) offsets(%dma_start3A_70 : memref<128xi32, #tpu.memory_space<vmem>>) semaphore(%arg15 : memref<!tpu.dma_semaphore, #tpu.memory_space<semaphore_mem>>)
      %dma_start3A_74 = arith.constant 5 : i32
      %dma_start3A_75 = arith.constant 5 : i32
      %dma_start3A_76 = arith.constant 0 : i32
      %dma_start3A_77 = arith.constant 0 : i32
      %dma_start3A_78 = tpu.memref_slice %arg9[%dma_start3A_75, %dma_start3A_76, %dma_start3A_77] : memref<8x128x32xf32, #tpu.memory_space<vmem>> -> memref<1x128x32xf32, #tpu.memory_space<vmem>>
      %dma_start3A_79 = tpu.memref_squeeze %dma_start3A_78 : memref<1x128x32xf32, #tpu.memory_space<vmem>> -> memref<128x32xf32, #tpu.memory_space<vmem>>
      %dma_start3A_80 = arith.constant 0 : i32
      %dma_start3A_81 = tpu.memref_slice %arg7[%dma_start3A_74, %dma_start3A_80] : memref<120x128xi32, #tpu.memory_space<vmem>> -> memref<1x128xi32, #tpu.memory_space<vmem>>
      %dma_start3A_82 = tpu.memref_squeeze %dma_start3A_81 : memref<1x128xi32, #tpu.memory_space<vmem>> -> memref<128xi32, #tpu.memory_space<vmem>>
      %dma_start3A_83 = arith.constant 0 : i32
      %dma_start3A_84 = arith.constant 0 : i32
      %dma_start3A_85 = tpu.memref_slice %arg2[%dma_start3A_83, %dma_start3A_84] : memref<10112x32xf32, #tpu.memory_space<hbm>> -> memref<10112x32xf32, #tpu.memory_space<hbm>>
      tpu.enqueue_indirect_dma source(%dma_start3A_85 : memref<10112x32xf32, #tpu.memory_space<hbm>>) target(%dma_start3A_79 : memref<128x32xf32, #tpu.memory_space<vmem>>) offsets(%dma_start3A_82 : memref<128xi32, #tpu.memory_space<vmem>>) semaphore(%arg16 : memref<!tpu.dma_semaphore, #tpu.memory_space<semaphore_mem>>)
      %dma_start3A_86 = arith.constant 6 : i32
      %dma_start3A_87 = arith.constant 6 : i32
      %dma_start3A_88 = arith.constant 0 : i32
      %dma_start3A_89 = arith.constant 0 : i32
      %dma_start3A_90 = tpu.memref_slice %arg9[%dma_start3A_87, %dma_start3A_88, %dma_start3A_89] : memref<8x128x32xf32, #tpu.memory_space<vmem>> -> memref<1x128x32xf32, #tpu.memory_space<vmem>>
      %dma_start3A_91 = tpu.memref_squeeze %dma_start3A_90 : memref<1x128x32xf32, #tpu.memory_space<vmem>> -> memref<128x32xf32, #tpu.memory_space<vmem>>
      %dma_start3A_92 = arith.constant 0 : i32
      %dma_start3A_93 = tpu.memref_slice %arg7[%dma_start3A_86, %dma_start3A_92] : memref<120x128xi32, #tpu.memory_space<vmem>> -> memref<1x128xi32, #tpu.memory_space<vmem>>
      %dma_start3A_94 = tpu.memref_squeeze %dma_start3A_93 : memref<1x128xi32, #tpu.memory_space<vmem>> -> memref<128xi32, #tpu.memory_space<vmem>>
      %dma_start3A_95 = arith.constant 0 : i32
      %dma_start3A_96 = arith.constant 0 : i32
      %dma_start3A_97 = tpu.memref_slice %arg2[%dma_start3A_95, %dma_start3A_96] : memref<10112x32xf32, #tpu.memory_space<hbm>> -> memref<10112x32xf32, #tpu.memory_space<hbm>>
      tpu.enqueue_indirect_dma source(%dma_start3A_97 : memref<10112x32xf32, #tpu.memory_space<hbm>>) target(%dma_start3A_91 : memref<128x32xf32, #tpu.memory_space<vmem>>) offsets(%dma_start3A_94 : memref<128xi32, #tpu.memory_space<vmem>>) semaphore(%arg17 : memref<!tpu.dma_semaphore, #tpu.memory_space<semaphore_mem>>)
      %dma_start3A_98 = arith.constant 7 : i32
      %dma_start3A_99 = arith.constant 7 : i32
      %dma_start3A_100 = arith.constant 0 : i32
      %dma_start3A_101 = arith.constant 0 : i32
      %dma_start3A_102 = tpu.memref_slice %arg9[%dma_start3A_99, %dma_start3A_100, %dma_start3A_101] : memref<8x128x32xf32, #tpu.memory_space<vmem>> -> memref<1x128x32xf32, #tpu.memory_space<vmem>>
      %dma_start3A_103 = tpu.memref_squeeze %dma_start3A_102 : memref<1x128x32xf32, #tpu.memory_space<vmem>> -> memref<128x32xf32, #tpu.memory_space<vmem>>
      %dma_start3A_104 = arith.constant 0 : i32
      %dma_start3A_105 = tpu.memref_slice %arg7[%dma_start3A_98, %dma_start3A_104] : memref<120x128xi32, #tpu.memory_space<vmem>> -> memref<1x128xi32, #tpu.memory_space<vmem>>
      %dma_start3A_106 = tpu.memref_squeeze %dma_start3A_105 : memref<1x128xi32, #tpu.memory_space<vmem>> -> memref<128xi32, #tpu.memory_space<vmem>>
      %dma_start3A_107 = arith.constant 0 : i32
      %dma_start3A_108 = arith.constant 0 : i32
      %dma_start3A_109 = tpu.memref_slice %arg2[%dma_start3A_107, %dma_start3A_108] : memref<10112x32xf32, #tpu.memory_space<hbm>> -> memref<10112x32xf32, #tpu.memory_space<hbm>>
      tpu.enqueue_indirect_dma source(%dma_start3A_109 : memref<10112x32xf32, #tpu.memory_space<hbm>>) target(%dma_start3A_103 : memref<128x32xf32, #tpu.memory_space<vmem>>) offsets(%dma_start3A_106 : memref<128xi32, #tpu.memory_space<vmem>>) semaphore(%arg18 : memref<!tpu.dma_semaphore, #tpu.memory_space<semaphore_mem>>)
      %dma_wait3A = arith.constant 0 : i32
      %dma_wait3A_110 = tpu.memref_slice %arg10[%mul3A_12, %dma_wait3A] : memref<10112x32xf32, #tpu.memory_space<vmem_shared>> -> memref<632x32xf32, #tpu.memory_space<vmem_shared>>
      tpu.wait_dma2 semaphore(%arg19 : memref<!tpu.dma_semaphore, #tpu.memory_space<semaphore_mem>>) src(%arg5 : memref<632x32xf32, #tpu.memory_space<hbm>>) dst(%dma_wait3A_110 : memref<632x32xf32, #tpu.memory_space<vmem_shared>>)
      %barrier3A_111 = arith.constant 0 : index
      tpu.barrier barrier_id(%barrier3A_111)
      %scan3A = arith.constant 0 : i32
      %scan3A_112 = arith.constant 0 : i32
      %scan3A_113 = arith.constant 5 : i32
      %scan3A_114 = arith.addi %scan3A_112, %scan3A_113 : i32
      %scan3A_115 = arith.constant 1 : i32
      scf.for %scan3A_117 = %scan3A_112 to %scan3A_114 step %scan3A_115  : i32 {
        %mul3A_118 = arith.constant 8 : i32
        %mul3A_119 = arith.muli %scan3A_117, %mul3A_118 : i32
        %add3A_120 = arith.constant 0 : i32
        %add3A_121 = arith.addi %mul3A_119, %add3A_120 : i32
        %dma_wait3A_122 = arith.constant 0 : i32
        %dma_wait3A_123 = arith.constant 0 : i32
        %dma_wait3A_124 = arith.constant 0 : i32
        %dma_wait3A_125 = tpu.memref_slice %arg9[%dma_wait3A_122, %dma_wait3A_123, %dma_wait3A_124] : memref<8x128x32xf32, #tpu.memory_space<vmem>> -> memref<1x128x32xf32, #tpu.memory_space<vmem>>
        %dma_wait3A_126 = tpu.memref_squeeze %dma_wait3A_125 : memref<1x128x32xf32, #tpu.memory_space<vmem>> -> memref<128x32xf32, #tpu.memory_space<vmem>>
        %dma_wait3A_127 = arith.constant 0 : i32
        %dma_wait3A_128 = tpu.memref_slice %arg7[%add3A_121, %dma_wait3A_127] : memref<120x128xi32, #tpu.memory_space<vmem>> -> memref<1x128xi32, #tpu.memory_space<vmem>>
        %dma_wait3A_129 = tpu.memref_squeeze %dma_wait3A_128 : memref<1x128xi32, #tpu.memory_space<vmem>> -> memref<128xi32, #tpu.memory_space<vmem>>
        %dma_wait3A_130 = arith.constant 0 : i32
        %dma_wait3A_131 = arith.constant 0 : i32
        %dma_wait3A_132 = tpu.memref_slice %arg2[%dma_wait3A_130, %dma_wait3A_131] : memref<10112x32xf32, #tpu.memory_space<hbm>> -> memref<10112x32xf32, #tpu.memory_space<hbm>>
        tpu.wait_indirect_dma semaphore(%arg11 : memref<!tpu.dma_semaphore, #tpu.memory_space<semaphore_mem>>) src(%dma_wait3A_132 : memref<10112x32xf32, #tpu.memory_space<hbm>>) dst(%dma_wait3A_126 : memref<128x32xf32, #tpu.memory_space<vmem>>)
        %dma_start3A_133 = arith.constant 0 : i32
        %dma_start3A_134 = arith.constant 0 : i32
        %dma_start3A_135 = arith.constant 0 : i32
        %dma_start3A_136 = tpu.memref_slice %arg9[%dma_start3A_133, %dma_start3A_134, %dma_start3A_135] : memref<8x128x32xf32, #tpu.memory_space<vmem>> -> memref<1x128x32xf32, #tpu.memory_space<vmem>>
        %dma_start3A_137 = tpu.memref_squeeze %dma_start3A_136 : memref<1x128x32xf32, #tpu.memory_space<vmem>> -> memref<128x32xf32, #tpu.memory_space<vmem>>
        %dma_start3A_138 = arith.constant 0 : i32
        %dma_start3A_139 = tpu.memref_slice %arg8[%add3A_121, %dma_start3A_138] : memref<120x128xi32, #tpu.memory_space<vmem>> -> memref<1x128xi32, #tpu.memory_space<vmem>>
        %dma_start3A_140 = tpu.memref_squeeze %dma_start3A_139 : memref<1x128xi32, #tpu.memory_space<vmem>> -> memref<128xi32, #tpu.memory_space<vmem>>
        %dma_start3A_141 = arith.constant 0 : i32
        %dma_start3A_142 = arith.constant 0 : i32
        %dma_start3A_143 = tpu.memref_slice %arg10[%dma_start3A_141, %dma_start3A_142] : memref<10112x32xf32, #tpu.memory_space<vmem_shared>> -> memref<10112x32xf32, #tpu.memory_space<vmem_shared>>
        tpu.enqueue_indirect_dma source(%dma_start3A_137 : memref<128x32xf32, #tpu.memory_space<vmem>>) target(%dma_start3A_143 : memref<10112x32xf32, #tpu.memory_space<vmem_shared>>) offsets(%dma_start3A_140 : memref<128xi32, #tpu.memory_space<vmem>>) semaphore(%arg19 : memref<!tpu.dma_semaphore, #tpu.memory_space<semaphore_mem>>) {add = true}
        %mul3A_144 = arith.constant 8 : i32
        %mul3A_145 = arith.muli %scan3A_117, %mul3A_144 : i32
        %add3A_146 = arith.constant 1 : i32
        %add3A_147 = arith.addi %mul3A_145, %add3A_146 : i32
        %dma_wait3A_148 = arith.constant 1 : i32
        %dma_wait3A_149 = arith.constant 0 : i32
        %dma_wait3A_150 = arith.constant 0 : i32
        %dma_wait3A_151 = tpu.memref_slice %arg9[%dma_wait3A_148, %dma_wait3A_149, %dma_wait3A_150] : memref<8x128x32xf32, #tpu.memory_space<vmem>> -> memref<1x128x32xf32, #tpu.memory_space<vmem>>
        %dma_wait3A_152 = tpu.memref_squeeze %dma_wait3A_151 : memref<1x128x32xf32, #tpu.memory_space<vmem>> -> memref<128x32xf32, #tpu.memory_space<vmem>>
        %dma_wait3A_153 = arith.constant 0 : i32
        %dma_wait3A_154 = tpu.memref_slice %arg7[%add3A_147, %dma_wait3A_153] : memref<120x128xi32, #tpu.memory_space<vmem>> -> memref<1x128xi32, #tpu.memory_space<vmem>>
        %dma_wait3A_155 = tpu.memref_squeeze %dma_wait3A_154 : memref<1x128xi32, #tpu.memory_space<vmem>> -> memref<128xi32, #tpu.memory_space<vmem>>
        %dma_wait3A_156 = arith.constant 0 : i32
        %dma_wait3A_157 = arith.constant 0 : i32
        %dma_wait3A_158 = tpu.memref_slice %arg2[%dma_wait3A_156, %dma_wait3A_157] : memref<10112x32xf32, #tpu.memory_space<hbm>> -> memref<10112x32xf32, #tpu.memory_space<hbm>>
        tpu.wait_indirect_dma semaphore(%arg12 : memref<!tpu.dma_semaphore, #tpu.memory_space<semaphore_mem>>) src(%dma_wait3A_158 : memref<10112x32xf32, #tpu.memory_space<hbm>>) dst(%dma_wait3A_152 : memref<128x32xf32, #tpu.memory_space<vmem>>)
        %dma_start3A_159 = arith.constant 1 : i32
        %dma_start3A_160 = arith.constant 0 : i32
        %dma_start3A_161 = arith.constant 0 : i32
        %dma_start3A_162 = tpu.memref_slice %arg9[%dma_start3A_159, %dma_start3A_160, %dma_start3A_161] : memref<8x128x32xf32, #tpu.memory_space<vmem>> -> memref<1x128x32xf32, #tpu.memory_space<vmem>>
        %dma_start3A_163 = tpu.memref_squeeze %dma_start3A_162 : memref<1x128x32xf32, #tpu.memory_space<vmem>> -> memref<128x32xf32, #tpu.memory_space<vmem>>
        %dma_start3A_164 = arith.constant 0 : i32
        %dma_start3A_165 = tpu.memref_slice %arg8[%add3A_147, %dma_start3A_164] : memref<120x128xi32, #tpu.memory_space<vmem>> -> memref<1x128xi32, #tpu.memory_space<vmem>>
        %dma_start3A_166 = tpu.memref_squeeze %dma_start3A_165 : memref<1x128xi32, #tpu.memory_space<vmem>> -> memref<128xi32, #tpu.memory_space<vmem>>
        %dma_start3A_167 = arith.constant 0 : i32
        %dma_start3A_168 = arith.constant 0 : i32
        %dma_start3A_169 = tpu.memref_slice %arg10[%dma_start3A_167, %dma_start3A_168] : memref<10112x32xf32, #tpu.memory_space<vmem_shared>> -> memref<10112x32xf32, #tpu.memory_space<vmem_shared>>
        tpu.enqueue_indirect_dma source(%dma_start3A_163 : memref<128x32xf32, #tpu.memory_space<vmem>>) target(%dma_start3A_169 : memref<10112x32xf32, #tpu.memory_space<vmem_shared>>) offsets(%dma_start3A_166 : memref<128xi32, #tpu.memory_space<vmem>>) semaphore(%arg20 : memref<!tpu.dma_semaphore, #tpu.memory_space<semaphore_mem>>) {add = true}
        %mul3A_170 = arith.constant 8 : i32
        %mul3A_171 = arith.muli %scan3A_117, %mul3A_170 : i32
        %add3A_172 = arith.constant 2 : i32
        %add3A_173 = arith.addi %mul3A_171, %add3A_172 : i32
        %dma_wait3A_174 = arith.constant 2 : i32
        %dma_wait3A_175 = arith.constant 0 : i32
        %dma_wait3A_176 = arith.constant 0 : i32
        %dma_wait3A_177 = tpu.memref_slice %arg9[%dma_wait3A_174, %dma_wait3A_175, %dma_wait3A_176] : memref<8x128x32xf32, #tpu.memory_space<vmem>> -> memref<1x128x32xf32, #tpu.memory_space<vmem>>
        %dma_wait3A_178 = tpu.memref_squeeze %dma_wait3A_177 : memref<1x128x32xf32, #tpu.memory_space<vmem>> -> memref<128x32xf32, #tpu.memory_space<vmem>>
        %dma_wait3A_179 = arith.constant 0 : i32
        %dma_wait3A_180 = tpu.memref_slice %arg7[%add3A_173, %dma_wait3A_179] : memref<120x128xi32, #tpu.memory_space<vmem>> -> memref<1x128xi32, #tpu.memory_space<vmem>>
        %dma_wait3A_181 = tpu.memref_squeeze %dma_wait3A_180 : memref<1x128xi32, #tpu.memory_space<vmem>> -> memref<128xi32, #tpu.memory_space<vmem>>
        %dma_wait3A_182 = arith.constant 0 : i32
        %dma_wait3A_183 = arith.constant 0 : i32
        %dma_wait3A_184 = tpu.memref_slice %arg2[%dma_wait3A_182, %dma_wait3A_183] : memref<10112x32xf32, #tpu.memory_space<hbm>> -> memref<10112x32xf32, #tpu.memory_space<hbm>>
        tpu.wait_indirect_dma semaphore(%arg13 : memref<!tpu.dma_semaphore, #tpu.memory_space<semaphore_mem>>) src(%dma_wait3A_184 : memref<10112x32xf32, #tpu.memory_space<hbm>>) dst(%dma_wait3A_178 : memref<128x32xf32, #tpu.memory_space<vmem>>)
        %dma_start3A_185 = arith.constant 2 : i32
        %dma_start3A_186 = arith.constant 0 : i32
        %dma_start3A_187 = arith.constant 0 : i32
        %dma_start3A_188 = tpu.memref_slice %arg9[%dma_start3A_185, %dma_start3A_186, %dma_start3A_187] : memref<8x128x32xf32, #tpu.memory_space<vmem>> -> memref<1x128x32xf32, #tpu.memory_space<vmem>>
        %dma_start3A_189 = tpu.memref_squeeze %dma_start3A_188 : memref<1x128x32xf32, #tpu.memory_space<vmem>> -> memref<128x32xf32, #tpu.memory_space<vmem>>
        %dma_start3A_190 = arith.constant 0 : i32
        %dma_start3A_191 = tpu.memref_slice %arg8[%add3A_173, %dma_start3A_190] : memref<120x128xi32, #tpu.memory_space<vmem>> -> memref<1x128xi32, #tpu.memory_space<vmem>>
        %dma_start3A_192 = tpu.memref_squeeze %dma_start3A_191 : memref<1x128xi32, #tpu.memory_space<vmem>> -> memref<128xi32, #tpu.memory_space<vmem>>
        %dma_start3A_193 = arith.constant 0 : i32
        %dma_start3A_194 = arith.constant 0 : i32
        %dma_start3A_195 = tpu.memref_slice %arg10[%dma_start3A_193, %dma_start3A_194] : memref<10112x32xf32, #tpu.memory_space<vmem_shared>> -> memref<10112x32xf32, #tpu.memory_space<vmem_shared>>
        tpu.enqueue_indirect_dma source(%dma_start3A_189 : memref<128x32xf32, #tpu.memory_space<vmem>>) target(%dma_start3A_195 : memref<10112x32xf32, #tpu.memory_space<vmem_shared>>) offsets(%dma_start3A_192 : memref<128xi32, #tpu.memory_space<vmem>>) semaphore(%arg21 : memref<!tpu.dma_semaphore, #tpu.memory_space<semaphore_mem>>) {add = true}
        %mul3A_196 = arith.constant 8 : i32
        %mul3A_197 = arith.muli %scan3A_117, %mul3A_196 : i32
        %add3A_198 = arith.constant 3 : i32
        %add3A_199 = arith.addi %mul3A_197, %add3A_198 : i32
        %dma_wait3A_200 = arith.constant 3 : i32
        %dma_wait3A_201 = arith.constant 0 : i32
        %dma_wait3A_202 = arith.constant 0 : i32
        %dma_wait3A_203 = tpu.memref_slice %arg9[%dma_wait3A_200, %dma_wait3A_201, %dma_wait3A_202] : memref<8x128x32xf32, #tpu.memory_space<vmem>> -> memref<1x128x32xf32, #tpu.memory_space<vmem>>
        %dma_wait3A_204 = tpu.memref_squeeze %dma_wait3A_203 : memref<1x128x32xf32, #tpu.memory_space<vmem>> -> memref<128x32xf32, #tpu.memory_space<vmem>>
        %dma_wait3A_205 = arith.constant 0 : i32
        %dma_wait3A_206 = tpu.memref_slice %arg7[%add3A_199, %dma_wait3A_205] : memref<120x128xi32, #tpu.memory_space<vmem>> -> memref<1x128xi32, #tpu.memory_space<vmem>>
        %dma_wait3A_207 = tpu.memref_squeeze %dma_wait3A_206 : memref<1x128xi32, #tpu.memory_space<vmem>> -> memref<128xi32, #tpu.memory_space<vmem>>
        %dma_wait3A_208 = arith.constant 0 : i32
        %dma_wait3A_209 = arith.constant 0 : i32
        %dma_wait3A_210 = tpu.memref_slice %arg2[%dma_wait3A_208, %dma_wait3A_209] : memref<10112x32xf32, #tpu.memory_space<hbm>> -> memref<10112x32xf32, #tpu.memory_space<hbm>>
        tpu.wait_indirect_dma semaphore(%arg14 : memref<!tpu.dma_semaphore, #tpu.memory_space<semaphore_mem>>) src(%dma_wait3A_210 : memref<10112x32xf32, #tpu.memory_space<hbm>>) dst(%dma_wait3A_204 : memref<128x32xf32, #tpu.memory_space<vmem>>)
        %dma_start3A_211 = arith.constant 3 : i32
        %dma_start3A_212 = arith.constant 0 : i32
        %dma_start3A_213 = arith.constant 0 : i32
        %dma_start3A_214 = tpu.memref_slice %arg9[%dma_start3A_211, %dma_start3A_212, %dma_start3A_213] : memref<8x128x32xf32, #tpu.memory_space<vmem>> -> memref<1x128x32xf32, #tpu.memory_space<vmem>>
        %dma_start3A_215 = tpu.memref_squeeze %dma_start3A_214 : memref<1x128x32xf32, #tpu.memory_space<vmem>> -> memref<128x32xf32, #tpu.memory_space<vmem>>
        %dma_start3A_216 = arith.constant 0 : i32
        %dma_start3A_217 = tpu.memref_slice %arg8[%add3A_199, %dma_start3A_216] : memref<120x128xi32, #tpu.memory_space<vmem>> -> memref<1x128xi32, #tpu.memory_space<vmem>>
        %dma_start3A_218 = tpu.memref_squeeze %dma_start3A_217 : memref<1x128xi32, #tpu.memory_space<vmem>> -> memref<128xi32, #tpu.memory_space<vmem>>
        %dma_start3A_219 = arith.constant 0 : i32
        %dma_start3A_220 = arith.constant 0 : i32
        %dma_start3A_221 = tpu.memref_slice %arg10[%dma_start3A_219, %dma_start3A_220] : memref<10112x32xf32, #tpu.memory_space<vmem_shared>> -> memref<10112x32xf32, #tpu.memory_space<vmem_shared>>
        tpu.enqueue_indirect_dma source(%dma_start3A_215 : memref<128x32xf32, #tpu.memory_space<vmem>>) target(%dma_start3A_221 : memref<10112x32xf32, #tpu.memory_space<vmem_shared>>) offsets(%dma_start3A_218 : memref<128xi32, #tpu.memory_space<vmem>>) semaphore(%arg22 : memref<!tpu.dma_semaphore, #tpu.memory_space<semaphore_mem>>) {add = true}
        %mul3A_222 = arith.constant 8 : i32
        %mul3A_223 = arith.muli %scan3A_117, %mul3A_222 : i32
        %add3A_224 = arith.constant 4 : i32
        %add3A_225 = arith.addi %mul3A_223, %add3A_224 : i32
        %dma_wait3A_226 = arith.constant 4 : i32
        %dma_wait3A_227 = arith.constant 0 : i32
        %dma_wait3A_228 = arith.constant 0 : i32
        %dma_wait3A_229 = tpu.memref_slice %arg9[%dma_wait3A_226, %dma_wait3A_227, %dma_wait3A_228] : memref<8x128x32xf32, #tpu.memory_space<vmem>> -> memref<1x128x32xf32, #tpu.memory_space<vmem>>
        %dma_wait3A_230 = tpu.memref_squeeze %dma_wait3A_229 : memref<1x128x32xf32, #tpu.memory_space<vmem>> -> memref<128x32xf32, #tpu.memory_space<vmem>>
        %dma_wait3A_231 = arith.constant 0 : i32
        %dma_wait3A_232 = tpu.memref_slice %arg7[%add3A_225, %dma_wait3A_231] : memref<120x128xi32, #tpu.memory_space<vmem>> -> memref<1x128xi32, #tpu.memory_space<vmem>>
        %dma_wait3A_233 = tpu.memref_squeeze %dma_wait3A_232 : memref<1x128xi32, #tpu.memory_space<vmem>> -> memref<128xi32, #tpu.memory_space<vmem>>
        %dma_wait3A_234 = arith.constant 0 : i32
        %dma_wait3A_235 = arith.constant 0 : i32
        %dma_wait3A_236 = tpu.memref_slice %arg2[%dma_wait3A_234, %dma_wait3A_235] : memref<10112x32xf32, #tpu.memory_space<hbm>> -> memref<10112x32xf32, #tpu.memory_space<hbm>>
        tpu.wait_indirect_dma semaphore(%arg15 : memref<!tpu.dma_semaphore, #tpu.memory_space<semaphore_mem>>) src(%dma_wait3A_236 : memref<10112x32xf32, #tpu.memory_space<hbm>>) dst(%dma_wait3A_230 : memref<128x32xf32, #tpu.memory_space<vmem>>)
        %dma_start3A_237 = arith.constant 4 : i32
        %dma_start3A_238 = arith.constant 0 : i32
        %dma_start3A_239 = arith.constant 0 : i32
        %dma_start3A_240 = tpu.memref_slice %arg9[%dma_start3A_237, %dma_start3A_238, %dma_start3A_239] : memref<8x128x32xf32, #tpu.memory_space<vmem>> -> memref<1x128x32xf32, #tpu.memory_space<vmem>>
        %dma_start3A_241 = tpu.memref_squeeze %dma_start3A_240 : memref<1x128x32xf32, #tpu.memory_space<vmem>> -> memref<128x32xf32, #tpu.memory_space<vmem>>
        %dma_start3A_242 = arith.constant 0 : i32
        %dma_start3A_243 = tpu.memref_slice %arg8[%add3A_225, %dma_start3A_242] : memref<120x128xi32, #tpu.memory_space<vmem>> -> memref<1x128xi32, #tpu.memory_space<vmem>>
        %dma_start3A_244 = tpu.memref_squeeze %dma_start3A_243 : memref<1x128xi32, #tpu.memory_space<vmem>> -> memref<128xi32, #tpu.memory_space<vmem>>
        %dma_start3A_245 = arith.constant 0 : i32
        %dma_start3A_246 = arith.constant 0 : i32
        %dma_start3A_247 = tpu.memref_slice %arg10[%dma_start3A_245, %dma_start3A_246] : memref<10112x32xf32, #tpu.memory_space<vmem_shared>> -> memref<10112x32xf32, #tpu.memory_space<vmem_shared>>
        tpu.enqueue_indirect_dma source(%dma_start3A_241 : memref<128x32xf32, #tpu.memory_space<vmem>>) target(%dma_start3A_247 : memref<10112x32xf32, #tpu.memory_space<vmem_shared>>) offsets(%dma_start3A_244 : memref<128xi32, #tpu.memory_space<vmem>>) semaphore(%arg23 : memref<!tpu.dma_semaphore, #tpu.memory_space<semaphore_mem>>) {add = true}
        %mul3A_248 = arith.constant 8 : i32
        %mul3A_249 = arith.muli %scan3A_117, %mul3A_248 : i32
        %add3A_250 = arith.constant 5 : i32
        %add3A_251 = arith.addi %mul3A_249, %add3A_250 : i32
        %dma_wait3A_252 = arith.constant 5 : i32
        %dma_wait3A_253 = arith.constant 0 : i32
        %dma_wait3A_254 = arith.constant 0 : i32
        %dma_wait3A_255 = tpu.memref_slice %arg9[%dma_wait3A_252, %dma_wait3A_253, %dma_wait3A_254] : memref<8x128x32xf32, #tpu.memory_space<vmem>> -> memref<1x128x32xf32, #tpu.memory_space<vmem>>
        %dma_wait3A_256 = tpu.memref_squeeze %dma_wait3A_255 : memref<1x128x32xf32, #tpu.memory_space<vmem>> -> memref<128x32xf32, #tpu.memory_space<vmem>>
        %dma_wait3A_257 = arith.constant 0 : i32
        %dma_wait3A_258 = tpu.memref_slice %arg7[%add3A_251, %dma_wait3A_257] : memref<120x128xi32, #tpu.memory_space<vmem>> -> memref<1x128xi32, #tpu.memory_space<vmem>>
        %dma_wait3A_259 = tpu.memref_squeeze %dma_wait3A_258 : memref<1x128xi32, #tpu.memory_space<vmem>> -> memref<128xi32, #tpu.memory_space<vmem>>
        %dma_wait3A_260 = arith.constant 0 : i32
        %dma_wait3A_261 = arith.constant 0 : i32
        %dma_wait3A_262 = tpu.memref_slice %arg2[%dma_wait3A_260, %dma_wait3A_261] : memref<10112x32xf32, #tpu.memory_space<hbm>> -> memref<10112x32xf32, #tpu.memory_space<hbm>>
        tpu.wait_indirect_dma semaphore(%arg16 : memref<!tpu.dma_semaphore, #tpu.memory_space<semaphore_mem>>) src(%dma_wait3A_262 : memref<10112x32xf32, #tpu.memory_space<hbm>>) dst(%dma_wait3A_256 : memref<128x32xf32, #tpu.memory_space<vmem>>)
        %dma_start3A_263 = arith.constant 5 : i32
        %dma_start3A_264 = arith.constant 0 : i32
        %dma_start3A_265 = arith.constant 0 : i32
        %dma_start3A_266 = tpu.memref_slice %arg9[%dma_start3A_263, %dma_start3A_264, %dma_start3A_265] : memref<8x128x32xf32, #tpu.memory_space<vmem>> -> memref<1x128x32xf32, #tpu.memory_space<vmem>>
        %dma_start3A_267 = tpu.memref_squeeze %dma_start3A_266 : memref<1x128x32xf32, #tpu.memory_space<vmem>> -> memref<128x32xf32, #tpu.memory_space<vmem>>
        %dma_start3A_268 = arith.constant 0 : i32
        %dma_start3A_269 = tpu.memref_slice %arg8[%add3A_251, %dma_start3A_268] : memref<120x128xi32, #tpu.memory_space<vmem>> -> memref<1x128xi32, #tpu.memory_space<vmem>>
        %dma_start3A_270 = tpu.memref_squeeze %dma_start3A_269 : memref<1x128xi32, #tpu.memory_space<vmem>> -> memref<128xi32, #tpu.memory_space<vmem>>
        %dma_start3A_271 = arith.constant 0 : i32
        %dma_start3A_272 = arith.constant 0 : i32
        %dma_start3A_273 = tpu.memref_slice %arg10[%dma_start3A_271, %dma_start3A_272] : memref<10112x32xf32, #tpu.memory_space<vmem_shared>> -> memref<10112x32xf32, #tpu.memory_space<vmem_shared>>
        tpu.enqueue_indirect_dma source(%dma_start3A_267 : memref<128x32xf32, #tpu.memory_space<vmem>>) target(%dma_start3A_273 : memref<10112x32xf32, #tpu.memory_space<vmem_shared>>) offsets(%dma_start3A_270 : memref<128xi32, #tpu.memory_space<vmem>>) semaphore(%arg24 : memref<!tpu.dma_semaphore, #tpu.memory_space<semaphore_mem>>) {add = true}
        %mul3A_274 = arith.constant 8 : i32
        %mul3A_275 = arith.muli %scan3A_117, %mul3A_274 : i32
        %add3A_276 = arith.constant 6 : i32
        %add3A_277 = arith.addi %mul3A_275, %add3A_276 : i32
        %dma_wait3A_278 = arith.constant 6 : i32
        %dma_wait3A_279 = arith.constant 0 : i32
        %dma_wait3A_280 = arith.constant 0 : i32
        %dma_wait3A_281 = tpu.memref_slice %arg9[%dma_wait3A_278, %dma_wait3A_279, %dma_wait3A_280] : memref<8x128x32xf32, #tpu.memory_space<vmem>> -> memref<1x128x32xf32, #tpu.memory_space<vmem>>
        %dma_wait3A_282 = tpu.memref_squeeze %dma_wait3A_281 : memref<1x128x32xf32, #tpu.memory_space<vmem>> -> memref<128x32xf32, #tpu.memory_space<vmem>>
        %dma_wait3A_283 = arith.constant 0 : i32
        %dma_wait3A_284 = tpu.memref_slice %arg7[%add3A_277, %dma_wait3A_283] : memref<120x128xi32, #tpu.memory_space<vmem>> -> memref<1x128xi32, #tpu.memory_space<vmem>>
        %dma_wait3A_285 = tpu.memref_squeeze %dma_wait3A_284 : memref<1x128xi32, #tpu.memory_space<vmem>> -> memref<128xi32, #tpu.memory_space<vmem>>
        %dma_wait3A_286 = arith.constant 0 : i32
        %dma_wait3A_287 = arith.constant 0 : i32
        %dma_wait3A_288 = tpu.memref_slice %arg2[%dma_wait3A_286, %dma_wait3A_287] : memref<10112x32xf32, #tpu.memory_space<hbm>> -> memref<10112x32xf32, #tpu.memory_space<hbm>>
        tpu.wait_indirect_dma semaphore(%arg17 : memref<!tpu.dma_semaphore, #tpu.memory_space<semaphore_mem>>) src(%dma_wait3A_288 : memref<10112x32xf32, #tpu.memory_space<hbm>>) dst(%dma_wait3A_282 : memref<128x32xf32, #tpu.memory_space<vmem>>)
        %dma_start3A_289 = arith.constant 6 : i32
        %dma_start3A_290 = arith.constant 0 : i32
        %dma_start3A_291 = arith.constant 0 : i32
        %dma_start3A_292 = tpu.memref_slice %arg9[%dma_start3A_289, %dma_start3A_290, %dma_start3A_291] : memref<8x128x32xf32, #tpu.memory_space<vmem>> -> memref<1x128x32xf32, #tpu.memory_space<vmem>>
        %dma_start3A_293 = tpu.memref_squeeze %dma_start3A_292 : memref<1x128x32xf32, #tpu.memory_space<vmem>> -> memref<128x32xf32, #tpu.memory_space<vmem>>
        %dma_start3A_294 = arith.constant 0 : i32
        %dma_start3A_295 = tpu.memref_slice %arg8[%add3A_277, %dma_start3A_294] : memref<120x128xi32, #tpu.memory_space<vmem>> -> memref<1x128xi32, #tpu.memory_space<vmem>>
        %dma_start3A_296 = tpu.memref_squeeze %dma_start3A_295 : memref<1x128xi32, #tpu.memory_space<vmem>> -> memref<128xi32, #tpu.memory_space<vmem>>
        %dma_start3A_297 = arith.constant 0 : i32
        %dma_start3A_298 = arith.constant 0 : i32
        %dma_start3A_299 = tpu.memref_slice %arg10[%dma_start3A_297, %dma_start3A_298] : memref<10112x32xf32, #tpu.memory_space<vmem_shared>> -> memref<10112x32xf32, #tpu.memory_space<vmem_shared>>
        tpu.enqueue_indirect_dma source(%dma_start3A_293 : memref<128x32xf32, #tpu.memory_space<vmem>>) target(%dma_start3A_299 : memref<10112x32xf32, #tpu.memory_space<vmem_shared>>) offsets(%dma_start3A_296 : memref<128xi32, #tpu.memory_space<vmem>>) semaphore(%arg25 : memref<!tpu.dma_semaphore, #tpu.memory_space<semaphore_mem>>) {add = true}
        %mul3A_300 = arith.constant 8 : i32
        %mul3A_301 = arith.muli %scan3A_117, %mul3A_300 : i32
        %add3A_302 = arith.constant 7 : i32
        %add3A_303 = arith.addi %mul3A_301, %add3A_302 : i32
        %dma_wait3A_304 = arith.constant 7 : i32
        %dma_wait3A_305 = arith.constant 0 : i32
        %dma_wait3A_306 = arith.constant 0 : i32
        %dma_wait3A_307 = tpu.memref_slice %arg9[%dma_wait3A_304, %dma_wait3A_305, %dma_wait3A_306] : memref<8x128x32xf32, #tpu.memory_space<vmem>> -> memref<1x128x32xf32, #tpu.memory_space<vmem>>
        %dma_wait3A_308 = tpu.memref_squeeze %dma_wait3A_307 : memref<1x128x32xf32, #tpu.memory_space<vmem>> -> memref<128x32xf32, #tpu.memory_space<vmem>>
        %dma_wait3A_309 = arith.constant 0 : i32
        %dma_wait3A_310 = tpu.memref_slice %arg7[%add3A_303, %dma_wait3A_309] : memref<120x128xi32, #tpu.memory_space<vmem>> -> memref<1x128xi32, #tpu.memory_space<vmem>>
        %dma_wait3A_311 = tpu.memref_squeeze %dma_wait3A_310 : memref<1x128xi32, #tpu.memory_space<vmem>> -> memref<128xi32, #tpu.memory_space<vmem>>
        %dma_wait3A_312 = arith.constant 0 : i32
        %dma_wait3A_313 = arith.constant 0 : i32
        %dma_wait3A_314 = tpu.memref_slice %arg2[%dma_wait3A_312, %dma_wait3A_313] : memref<10112x32xf32, #tpu.memory_space<hbm>> -> memref<10112x32xf32, #tpu.memory_space<hbm>>
        tpu.wait_indirect_dma semaphore(%arg18 : memref<!tpu.dma_semaphore, #tpu.memory_space<semaphore_mem>>) src(%dma_wait3A_314 : memref<10112x32xf32, #tpu.memory_space<hbm>>) dst(%dma_wait3A_308 : memref<128x32xf32, #tpu.memory_space<vmem>>)
        %dma_start3A_315 = arith.constant 7 : i32
        %dma_start3A_316 = arith.constant 0 : i32
        %dma_start3A_317 = arith.constant 0 : i32
        %dma_start3A_318 = tpu.memref_slice %arg9[%dma_start3A_315, %dma_start3A_316, %dma_start3A_317] : memref<8x128x32xf32, #tpu.memory_space<vmem>> -> memref<1x128x32xf32, #tpu.memory_space<vmem>>
        %dma_start3A_319 = tpu.memref_squeeze %dma_start3A_318 : memref<1x128x32xf32, #tpu.memory_space<vmem>> -> memref<128x32xf32, #tpu.memory_space<vmem>>
        %dma_start3A_320 = arith.constant 0 : i32
        %dma_start3A_321 = tpu.memref_slice %arg8[%add3A_303, %dma_start3A_320] : memref<120x128xi32, #tpu.memory_space<vmem>> -> memref<1x128xi32, #tpu.memory_space<vmem>>
        %dma_start3A_322 = tpu.memref_squeeze %dma_start3A_321 : memref<1x128xi32, #tpu.memory_space<vmem>> -> memref<128xi32, #tpu.memory_space<vmem>>
        %dma_start3A_323 = arith.constant 0 : i32
        %dma_start3A_324 = arith.constant 0 : i32
        %dma_start3A_325 = tpu.memref_slice %arg10[%dma_start3A_323, %dma_start3A_324] : memref<10112x32xf32, #tpu.memory_space<vmem_shared>> -> memref<10112x32xf32, #tpu.memory_space<vmem_shared>>
        tpu.enqueue_indirect_dma source(%dma_start3A_319 : memref<128x32xf32, #tpu.memory_space<vmem>>) target(%dma_start3A_325 : memref<10112x32xf32, #tpu.memory_space<vmem_shared>>) offsets(%dma_start3A_322 : memref<128xi32, #tpu.memory_space<vmem>>) semaphore(%arg26 : memref<!tpu.dma_semaphore, #tpu.memory_space<semaphore_mem>>) {add = true}
        %mul3A_326 = arith.constant 8 : i32
        %mul3A_327 = arith.muli %scan3A_117, %mul3A_326 : i32
        %add3A_328 = arith.constant 0 : i32
        %add3A_329 = arith.addi %mul3A_327, %add3A_328 : i32
        %dma_wait3A_330 = arith.constant 0 : i32
        %dma_wait3A_331 = arith.constant 0 : i32
        %dma_wait3A_332 = arith.constant 0 : i32
        %dma_wait3A_333 = tpu.memref_slice %arg9[%dma_wait3A_330, %dma_wait3A_331, %dma_wait3A_332] : memref<8x128x32xf32, #tpu.memory_space<vmem>> -> memref<1x128x32xf32, #tpu.memory_space<vmem>>
        %dma_wait3A_334 = tpu.memref_squeeze %dma_wait3A_333 : memref<1x128x32xf32, #tpu.memory_space<vmem>> -> memref<128x32xf32, #tpu.memory_space<vmem>>
        %dma_wait3A_335 = arith.constant 0 : i32
        %dma_wait3A_336 = tpu.memref_slice %arg8[%add3A_121, %dma_wait3A_335] : memref<120x128xi32, #tpu.memory_space<vmem>> -> memref<1x128xi32, #tpu.memory_space<vmem>>
        %dma_wait3A_337 = tpu.memref_squeeze %dma_wait3A_336 : memref<1x128xi32, #tpu.memory_space<vmem>> -> memref<128xi32, #tpu.memory_space<vmem>>
        %dma_wait3A_338 = arith.constant 0 : i32
        %dma_wait3A_339 = arith.constant 0 : i32
        %dma_wait3A_340 = tpu.memref_slice %arg10[%dma_wait3A_338, %dma_wait3A_339] : memref<10112x32xf32, #tpu.memory_space<vmem_shared>> -> memref<10112x32xf32, #tpu.memory_space<vmem_shared>>
        tpu.wait_indirect_dma semaphore(%arg19 : memref<!tpu.dma_semaphore, #tpu.memory_space<semaphore_mem>>) src(%dma_wait3A_334 : memref<128x32xf32, #tpu.memory_space<vmem>>) dst(%dma_wait3A_340 : memref<10112x32xf32, #tpu.memory_space<vmem_shared>>)
        %lt3A = arith.constant 4 : i32
        %lt3A_341 = arith.cmpi slt, %scan3A_117, %lt3A : i32
        %convert_element_type3A_342 = arith.extui %lt3A_341 : i1 to i32
        %cond3A_343 = arith.constant 0 : i32
        %cond3A_344 = arith.cmpi ne, %convert_element_type3A_342, %cond3A_343 : i32
        scf.if %cond3A_344 {
          %add3A_485 = arith.constant 8 : i32
          %add3A_486 = arith.addi %add3A_329, %add3A_485 : i32
          %dma_start3A_487 = arith.constant 0 : i32
          %dma_start3A_488 = arith.constant 0 : i32
          %dma_start3A_489 = arith.constant 0 : i32
          %dma_start3A_490 = tpu.memref_slice %arg9[%dma_start3A_487, %dma_start3A_488, %dma_start3A_489] : memref<8x128x32xf32, #tpu.memory_space<vmem>> -> memref<1x128x32xf32, #tpu.memory_space<vmem>>
          %dma_start3A_491 = tpu.memref_squeeze %dma_start3A_490 : memref<1x128x32xf32, #tpu.memory_space<vmem>> -> memref<128x32xf32, #tpu.memory_space<vmem>>
          %dma_start3A_492 = arith.constant 0 : i32
          %dma_start3A_493 = tpu.memref_slice %arg7[%add3A_486, %dma_start3A_492] : memref<120x128xi32, #tpu.memory_space<vmem>> -> memref<1x128xi32, #tpu.memory_space<vmem>>
          %dma_start3A_494 = tpu.memref_squeeze %dma_start3A_493 : memref<1x128xi32, #tpu.memory_space<vmem>> -> memref<128xi32, #tpu.memory_space<vmem>>
          %dma_start3A_495 = arith.constant 0 : i32
          %dma_start3A_496 = arith.constant 0 : i32
          %dma_start3A_497 = tpu.memref_slice %arg2[%dma_start3A_495, %dma_start3A_496] : memref<10112x32xf32, #tpu.memory_space<hbm>> -> memref<10112x32xf32, #tpu.memory_space<hbm>>
          tpu.enqueue_indirect_dma source(%dma_start3A_497 : memref<10112x32xf32, #tpu.memory_space<hbm>>) target(%dma_start3A_491 : memref<128x32xf32, #tpu.memory_space<vmem>>) offsets(%dma_start3A_494 : memref<128xi32, #tpu.memory_space<vmem>>) semaphore(%arg11 : memref<!tpu.dma_semaphore, #tpu.memory_space<semaphore_mem>>)
        } else {
        }
        %mul3A_345 = arith.constant 8 : i32
        %mul3A_346 = arith.muli %scan3A_117, %mul3A_345 : i32
        %add3A_347 = arith.constant 1 : i32
        %add3A_348 = arith.addi %mul3A_346, %add3A_347 : i32
        %dma_wait3A_349 = arith.constant 1 : i32
        %dma_wait3A_350 = arith.constant 0 : i32
        %dma_wait3A_351 = arith.constant 0 : i32
        %dma_wait3A_352 = tpu.memref_slice %arg9[%dma_wait3A_349, %dma_wait3A_350, %dma_wait3A_351] : memref<8x128x32xf32, #tpu.memory_space<vmem>> -> memref<1x128x32xf32, #tpu.memory_space<vmem>>
        %dma_wait3A_353 = tpu.memref_squeeze %dma_wait3A_352 : memref<1x128x32xf32, #tpu.memory_space<vmem>> -> memref<128x32xf32, #tpu.memory_space<vmem>>
        %dma_wait3A_354 = arith.constant 0 : i32
        %dma_wait3A_355 = tpu.memref_slice %arg8[%add3A_147, %dma_wait3A_354] : memref<120x128xi32, #tpu.memory_space<vmem>> -> memref<1x128xi32, #tpu.memory_space<vmem>>
        %dma_wait3A_356 = tpu.memref_squeeze %dma_wait3A_355 : memref<1x128xi32, #tpu.memory_space<vmem>> -> memref<128xi32, #tpu.memory_space<vmem>>
        %dma_wait3A_357 = arith.constant 0 : i32
        %dma_wait3A_358 = arith.constant 0 : i32
        %dma_wait3A_359 = tpu.memref_slice %arg10[%dma_wait3A_357, %dma_wait3A_358] : memref<10112x32xf32, #tpu.memory_space<vmem_shared>> -> memref<10112x32xf32, #tpu.memory_space<vmem_shared>>
        tpu.wait_indirect_dma semaphore(%arg20 : memref<!tpu.dma_semaphore, #tpu.memory_space<semaphore_mem>>) src(%dma_wait3A_353 : memref<128x32xf32, #tpu.memory_space<vmem>>) dst(%dma_wait3A_359 : memref<10112x32xf32, #tpu.memory_space<vmem_shared>>)
        %lt3A_360 = arith.constant 4 : i32
        %lt3A_361 = arith.cmpi slt, %scan3A_117, %lt3A_360 : i32
        %convert_element_type3A_362 = arith.extui %lt3A_361 : i1 to i32
        %cond3A_363 = arith.constant 0 : i32
        %cond3A_364 = arith.cmpi ne, %convert_element_type3A_362, %cond3A_363 : i32
        scf.if %cond3A_364 {
          %add3A_485 = arith.constant 8 : i32
          %add3A_486 = arith.addi %add3A_348, %add3A_485 : i32
          %dma_start3A_487 = arith.constant 1 : i32
          %dma_start3A_488 = arith.constant 0 : i32
          %dma_start3A_489 = arith.constant 0 : i32
          %dma_start3A_490 = tpu.memref_slice %arg9[%dma_start3A_487, %dma_start3A_488, %dma_start3A_489] : memref<8x128x32xf32, #tpu.memory_space<vmem>> -> memref<1x128x32xf32, #tpu.memory_space<vmem>>
          %dma_start3A_491 = tpu.memref_squeeze %dma_start3A_490 : memref<1x128x32xf32, #tpu.memory_space<vmem>> -> memref<128x32xf32, #tpu.memory_space<vmem>>
          %dma_start3A_492 = arith.constant 0 : i32
          %dma_start3A_493 = tpu.memref_slice %arg7[%add3A_486, %dma_start3A_492] : memref<120x128xi32, #tpu.memory_space<vmem>> -> memref<1x128xi32, #tpu.memory_space<vmem>>
          %dma_start3A_494 = tpu.memref_squeeze %dma_start3A_493 : memref<1x128xi32, #tpu.memory_space<vmem>> -> memref<128xi32, #tpu.memory_space<vmem>>
          %dma_start3A_495 = arith.constant 0 : i32
          %dma_start3A_496 = arith.constant 0 : i32
          %dma_start3A_497 = tpu.memref_slice %arg2[%dma_start3A_495, %dma_start3A_496] : memref<10112x32xf32, #tpu.memory_space<hbm>> -> memref<10112x32xf32, #tpu.memory_space<hbm>>
          tpu.enqueue_indirect_dma source(%dma_start3A_497 : memref<10112x32xf32, #tpu.memory_space<hbm>>) target(%dma_start3A_491 : memref<128x32xf32, #tpu.memory_space<vmem>>) offsets(%dma_start3A_494 : memref<128xi32, #tpu.memory_space<vmem>>) semaphore(%arg12 : memref<!tpu.dma_semaphore, #tpu.memory_space<semaphore_mem>>)
        } else {
        }
        %mul3A_365 = arith.constant 8 : i32
        %mul3A_366 = arith.muli %scan3A_117, %mul3A_365 : i32
        %add3A_367 = arith.constant 2 : i32
        %add3A_368 = arith.addi %mul3A_366, %add3A_367 : i32
        %dma_wait3A_369 = arith.constant 2 : i32
        %dma_wait3A_370 = arith.constant 0 : i32
        %dma_wait3A_371 = arith.constant 0 : i32
        %dma_wait3A_372 = tpu.memref_slice %arg9[%dma_wait3A_369, %dma_wait3A_370, %dma_wait3A_371] : memref<8x128x32xf32, #tpu.memory_space<vmem>> -> memref<1x128x32xf32, #tpu.memory_space<vmem>>
        %dma_wait3A_373 = tpu.memref_squeeze %dma_wait3A_372 : memref<1x128x32xf32, #tpu.memory_space<vmem>> -> memref<128x32xf32, #tpu.memory_space<vmem>>
        %dma_wait3A_374 = arith.constant 0 : i32
        %dma_wait3A_375 = tpu.memref_slice %arg8[%add3A_173, %dma_wait3A_374] : memref<120x128xi32, #tpu.memory_space<vmem>> -> memref<1x128xi32, #tpu.memory_space<vmem>>
        %dma_wait3A_376 = tpu.memref_squeeze %dma_wait3A_375 : memref<1x128xi32, #tpu.memory_space<vmem>> -> memref<128xi32, #tpu.memory_space<vmem>>
        %dma_wait3A_377 = arith.constant 0 : i32
        %dma_wait3A_378 = arith.constant 0 : i32
        %dma_wait3A_379 = tpu.memref_slice %arg10[%dma_wait3A_377, %dma_wait3A_378] : memref<10112x32xf32, #tpu.memory_space<vmem_shared>> -> memref<10112x32xf32, #tpu.memory_space<vmem_shared>>
        tpu.wait_indirect_dma semaphore(%arg21 : memref<!tpu.dma_semaphore, #tpu.memory_space<semaphore_mem>>) src(%dma_wait3A_373 : memref<128x32xf32, #tpu.memory_space<vmem>>) dst(%dma_wait3A_379 : memref<10112x32xf32, #tpu.memory_space<vmem_shared>>)
        %lt3A_380 = arith.constant 4 : i32
        %lt3A_381 = arith.cmpi slt, %scan3A_117, %lt3A_380 : i32
        %convert_element_type3A_382 = arith.extui %lt3A_381 : i1 to i32
        %cond3A_383 = arith.constant 0 : i32
        %cond3A_384 = arith.cmpi ne, %convert_element_type3A_382, %cond3A_383 : i32
        scf.if %cond3A_384 {
          %add3A_485 = arith.constant 8 : i32
          %add3A_486 = arith.addi %add3A_368, %add3A_485 : i32
          %dma_start3A_487 = arith.constant 2 : i32
          %dma_start3A_488 = arith.constant 0 : i32
          %dma_start3A_489 = arith.constant 0 : i32
          %dma_start3A_490 = tpu.memref_slice %arg9[%dma_start3A_487, %dma_start3A_488, %dma_start3A_489] : memref<8x128x32xf32, #tpu.memory_space<vmem>> -> memref<1x128x32xf32, #tpu.memory_space<vmem>>
          %dma_start3A_491 = tpu.memref_squeeze %dma_start3A_490 : memref<1x128x32xf32, #tpu.memory_space<vmem>> -> memref<128x32xf32, #tpu.memory_space<vmem>>
          %dma_start3A_492 = arith.constant 0 : i32
          %dma_start3A_493 = tpu.memref_slice %arg7[%add3A_486, %dma_start3A_492] : memref<120x128xi32, #tpu.memory_space<vmem>> -> memref<1x128xi32, #tpu.memory_space<vmem>>
          %dma_start3A_494 = tpu.memref_squeeze %dma_start3A_493 : memref<1x128xi32, #tpu.memory_space<vmem>> -> memref<128xi32, #tpu.memory_space<vmem>>
          %dma_start3A_495 = arith.constant 0 : i32
          %dma_start3A_496 = arith.constant 0 : i32
          %dma_start3A_497 = tpu.memref_slice %arg2[%dma_start3A_495, %dma_start3A_496] : memref<10112x32xf32, #tpu.memory_space<hbm>> -> memref<10112x32xf32, #tpu.memory_space<hbm>>
          tpu.enqueue_indirect_dma source(%dma_start3A_497 : memref<10112x32xf32, #tpu.memory_space<hbm>>) target(%dma_start3A_491 : memref<128x32xf32, #tpu.memory_space<vmem>>) offsets(%dma_start3A_494 : memref<128xi32, #tpu.memory_space<vmem>>) semaphore(%arg13 : memref<!tpu.dma_semaphore, #tpu.memory_space<semaphore_mem>>)
        } else {
        }
        %mul3A_385 = arith.constant 8 : i32
        %mul3A_386 = arith.muli %scan3A_117, %mul3A_385 : i32
        %add3A_387 = arith.constant 3 : i32
        %add3A_388 = arith.addi %mul3A_386, %add3A_387 : i32
        %dma_wait3A_389 = arith.constant 3 : i32
        %dma_wait3A_390 = arith.constant 0 : i32
        %dma_wait3A_391 = arith.constant 0 : i32
        %dma_wait3A_392 = tpu.memref_slice %arg9[%dma_wait3A_389, %dma_wait3A_390, %dma_wait3A_391] : memref<8x128x32xf32, #tpu.memory_space<vmem>> -> memref<1x128x32xf32, #tpu.memory_space<vmem>>
        %dma_wait3A_393 = tpu.memref_squeeze %dma_wait3A_392 : memref<1x128x32xf32, #tpu.memory_space<vmem>> -> memref<128x32xf32, #tpu.memory_space<vmem>>
        %dma_wait3A_394 = arith.constant 0 : i32
        %dma_wait3A_395 = tpu.memref_slice %arg8[%add3A_199, %dma_wait3A_394] : memref<120x128xi32, #tpu.memory_space<vmem>> -> memref<1x128xi32, #tpu.memory_space<vmem>>
        %dma_wait3A_396 = tpu.memref_squeeze %dma_wait3A_395 : memref<1x128xi32, #tpu.memory_space<vmem>> -> memref<128xi32, #tpu.memory_space<vmem>>
        %dma_wait3A_397 = arith.constant 0 : i32
        %dma_wait3A_398 = arith.constant 0 : i32
        %dma_wait3A_399 = tpu.memref_slice %arg10[%dma_wait3A_397, %dma_wait3A_398] : memref<10112x32xf32, #tpu.memory_space<vmem_shared>> -> memref<10112x32xf32, #tpu.memory_space<vmem_shared>>
        tpu.wait_indirect_dma semaphore(%arg22 : memref<!tpu.dma_semaphore, #tpu.memory_space<semaphore_mem>>) src(%dma_wait3A_393 : memref<128x32xf32, #tpu.memory_space<vmem>>) dst(%dma_wait3A_399 : memref<10112x32xf32, #tpu.memory_space<vmem_shared>>)
        %lt3A_400 = arith.constant 4 : i32
        %lt3A_401 = arith.cmpi slt, %scan3A_117, %lt3A_400 : i32
        %convert_element_type3A_402 = arith.extui %lt3A_401 : i1 to i32
        %cond3A_403 = arith.constant 0 : i32
        %cond3A_404 = arith.cmpi ne, %convert_element_type3A_402, %cond3A_403 : i32
        scf.if %cond3A_404 {
          %add3A_485 = arith.constant 8 : i32
          %add3A_486 = arith.addi %add3A_388, %add3A_485 : i32
          %dma_start3A_487 = arith.constant 3 : i32
          %dma_start3A_488 = arith.constant 0 : i32
          %dma_start3A_489 = arith.constant 0 : i32
          %dma_start3A_490 = tpu.memref_slice %arg9[%dma_start3A_487, %dma_start3A_488, %dma_start3A_489] : memref<8x128x32xf32, #tpu.memory_space<vmem>> -> memref<1x128x32xf32, #tpu.memory_space<vmem>>
          %dma_start3A_491 = tpu.memref_squeeze %dma_start3A_490 : memref<1x128x32xf32, #tpu.memory_space<vmem>> -> memref<128x32xf32, #tpu.memory_space<vmem>>
          %dma_start3A_492 = arith.constant 0 : i32
          %dma_start3A_493 = tpu.memref_slice %arg7[%add3A_486, %dma_start3A_492] : memref<120x128xi32, #tpu.memory_space<vmem>> -> memref<1x128xi32, #tpu.memory_space<vmem>>
          %dma_start3A_494 = tpu.memref_squeeze %dma_start3A_493 : memref<1x128xi32, #tpu.memory_space<vmem>> -> memref<128xi32, #tpu.memory_space<vmem>>
          %dma_start3A_495 = arith.constant 0 : i32
          %dma_start3A_496 = arith.constant 0 : i32
          %dma_start3A_497 = tpu.memref_slice %arg2[%dma_start3A_495, %dma_start3A_496] : memref<10112x32xf32, #tpu.memory_space<hbm>> -> memref<10112x32xf32, #tpu.memory_space<hbm>>
          tpu.enqueue_indirect_dma source(%dma_start3A_497 : memref<10112x32xf32, #tpu.memory_space<hbm>>) target(%dma_start3A_491 : memref<128x32xf32, #tpu.memory_space<vmem>>) offsets(%dma_start3A_494 : memref<128xi32, #tpu.memory_space<vmem>>) semaphore(%arg14 : memref<!tpu.dma_semaphore, #tpu.memory_space<semaphore_mem>>)
        } else {
        }
        %mul3A_405 = arith.constant 8 : i32
        %mul3A_406 = arith.muli %scan3A_117, %mul3A_405 : i32
        %add3A_407 = arith.constant 4 : i32
        %add3A_408 = arith.addi %mul3A_406, %add3A_407 : i32
        %dma_wait3A_409 = arith.constant 4 : i32
        %dma_wait3A_410 = arith.constant 0 : i32
        %dma_wait3A_411 = arith.constant 0 : i32
        %dma_wait3A_412 = tpu.memref_slice %arg9[%dma_wait3A_409, %dma_wait3A_410, %dma_wait3A_411] : memref<8x128x32xf32, #tpu.memory_space<vmem>> -> memref<1x128x32xf32, #tpu.memory_space<vmem>>
        %dma_wait3A_413 = tpu.memref_squeeze %dma_wait3A_412 : memref<1x128x32xf32, #tpu.memory_space<vmem>> -> memref<128x32xf32, #tpu.memory_space<vmem>>
        %dma_wait3A_414 = arith.constant 0 : i32
        %dma_wait3A_415 = tpu.memref_slice %arg8[%add3A_225, %dma_wait3A_414] : memref<120x128xi32, #tpu.memory_space<vmem>> -> memref<1x128xi32, #tpu.memory_space<vmem>>
        %dma_wait3A_416 = tpu.memref_squeeze %dma_wait3A_415 : memref<1x128xi32, #tpu.memory_space<vmem>> -> memref<128xi32, #tpu.memory_space<vmem>>
        %dma_wait3A_417 = arith.constant 0 : i32
        %dma_wait3A_418 = arith.constant 0 : i32
        %dma_wait3A_419 = tpu.memref_slice %arg10[%dma_wait3A_417, %dma_wait3A_418] : memref<10112x32xf32, #tpu.memory_space<vmem_shared>> -> memref<10112x32xf32, #tpu.memory_space<vmem_shared>>
        tpu.wait_indirect_dma semaphore(%arg23 : memref<!tpu.dma_semaphore, #tpu.memory_space<semaphore_mem>>) src(%dma_wait3A_413 : memref<128x32xf32, #tpu.memory_space<vmem>>) dst(%dma_wait3A_419 : memref<10112x32xf32, #tpu.memory_space<vmem_shared>>)
        %lt3A_420 = arith.constant 4 : i32
        %lt3A_421 = arith.cmpi slt, %scan3A_117, %lt3A_420 : i32
        %convert_element_type3A_422 = arith.extui %lt3A_421 : i1 to i32
        %cond3A_423 = arith.constant 0 : i32
        %cond3A_424 = arith.cmpi ne, %convert_element_type3A_422, %cond3A_423 : i32
        scf.if %cond3A_424 {
          %add3A_485 = arith.constant 8 : i32
          %add3A_486 = arith.addi %add3A_408, %add3A_485 : i32
          %dma_start3A_487 = arith.constant 4 : i32
          %dma_start3A_488 = arith.constant 0 : i32
          %dma_start3A_489 = arith.constant 0 : i32
          %dma_start3A_490 = tpu.memref_slice %arg9[%dma_start3A_487, %dma_start3A_488, %dma_start3A_489] : memref<8x128x32xf32, #tpu.memory_space<vmem>> -> memref<1x128x32xf32, #tpu.memory_space<vmem>>
          %dma_start3A_491 = tpu.memref_squeeze %dma_start3A_490 : memref<1x128x32xf32, #tpu.memory_space<vmem>> -> memref<128x32xf32, #tpu.memory_space<vmem>>
          %dma_start3A_492 = arith.constant 0 : i32
          %dma_start3A_493 = tpu.memref_slice %arg7[%add3A_486, %dma_start3A_492] : memref<120x128xi32, #tpu.memory_space<vmem>> -> memref<1x128xi32, #tpu.memory_space<vmem>>
          %dma_start3A_494 = tpu.memref_squeeze %dma_start3A_493 : memref<1x128xi32, #tpu.memory_space<vmem>> -> memref<128xi32, #tpu.memory_space<vmem>>
          %dma_start3A_495 = arith.constant 0 : i32
          %dma_start3A_496 = arith.constant 0 : i32
          %dma_start3A_497 = tpu.memref_slice %arg2[%dma_start3A_495, %dma_start3A_496] : memref<10112x32xf32, #tpu.memory_space<hbm>> -> memref<10112x32xf32, #tpu.memory_space<hbm>>
          tpu.enqueue_indirect_dma source(%dma_start3A_497 : memref<10112x32xf32, #tpu.memory_space<hbm>>) target(%dma_start3A_491 : memref<128x32xf32, #tpu.memory_space<vmem>>) offsets(%dma_start3A_494 : memref<128xi32, #tpu.memory_space<vmem>>) semaphore(%arg15 : memref<!tpu.dma_semaphore, #tpu.memory_space<semaphore_mem>>)
        } else {
        }
        %mul3A_425 = arith.constant 8 : i32
        %mul3A_426 = arith.muli %scan3A_117, %mul3A_425 : i32
        %add3A_427 = arith.constant 5 : i32
        %add3A_428 = arith.addi %mul3A_426, %add3A_427 : i32
        %dma_wait3A_429 = arith.constant 5 : i32
        %dma_wait3A_430 = arith.constant 0 : i32
        %dma_wait3A_431 = arith.constant 0 : i32
        %dma_wait3A_432 = tpu.memref_slice %arg9[%dma_wait3A_429, %dma_wait3A_430, %dma_wait3A_431] : memref<8x128x32xf32, #tpu.memory_space<vmem>> -> memref<1x128x32xf32, #tpu.memory_space<vmem>>
        %dma_wait3A_433 = tpu.memref_squeeze %dma_wait3A_432 : memref<1x128x32xf32, #tpu.memory_space<vmem>> -> memref<128x32xf32, #tpu.memory_space<vmem>>
        %dma_wait3A_434 = arith.constant 0 : i32
        %dma_wait3A_435 = tpu.memref_slice %arg8[%add3A_251, %dma_wait3A_434] : memref<120x128xi32, #tpu.memory_space<vmem>> -> memref<1x128xi32, #tpu.memory_space<vmem>>
        %dma_wait3A_436 = tpu.memref_squeeze %dma_wait3A_435 : memref<1x128xi32, #tpu.memory_space<vmem>> -> memref<128xi32, #tpu.memory_space<vmem>>
        %dma_wait3A_437 = arith.constant 0 : i32
        %dma_wait3A_438 = arith.constant 0 : i32
        %dma_wait3A_439 = tpu.memref_slice %arg10[%dma_wait3A_437, %dma_wait3A_438] : memref<10112x32xf32, #tpu.memory_space<vmem_shared>> -> memref<10112x32xf32, #tpu.memory_space<vmem_shared>>
        tpu.wait_indirect_dma semaphore(%arg24 : memref<!tpu.dma_semaphore, #tpu.memory_space<semaphore_mem>>) src(%dma_wait3A_433 : memref<128x32xf32, #tpu.memory_space<vmem>>) dst(%dma_wait3A_439 : memref<10112x32xf32, #tpu.memory_space<vmem_shared>>)
        %lt3A_440 = arith.constant 4 : i32
        %lt3A_441 = arith.cmpi slt, %scan3A_117, %lt3A_440 : i32
        %convert_element_type3A_442 = arith.extui %lt3A_441 : i1 to i32
        %cond3A_443 = arith.constant 0 : i32
        %cond3A_444 = arith.cmpi ne, %convert_element_type3A_442, %cond3A_443 : i32
        scf.if %cond3A_444 {
          %add3A_485 = arith.constant 8 : i32
          %add3A_486 = arith.addi %add3A_428, %add3A_485 : i32
          %dma_start3A_487 = arith.constant 5 : i32
          %dma_start3A_488 = arith.constant 0 : i32
          %dma_start3A_489 = arith.constant 0 : i32
          %dma_start3A_490 = tpu.memref_slice %arg9[%dma_start3A_487, %dma_start3A_488, %dma_start3A_489] : memref<8x128x32xf32, #tpu.memory_space<vmem>> -> memref<1x128x32xf32, #tpu.memory_space<vmem>>
          %dma_start3A_491 = tpu.memref_squeeze %dma_start3A_490 : memref<1x128x32xf32, #tpu.memory_space<vmem>> -> memref<128x32xf32, #tpu.memory_space<vmem>>
          %dma_start3A_492 = arith.constant 0 : i32
          %dma_start3A_493 = tpu.memref_slice %arg7[%add3A_486, %dma_start3A_492] : memref<120x128xi32, #tpu.memory_space<vmem>> -> memref<1x128xi32, #tpu.memory_space<vmem>>
          %dma_start3A_494 = tpu.memref_squeeze %dma_start3A_493 : memref<1x128xi32, #tpu.memory_space<vmem>> -> memref<128xi32, #tpu.memory_space<vmem>>
          %dma_start3A_495 = arith.constant 0 : i32
          %dma_start3A_496 = arith.constant 0 : i32
          %dma_start3A_497 = tpu.memref_slice %arg2[%dma_start3A_495, %dma_start3A_496] : memref<10112x32xf32, #tpu.memory_space<hbm>> -> memref<10112x32xf32, #tpu.memory_space<hbm>>
          tpu.enqueue_indirect_dma source(%dma_start3A_497 : memref<10112x32xf32, #tpu.memory_space<hbm>>) target(%dma_start3A_491 : memref<128x32xf32, #tpu.memory_space<vmem>>) offsets(%dma_start3A_494 : memref<128xi32, #tpu.memory_space<vmem>>) semaphore(%arg16 : memref<!tpu.dma_semaphore, #tpu.memory_space<semaphore_mem>>)
        } else {
        }
        %mul3A_445 = arith.constant 8 : i32
        %mul3A_446 = arith.muli %scan3A_117, %mul3A_445 : i32
        %add3A_447 = arith.constant 6 : i32
        %add3A_448 = arith.addi %mul3A_446, %add3A_447 : i32
        %dma_wait3A_449 = arith.constant 6 : i32
        %dma_wait3A_450 = arith.constant 0 : i32
        %dma_wait3A_451 = arith.constant 0 : i32
        %dma_wait3A_452 = tpu.memref_slice %arg9[%dma_wait3A_449, %dma_wait3A_450, %dma_wait3A_451] : memref<8x128x32xf32, #tpu.memory_space<vmem>> -> memref<1x128x32xf32, #tpu.memory_space<vmem>>
        %dma_wait3A_453 = tpu.memref_squeeze %dma_wait3A_452 : memref<1x128x32xf32, #tpu.memory_space<vmem>> -> memref<128x32xf32, #tpu.memory_space<vmem>>
        %dma_wait3A_454 = arith.constant 0 : i32
        %dma_wait3A_455 = tpu.memref_slice %arg8[%add3A_277, %dma_wait3A_454] : memref<120x128xi32, #tpu.memory_space<vmem>> -> memref<1x128xi32, #tpu.memory_space<vmem>>
        %dma_wait3A_456 = tpu.memref_squeeze %dma_wait3A_455 : memref<1x128xi32, #tpu.memory_space<vmem>> -> memref<128xi32, #tpu.memory_space<vmem>>
        %dma_wait3A_457 = arith.constant 0 : i32
        %dma_wait3A_458 = arith.constant 0 : i32
        %dma_wait3A_459 = tpu.memref_slice %arg10[%dma_wait3A_457, %dma_wait3A_458] : memref<10112x32xf32, #tpu.memory_space<vmem_shared>> -> memref<10112x32xf32, #tpu.memory_space<vmem_shared>>
        tpu.wait_indirect_dma semaphore(%arg25 : memref<!tpu.dma_semaphore, #tpu.memory_space<semaphore_mem>>) src(%dma_wait3A_453 : memref<128x32xf32, #tpu.memory_space<vmem>>) dst(%dma_wait3A_459 : memref<10112x32xf32, #tpu.memory_space<vmem_shared>>)
        %lt3A_460 = arith.constant 4 : i32
        %lt3A_461 = arith.cmpi slt, %scan3A_117, %lt3A_460 : i32
        %convert_element_type3A_462 = arith.extui %lt3A_461 : i1 to i32
        %cond3A_463 = arith.constant 0 : i32
        %cond3A_464 = arith.cmpi ne, %convert_element_type3A_462, %cond3A_463 : i32
        scf.if %cond3A_464 {
          %add3A_485 = arith.constant 8 : i32
          %add3A_486 = arith.addi %add3A_448, %add3A_485 : i32
          %dma_start3A_487 = arith.constant 6 : i32
          %dma_start3A_488 = arith.constant 0 : i32
          %dma_start3A_489 = arith.constant 0 : i32
          %dma_start3A_490 = tpu.memref_slice %arg9[%dma_start3A_487, %dma_start3A_488, %dma_start3A_489] : memref<8x128x32xf32, #tpu.memory_space<vmem>> -> memref<1x128x32xf32, #tpu.memory_space<vmem>>
          %dma_start3A_491 = tpu.memref_squeeze %dma_start3A_490 : memref<1x128x32xf32, #tpu.memory_space<vmem>> -> memref<128x32xf32, #tpu.memory_space<vmem>>
          %dma_start3A_492 = arith.constant 0 : i32
          %dma_start3A_493 = tpu.memref_slice %arg7[%add3A_486, %dma_start3A_492] : memref<120x128xi32, #tpu.memory_space<vmem>> -> memref<1x128xi32, #tpu.memory_space<vmem>>
          %dma_start3A_494 = tpu.memref_squeeze %dma_start3A_493 : memref<1x128xi32, #tpu.memory_space<vmem>> -> memref<128xi32, #tpu.memory_space<vmem>>
          %dma_start3A_495 = arith.constant 0 : i32
          %dma_start3A_496 = arith.constant 0 : i32
          %dma_start3A_497 = tpu.memref_slice %arg2[%dma_start3A_495, %dma_start3A_496] : memref<10112x32xf32, #tpu.memory_space<hbm>> -> memref<10112x32xf32, #tpu.memory_space<hbm>>
          tpu.enqueue_indirect_dma source(%dma_start3A_497 : memref<10112x32xf32, #tpu.memory_space<hbm>>) target(%dma_start3A_491 : memref<128x32xf32, #tpu.memory_space<vmem>>) offsets(%dma_start3A_494 : memref<128xi32, #tpu.memory_space<vmem>>) semaphore(%arg17 : memref<!tpu.dma_semaphore, #tpu.memory_space<semaphore_mem>>)
        } else {
        }
        %mul3A_465 = arith.constant 8 : i32
        %mul3A_466 = arith.muli %scan3A_117, %mul3A_465 : i32
        %add3A_467 = arith.constant 7 : i32
        %add3A_468 = arith.addi %mul3A_466, %add3A_467 : i32
        %dma_wait3A_469 = arith.constant 7 : i32
        %dma_wait3A_470 = arith.constant 0 : i32
        %dma_wait3A_471 = arith.constant 0 : i32
        %dma_wait3A_472 = tpu.memref_slice %arg9[%dma_wait3A_469, %dma_wait3A_470, %dma_wait3A_471] : memref<8x128x32xf32, #tpu.memory_space<vmem>> -> memref<1x128x32xf32, #tpu.memory_space<vmem>>
        %dma_wait3A_473 = tpu.memref_squeeze %dma_wait3A_472 : memref<1x128x32xf32, #tpu.memory_space<vmem>> -> memref<128x32xf32, #tpu.memory_space<vmem>>
        %dma_wait3A_474 = arith.constant 0 : i32
        %dma_wait3A_475 = tpu.memref_slice %arg8[%add3A_303, %dma_wait3A_474] : memref<120x128xi32, #tpu.memory_space<vmem>> -> memref<1x128xi32, #tpu.memory_space<vmem>>
        %dma_wait3A_476 = tpu.memref_squeeze %dma_wait3A_475 : memref<1x128xi32, #tpu.memory_space<vmem>> -> memref<128xi32, #tpu.memory_space<vmem>>
        %dma_wait3A_477 = arith.constant 0 : i32
        %dma_wait3A_478 = arith.constant 0 : i32
        %dma_wait3A_479 = tpu.memref_slice %arg10[%dma_wait3A_477, %dma_wait3A_478] : memref<10112x32xf32, #tpu.memory_space<vmem_shared>> -> memref<10112x32xf32, #tpu.memory_space<vmem_shared>>
        tpu.wait_indirect_dma semaphore(%arg26 : memref<!tpu.dma_semaphore, #tpu.memory_space<semaphore_mem>>) src(%dma_wait3A_473 : memref<128x32xf32, #tpu.memory_space<vmem>>) dst(%dma_wait3A_479 : memref<10112x32xf32, #tpu.memory_space<vmem_shared>>)
        %lt3A_480 = arith.constant 4 : i32
        %lt3A_481 = arith.cmpi slt, %scan3A_117, %lt3A_480 : i32
        %convert_element_type3A_482 = arith.extui %lt3A_481 : i1 to i32
        %cond3A_483 = arith.constant 0 : i32
        %cond3A_484 = arith.cmpi ne, %convert_element_type3A_482, %cond3A_483 : i32
        scf.if %cond3A_484 {
          %add3A_485 = arith.constant 8 : i32
          %add3A_486 = arith.addi %add3A_468, %add3A_485 : i32
          %dma_start3A_487 = arith.constant 7 : i32
          %dma_start3A_488 = arith.constant 0 : i32
          %dma_start3A_489 = arith.constant 0 : i32
          %dma_start3A_490 = tpu.memref_slice %arg9[%dma_start3A_487, %dma_start3A_488, %dma_start3A_489] : memref<8x128x32xf32, #tpu.memory_space<vmem>> -> memref<1x128x32xf32, #tpu.memory_space<vmem>>
          %dma_start3A_491 = tpu.memref_squeeze %dma_start3A_490 : memref<1x128x32xf32, #tpu.memory_space<vmem>> -> memref<128x32xf32, #tpu.memory_space<vmem>>
          %dma_start3A_492 = arith.constant 0 : i32
          %dma_start3A_493 = tpu.memref_slice %arg7[%add3A_486, %dma_start3A_492] : memref<120x128xi32, #tpu.memory_space<vmem>> -> memref<1x128xi32, #tpu.memory_space<vmem>>
          %dma_start3A_494 = tpu.memref_squeeze %dma_start3A_493 : memref<1x128xi32, #tpu.memory_space<vmem>> -> memref<128xi32, #tpu.memory_space<vmem>>
          %dma_start3A_495 = arith.constant 0 : i32
          %dma_start3A_496 = arith.constant 0 : i32
          %dma_start3A_497 = tpu.memref_slice %arg2[%dma_start3A_495, %dma_start3A_496] : memref<10112x32xf32, #tpu.memory_space<hbm>> -> memref<10112x32xf32, #tpu.memory_space<hbm>>
          tpu.enqueue_indirect_dma source(%dma_start3A_497 : memref<10112x32xf32, #tpu.memory_space<hbm>>) target(%dma_start3A_491 : memref<128x32xf32, #tpu.memory_space<vmem>>) offsets(%dma_start3A_494 : memref<128xi32, #tpu.memory_space<vmem>>) semaphore(%arg18 : memref<!tpu.dma_semaphore, #tpu.memory_space<semaphore_mem>>)
        } else {
        }
      }
      %scan3A_116 = arith.constant 5 : i32
    } else {
    }
    %barrier3A = arith.constant 0 : index
    tpu.barrier barrier_id(%barrier3A)
    %mul3A = arith.constant 632 : i32
    %mul3A_7 = arith.muli %arg1, %mul3A : i32
    "tpu.region"() ({
      %run_scoped3A = tpu.sem_alloc : memref<!tpu.dma_semaphore, #tpu.memory_space<semaphore_mem>>
      %dma_start3A = arith.constant 0 : i32
      %dma_start3A_8 = arith.constant 0 : i32
      %dma_start3A_9 = tpu.memref_slice %arg6[%arg0, %dma_start3A, %dma_start3A_8] : memref<2x10112x32xf32, #tpu.memory_space<hbm>> -> memref<1x10112x32xf32, #tpu.memory_space<hbm>>
      %dma_start3A_10 = tpu.memref_squeeze %dma_start3A_9 : memref<1x10112x32xf32, #tpu.memory_space<hbm>> -> memref<10112x32xf32, #tpu.memory_space<hbm>>
      %dma_start3A_11 = arith.constant 0 : i32
      %dma_start3A_12 = tpu.memref_slice %dma_start3A_10[%mul3A_7, %dma_start3A_11] : memref<10112x32xf32, #tpu.memory_space<hbm>> -> memref<632x32xf32, #tpu.memory_space<hbm>>
      %dma_start3A_13 = arith.constant 0 : i32
      %dma_start3A_14 = tpu.memref_slice %arg10[%mul3A_7, %dma_start3A_13] : memref<10112x32xf32, #tpu.memory_space<vmem_shared>> -> memref<632x32xf32, #tpu.memory_space<vmem_shared>>
      tpu.enqueue_dma source(%dma_start3A_14 : memref<632x32xf32, #tpu.memory_space<vmem_shared>>) target(%dma_start3A_12 : memref<632x32xf32, #tpu.memory_space<hbm>>) target_semaphore(%run_scoped3A : memref<!tpu.dma_semaphore, #tpu.memory_space<semaphore_mem>>)
      %dma_wait3A = arith.constant 0 : i32
      %dma_wait3A_15 = arith.constant 0 : i32
      %dma_wait3A_16 = tpu.memref_slice %arg6[%arg0, %dma_wait3A, %dma_wait3A_15] : memref<2x10112x32xf32, #tpu.memory_space<hbm>> -> memref<1x10112x32xf32, #tpu.memory_space<hbm>>
      %dma_wait3A_17 = tpu.memref_squeeze %dma_wait3A_16 : memref<1x10112x32xf32, #tpu.memory_space<hbm>> -> memref<10112x32xf32, #tpu.memory_space<hbm>>
      %dma_wait3A_18 = arith.constant 0 : i32
      %dma_wait3A_19 = tpu.memref_slice %dma_wait3A_17[%mul3A_7, %dma_wait3A_18] : memref<10112x32xf32, #tpu.memory_space<hbm>> -> memref<632x32xf32, #tpu.memory_space<hbm>>
      %dma_wait3A_20 = arith.constant 0 : i32
      %dma_wait3A_21 = tpu.memref_slice %arg10[%mul3A_7, %dma_wait3A_20] : memref<10112x32xf32, #tpu.memory_space<vmem_shared>> -> memref<632x32xf32, #tpu.memory_space<vmem_shared>>
      tpu.wait_dma2 semaphore(%run_scoped3A : memref<!tpu.dma_semaphore, #tpu.memory_space<semaphore_mem>>) src(%dma_wait3A_21 : memref<632x32xf32, #tpu.memory_space<vmem_shared>>) dst(%dma_wait3A_19 : memref<632x32xf32, #tpu.memory_space<hbm>>)
      tpu.yield
    }) : () -> ()
    return
  }
}

#map = affine_map<(d0, d1) -> (0, 0)>
#map1 = affine_map<(d0, d1) -> (0, 0, 0)>
module attributes {stable_mosaic.version = 14 : i64} {
  func.func @_sc_edge_body(%arg0: i32, %arg1: i32, %arg2: memref<10112x40xf32, #tpu.memory_space<hbm>>, %arg3: memref<2560x128xi32, #tpu.memory_space<hbm>>, %arg4: memref<2560x128xi32, #tpu.memory_space<hbm>>, %arg5: memref<632x40xf32, #tpu.memory_space<hbm>>, %arg6: memref<2x10112x40xf32, #tpu.memory_space<hbm>>, %arg7: memref<120x128xi32, #tpu.memory_space<vmem>>, %arg8: memref<120x128xi32, #tpu.memory_space<vmem>>, %arg9: memref<8x128x40xf32, #tpu.memory_space<vmem>>, %arg10: memref<10112x40xf32, #tpu.memory_space<vmem_shared>>, %arg11: memref<!tpu.dma_semaphore, #tpu.memory_space<semaphore_mem>>, %arg12: memref<!tpu.dma_semaphore, #tpu.memory_space<semaphore_mem>>, %arg13: memref<!tpu.dma_semaphore, #tpu.memory_space<semaphore_mem>>, %arg14: memref<!tpu.dma_semaphore, #tpu.memory_space<semaphore_mem>>, %arg15: memref<!tpu.dma_semaphore, #tpu.memory_space<semaphore_mem>>, %arg16: memref<!tpu.dma_semaphore, #tpu.memory_space<semaphore_mem>>, %arg17: memref<!tpu.dma_semaphore, #tpu.memory_space<semaphore_mem>>, %arg18: memref<!tpu.dma_semaphore, #tpu.memory_space<semaphore_mem>>, %arg19: memref<!tpu.dma_semaphore, #tpu.memory_space<semaphore_mem>>, %arg20: memref<!tpu.dma_semaphore, #tpu.memory_space<semaphore_mem>>, %arg21: memref<!tpu.dma_semaphore, #tpu.memory_space<semaphore_mem>>, %arg22: memref<!tpu.dma_semaphore, #tpu.memory_space<semaphore_mem>>, %arg23: memref<!tpu.dma_semaphore, #tpu.memory_space<semaphore_mem>>, %arg24: memref<!tpu.dma_semaphore, #tpu.memory_space<semaphore_mem>>, %arg25: memref<!tpu.dma_semaphore, #tpu.memory_space<semaphore_mem>>, %arg26: memref<!tpu.dma_semaphore, #tpu.memory_space<semaphore_mem>>) attributes {dimension_semantics = [#tpu.dimension_semantics<core_parallel>, #tpu.dimension_semantics<subcore_parallel>], iteration_bounds = array<i64: 2, 16>, scalar_prefetch = 0 : i64, scratch_operands = 20 : i64, tpu.core_type = #tpu.core_type<sc_vector_subcore>, window_params = [{transform_indices = #map}, {transform_indices = #map}, {transform_indices = #map}, {transform_indices = #map}, {transform_indices = #map1}]} {
    %eq3A = arith.constant 0 : i32
    %eq3A_0 = arith.cmpi eq, %arg0, %eq3A : i32
    %convert_element_type3A = arith.extui %eq3A_0 : i1 to i32
    %cond3A = arith.constant 0 : i32
    %cond3A_1 = arith.cmpi ne, %convert_element_type3A, %cond3A : i32
    scf.if %cond3A_1 {
      %mul3A_8 = arith.constant 120 : i32
      %mul3A_9 = arith.muli %arg1, %mul3A_8 : i32
      %mul3A_10 = arith.constant 632 : i32
      %mul3A_11 = arith.muli %arg1, %mul3A_10 : i32
      %dma_start3A = arith.constant 0 : i32
      %dma_start3A_12 = tpu.memref_slice %arg10[%mul3A_11, %dma_start3A] : memref<10112x40xf32, #tpu.memory_space<vmem_shared>> -> memref<632x40xf32, #tpu.memory_space<vmem_shared>>
      tpu.enqueue_dma source(%arg5 : memref<632x40xf32, #tpu.memory_space<hbm>>) target(%dma_start3A_12 : memref<632x40xf32, #tpu.memory_space<vmem_shared>>) target_semaphore(%arg19 : memref<!tpu.dma_semaphore, #tpu.memory_space<semaphore_mem>>)
      "tpu.region"() ({
        %run_scoped3A = tpu.sem_alloc : memref<!tpu.dma_semaphore, #tpu.memory_space<semaphore_mem>>
        %dma_start3A_116 = arith.constant 0 : i32
        %dma_start3A_117 = arith.constant 0 : i32
        %dma_start3A_118 = tpu.memref_slice %arg7[%dma_start3A_116, %dma_start3A_117] : memref<120x128xi32, #tpu.memory_space<vmem>> -> memref<120x128xi32, #tpu.memory_space<vmem>>
        %dma_start3A_119 = arith.constant 0 : i32
        %dma_start3A_120 = tpu.memref_slice %arg3[%mul3A_9, %dma_start3A_119] : memref<2560x128xi32, #tpu.memory_space<hbm>> -> memref<120x128xi32, #tpu.memory_space<hbm>>
        %dma_start3A_121 = arith.constant 0 : i32
        %dma_start3A_122 = arith.constant 0 : i32
        %dma_start3A_123 = tpu.memref_slice %arg7[%dma_start3A_121, %dma_start3A_122] : memref<120x128xi32, #tpu.memory_space<vmem>> -> memref<120x128xi32, #tpu.memory_space<vmem>>
        %dma_start3A_124 = arith.constant 0 : i32
        %dma_start3A_125 = tpu.memref_slice %arg3[%mul3A_9, %dma_start3A_124] : memref<2560x128xi32, #tpu.memory_space<hbm>> -> memref<120x128xi32, #tpu.memory_space<hbm>>
        tpu.enqueue_dma source(%dma_start3A_125 : memref<120x128xi32, #tpu.memory_space<hbm>>) target(%dma_start3A_123 : memref<120x128xi32, #tpu.memory_space<vmem>>) target_semaphore(%run_scoped3A : memref<!tpu.dma_semaphore, #tpu.memory_space<semaphore_mem>>)
        %dma_wait3A_126 = arith.constant 0 : i32
        %dma_wait3A_127 = arith.constant 0 : i32
        %dma_wait3A_128 = tpu.memref_slice %arg7[%dma_wait3A_126, %dma_wait3A_127] : memref<120x128xi32, #tpu.memory_space<vmem>> -> memref<120x128xi32, #tpu.memory_space<vmem>>
        %dma_wait3A_129 = arith.constant 0 : i32
        %dma_wait3A_130 = tpu.memref_slice %arg3[%mul3A_9, %dma_wait3A_129] : memref<2560x128xi32, #tpu.memory_space<hbm>> -> memref<120x128xi32, #tpu.memory_space<hbm>>
        %dma_wait3A_131 = arith.constant 0 : i32
        %dma_wait3A_132 = arith.constant 0 : i32
        %dma_wait3A_133 = tpu.memref_slice %arg7[%dma_wait3A_131, %dma_wait3A_132] : memref<120x128xi32, #tpu.memory_space<vmem>> -> memref<120x128xi32, #tpu.memory_space<vmem>>
        %dma_wait3A_134 = arith.constant 0 : i32
        %dma_wait3A_135 = tpu.memref_slice %arg3[%mul3A_9, %dma_wait3A_134] : memref<2560x128xi32, #tpu.memory_space<hbm>> -> memref<120x128xi32, #tpu.memory_space<hbm>>
        tpu.wait_dma2 semaphore(%run_scoped3A : memref<!tpu.dma_semaphore, #tpu.memory_space<semaphore_mem>>) src(%dma_wait3A_135 : memref<120x128xi32, #tpu.memory_space<hbm>>) dst(%dma_wait3A_133 : memref<120x128xi32, #tpu.memory_space<vmem>>)
        tpu.yield
      }) : () -> ()
      "tpu.region"() ({
        %run_scoped3A = tpu.sem_alloc : memref<!tpu.dma_semaphore, #tpu.memory_space<semaphore_mem>>
        %dma_start3A_116 = arith.constant 0 : i32
        %dma_start3A_117 = arith.constant 0 : i32
        %dma_start3A_118 = tpu.memref_slice %arg8[%dma_start3A_116, %dma_start3A_117] : memref<120x128xi32, #tpu.memory_space<vmem>> -> memref<120x128xi32, #tpu.memory_space<vmem>>
        %dma_start3A_119 = arith.constant 0 : i32
        %dma_start3A_120 = tpu.memref_slice %arg4[%mul3A_9, %dma_start3A_119] : memref<2560x128xi32, #tpu.memory_space<hbm>> -> memref<120x128xi32, #tpu.memory_space<hbm>>
        %dma_start3A_121 = arith.constant 0 : i32
        %dma_start3A_122 = arith.constant 0 : i32
        %dma_start3A_123 = tpu.memref_slice %arg8[%dma_start3A_121, %dma_start3A_122] : memref<120x128xi32, #tpu.memory_space<vmem>> -> memref<120x128xi32, #tpu.memory_space<vmem>>
        %dma_start3A_124 = arith.constant 0 : i32
        %dma_start3A_125 = tpu.memref_slice %arg4[%mul3A_9, %dma_start3A_124] : memref<2560x128xi32, #tpu.memory_space<hbm>> -> memref<120x128xi32, #tpu.memory_space<hbm>>
        tpu.enqueue_dma source(%dma_start3A_125 : memref<120x128xi32, #tpu.memory_space<hbm>>) target(%dma_start3A_123 : memref<120x128xi32, #tpu.memory_space<vmem>>) target_semaphore(%run_scoped3A : memref<!tpu.dma_semaphore, #tpu.memory_space<semaphore_mem>>)
        %dma_wait3A_126 = arith.constant 0 : i32
        %dma_wait3A_127 = arith.constant 0 : i32
        %dma_wait3A_128 = tpu.memref_slice %arg8[%dma_wait3A_126, %dma_wait3A_127] : memref<120x128xi32, #tpu.memory_space<vmem>> -> memref<120x128xi32, #tpu.memory_space<vmem>>
        %dma_wait3A_129 = arith.constant 0 : i32
        %dma_wait3A_130 = tpu.memref_slice %arg4[%mul3A_9, %dma_wait3A_129] : memref<2560x128xi32, #tpu.memory_space<hbm>> -> memref<120x128xi32, #tpu.memory_space<hbm>>
        %dma_wait3A_131 = arith.constant 0 : i32
        %dma_wait3A_132 = arith.constant 0 : i32
        %dma_wait3A_133 = tpu.memref_slice %arg8[%dma_wait3A_131, %dma_wait3A_132] : memref<120x128xi32, #tpu.memory_space<vmem>> -> memref<120x128xi32, #tpu.memory_space<vmem>>
        %dma_wait3A_134 = arith.constant 0 : i32
        %dma_wait3A_135 = tpu.memref_slice %arg4[%mul3A_9, %dma_wait3A_134] : memref<2560x128xi32, #tpu.memory_space<hbm>> -> memref<120x128xi32, #tpu.memory_space<hbm>>
        tpu.wait_dma2 semaphore(%run_scoped3A : memref<!tpu.dma_semaphore, #tpu.memory_space<semaphore_mem>>) src(%dma_wait3A_135 : memref<120x128xi32, #tpu.memory_space<hbm>>) dst(%dma_wait3A_133 : memref<120x128xi32, #tpu.memory_space<vmem>>)
        tpu.yield
      }) : () -> ()
      %dma_start3A_13 = arith.constant 0 : i32
      %dma_start3A_14 = arith.constant 0 : i32
      %dma_start3A_15 = arith.constant 0 : i32
      %dma_start3A_16 = arith.constant 0 : i32
      %dma_start3A_17 = tpu.memref_slice %arg9[%dma_start3A_14, %dma_start3A_15, %dma_start3A_16] : memref<8x128x40xf32, #tpu.memory_space<vmem>> -> memref<1x128x40xf32, #tpu.memory_space<vmem>>
      %dma_start3A_18 = tpu.memref_squeeze %dma_start3A_17 : memref<1x128x40xf32, #tpu.memory_space<vmem>> -> memref<128x40xf32, #tpu.memory_space<vmem>>
      %dma_start3A_19 = arith.constant 0 : i32
      %dma_start3A_20 = tpu.memref_slice %arg7[%dma_start3A_13, %dma_start3A_19] : memref<120x128xi32, #tpu.memory_space<vmem>> -> memref<1x128xi32, #tpu.memory_space<vmem>>
      %dma_start3A_21 = tpu.memref_squeeze %dma_start3A_20 : memref<1x128xi32, #tpu.memory_space<vmem>> -> memref<128xi32, #tpu.memory_space<vmem>>
      %dma_start3A_22 = arith.constant 0 : i32
      %dma_start3A_23 = arith.constant 0 : i32
      %dma_start3A_24 = tpu.memref_slice %arg2[%dma_start3A_22, %dma_start3A_23] : memref<10112x40xf32, #tpu.memory_space<hbm>> -> memref<10112x40xf32, #tpu.memory_space<hbm>>
      tpu.enqueue_indirect_dma source(%dma_start3A_24 : memref<10112x40xf32, #tpu.memory_space<hbm>>) target(%dma_start3A_18 : memref<128x40xf32, #tpu.memory_space<vmem>>) offsets(%dma_start3A_21 : memref<128xi32, #tpu.memory_space<vmem>>) semaphore(%arg11 : memref<!tpu.dma_semaphore, #tpu.memory_space<semaphore_mem>>)
      %dma_start3A_25 = arith.constant 1 : i32
      %dma_start3A_26 = arith.constant 1 : i32
      %dma_start3A_27 = arith.constant 0 : i32
      %dma_start3A_28 = arith.constant 0 : i32
      %dma_start3A_29 = tpu.memref_slice %arg9[%dma_start3A_26, %dma_start3A_27, %dma_start3A_28] : memref<8x128x40xf32, #tpu.memory_space<vmem>> -> memref<1x128x40xf32, #tpu.memory_space<vmem>>
      %dma_start3A_30 = tpu.memref_squeeze %dma_start3A_29 : memref<1x128x40xf32, #tpu.memory_space<vmem>> -> memref<128x40xf32, #tpu.memory_space<vmem>>
      %dma_start3A_31 = arith.constant 0 : i32
      %dma_start3A_32 = tpu.memref_slice %arg7[%dma_start3A_25, %dma_start3A_31] : memref<120x128xi32, #tpu.memory_space<vmem>> -> memref<1x128xi32, #tpu.memory_space<vmem>>
      %dma_start3A_33 = tpu.memref_squeeze %dma_start3A_32 : memref<1x128xi32, #tpu.memory_space<vmem>> -> memref<128xi32, #tpu.memory_space<vmem>>
      %dma_start3A_34 = arith.constant 0 : i32
      %dma_start3A_35 = arith.constant 0 : i32
      %dma_start3A_36 = tpu.memref_slice %arg2[%dma_start3A_34, %dma_start3A_35] : memref<10112x40xf32, #tpu.memory_space<hbm>> -> memref<10112x40xf32, #tpu.memory_space<hbm>>
      tpu.enqueue_indirect_dma source(%dma_start3A_36 : memref<10112x40xf32, #tpu.memory_space<hbm>>) target(%dma_start3A_30 : memref<128x40xf32, #tpu.memory_space<vmem>>) offsets(%dma_start3A_33 : memref<128xi32, #tpu.memory_space<vmem>>) semaphore(%arg12 : memref<!tpu.dma_semaphore, #tpu.memory_space<semaphore_mem>>)
      %dma_start3A_37 = arith.constant 2 : i32
      %dma_start3A_38 = arith.constant 2 : i32
      %dma_start3A_39 = arith.constant 0 : i32
      %dma_start3A_40 = arith.constant 0 : i32
      %dma_start3A_41 = tpu.memref_slice %arg9[%dma_start3A_38, %dma_start3A_39, %dma_start3A_40] : memref<8x128x40xf32, #tpu.memory_space<vmem>> -> memref<1x128x40xf32, #tpu.memory_space<vmem>>
      %dma_start3A_42 = tpu.memref_squeeze %dma_start3A_41 : memref<1x128x40xf32, #tpu.memory_space<vmem>> -> memref<128x40xf32, #tpu.memory_space<vmem>>
      %dma_start3A_43 = arith.constant 0 : i32
      %dma_start3A_44 = tpu.memref_slice %arg7[%dma_start3A_37, %dma_start3A_43] : memref<120x128xi32, #tpu.memory_space<vmem>> -> memref<1x128xi32, #tpu.memory_space<vmem>>
      %dma_start3A_45 = tpu.memref_squeeze %dma_start3A_44 : memref<1x128xi32, #tpu.memory_space<vmem>> -> memref<128xi32, #tpu.memory_space<vmem>>
      %dma_start3A_46 = arith.constant 0 : i32
      %dma_start3A_47 = arith.constant 0 : i32
      %dma_start3A_48 = tpu.memref_slice %arg2[%dma_start3A_46, %dma_start3A_47] : memref<10112x40xf32, #tpu.memory_space<hbm>> -> memref<10112x40xf32, #tpu.memory_space<hbm>>
      tpu.enqueue_indirect_dma source(%dma_start3A_48 : memref<10112x40xf32, #tpu.memory_space<hbm>>) target(%dma_start3A_42 : memref<128x40xf32, #tpu.memory_space<vmem>>) offsets(%dma_start3A_45 : memref<128xi32, #tpu.memory_space<vmem>>) semaphore(%arg13 : memref<!tpu.dma_semaphore, #tpu.memory_space<semaphore_mem>>)
      %dma_start3A_49 = arith.constant 3 : i32
      %dma_start3A_50 = arith.constant 3 : i32
      %dma_start3A_51 = arith.constant 0 : i32
      %dma_start3A_52 = arith.constant 0 : i32
      %dma_start3A_53 = tpu.memref_slice %arg9[%dma_start3A_50, %dma_start3A_51, %dma_start3A_52] : memref<8x128x40xf32, #tpu.memory_space<vmem>> -> memref<1x128x40xf32, #tpu.memory_space<vmem>>
      %dma_start3A_54 = tpu.memref_squeeze %dma_start3A_53 : memref<1x128x40xf32, #tpu.memory_space<vmem>> -> memref<128x40xf32, #tpu.memory_space<vmem>>
      %dma_start3A_55 = arith.constant 0 : i32
      %dma_start3A_56 = tpu.memref_slice %arg7[%dma_start3A_49, %dma_start3A_55] : memref<120x128xi32, #tpu.memory_space<vmem>> -> memref<1x128xi32, #tpu.memory_space<vmem>>
      %dma_start3A_57 = tpu.memref_squeeze %dma_start3A_56 : memref<1x128xi32, #tpu.memory_space<vmem>> -> memref<128xi32, #tpu.memory_space<vmem>>
      %dma_start3A_58 = arith.constant 0 : i32
      %dma_start3A_59 = arith.constant 0 : i32
      %dma_start3A_60 = tpu.memref_slice %arg2[%dma_start3A_58, %dma_start3A_59] : memref<10112x40xf32, #tpu.memory_space<hbm>> -> memref<10112x40xf32, #tpu.memory_space<hbm>>
      tpu.enqueue_indirect_dma source(%dma_start3A_60 : memref<10112x40xf32, #tpu.memory_space<hbm>>) target(%dma_start3A_54 : memref<128x40xf32, #tpu.memory_space<vmem>>) offsets(%dma_start3A_57 : memref<128xi32, #tpu.memory_space<vmem>>) semaphore(%arg14 : memref<!tpu.dma_semaphore, #tpu.memory_space<semaphore_mem>>)
      %dma_start3A_61 = arith.constant 4 : i32
      %dma_start3A_62 = arith.constant 4 : i32
      %dma_start3A_63 = arith.constant 0 : i32
      %dma_start3A_64 = arith.constant 0 : i32
      %dma_start3A_65 = tpu.memref_slice %arg9[%dma_start3A_62, %dma_start3A_63, %dma_start3A_64] : memref<8x128x40xf32, #tpu.memory_space<vmem>> -> memref<1x128x40xf32, #tpu.memory_space<vmem>>
      %dma_start3A_66 = tpu.memref_squeeze %dma_start3A_65 : memref<1x128x40xf32, #tpu.memory_space<vmem>> -> memref<128x40xf32, #tpu.memory_space<vmem>>
      %dma_start3A_67 = arith.constant 0 : i32
      %dma_start3A_68 = tpu.memref_slice %arg7[%dma_start3A_61, %dma_start3A_67] : memref<120x128xi32, #tpu.memory_space<vmem>> -> memref<1x128xi32, #tpu.memory_space<vmem>>
      %dma_start3A_69 = tpu.memref_squeeze %dma_start3A_68 : memref<1x128xi32, #tpu.memory_space<vmem>> -> memref<128xi32, #tpu.memory_space<vmem>>
      %dma_start3A_70 = arith.constant 0 : i32
      %dma_start3A_71 = arith.constant 0 : i32
      %dma_start3A_72 = tpu.memref_slice %arg2[%dma_start3A_70, %dma_start3A_71] : memref<10112x40xf32, #tpu.memory_space<hbm>> -> memref<10112x40xf32, #tpu.memory_space<hbm>>
      tpu.enqueue_indirect_dma source(%dma_start3A_72 : memref<10112x40xf32, #tpu.memory_space<hbm>>) target(%dma_start3A_66 : memref<128x40xf32, #tpu.memory_space<vmem>>) offsets(%dma_start3A_69 : memref<128xi32, #tpu.memory_space<vmem>>) semaphore(%arg15 : memref<!tpu.dma_semaphore, #tpu.memory_space<semaphore_mem>>)
      %dma_start3A_73 = arith.constant 5 : i32
      %dma_start3A_74 = arith.constant 5 : i32
      %dma_start3A_75 = arith.constant 0 : i32
      %dma_start3A_76 = arith.constant 0 : i32
      %dma_start3A_77 = tpu.memref_slice %arg9[%dma_start3A_74, %dma_start3A_75, %dma_start3A_76] : memref<8x128x40xf32, #tpu.memory_space<vmem>> -> memref<1x128x40xf32, #tpu.memory_space<vmem>>
      %dma_start3A_78 = tpu.memref_squeeze %dma_start3A_77 : memref<1x128x40xf32, #tpu.memory_space<vmem>> -> memref<128x40xf32, #tpu.memory_space<vmem>>
      %dma_start3A_79 = arith.constant 0 : i32
      %dma_start3A_80 = tpu.memref_slice %arg7[%dma_start3A_73, %dma_start3A_79] : memref<120x128xi32, #tpu.memory_space<vmem>> -> memref<1x128xi32, #tpu.memory_space<vmem>>
      %dma_start3A_81 = tpu.memref_squeeze %dma_start3A_80 : memref<1x128xi32, #tpu.memory_space<vmem>> -> memref<128xi32, #tpu.memory_space<vmem>>
      %dma_start3A_82 = arith.constant 0 : i32
      %dma_start3A_83 = arith.constant 0 : i32
      %dma_start3A_84 = tpu.memref_slice %arg2[%dma_start3A_82, %dma_start3A_83] : memref<10112x40xf32, #tpu.memory_space<hbm>> -> memref<10112x40xf32, #tpu.memory_space<hbm>>
      tpu.enqueue_indirect_dma source(%dma_start3A_84 : memref<10112x40xf32, #tpu.memory_space<hbm>>) target(%dma_start3A_78 : memref<128x40xf32, #tpu.memory_space<vmem>>) offsets(%dma_start3A_81 : memref<128xi32, #tpu.memory_space<vmem>>) semaphore(%arg16 : memref<!tpu.dma_semaphore, #tpu.memory_space<semaphore_mem>>)
      %dma_start3A_85 = arith.constant 6 : i32
      %dma_start3A_86 = arith.constant 6 : i32
      %dma_start3A_87 = arith.constant 0 : i32
      %dma_start3A_88 = arith.constant 0 : i32
      %dma_start3A_89 = tpu.memref_slice %arg9[%dma_start3A_86, %dma_start3A_87, %dma_start3A_88] : memref<8x128x40xf32, #tpu.memory_space<vmem>> -> memref<1x128x40xf32, #tpu.memory_space<vmem>>
      %dma_start3A_90 = tpu.memref_squeeze %dma_start3A_89 : memref<1x128x40xf32, #tpu.memory_space<vmem>> -> memref<128x40xf32, #tpu.memory_space<vmem>>
      %dma_start3A_91 = arith.constant 0 : i32
      %dma_start3A_92 = tpu.memref_slice %arg7[%dma_start3A_85, %dma_start3A_91] : memref<120x128xi32, #tpu.memory_space<vmem>> -> memref<1x128xi32, #tpu.memory_space<vmem>>
      %dma_start3A_93 = tpu.memref_squeeze %dma_start3A_92 : memref<1x128xi32, #tpu.memory_space<vmem>> -> memref<128xi32, #tpu.memory_space<vmem>>
      %dma_start3A_94 = arith.constant 0 : i32
      %dma_start3A_95 = arith.constant 0 : i32
      %dma_start3A_96 = tpu.memref_slice %arg2[%dma_start3A_94, %dma_start3A_95] : memref<10112x40xf32, #tpu.memory_space<hbm>> -> memref<10112x40xf32, #tpu.memory_space<hbm>>
      tpu.enqueue_indirect_dma source(%dma_start3A_96 : memref<10112x40xf32, #tpu.memory_space<hbm>>) target(%dma_start3A_90 : memref<128x40xf32, #tpu.memory_space<vmem>>) offsets(%dma_start3A_93 : memref<128xi32, #tpu.memory_space<vmem>>) semaphore(%arg17 : memref<!tpu.dma_semaphore, #tpu.memory_space<semaphore_mem>>)
      %dma_start3A_97 = arith.constant 7 : i32
      %dma_start3A_98 = arith.constant 7 : i32
      %dma_start3A_99 = arith.constant 0 : i32
      %dma_start3A_100 = arith.constant 0 : i32
      %dma_start3A_101 = tpu.memref_slice %arg9[%dma_start3A_98, %dma_start3A_99, %dma_start3A_100] : memref<8x128x40xf32, #tpu.memory_space<vmem>> -> memref<1x128x40xf32, #tpu.memory_space<vmem>>
      %dma_start3A_102 = tpu.memref_squeeze %dma_start3A_101 : memref<1x128x40xf32, #tpu.memory_space<vmem>> -> memref<128x40xf32, #tpu.memory_space<vmem>>
      %dma_start3A_103 = arith.constant 0 : i32
      %dma_start3A_104 = tpu.memref_slice %arg7[%dma_start3A_97, %dma_start3A_103] : memref<120x128xi32, #tpu.memory_space<vmem>> -> memref<1x128xi32, #tpu.memory_space<vmem>>
      %dma_start3A_105 = tpu.memref_squeeze %dma_start3A_104 : memref<1x128xi32, #tpu.memory_space<vmem>> -> memref<128xi32, #tpu.memory_space<vmem>>
      %dma_start3A_106 = arith.constant 0 : i32
      %dma_start3A_107 = arith.constant 0 : i32
      %dma_start3A_108 = tpu.memref_slice %arg2[%dma_start3A_106, %dma_start3A_107] : memref<10112x40xf32, #tpu.memory_space<hbm>> -> memref<10112x40xf32, #tpu.memory_space<hbm>>
      tpu.enqueue_indirect_dma source(%dma_start3A_108 : memref<10112x40xf32, #tpu.memory_space<hbm>>) target(%dma_start3A_102 : memref<128x40xf32, #tpu.memory_space<vmem>>) offsets(%dma_start3A_105 : memref<128xi32, #tpu.memory_space<vmem>>) semaphore(%arg18 : memref<!tpu.dma_semaphore, #tpu.memory_space<semaphore_mem>>)
      %dma_wait3A = arith.constant 0 : i32
      %dma_wait3A_109 = tpu.memref_slice %arg10[%mul3A_11, %dma_wait3A] : memref<10112x40xf32, #tpu.memory_space<vmem_shared>> -> memref<632x40xf32, #tpu.memory_space<vmem_shared>>
      tpu.wait_dma2 semaphore(%arg19 : memref<!tpu.dma_semaphore, #tpu.memory_space<semaphore_mem>>) src(%arg5 : memref<632x40xf32, #tpu.memory_space<hbm>>) dst(%dma_wait3A_109 : memref<632x40xf32, #tpu.memory_space<vmem_shared>>)
      %barrier3A_110 = arith.constant 0 : index
      tpu.barrier barrier_id(%barrier3A_110)
      %scan3A = arith.constant 0 : i32
      %scan3A_111 = arith.constant 0 : i32
      %scan3A_112 = arith.constant 15 : i32
      %scan3A_113 = arith.addi %scan3A_111, %scan3A_112 : i32
      %scan3A_114 = arith.constant 1 : i32
      scf.for %scan3A_116 = %scan3A_111 to %scan3A_113 step %scan3A_114  : i32 {
        %mul3A_117 = arith.constant 8 : i32
        %mul3A_118 = arith.muli %scan3A_116, %mul3A_117 : i32
        %add3A = arith.constant 0 : i32
        %add3A_119 = arith.addi %mul3A_118, %add3A : i32
        %dma_wait3A_120 = arith.constant 0 : i32
        %dma_wait3A_121 = arith.constant 0 : i32
        %dma_wait3A_122 = arith.constant 0 : i32
        %dma_wait3A_123 = tpu.memref_slice %arg9[%dma_wait3A_120, %dma_wait3A_121, %dma_wait3A_122] : memref<8x128x40xf32, #tpu.memory_space<vmem>> -> memref<1x128x40xf32, #tpu.memory_space<vmem>>
        %dma_wait3A_124 = tpu.memref_squeeze %dma_wait3A_123 : memref<1x128x40xf32, #tpu.memory_space<vmem>> -> memref<128x40xf32, #tpu.memory_space<vmem>>
        %dma_wait3A_125 = arith.constant 0 : i32
        %dma_wait3A_126 = tpu.memref_slice %arg7[%add3A_119, %dma_wait3A_125] : memref<120x128xi32, #tpu.memory_space<vmem>> -> memref<1x128xi32, #tpu.memory_space<vmem>>
        %dma_wait3A_127 = tpu.memref_squeeze %dma_wait3A_126 : memref<1x128xi32, #tpu.memory_space<vmem>> -> memref<128xi32, #tpu.memory_space<vmem>>
        %dma_wait3A_128 = arith.constant 0 : i32
        %dma_wait3A_129 = arith.constant 0 : i32
        %dma_wait3A_130 = tpu.memref_slice %arg2[%dma_wait3A_128, %dma_wait3A_129] : memref<10112x40xf32, #tpu.memory_space<hbm>> -> memref<10112x40xf32, #tpu.memory_space<hbm>>
        tpu.wait_indirect_dma semaphore(%arg11 : memref<!tpu.dma_semaphore, #tpu.memory_space<semaphore_mem>>) src(%dma_wait3A_130 : memref<10112x40xf32, #tpu.memory_space<hbm>>) dst(%dma_wait3A_124 : memref<128x40xf32, #tpu.memory_space<vmem>>)
        %dma_start3A_131 = arith.constant 0 : i32
        %dma_start3A_132 = arith.constant 0 : i32
        %dma_start3A_133 = arith.constant 0 : i32
        %dma_start3A_134 = tpu.memref_slice %arg9[%dma_start3A_131, %dma_start3A_132, %dma_start3A_133] : memref<8x128x40xf32, #tpu.memory_space<vmem>> -> memref<1x128x40xf32, #tpu.memory_space<vmem>>
        %dma_start3A_135 = tpu.memref_squeeze %dma_start3A_134 : memref<1x128x40xf32, #tpu.memory_space<vmem>> -> memref<128x40xf32, #tpu.memory_space<vmem>>
        %dma_start3A_136 = arith.constant 0 : i32
        %dma_start3A_137 = tpu.memref_slice %arg8[%add3A_119, %dma_start3A_136] : memref<120x128xi32, #tpu.memory_space<vmem>> -> memref<1x128xi32, #tpu.memory_space<vmem>>
        %dma_start3A_138 = tpu.memref_squeeze %dma_start3A_137 : memref<1x128xi32, #tpu.memory_space<vmem>> -> memref<128xi32, #tpu.memory_space<vmem>>
        %dma_start3A_139 = arith.constant 0 : i32
        %dma_start3A_140 = arith.constant 0 : i32
        %dma_start3A_141 = tpu.memref_slice %arg10[%dma_start3A_139, %dma_start3A_140] : memref<10112x40xf32, #tpu.memory_space<vmem_shared>> -> memref<10112x40xf32, #tpu.memory_space<vmem_shared>>
        tpu.enqueue_indirect_dma source(%dma_start3A_135 : memref<128x40xf32, #tpu.memory_space<vmem>>) target(%dma_start3A_141 : memref<10112x40xf32, #tpu.memory_space<vmem_shared>>) offsets(%dma_start3A_138 : memref<128xi32, #tpu.memory_space<vmem>>) semaphore(%arg19 : memref<!tpu.dma_semaphore, #tpu.memory_space<semaphore_mem>>) {add = true}
        %mul3A_142 = arith.constant 8 : i32
        %mul3A_143 = arith.muli %scan3A_116, %mul3A_142 : i32
        %add3A_144 = arith.constant 1 : i32
        %add3A_145 = arith.addi %mul3A_143, %add3A_144 : i32
        %dma_wait3A_146 = arith.constant 1 : i32
        %dma_wait3A_147 = arith.constant 0 : i32
        %dma_wait3A_148 = arith.constant 0 : i32
        %dma_wait3A_149 = tpu.memref_slice %arg9[%dma_wait3A_146, %dma_wait3A_147, %dma_wait3A_148] : memref<8x128x40xf32, #tpu.memory_space<vmem>> -> memref<1x128x40xf32, #tpu.memory_space<vmem>>
        %dma_wait3A_150 = tpu.memref_squeeze %dma_wait3A_149 : memref<1x128x40xf32, #tpu.memory_space<vmem>> -> memref<128x40xf32, #tpu.memory_space<vmem>>
        %dma_wait3A_151 = arith.constant 0 : i32
        %dma_wait3A_152 = tpu.memref_slice %arg7[%add3A_145, %dma_wait3A_151] : memref<120x128xi32, #tpu.memory_space<vmem>> -> memref<1x128xi32, #tpu.memory_space<vmem>>
        %dma_wait3A_153 = tpu.memref_squeeze %dma_wait3A_152 : memref<1x128xi32, #tpu.memory_space<vmem>> -> memref<128xi32, #tpu.memory_space<vmem>>
        %dma_wait3A_154 = arith.constant 0 : i32
        %dma_wait3A_155 = arith.constant 0 : i32
        %dma_wait3A_156 = tpu.memref_slice %arg2[%dma_wait3A_154, %dma_wait3A_155] : memref<10112x40xf32, #tpu.memory_space<hbm>> -> memref<10112x40xf32, #tpu.memory_space<hbm>>
        tpu.wait_indirect_dma semaphore(%arg12 : memref<!tpu.dma_semaphore, #tpu.memory_space<semaphore_mem>>) src(%dma_wait3A_156 : memref<10112x40xf32, #tpu.memory_space<hbm>>) dst(%dma_wait3A_150 : memref<128x40xf32, #tpu.memory_space<vmem>>)
        %dma_start3A_157 = arith.constant 1 : i32
        %dma_start3A_158 = arith.constant 0 : i32
        %dma_start3A_159 = arith.constant 0 : i32
        %dma_start3A_160 = tpu.memref_slice %arg9[%dma_start3A_157, %dma_start3A_158, %dma_start3A_159] : memref<8x128x40xf32, #tpu.memory_space<vmem>> -> memref<1x128x40xf32, #tpu.memory_space<vmem>>
        %dma_start3A_161 = tpu.memref_squeeze %dma_start3A_160 : memref<1x128x40xf32, #tpu.memory_space<vmem>> -> memref<128x40xf32, #tpu.memory_space<vmem>>
        %dma_start3A_162 = arith.constant 0 : i32
        %dma_start3A_163 = tpu.memref_slice %arg8[%add3A_145, %dma_start3A_162] : memref<120x128xi32, #tpu.memory_space<vmem>> -> memref<1x128xi32, #tpu.memory_space<vmem>>
        %dma_start3A_164 = tpu.memref_squeeze %dma_start3A_163 : memref<1x128xi32, #tpu.memory_space<vmem>> -> memref<128xi32, #tpu.memory_space<vmem>>
        %dma_start3A_165 = arith.constant 0 : i32
        %dma_start3A_166 = arith.constant 0 : i32
        %dma_start3A_167 = tpu.memref_slice %arg10[%dma_start3A_165, %dma_start3A_166] : memref<10112x40xf32, #tpu.memory_space<vmem_shared>> -> memref<10112x40xf32, #tpu.memory_space<vmem_shared>>
        tpu.enqueue_indirect_dma source(%dma_start3A_161 : memref<128x40xf32, #tpu.memory_space<vmem>>) target(%dma_start3A_167 : memref<10112x40xf32, #tpu.memory_space<vmem_shared>>) offsets(%dma_start3A_164 : memref<128xi32, #tpu.memory_space<vmem>>) semaphore(%arg20 : memref<!tpu.dma_semaphore, #tpu.memory_space<semaphore_mem>>) {add = true}
        %mul3A_168 = arith.constant 8 : i32
        %mul3A_169 = arith.muli %scan3A_116, %mul3A_168 : i32
        %add3A_170 = arith.constant 2 : i32
        %add3A_171 = arith.addi %mul3A_169, %add3A_170 : i32
        %dma_wait3A_172 = arith.constant 2 : i32
        %dma_wait3A_173 = arith.constant 0 : i32
        %dma_wait3A_174 = arith.constant 0 : i32
        %dma_wait3A_175 = tpu.memref_slice %arg9[%dma_wait3A_172, %dma_wait3A_173, %dma_wait3A_174] : memref<8x128x40xf32, #tpu.memory_space<vmem>> -> memref<1x128x40xf32, #tpu.memory_space<vmem>>
        %dma_wait3A_176 = tpu.memref_squeeze %dma_wait3A_175 : memref<1x128x40xf32, #tpu.memory_space<vmem>> -> memref<128x40xf32, #tpu.memory_space<vmem>>
        %dma_wait3A_177 = arith.constant 0 : i32
        %dma_wait3A_178 = tpu.memref_slice %arg7[%add3A_171, %dma_wait3A_177] : memref<120x128xi32, #tpu.memory_space<vmem>> -> memref<1x128xi32, #tpu.memory_space<vmem>>
        %dma_wait3A_179 = tpu.memref_squeeze %dma_wait3A_178 : memref<1x128xi32, #tpu.memory_space<vmem>> -> memref<128xi32, #tpu.memory_space<vmem>>
        %dma_wait3A_180 = arith.constant 0 : i32
        %dma_wait3A_181 = arith.constant 0 : i32
        %dma_wait3A_182 = tpu.memref_slice %arg2[%dma_wait3A_180, %dma_wait3A_181] : memref<10112x40xf32, #tpu.memory_space<hbm>> -> memref<10112x40xf32, #tpu.memory_space<hbm>>
        tpu.wait_indirect_dma semaphore(%arg13 : memref<!tpu.dma_semaphore, #tpu.memory_space<semaphore_mem>>) src(%dma_wait3A_182 : memref<10112x40xf32, #tpu.memory_space<hbm>>) dst(%dma_wait3A_176 : memref<128x40xf32, #tpu.memory_space<vmem>>)
        %dma_start3A_183 = arith.constant 2 : i32
        %dma_start3A_184 = arith.constant 0 : i32
        %dma_start3A_185 = arith.constant 0 : i32
        %dma_start3A_186 = tpu.memref_slice %arg9[%dma_start3A_183, %dma_start3A_184, %dma_start3A_185] : memref<8x128x40xf32, #tpu.memory_space<vmem>> -> memref<1x128x40xf32, #tpu.memory_space<vmem>>
        %dma_start3A_187 = tpu.memref_squeeze %dma_start3A_186 : memref<1x128x40xf32, #tpu.memory_space<vmem>> -> memref<128x40xf32, #tpu.memory_space<vmem>>
        %dma_start3A_188 = arith.constant 0 : i32
        %dma_start3A_189 = tpu.memref_slice %arg8[%add3A_171, %dma_start3A_188] : memref<120x128xi32, #tpu.memory_space<vmem>> -> memref<1x128xi32, #tpu.memory_space<vmem>>
        %dma_start3A_190 = tpu.memref_squeeze %dma_start3A_189 : memref<1x128xi32, #tpu.memory_space<vmem>> -> memref<128xi32, #tpu.memory_space<vmem>>
        %dma_start3A_191 = arith.constant 0 : i32
        %dma_start3A_192 = arith.constant 0 : i32
        %dma_start3A_193 = tpu.memref_slice %arg10[%dma_start3A_191, %dma_start3A_192] : memref<10112x40xf32, #tpu.memory_space<vmem_shared>> -> memref<10112x40xf32, #tpu.memory_space<vmem_shared>>
        tpu.enqueue_indirect_dma source(%dma_start3A_187 : memref<128x40xf32, #tpu.memory_space<vmem>>) target(%dma_start3A_193 : memref<10112x40xf32, #tpu.memory_space<vmem_shared>>) offsets(%dma_start3A_190 : memref<128xi32, #tpu.memory_space<vmem>>) semaphore(%arg21 : memref<!tpu.dma_semaphore, #tpu.memory_space<semaphore_mem>>) {add = true}
        %mul3A_194 = arith.constant 8 : i32
        %mul3A_195 = arith.muli %scan3A_116, %mul3A_194 : i32
        %add3A_196 = arith.constant 3 : i32
        %add3A_197 = arith.addi %mul3A_195, %add3A_196 : i32
        %dma_wait3A_198 = arith.constant 3 : i32
        %dma_wait3A_199 = arith.constant 0 : i32
        %dma_wait3A_200 = arith.constant 0 : i32
        %dma_wait3A_201 = tpu.memref_slice %arg9[%dma_wait3A_198, %dma_wait3A_199, %dma_wait3A_200] : memref<8x128x40xf32, #tpu.memory_space<vmem>> -> memref<1x128x40xf32, #tpu.memory_space<vmem>>
        %dma_wait3A_202 = tpu.memref_squeeze %dma_wait3A_201 : memref<1x128x40xf32, #tpu.memory_space<vmem>> -> memref<128x40xf32, #tpu.memory_space<vmem>>
        %dma_wait3A_203 = arith.constant 0 : i32
        %dma_wait3A_204 = tpu.memref_slice %arg7[%add3A_197, %dma_wait3A_203] : memref<120x128xi32, #tpu.memory_space<vmem>> -> memref<1x128xi32, #tpu.memory_space<vmem>>
        %dma_wait3A_205 = tpu.memref_squeeze %dma_wait3A_204 : memref<1x128xi32, #tpu.memory_space<vmem>> -> memref<128xi32, #tpu.memory_space<vmem>>
        %dma_wait3A_206 = arith.constant 0 : i32
        %dma_wait3A_207 = arith.constant 0 : i32
        %dma_wait3A_208 = tpu.memref_slice %arg2[%dma_wait3A_206, %dma_wait3A_207] : memref<10112x40xf32, #tpu.memory_space<hbm>> -> memref<10112x40xf32, #tpu.memory_space<hbm>>
        tpu.wait_indirect_dma semaphore(%arg14 : memref<!tpu.dma_semaphore, #tpu.memory_space<semaphore_mem>>) src(%dma_wait3A_208 : memref<10112x40xf32, #tpu.memory_space<hbm>>) dst(%dma_wait3A_202 : memref<128x40xf32, #tpu.memory_space<vmem>>)
        %dma_start3A_209 = arith.constant 3 : i32
        %dma_start3A_210 = arith.constant 0 : i32
        %dma_start3A_211 = arith.constant 0 : i32
        %dma_start3A_212 = tpu.memref_slice %arg9[%dma_start3A_209, %dma_start3A_210, %dma_start3A_211] : memref<8x128x40xf32, #tpu.memory_space<vmem>> -> memref<1x128x40xf32, #tpu.memory_space<vmem>>
        %dma_start3A_213 = tpu.memref_squeeze %dma_start3A_212 : memref<1x128x40xf32, #tpu.memory_space<vmem>> -> memref<128x40xf32, #tpu.memory_space<vmem>>
        %dma_start3A_214 = arith.constant 0 : i32
        %dma_start3A_215 = tpu.memref_slice %arg8[%add3A_197, %dma_start3A_214] : memref<120x128xi32, #tpu.memory_space<vmem>> -> memref<1x128xi32, #tpu.memory_space<vmem>>
        %dma_start3A_216 = tpu.memref_squeeze %dma_start3A_215 : memref<1x128xi32, #tpu.memory_space<vmem>> -> memref<128xi32, #tpu.memory_space<vmem>>
        %dma_start3A_217 = arith.constant 0 : i32
        %dma_start3A_218 = arith.constant 0 : i32
        %dma_start3A_219 = tpu.memref_slice %arg10[%dma_start3A_217, %dma_start3A_218] : memref<10112x40xf32, #tpu.memory_space<vmem_shared>> -> memref<10112x40xf32, #tpu.memory_space<vmem_shared>>
        tpu.enqueue_indirect_dma source(%dma_start3A_213 : memref<128x40xf32, #tpu.memory_space<vmem>>) target(%dma_start3A_219 : memref<10112x40xf32, #tpu.memory_space<vmem_shared>>) offsets(%dma_start3A_216 : memref<128xi32, #tpu.memory_space<vmem>>) semaphore(%arg22 : memref<!tpu.dma_semaphore, #tpu.memory_space<semaphore_mem>>) {add = true}
        %mul3A_220 = arith.constant 8 : i32
        %mul3A_221 = arith.muli %scan3A_116, %mul3A_220 : i32
        %add3A_222 = arith.constant 4 : i32
        %add3A_223 = arith.addi %mul3A_221, %add3A_222 : i32
        %dma_wait3A_224 = arith.constant 4 : i32
        %dma_wait3A_225 = arith.constant 0 : i32
        %dma_wait3A_226 = arith.constant 0 : i32
        %dma_wait3A_227 = tpu.memref_slice %arg9[%dma_wait3A_224, %dma_wait3A_225, %dma_wait3A_226] : memref<8x128x40xf32, #tpu.memory_space<vmem>> -> memref<1x128x40xf32, #tpu.memory_space<vmem>>
        %dma_wait3A_228 = tpu.memref_squeeze %dma_wait3A_227 : memref<1x128x40xf32, #tpu.memory_space<vmem>> -> memref<128x40xf32, #tpu.memory_space<vmem>>
        %dma_wait3A_229 = arith.constant 0 : i32
        %dma_wait3A_230 = tpu.memref_slice %arg7[%add3A_223, %dma_wait3A_229] : memref<120x128xi32, #tpu.memory_space<vmem>> -> memref<1x128xi32, #tpu.memory_space<vmem>>
        %dma_wait3A_231 = tpu.memref_squeeze %dma_wait3A_230 : memref<1x128xi32, #tpu.memory_space<vmem>> -> memref<128xi32, #tpu.memory_space<vmem>>
        %dma_wait3A_232 = arith.constant 0 : i32
        %dma_wait3A_233 = arith.constant 0 : i32
        %dma_wait3A_234 = tpu.memref_slice %arg2[%dma_wait3A_232, %dma_wait3A_233] : memref<10112x40xf32, #tpu.memory_space<hbm>> -> memref<10112x40xf32, #tpu.memory_space<hbm>>
        tpu.wait_indirect_dma semaphore(%arg15 : memref<!tpu.dma_semaphore, #tpu.memory_space<semaphore_mem>>) src(%dma_wait3A_234 : memref<10112x40xf32, #tpu.memory_space<hbm>>) dst(%dma_wait3A_228 : memref<128x40xf32, #tpu.memory_space<vmem>>)
        %dma_start3A_235 = arith.constant 4 : i32
        %dma_start3A_236 = arith.constant 0 : i32
        %dma_start3A_237 = arith.constant 0 : i32
        %dma_start3A_238 = tpu.memref_slice %arg9[%dma_start3A_235, %dma_start3A_236, %dma_start3A_237] : memref<8x128x40xf32, #tpu.memory_space<vmem>> -> memref<1x128x40xf32, #tpu.memory_space<vmem>>
        %dma_start3A_239 = tpu.memref_squeeze %dma_start3A_238 : memref<1x128x40xf32, #tpu.memory_space<vmem>> -> memref<128x40xf32, #tpu.memory_space<vmem>>
        %dma_start3A_240 = arith.constant 0 : i32
        %dma_start3A_241 = tpu.memref_slice %arg8[%add3A_223, %dma_start3A_240] : memref<120x128xi32, #tpu.memory_space<vmem>> -> memref<1x128xi32, #tpu.memory_space<vmem>>
        %dma_start3A_242 = tpu.memref_squeeze %dma_start3A_241 : memref<1x128xi32, #tpu.memory_space<vmem>> -> memref<128xi32, #tpu.memory_space<vmem>>
        %dma_start3A_243 = arith.constant 0 : i32
        %dma_start3A_244 = arith.constant 0 : i32
        %dma_start3A_245 = tpu.memref_slice %arg10[%dma_start3A_243, %dma_start3A_244] : memref<10112x40xf32, #tpu.memory_space<vmem_shared>> -> memref<10112x40xf32, #tpu.memory_space<vmem_shared>>
        tpu.enqueue_indirect_dma source(%dma_start3A_239 : memref<128x40xf32, #tpu.memory_space<vmem>>) target(%dma_start3A_245 : memref<10112x40xf32, #tpu.memory_space<vmem_shared>>) offsets(%dma_start3A_242 : memref<128xi32, #tpu.memory_space<vmem>>) semaphore(%arg23 : memref<!tpu.dma_semaphore, #tpu.memory_space<semaphore_mem>>) {add = true}
        %mul3A_246 = arith.constant 8 : i32
        %mul3A_247 = arith.muli %scan3A_116, %mul3A_246 : i32
        %add3A_248 = arith.constant 5 : i32
        %add3A_249 = arith.addi %mul3A_247, %add3A_248 : i32
        %dma_wait3A_250 = arith.constant 5 : i32
        %dma_wait3A_251 = arith.constant 0 : i32
        %dma_wait3A_252 = arith.constant 0 : i32
        %dma_wait3A_253 = tpu.memref_slice %arg9[%dma_wait3A_250, %dma_wait3A_251, %dma_wait3A_252] : memref<8x128x40xf32, #tpu.memory_space<vmem>> -> memref<1x128x40xf32, #tpu.memory_space<vmem>>
        %dma_wait3A_254 = tpu.memref_squeeze %dma_wait3A_253 : memref<1x128x40xf32, #tpu.memory_space<vmem>> -> memref<128x40xf32, #tpu.memory_space<vmem>>
        %dma_wait3A_255 = arith.constant 0 : i32
        %dma_wait3A_256 = tpu.memref_slice %arg7[%add3A_249, %dma_wait3A_255] : memref<120x128xi32, #tpu.memory_space<vmem>> -> memref<1x128xi32, #tpu.memory_space<vmem>>
        %dma_wait3A_257 = tpu.memref_squeeze %dma_wait3A_256 : memref<1x128xi32, #tpu.memory_space<vmem>> -> memref<128xi32, #tpu.memory_space<vmem>>
        %dma_wait3A_258 = arith.constant 0 : i32
        %dma_wait3A_259 = arith.constant 0 : i32
        %dma_wait3A_260 = tpu.memref_slice %arg2[%dma_wait3A_258, %dma_wait3A_259] : memref<10112x40xf32, #tpu.memory_space<hbm>> -> memref<10112x40xf32, #tpu.memory_space<hbm>>
        tpu.wait_indirect_dma semaphore(%arg16 : memref<!tpu.dma_semaphore, #tpu.memory_space<semaphore_mem>>) src(%dma_wait3A_260 : memref<10112x40xf32, #tpu.memory_space<hbm>>) dst(%dma_wait3A_254 : memref<128x40xf32, #tpu.memory_space<vmem>>)
        %dma_start3A_261 = arith.constant 5 : i32
        %dma_start3A_262 = arith.constant 0 : i32
        %dma_start3A_263 = arith.constant 0 : i32
        %dma_start3A_264 = tpu.memref_slice %arg9[%dma_start3A_261, %dma_start3A_262, %dma_start3A_263] : memref<8x128x40xf32, #tpu.memory_space<vmem>> -> memref<1x128x40xf32, #tpu.memory_space<vmem>>
        %dma_start3A_265 = tpu.memref_squeeze %dma_start3A_264 : memref<1x128x40xf32, #tpu.memory_space<vmem>> -> memref<128x40xf32, #tpu.memory_space<vmem>>
        %dma_start3A_266 = arith.constant 0 : i32
        %dma_start3A_267 = tpu.memref_slice %arg8[%add3A_249, %dma_start3A_266] : memref<120x128xi32, #tpu.memory_space<vmem>> -> memref<1x128xi32, #tpu.memory_space<vmem>>
        %dma_start3A_268 = tpu.memref_squeeze %dma_start3A_267 : memref<1x128xi32, #tpu.memory_space<vmem>> -> memref<128xi32, #tpu.memory_space<vmem>>
        %dma_start3A_269 = arith.constant 0 : i32
        %dma_start3A_270 = arith.constant 0 : i32
        %dma_start3A_271 = tpu.memref_slice %arg10[%dma_start3A_269, %dma_start3A_270] : memref<10112x40xf32, #tpu.memory_space<vmem_shared>> -> memref<10112x40xf32, #tpu.memory_space<vmem_shared>>
        tpu.enqueue_indirect_dma source(%dma_start3A_265 : memref<128x40xf32, #tpu.memory_space<vmem>>) target(%dma_start3A_271 : memref<10112x40xf32, #tpu.memory_space<vmem_shared>>) offsets(%dma_start3A_268 : memref<128xi32, #tpu.memory_space<vmem>>) semaphore(%arg24 : memref<!tpu.dma_semaphore, #tpu.memory_space<semaphore_mem>>) {add = true}
        %mul3A_272 = arith.constant 8 : i32
        %mul3A_273 = arith.muli %scan3A_116, %mul3A_272 : i32
        %add3A_274 = arith.constant 6 : i32
        %add3A_275 = arith.addi %mul3A_273, %add3A_274 : i32
        %dma_wait3A_276 = arith.constant 6 : i32
        %dma_wait3A_277 = arith.constant 0 : i32
        %dma_wait3A_278 = arith.constant 0 : i32
        %dma_wait3A_279 = tpu.memref_slice %arg9[%dma_wait3A_276, %dma_wait3A_277, %dma_wait3A_278] : memref<8x128x40xf32, #tpu.memory_space<vmem>> -> memref<1x128x40xf32, #tpu.memory_space<vmem>>
        %dma_wait3A_280 = tpu.memref_squeeze %dma_wait3A_279 : memref<1x128x40xf32, #tpu.memory_space<vmem>> -> memref<128x40xf32, #tpu.memory_space<vmem>>
        %dma_wait3A_281 = arith.constant 0 : i32
        %dma_wait3A_282 = tpu.memref_slice %arg7[%add3A_275, %dma_wait3A_281] : memref<120x128xi32, #tpu.memory_space<vmem>> -> memref<1x128xi32, #tpu.memory_space<vmem>>
        %dma_wait3A_283 = tpu.memref_squeeze %dma_wait3A_282 : memref<1x128xi32, #tpu.memory_space<vmem>> -> memref<128xi32, #tpu.memory_space<vmem>>
        %dma_wait3A_284 = arith.constant 0 : i32
        %dma_wait3A_285 = arith.constant 0 : i32
        %dma_wait3A_286 = tpu.memref_slice %arg2[%dma_wait3A_284, %dma_wait3A_285] : memref<10112x40xf32, #tpu.memory_space<hbm>> -> memref<10112x40xf32, #tpu.memory_space<hbm>>
        tpu.wait_indirect_dma semaphore(%arg17 : memref<!tpu.dma_semaphore, #tpu.memory_space<semaphore_mem>>) src(%dma_wait3A_286 : memref<10112x40xf32, #tpu.memory_space<hbm>>) dst(%dma_wait3A_280 : memref<128x40xf32, #tpu.memory_space<vmem>>)
        %dma_start3A_287 = arith.constant 6 : i32
        %dma_start3A_288 = arith.constant 0 : i32
        %dma_start3A_289 = arith.constant 0 : i32
        %dma_start3A_290 = tpu.memref_slice %arg9[%dma_start3A_287, %dma_start3A_288, %dma_start3A_289] : memref<8x128x40xf32, #tpu.memory_space<vmem>> -> memref<1x128x40xf32, #tpu.memory_space<vmem>>
        %dma_start3A_291 = tpu.memref_squeeze %dma_start3A_290 : memref<1x128x40xf32, #tpu.memory_space<vmem>> -> memref<128x40xf32, #tpu.memory_space<vmem>>
        %dma_start3A_292 = arith.constant 0 : i32
        %dma_start3A_293 = tpu.memref_slice %arg8[%add3A_275, %dma_start3A_292] : memref<120x128xi32, #tpu.memory_space<vmem>> -> memref<1x128xi32, #tpu.memory_space<vmem>>
        %dma_start3A_294 = tpu.memref_squeeze %dma_start3A_293 : memref<1x128xi32, #tpu.memory_space<vmem>> -> memref<128xi32, #tpu.memory_space<vmem>>
        %dma_start3A_295 = arith.constant 0 : i32
        %dma_start3A_296 = arith.constant 0 : i32
        %dma_start3A_297 = tpu.memref_slice %arg10[%dma_start3A_295, %dma_start3A_296] : memref<10112x40xf32, #tpu.memory_space<vmem_shared>> -> memref<10112x40xf32, #tpu.memory_space<vmem_shared>>
        tpu.enqueue_indirect_dma source(%dma_start3A_291 : memref<128x40xf32, #tpu.memory_space<vmem>>) target(%dma_start3A_297 : memref<10112x40xf32, #tpu.memory_space<vmem_shared>>) offsets(%dma_start3A_294 : memref<128xi32, #tpu.memory_space<vmem>>) semaphore(%arg25 : memref<!tpu.dma_semaphore, #tpu.memory_space<semaphore_mem>>) {add = true}
        %mul3A_298 = arith.constant 8 : i32
        %mul3A_299 = arith.muli %scan3A_116, %mul3A_298 : i32
        %add3A_300 = arith.constant 7 : i32
        %add3A_301 = arith.addi %mul3A_299, %add3A_300 : i32
        %dma_wait3A_302 = arith.constant 7 : i32
        %dma_wait3A_303 = arith.constant 0 : i32
        %dma_wait3A_304 = arith.constant 0 : i32
        %dma_wait3A_305 = tpu.memref_slice %arg9[%dma_wait3A_302, %dma_wait3A_303, %dma_wait3A_304] : memref<8x128x40xf32, #tpu.memory_space<vmem>> -> memref<1x128x40xf32, #tpu.memory_space<vmem>>
        %dma_wait3A_306 = tpu.memref_squeeze %dma_wait3A_305 : memref<1x128x40xf32, #tpu.memory_space<vmem>> -> memref<128x40xf32, #tpu.memory_space<vmem>>
        %dma_wait3A_307 = arith.constant 0 : i32
        %dma_wait3A_308 = tpu.memref_slice %arg7[%add3A_301, %dma_wait3A_307] : memref<120x128xi32, #tpu.memory_space<vmem>> -> memref<1x128xi32, #tpu.memory_space<vmem>>
        %dma_wait3A_309 = tpu.memref_squeeze %dma_wait3A_308 : memref<1x128xi32, #tpu.memory_space<vmem>> -> memref<128xi32, #tpu.memory_space<vmem>>
        %dma_wait3A_310 = arith.constant 0 : i32
        %dma_wait3A_311 = arith.constant 0 : i32
        %dma_wait3A_312 = tpu.memref_slice %arg2[%dma_wait3A_310, %dma_wait3A_311] : memref<10112x40xf32, #tpu.memory_space<hbm>> -> memref<10112x40xf32, #tpu.memory_space<hbm>>
        tpu.wait_indirect_dma semaphore(%arg18 : memref<!tpu.dma_semaphore, #tpu.memory_space<semaphore_mem>>) src(%dma_wait3A_312 : memref<10112x40xf32, #tpu.memory_space<hbm>>) dst(%dma_wait3A_306 : memref<128x40xf32, #tpu.memory_space<vmem>>)
        %dma_start3A_313 = arith.constant 7 : i32
        %dma_start3A_314 = arith.constant 0 : i32
        %dma_start3A_315 = arith.constant 0 : i32
        %dma_start3A_316 = tpu.memref_slice %arg9[%dma_start3A_313, %dma_start3A_314, %dma_start3A_315] : memref<8x128x40xf32, #tpu.memory_space<vmem>> -> memref<1x128x40xf32, #tpu.memory_space<vmem>>
        %dma_start3A_317 = tpu.memref_squeeze %dma_start3A_316 : memref<1x128x40xf32, #tpu.memory_space<vmem>> -> memref<128x40xf32, #tpu.memory_space<vmem>>
        %dma_start3A_318 = arith.constant 0 : i32
        %dma_start3A_319 = tpu.memref_slice %arg8[%add3A_301, %dma_start3A_318] : memref<120x128xi32, #tpu.memory_space<vmem>> -> memref<1x128xi32, #tpu.memory_space<vmem>>
        %dma_start3A_320 = tpu.memref_squeeze %dma_start3A_319 : memref<1x128xi32, #tpu.memory_space<vmem>> -> memref<128xi32, #tpu.memory_space<vmem>>
        %dma_start3A_321 = arith.constant 0 : i32
        %dma_start3A_322 = arith.constant 0 : i32
        %dma_start3A_323 = tpu.memref_slice %arg10[%dma_start3A_321, %dma_start3A_322] : memref<10112x40xf32, #tpu.memory_space<vmem_shared>> -> memref<10112x40xf32, #tpu.memory_space<vmem_shared>>
        tpu.enqueue_indirect_dma source(%dma_start3A_317 : memref<128x40xf32, #tpu.memory_space<vmem>>) target(%dma_start3A_323 : memref<10112x40xf32, #tpu.memory_space<vmem_shared>>) offsets(%dma_start3A_320 : memref<128xi32, #tpu.memory_space<vmem>>) semaphore(%arg26 : memref<!tpu.dma_semaphore, #tpu.memory_space<semaphore_mem>>) {add = true}
        %mul3A_324 = arith.constant 8 : i32
        %mul3A_325 = arith.muli %scan3A_116, %mul3A_324 : i32
        %add3A_326 = arith.constant 0 : i32
        %add3A_327 = arith.addi %mul3A_325, %add3A_326 : i32
        %dma_wait3A_328 = arith.constant 0 : i32
        %dma_wait3A_329 = arith.constant 0 : i32
        %dma_wait3A_330 = arith.constant 0 : i32
        %dma_wait3A_331 = tpu.memref_slice %arg9[%dma_wait3A_328, %dma_wait3A_329, %dma_wait3A_330] : memref<8x128x40xf32, #tpu.memory_space<vmem>> -> memref<1x128x40xf32, #tpu.memory_space<vmem>>
        %dma_wait3A_332 = tpu.memref_squeeze %dma_wait3A_331 : memref<1x128x40xf32, #tpu.memory_space<vmem>> -> memref<128x40xf32, #tpu.memory_space<vmem>>
        %dma_wait3A_333 = arith.constant 0 : i32
        %dma_wait3A_334 = tpu.memref_slice %arg8[%add3A_119, %dma_wait3A_333] : memref<120x128xi32, #tpu.memory_space<vmem>> -> memref<1x128xi32, #tpu.memory_space<vmem>>
        %dma_wait3A_335 = tpu.memref_squeeze %dma_wait3A_334 : memref<1x128xi32, #tpu.memory_space<vmem>> -> memref<128xi32, #tpu.memory_space<vmem>>
        %dma_wait3A_336 = arith.constant 0 : i32
        %dma_wait3A_337 = arith.constant 0 : i32
        %dma_wait3A_338 = tpu.memref_slice %arg10[%dma_wait3A_336, %dma_wait3A_337] : memref<10112x40xf32, #tpu.memory_space<vmem_shared>> -> memref<10112x40xf32, #tpu.memory_space<vmem_shared>>
        tpu.wait_indirect_dma semaphore(%arg19 : memref<!tpu.dma_semaphore, #tpu.memory_space<semaphore_mem>>) src(%dma_wait3A_332 : memref<128x40xf32, #tpu.memory_space<vmem>>) dst(%dma_wait3A_338 : memref<10112x40xf32, #tpu.memory_space<vmem_shared>>)
        %lt3A = arith.constant 14 : i32
        %lt3A_339 = arith.cmpi slt, %scan3A_116, %lt3A : i32
        %convert_element_type3A_340 = arith.extui %lt3A_339 : i1 to i32
        %cond3A_341 = arith.constant 0 : i32
        %cond3A_342 = arith.cmpi ne, %convert_element_type3A_340, %cond3A_341 : i32
        scf.if %cond3A_342 {
          %add3A_483 = arith.constant 8 : i32
          %add3A_484 = arith.addi %add3A_327, %add3A_483 : i32
          %dma_start3A_485 = arith.constant 0 : i32
          %dma_start3A_486 = arith.constant 0 : i32
          %dma_start3A_487 = arith.constant 0 : i32
          %dma_start3A_488 = tpu.memref_slice %arg9[%dma_start3A_485, %dma_start3A_486, %dma_start3A_487] : memref<8x128x40xf32, #tpu.memory_space<vmem>> -> memref<1x128x40xf32, #tpu.memory_space<vmem>>
          %dma_start3A_489 = tpu.memref_squeeze %dma_start3A_488 : memref<1x128x40xf32, #tpu.memory_space<vmem>> -> memref<128x40xf32, #tpu.memory_space<vmem>>
          %dma_start3A_490 = arith.constant 0 : i32
          %dma_start3A_491 = tpu.memref_slice %arg7[%add3A_484, %dma_start3A_490] : memref<120x128xi32, #tpu.memory_space<vmem>> -> memref<1x128xi32, #tpu.memory_space<vmem>>
          %dma_start3A_492 = tpu.memref_squeeze %dma_start3A_491 : memref<1x128xi32, #tpu.memory_space<vmem>> -> memref<128xi32, #tpu.memory_space<vmem>>
          %dma_start3A_493 = arith.constant 0 : i32
          %dma_start3A_494 = arith.constant 0 : i32
          %dma_start3A_495 = tpu.memref_slice %arg2[%dma_start3A_493, %dma_start3A_494] : memref<10112x40xf32, #tpu.memory_space<hbm>> -> memref<10112x40xf32, #tpu.memory_space<hbm>>
          tpu.enqueue_indirect_dma source(%dma_start3A_495 : memref<10112x40xf32, #tpu.memory_space<hbm>>) target(%dma_start3A_489 : memref<128x40xf32, #tpu.memory_space<vmem>>) offsets(%dma_start3A_492 : memref<128xi32, #tpu.memory_space<vmem>>) semaphore(%arg11 : memref<!tpu.dma_semaphore, #tpu.memory_space<semaphore_mem>>)
        } else {
        }
        %mul3A_343 = arith.constant 8 : i32
        %mul3A_344 = arith.muli %scan3A_116, %mul3A_343 : i32
        %add3A_345 = arith.constant 1 : i32
        %add3A_346 = arith.addi %mul3A_344, %add3A_345 : i32
        %dma_wait3A_347 = arith.constant 1 : i32
        %dma_wait3A_348 = arith.constant 0 : i32
        %dma_wait3A_349 = arith.constant 0 : i32
        %dma_wait3A_350 = tpu.memref_slice %arg9[%dma_wait3A_347, %dma_wait3A_348, %dma_wait3A_349] : memref<8x128x40xf32, #tpu.memory_space<vmem>> -> memref<1x128x40xf32, #tpu.memory_space<vmem>>
        %dma_wait3A_351 = tpu.memref_squeeze %dma_wait3A_350 : memref<1x128x40xf32, #tpu.memory_space<vmem>> -> memref<128x40xf32, #tpu.memory_space<vmem>>
        %dma_wait3A_352 = arith.constant 0 : i32
        %dma_wait3A_353 = tpu.memref_slice %arg8[%add3A_145, %dma_wait3A_352] : memref<120x128xi32, #tpu.memory_space<vmem>> -> memref<1x128xi32, #tpu.memory_space<vmem>>
        %dma_wait3A_354 = tpu.memref_squeeze %dma_wait3A_353 : memref<1x128xi32, #tpu.memory_space<vmem>> -> memref<128xi32, #tpu.memory_space<vmem>>
        %dma_wait3A_355 = arith.constant 0 : i32
        %dma_wait3A_356 = arith.constant 0 : i32
        %dma_wait3A_357 = tpu.memref_slice %arg10[%dma_wait3A_355, %dma_wait3A_356] : memref<10112x40xf32, #tpu.memory_space<vmem_shared>> -> memref<10112x40xf32, #tpu.memory_space<vmem_shared>>
        tpu.wait_indirect_dma semaphore(%arg20 : memref<!tpu.dma_semaphore, #tpu.memory_space<semaphore_mem>>) src(%dma_wait3A_351 : memref<128x40xf32, #tpu.memory_space<vmem>>) dst(%dma_wait3A_357 : memref<10112x40xf32, #tpu.memory_space<vmem_shared>>)
        %lt3A_358 = arith.constant 14 : i32
        %lt3A_359 = arith.cmpi slt, %scan3A_116, %lt3A_358 : i32
        %convert_element_type3A_360 = arith.extui %lt3A_359 : i1 to i32
        %cond3A_361 = arith.constant 0 : i32
        %cond3A_362 = arith.cmpi ne, %convert_element_type3A_360, %cond3A_361 : i32
        scf.if %cond3A_362 {
          %add3A_483 = arith.constant 8 : i32
          %add3A_484 = arith.addi %add3A_346, %add3A_483 : i32
          %dma_start3A_485 = arith.constant 1 : i32
          %dma_start3A_486 = arith.constant 0 : i32
          %dma_start3A_487 = arith.constant 0 : i32
          %dma_start3A_488 = tpu.memref_slice %arg9[%dma_start3A_485, %dma_start3A_486, %dma_start3A_487] : memref<8x128x40xf32, #tpu.memory_space<vmem>> -> memref<1x128x40xf32, #tpu.memory_space<vmem>>
          %dma_start3A_489 = tpu.memref_squeeze %dma_start3A_488 : memref<1x128x40xf32, #tpu.memory_space<vmem>> -> memref<128x40xf32, #tpu.memory_space<vmem>>
          %dma_start3A_490 = arith.constant 0 : i32
          %dma_start3A_491 = tpu.memref_slice %arg7[%add3A_484, %dma_start3A_490] : memref<120x128xi32, #tpu.memory_space<vmem>> -> memref<1x128xi32, #tpu.memory_space<vmem>>
          %dma_start3A_492 = tpu.memref_squeeze %dma_start3A_491 : memref<1x128xi32, #tpu.memory_space<vmem>> -> memref<128xi32, #tpu.memory_space<vmem>>
          %dma_start3A_493 = arith.constant 0 : i32
          %dma_start3A_494 = arith.constant 0 : i32
          %dma_start3A_495 = tpu.memref_slice %arg2[%dma_start3A_493, %dma_start3A_494] : memref<10112x40xf32, #tpu.memory_space<hbm>> -> memref<10112x40xf32, #tpu.memory_space<hbm>>
          tpu.enqueue_indirect_dma source(%dma_start3A_495 : memref<10112x40xf32, #tpu.memory_space<hbm>>) target(%dma_start3A_489 : memref<128x40xf32, #tpu.memory_space<vmem>>) offsets(%dma_start3A_492 : memref<128xi32, #tpu.memory_space<vmem>>) semaphore(%arg12 : memref<!tpu.dma_semaphore, #tpu.memory_space<semaphore_mem>>)
        } else {
        }
        %mul3A_363 = arith.constant 8 : i32
        %mul3A_364 = arith.muli %scan3A_116, %mul3A_363 : i32
        %add3A_365 = arith.constant 2 : i32
        %add3A_366 = arith.addi %mul3A_364, %add3A_365 : i32
        %dma_wait3A_367 = arith.constant 2 : i32
        %dma_wait3A_368 = arith.constant 0 : i32
        %dma_wait3A_369 = arith.constant 0 : i32
        %dma_wait3A_370 = tpu.memref_slice %arg9[%dma_wait3A_367, %dma_wait3A_368, %dma_wait3A_369] : memref<8x128x40xf32, #tpu.memory_space<vmem>> -> memref<1x128x40xf32, #tpu.memory_space<vmem>>
        %dma_wait3A_371 = tpu.memref_squeeze %dma_wait3A_370 : memref<1x128x40xf32, #tpu.memory_space<vmem>> -> memref<128x40xf32, #tpu.memory_space<vmem>>
        %dma_wait3A_372 = arith.constant 0 : i32
        %dma_wait3A_373 = tpu.memref_slice %arg8[%add3A_171, %dma_wait3A_372] : memref<120x128xi32, #tpu.memory_space<vmem>> -> memref<1x128xi32, #tpu.memory_space<vmem>>
        %dma_wait3A_374 = tpu.memref_squeeze %dma_wait3A_373 : memref<1x128xi32, #tpu.memory_space<vmem>> -> memref<128xi32, #tpu.memory_space<vmem>>
        %dma_wait3A_375 = arith.constant 0 : i32
        %dma_wait3A_376 = arith.constant 0 : i32
        %dma_wait3A_377 = tpu.memref_slice %arg10[%dma_wait3A_375, %dma_wait3A_376] : memref<10112x40xf32, #tpu.memory_space<vmem_shared>> -> memref<10112x40xf32, #tpu.memory_space<vmem_shared>>
        tpu.wait_indirect_dma semaphore(%arg21 : memref<!tpu.dma_semaphore, #tpu.memory_space<semaphore_mem>>) src(%dma_wait3A_371 : memref<128x40xf32, #tpu.memory_space<vmem>>) dst(%dma_wait3A_377 : memref<10112x40xf32, #tpu.memory_space<vmem_shared>>)
        %lt3A_378 = arith.constant 14 : i32
        %lt3A_379 = arith.cmpi slt, %scan3A_116, %lt3A_378 : i32
        %convert_element_type3A_380 = arith.extui %lt3A_379 : i1 to i32
        %cond3A_381 = arith.constant 0 : i32
        %cond3A_382 = arith.cmpi ne, %convert_element_type3A_380, %cond3A_381 : i32
        scf.if %cond3A_382 {
          %add3A_483 = arith.constant 8 : i32
          %add3A_484 = arith.addi %add3A_366, %add3A_483 : i32
          %dma_start3A_485 = arith.constant 2 : i32
          %dma_start3A_486 = arith.constant 0 : i32
          %dma_start3A_487 = arith.constant 0 : i32
          %dma_start3A_488 = tpu.memref_slice %arg9[%dma_start3A_485, %dma_start3A_486, %dma_start3A_487] : memref<8x128x40xf32, #tpu.memory_space<vmem>> -> memref<1x128x40xf32, #tpu.memory_space<vmem>>
          %dma_start3A_489 = tpu.memref_squeeze %dma_start3A_488 : memref<1x128x40xf32, #tpu.memory_space<vmem>> -> memref<128x40xf32, #tpu.memory_space<vmem>>
          %dma_start3A_490 = arith.constant 0 : i32
          %dma_start3A_491 = tpu.memref_slice %arg7[%add3A_484, %dma_start3A_490] : memref<120x128xi32, #tpu.memory_space<vmem>> -> memref<1x128xi32, #tpu.memory_space<vmem>>
          %dma_start3A_492 = tpu.memref_squeeze %dma_start3A_491 : memref<1x128xi32, #tpu.memory_space<vmem>> -> memref<128xi32, #tpu.memory_space<vmem>>
          %dma_start3A_493 = arith.constant 0 : i32
          %dma_start3A_494 = arith.constant 0 : i32
          %dma_start3A_495 = tpu.memref_slice %arg2[%dma_start3A_493, %dma_start3A_494] : memref<10112x40xf32, #tpu.memory_space<hbm>> -> memref<10112x40xf32, #tpu.memory_space<hbm>>
          tpu.enqueue_indirect_dma source(%dma_start3A_495 : memref<10112x40xf32, #tpu.memory_space<hbm>>) target(%dma_start3A_489 : memref<128x40xf32, #tpu.memory_space<vmem>>) offsets(%dma_start3A_492 : memref<128xi32, #tpu.memory_space<vmem>>) semaphore(%arg13 : memref<!tpu.dma_semaphore, #tpu.memory_space<semaphore_mem>>)
        } else {
        }
        %mul3A_383 = arith.constant 8 : i32
        %mul3A_384 = arith.muli %scan3A_116, %mul3A_383 : i32
        %add3A_385 = arith.constant 3 : i32
        %add3A_386 = arith.addi %mul3A_384, %add3A_385 : i32
        %dma_wait3A_387 = arith.constant 3 : i32
        %dma_wait3A_388 = arith.constant 0 : i32
        %dma_wait3A_389 = arith.constant 0 : i32
        %dma_wait3A_390 = tpu.memref_slice %arg9[%dma_wait3A_387, %dma_wait3A_388, %dma_wait3A_389] : memref<8x128x40xf32, #tpu.memory_space<vmem>> -> memref<1x128x40xf32, #tpu.memory_space<vmem>>
        %dma_wait3A_391 = tpu.memref_squeeze %dma_wait3A_390 : memref<1x128x40xf32, #tpu.memory_space<vmem>> -> memref<128x40xf32, #tpu.memory_space<vmem>>
        %dma_wait3A_392 = arith.constant 0 : i32
        %dma_wait3A_393 = tpu.memref_slice %arg8[%add3A_197, %dma_wait3A_392] : memref<120x128xi32, #tpu.memory_space<vmem>> -> memref<1x128xi32, #tpu.memory_space<vmem>>
        %dma_wait3A_394 = tpu.memref_squeeze %dma_wait3A_393 : memref<1x128xi32, #tpu.memory_space<vmem>> -> memref<128xi32, #tpu.memory_space<vmem>>
        %dma_wait3A_395 = arith.constant 0 : i32
        %dma_wait3A_396 = arith.constant 0 : i32
        %dma_wait3A_397 = tpu.memref_slice %arg10[%dma_wait3A_395, %dma_wait3A_396] : memref<10112x40xf32, #tpu.memory_space<vmem_shared>> -> memref<10112x40xf32, #tpu.memory_space<vmem_shared>>
        tpu.wait_indirect_dma semaphore(%arg22 : memref<!tpu.dma_semaphore, #tpu.memory_space<semaphore_mem>>) src(%dma_wait3A_391 : memref<128x40xf32, #tpu.memory_space<vmem>>) dst(%dma_wait3A_397 : memref<10112x40xf32, #tpu.memory_space<vmem_shared>>)
        %lt3A_398 = arith.constant 14 : i32
        %lt3A_399 = arith.cmpi slt, %scan3A_116, %lt3A_398 : i32
        %convert_element_type3A_400 = arith.extui %lt3A_399 : i1 to i32
        %cond3A_401 = arith.constant 0 : i32
        %cond3A_402 = arith.cmpi ne, %convert_element_type3A_400, %cond3A_401 : i32
        scf.if %cond3A_402 {
          %add3A_483 = arith.constant 8 : i32
          %add3A_484 = arith.addi %add3A_386, %add3A_483 : i32
          %dma_start3A_485 = arith.constant 3 : i32
          %dma_start3A_486 = arith.constant 0 : i32
          %dma_start3A_487 = arith.constant 0 : i32
          %dma_start3A_488 = tpu.memref_slice %arg9[%dma_start3A_485, %dma_start3A_486, %dma_start3A_487] : memref<8x128x40xf32, #tpu.memory_space<vmem>> -> memref<1x128x40xf32, #tpu.memory_space<vmem>>
          %dma_start3A_489 = tpu.memref_squeeze %dma_start3A_488 : memref<1x128x40xf32, #tpu.memory_space<vmem>> -> memref<128x40xf32, #tpu.memory_space<vmem>>
          %dma_start3A_490 = arith.constant 0 : i32
          %dma_start3A_491 = tpu.memref_slice %arg7[%add3A_484, %dma_start3A_490] : memref<120x128xi32, #tpu.memory_space<vmem>> -> memref<1x128xi32, #tpu.memory_space<vmem>>
          %dma_start3A_492 = tpu.memref_squeeze %dma_start3A_491 : memref<1x128xi32, #tpu.memory_space<vmem>> -> memref<128xi32, #tpu.memory_space<vmem>>
          %dma_start3A_493 = arith.constant 0 : i32
          %dma_start3A_494 = arith.constant 0 : i32
          %dma_start3A_495 = tpu.memref_slice %arg2[%dma_start3A_493, %dma_start3A_494] : memref<10112x40xf32, #tpu.memory_space<hbm>> -> memref<10112x40xf32, #tpu.memory_space<hbm>>
          tpu.enqueue_indirect_dma source(%dma_start3A_495 : memref<10112x40xf32, #tpu.memory_space<hbm>>) target(%dma_start3A_489 : memref<128x40xf32, #tpu.memory_space<vmem>>) offsets(%dma_start3A_492 : memref<128xi32, #tpu.memory_space<vmem>>) semaphore(%arg14 : memref<!tpu.dma_semaphore, #tpu.memory_space<semaphore_mem>>)
        } else {
        }
        %mul3A_403 = arith.constant 8 : i32
        %mul3A_404 = arith.muli %scan3A_116, %mul3A_403 : i32
        %add3A_405 = arith.constant 4 : i32
        %add3A_406 = arith.addi %mul3A_404, %add3A_405 : i32
        %dma_wait3A_407 = arith.constant 4 : i32
        %dma_wait3A_408 = arith.constant 0 : i32
        %dma_wait3A_409 = arith.constant 0 : i32
        %dma_wait3A_410 = tpu.memref_slice %arg9[%dma_wait3A_407, %dma_wait3A_408, %dma_wait3A_409] : memref<8x128x40xf32, #tpu.memory_space<vmem>> -> memref<1x128x40xf32, #tpu.memory_space<vmem>>
        %dma_wait3A_411 = tpu.memref_squeeze %dma_wait3A_410 : memref<1x128x40xf32, #tpu.memory_space<vmem>> -> memref<128x40xf32, #tpu.memory_space<vmem>>
        %dma_wait3A_412 = arith.constant 0 : i32
        %dma_wait3A_413 = tpu.memref_slice %arg8[%add3A_223, %dma_wait3A_412] : memref<120x128xi32, #tpu.memory_space<vmem>> -> memref<1x128xi32, #tpu.memory_space<vmem>>
        %dma_wait3A_414 = tpu.memref_squeeze %dma_wait3A_413 : memref<1x128xi32, #tpu.memory_space<vmem>> -> memref<128xi32, #tpu.memory_space<vmem>>
        %dma_wait3A_415 = arith.constant 0 : i32
        %dma_wait3A_416 = arith.constant 0 : i32
        %dma_wait3A_417 = tpu.memref_slice %arg10[%dma_wait3A_415, %dma_wait3A_416] : memref<10112x40xf32, #tpu.memory_space<vmem_shared>> -> memref<10112x40xf32, #tpu.memory_space<vmem_shared>>
        tpu.wait_indirect_dma semaphore(%arg23 : memref<!tpu.dma_semaphore, #tpu.memory_space<semaphore_mem>>) src(%dma_wait3A_411 : memref<128x40xf32, #tpu.memory_space<vmem>>) dst(%dma_wait3A_417 : memref<10112x40xf32, #tpu.memory_space<vmem_shared>>)
        %lt3A_418 = arith.constant 14 : i32
        %lt3A_419 = arith.cmpi slt, %scan3A_116, %lt3A_418 : i32
        %convert_element_type3A_420 = arith.extui %lt3A_419 : i1 to i32
        %cond3A_421 = arith.constant 0 : i32
        %cond3A_422 = arith.cmpi ne, %convert_element_type3A_420, %cond3A_421 : i32
        scf.if %cond3A_422 {
          %add3A_483 = arith.constant 8 : i32
          %add3A_484 = arith.addi %add3A_406, %add3A_483 : i32
          %dma_start3A_485 = arith.constant 4 : i32
          %dma_start3A_486 = arith.constant 0 : i32
          %dma_start3A_487 = arith.constant 0 : i32
          %dma_start3A_488 = tpu.memref_slice %arg9[%dma_start3A_485, %dma_start3A_486, %dma_start3A_487] : memref<8x128x40xf32, #tpu.memory_space<vmem>> -> memref<1x128x40xf32, #tpu.memory_space<vmem>>
          %dma_start3A_489 = tpu.memref_squeeze %dma_start3A_488 : memref<1x128x40xf32, #tpu.memory_space<vmem>> -> memref<128x40xf32, #tpu.memory_space<vmem>>
          %dma_start3A_490 = arith.constant 0 : i32
          %dma_start3A_491 = tpu.memref_slice %arg7[%add3A_484, %dma_start3A_490] : memref<120x128xi32, #tpu.memory_space<vmem>> -> memref<1x128xi32, #tpu.memory_space<vmem>>
          %dma_start3A_492 = tpu.memref_squeeze %dma_start3A_491 : memref<1x128xi32, #tpu.memory_space<vmem>> -> memref<128xi32, #tpu.memory_space<vmem>>
          %dma_start3A_493 = arith.constant 0 : i32
          %dma_start3A_494 = arith.constant 0 : i32
          %dma_start3A_495 = tpu.memref_slice %arg2[%dma_start3A_493, %dma_start3A_494] : memref<10112x40xf32, #tpu.memory_space<hbm>> -> memref<10112x40xf32, #tpu.memory_space<hbm>>
          tpu.enqueue_indirect_dma source(%dma_start3A_495 : memref<10112x40xf32, #tpu.memory_space<hbm>>) target(%dma_start3A_489 : memref<128x40xf32, #tpu.memory_space<vmem>>) offsets(%dma_start3A_492 : memref<128xi32, #tpu.memory_space<vmem>>) semaphore(%arg15 : memref<!tpu.dma_semaphore, #tpu.memory_space<semaphore_mem>>)
        } else {
        }
        %mul3A_423 = arith.constant 8 : i32
        %mul3A_424 = arith.muli %scan3A_116, %mul3A_423 : i32
        %add3A_425 = arith.constant 5 : i32
        %add3A_426 = arith.addi %mul3A_424, %add3A_425 : i32
        %dma_wait3A_427 = arith.constant 5 : i32
        %dma_wait3A_428 = arith.constant 0 : i32
        %dma_wait3A_429 = arith.constant 0 : i32
        %dma_wait3A_430 = tpu.memref_slice %arg9[%dma_wait3A_427, %dma_wait3A_428, %dma_wait3A_429] : memref<8x128x40xf32, #tpu.memory_space<vmem>> -> memref<1x128x40xf32, #tpu.memory_space<vmem>>
        %dma_wait3A_431 = tpu.memref_squeeze %dma_wait3A_430 : memref<1x128x40xf32, #tpu.memory_space<vmem>> -> memref<128x40xf32, #tpu.memory_space<vmem>>
        %dma_wait3A_432 = arith.constant 0 : i32
        %dma_wait3A_433 = tpu.memref_slice %arg8[%add3A_249, %dma_wait3A_432] : memref<120x128xi32, #tpu.memory_space<vmem>> -> memref<1x128xi32, #tpu.memory_space<vmem>>
        %dma_wait3A_434 = tpu.memref_squeeze %dma_wait3A_433 : memref<1x128xi32, #tpu.memory_space<vmem>> -> memref<128xi32, #tpu.memory_space<vmem>>
        %dma_wait3A_435 = arith.constant 0 : i32
        %dma_wait3A_436 = arith.constant 0 : i32
        %dma_wait3A_437 = tpu.memref_slice %arg10[%dma_wait3A_435, %dma_wait3A_436] : memref<10112x40xf32, #tpu.memory_space<vmem_shared>> -> memref<10112x40xf32, #tpu.memory_space<vmem_shared>>
        tpu.wait_indirect_dma semaphore(%arg24 : memref<!tpu.dma_semaphore, #tpu.memory_space<semaphore_mem>>) src(%dma_wait3A_431 : memref<128x40xf32, #tpu.memory_space<vmem>>) dst(%dma_wait3A_437 : memref<10112x40xf32, #tpu.memory_space<vmem_shared>>)
        %lt3A_438 = arith.constant 14 : i32
        %lt3A_439 = arith.cmpi slt, %scan3A_116, %lt3A_438 : i32
        %convert_element_type3A_440 = arith.extui %lt3A_439 : i1 to i32
        %cond3A_441 = arith.constant 0 : i32
        %cond3A_442 = arith.cmpi ne, %convert_element_type3A_440, %cond3A_441 : i32
        scf.if %cond3A_442 {
          %add3A_483 = arith.constant 8 : i32
          %add3A_484 = arith.addi %add3A_426, %add3A_483 : i32
          %dma_start3A_485 = arith.constant 5 : i32
          %dma_start3A_486 = arith.constant 0 : i32
          %dma_start3A_487 = arith.constant 0 : i32
          %dma_start3A_488 = tpu.memref_slice %arg9[%dma_start3A_485, %dma_start3A_486, %dma_start3A_487] : memref<8x128x40xf32, #tpu.memory_space<vmem>> -> memref<1x128x40xf32, #tpu.memory_space<vmem>>
          %dma_start3A_489 = tpu.memref_squeeze %dma_start3A_488 : memref<1x128x40xf32, #tpu.memory_space<vmem>> -> memref<128x40xf32, #tpu.memory_space<vmem>>
          %dma_start3A_490 = arith.constant 0 : i32
          %dma_start3A_491 = tpu.memref_slice %arg7[%add3A_484, %dma_start3A_490] : memref<120x128xi32, #tpu.memory_space<vmem>> -> memref<1x128xi32, #tpu.memory_space<vmem>>
          %dma_start3A_492 = tpu.memref_squeeze %dma_start3A_491 : memref<1x128xi32, #tpu.memory_space<vmem>> -> memref<128xi32, #tpu.memory_space<vmem>>
          %dma_start3A_493 = arith.constant 0 : i32
          %dma_start3A_494 = arith.constant 0 : i32
          %dma_start3A_495 = tpu.memref_slice %arg2[%dma_start3A_493, %dma_start3A_494] : memref<10112x40xf32, #tpu.memory_space<hbm>> -> memref<10112x40xf32, #tpu.memory_space<hbm>>
          tpu.enqueue_indirect_dma source(%dma_start3A_495 : memref<10112x40xf32, #tpu.memory_space<hbm>>) target(%dma_start3A_489 : memref<128x40xf32, #tpu.memory_space<vmem>>) offsets(%dma_start3A_492 : memref<128xi32, #tpu.memory_space<vmem>>) semaphore(%arg16 : memref<!tpu.dma_semaphore, #tpu.memory_space<semaphore_mem>>)
        } else {
        }
        %mul3A_443 = arith.constant 8 : i32
        %mul3A_444 = arith.muli %scan3A_116, %mul3A_443 : i32
        %add3A_445 = arith.constant 6 : i32
        %add3A_446 = arith.addi %mul3A_444, %add3A_445 : i32
        %dma_wait3A_447 = arith.constant 6 : i32
        %dma_wait3A_448 = arith.constant 0 : i32
        %dma_wait3A_449 = arith.constant 0 : i32
        %dma_wait3A_450 = tpu.memref_slice %arg9[%dma_wait3A_447, %dma_wait3A_448, %dma_wait3A_449] : memref<8x128x40xf32, #tpu.memory_space<vmem>> -> memref<1x128x40xf32, #tpu.memory_space<vmem>>
        %dma_wait3A_451 = tpu.memref_squeeze %dma_wait3A_450 : memref<1x128x40xf32, #tpu.memory_space<vmem>> -> memref<128x40xf32, #tpu.memory_space<vmem>>
        %dma_wait3A_452 = arith.constant 0 : i32
        %dma_wait3A_453 = tpu.memref_slice %arg8[%add3A_275, %dma_wait3A_452] : memref<120x128xi32, #tpu.memory_space<vmem>> -> memref<1x128xi32, #tpu.memory_space<vmem>>
        %dma_wait3A_454 = tpu.memref_squeeze %dma_wait3A_453 : memref<1x128xi32, #tpu.memory_space<vmem>> -> memref<128xi32, #tpu.memory_space<vmem>>
        %dma_wait3A_455 = arith.constant 0 : i32
        %dma_wait3A_456 = arith.constant 0 : i32
        %dma_wait3A_457 = tpu.memref_slice %arg10[%dma_wait3A_455, %dma_wait3A_456] : memref<10112x40xf32, #tpu.memory_space<vmem_shared>> -> memref<10112x40xf32, #tpu.memory_space<vmem_shared>>
        tpu.wait_indirect_dma semaphore(%arg25 : memref<!tpu.dma_semaphore, #tpu.memory_space<semaphore_mem>>) src(%dma_wait3A_451 : memref<128x40xf32, #tpu.memory_space<vmem>>) dst(%dma_wait3A_457 : memref<10112x40xf32, #tpu.memory_space<vmem_shared>>)
        %lt3A_458 = arith.constant 14 : i32
        %lt3A_459 = arith.cmpi slt, %scan3A_116, %lt3A_458 : i32
        %convert_element_type3A_460 = arith.extui %lt3A_459 : i1 to i32
        %cond3A_461 = arith.constant 0 : i32
        %cond3A_462 = arith.cmpi ne, %convert_element_type3A_460, %cond3A_461 : i32
        scf.if %cond3A_462 {
          %add3A_483 = arith.constant 8 : i32
          %add3A_484 = arith.addi %add3A_446, %add3A_483 : i32
          %dma_start3A_485 = arith.constant 6 : i32
          %dma_start3A_486 = arith.constant 0 : i32
          %dma_start3A_487 = arith.constant 0 : i32
          %dma_start3A_488 = tpu.memref_slice %arg9[%dma_start3A_485, %dma_start3A_486, %dma_start3A_487] : memref<8x128x40xf32, #tpu.memory_space<vmem>> -> memref<1x128x40xf32, #tpu.memory_space<vmem>>
          %dma_start3A_489 = tpu.memref_squeeze %dma_start3A_488 : memref<1x128x40xf32, #tpu.memory_space<vmem>> -> memref<128x40xf32, #tpu.memory_space<vmem>>
          %dma_start3A_490 = arith.constant 0 : i32
          %dma_start3A_491 = tpu.memref_slice %arg7[%add3A_484, %dma_start3A_490] : memref<120x128xi32, #tpu.memory_space<vmem>> -> memref<1x128xi32, #tpu.memory_space<vmem>>
          %dma_start3A_492 = tpu.memref_squeeze %dma_start3A_491 : memref<1x128xi32, #tpu.memory_space<vmem>> -> memref<128xi32, #tpu.memory_space<vmem>>
          %dma_start3A_493 = arith.constant 0 : i32
          %dma_start3A_494 = arith.constant 0 : i32
          %dma_start3A_495 = tpu.memref_slice %arg2[%dma_start3A_493, %dma_start3A_494] : memref<10112x40xf32, #tpu.memory_space<hbm>> -> memref<10112x40xf32, #tpu.memory_space<hbm>>
          tpu.enqueue_indirect_dma source(%dma_start3A_495 : memref<10112x40xf32, #tpu.memory_space<hbm>>) target(%dma_start3A_489 : memref<128x40xf32, #tpu.memory_space<vmem>>) offsets(%dma_start3A_492 : memref<128xi32, #tpu.memory_space<vmem>>) semaphore(%arg17 : memref<!tpu.dma_semaphore, #tpu.memory_space<semaphore_mem>>)
        } else {
        }
        %mul3A_463 = arith.constant 8 : i32
        %mul3A_464 = arith.muli %scan3A_116, %mul3A_463 : i32
        %add3A_465 = arith.constant 7 : i32
        %add3A_466 = arith.addi %mul3A_464, %add3A_465 : i32
        %dma_wait3A_467 = arith.constant 7 : i32
        %dma_wait3A_468 = arith.constant 0 : i32
        %dma_wait3A_469 = arith.constant 0 : i32
        %dma_wait3A_470 = tpu.memref_slice %arg9[%dma_wait3A_467, %dma_wait3A_468, %dma_wait3A_469] : memref<8x128x40xf32, #tpu.memory_space<vmem>> -> memref<1x128x40xf32, #tpu.memory_space<vmem>>
        %dma_wait3A_471 = tpu.memref_squeeze %dma_wait3A_470 : memref<1x128x40xf32, #tpu.memory_space<vmem>> -> memref<128x40xf32, #tpu.memory_space<vmem>>
        %dma_wait3A_472 = arith.constant 0 : i32
        %dma_wait3A_473 = tpu.memref_slice %arg8[%add3A_301, %dma_wait3A_472] : memref<120x128xi32, #tpu.memory_space<vmem>> -> memref<1x128xi32, #tpu.memory_space<vmem>>
        %dma_wait3A_474 = tpu.memref_squeeze %dma_wait3A_473 : memref<1x128xi32, #tpu.memory_space<vmem>> -> memref<128xi32, #tpu.memory_space<vmem>>
        %dma_wait3A_475 = arith.constant 0 : i32
        %dma_wait3A_476 = arith.constant 0 : i32
        %dma_wait3A_477 = tpu.memref_slice %arg10[%dma_wait3A_475, %dma_wait3A_476] : memref<10112x40xf32, #tpu.memory_space<vmem_shared>> -> memref<10112x40xf32, #tpu.memory_space<vmem_shared>>
        tpu.wait_indirect_dma semaphore(%arg26 : memref<!tpu.dma_semaphore, #tpu.memory_space<semaphore_mem>>) src(%dma_wait3A_471 : memref<128x40xf32, #tpu.memory_space<vmem>>) dst(%dma_wait3A_477 : memref<10112x40xf32, #tpu.memory_space<vmem_shared>>)
        %lt3A_478 = arith.constant 14 : i32
        %lt3A_479 = arith.cmpi slt, %scan3A_116, %lt3A_478 : i32
        %convert_element_type3A_480 = arith.extui %lt3A_479 : i1 to i32
        %cond3A_481 = arith.constant 0 : i32
        %cond3A_482 = arith.cmpi ne, %convert_element_type3A_480, %cond3A_481 : i32
        scf.if %cond3A_482 {
          %add3A_483 = arith.constant 8 : i32
          %add3A_484 = arith.addi %add3A_466, %add3A_483 : i32
          %dma_start3A_485 = arith.constant 7 : i32
          %dma_start3A_486 = arith.constant 0 : i32
          %dma_start3A_487 = arith.constant 0 : i32
          %dma_start3A_488 = tpu.memref_slice %arg9[%dma_start3A_485, %dma_start3A_486, %dma_start3A_487] : memref<8x128x40xf32, #tpu.memory_space<vmem>> -> memref<1x128x40xf32, #tpu.memory_space<vmem>>
          %dma_start3A_489 = tpu.memref_squeeze %dma_start3A_488 : memref<1x128x40xf32, #tpu.memory_space<vmem>> -> memref<128x40xf32, #tpu.memory_space<vmem>>
          %dma_start3A_490 = arith.constant 0 : i32
          %dma_start3A_491 = tpu.memref_slice %arg7[%add3A_484, %dma_start3A_490] : memref<120x128xi32, #tpu.memory_space<vmem>> -> memref<1x128xi32, #tpu.memory_space<vmem>>
          %dma_start3A_492 = tpu.memref_squeeze %dma_start3A_491 : memref<1x128xi32, #tpu.memory_space<vmem>> -> memref<128xi32, #tpu.memory_space<vmem>>
          %dma_start3A_493 = arith.constant 0 : i32
          %dma_start3A_494 = arith.constant 0 : i32
          %dma_start3A_495 = tpu.memref_slice %arg2[%dma_start3A_493, %dma_start3A_494] : memref<10112x40xf32, #tpu.memory_space<hbm>> -> memref<10112x40xf32, #tpu.memory_space<hbm>>
          tpu.enqueue_indirect_dma source(%dma_start3A_495 : memref<10112x40xf32, #tpu.memory_space<hbm>>) target(%dma_start3A_489 : memref<128x40xf32, #tpu.memory_space<vmem>>) offsets(%dma_start3A_492 : memref<128xi32, #tpu.memory_space<vmem>>) semaphore(%arg18 : memref<!tpu.dma_semaphore, #tpu.memory_space<semaphore_mem>>)
        } else {
        }
      }
      %scan3A_115 = arith.constant 15 : i32
    } else {
    }
    %eq3A_2 = arith.constant 1 : i32
    %eq3A_3 = arith.cmpi eq, %arg0, %eq3A_2 : i32
    %convert_element_type3A_4 = arith.extui %eq3A_3 : i1 to i32
    %cond3A_5 = arith.constant 0 : i32
    %cond3A_6 = arith.cmpi ne, %convert_element_type3A_4, %cond3A_5 : i32
    scf.if %cond3A_6 {
      %mul3A_8 = arith.constant 40 : i32
      %mul3A_9 = arith.muli %arg1, %mul3A_8 : i32
      %add3A = arith.constant 1920 : i32
      %add3A_10 = arith.addi %add3A, %mul3A_9 : i32
      %mul3A_11 = arith.constant 632 : i32
      %mul3A_12 = arith.muli %arg1, %mul3A_11 : i32
      %dma_start3A = arith.constant 0 : i32
      %dma_start3A_13 = tpu.memref_slice %arg10[%mul3A_12, %dma_start3A] : memref<10112x40xf32, #tpu.memory_space<vmem_shared>> -> memref<632x40xf32, #tpu.memory_space<vmem_shared>>
      tpu.enqueue_dma source(%arg5 : memref<632x40xf32, #tpu.memory_space<hbm>>) target(%dma_start3A_13 : memref<632x40xf32, #tpu.memory_space<vmem_shared>>) target_semaphore(%arg19 : memref<!tpu.dma_semaphore, #tpu.memory_space<semaphore_mem>>)
      "tpu.region"() ({
        %run_scoped3A = tpu.sem_alloc : memref<!tpu.dma_semaphore, #tpu.memory_space<semaphore_mem>>
        %dma_start3A_117 = arith.constant 0 : i32
        %dma_start3A_118 = arith.constant 0 : i32
        %dma_start3A_119 = tpu.memref_slice %arg7[%dma_start3A_117, %dma_start3A_118] : memref<120x128xi32, #tpu.memory_space<vmem>> -> memref<40x128xi32, #tpu.memory_space<vmem>>
        %dma_start3A_120 = arith.constant 0 : i32
        %dma_start3A_121 = tpu.memref_slice %arg3[%add3A_10, %dma_start3A_120] : memref<2560x128xi32, #tpu.memory_space<hbm>> -> memref<40x128xi32, #tpu.memory_space<hbm>>
        %dma_start3A_122 = arith.constant 0 : i32
        %dma_start3A_123 = arith.constant 0 : i32
        %dma_start3A_124 = tpu.memref_slice %arg7[%dma_start3A_122, %dma_start3A_123] : memref<120x128xi32, #tpu.memory_space<vmem>> -> memref<40x128xi32, #tpu.memory_space<vmem>>
        %dma_start3A_125 = arith.constant 0 : i32
        %dma_start3A_126 = tpu.memref_slice %arg3[%add3A_10, %dma_start3A_125] : memref<2560x128xi32, #tpu.memory_space<hbm>> -> memref<40x128xi32, #tpu.memory_space<hbm>>
        tpu.enqueue_dma source(%dma_start3A_126 : memref<40x128xi32, #tpu.memory_space<hbm>>) target(%dma_start3A_124 : memref<40x128xi32, #tpu.memory_space<vmem>>) target_semaphore(%run_scoped3A : memref<!tpu.dma_semaphore, #tpu.memory_space<semaphore_mem>>)
        %dma_wait3A_127 = arith.constant 0 : i32
        %dma_wait3A_128 = arith.constant 0 : i32
        %dma_wait3A_129 = tpu.memref_slice %arg7[%dma_wait3A_127, %dma_wait3A_128] : memref<120x128xi32, #tpu.memory_space<vmem>> -> memref<40x128xi32, #tpu.memory_space<vmem>>
        %dma_wait3A_130 = arith.constant 0 : i32
        %dma_wait3A_131 = tpu.memref_slice %arg3[%add3A_10, %dma_wait3A_130] : memref<2560x128xi32, #tpu.memory_space<hbm>> -> memref<40x128xi32, #tpu.memory_space<hbm>>
        %dma_wait3A_132 = arith.constant 0 : i32
        %dma_wait3A_133 = arith.constant 0 : i32
        %dma_wait3A_134 = tpu.memref_slice %arg7[%dma_wait3A_132, %dma_wait3A_133] : memref<120x128xi32, #tpu.memory_space<vmem>> -> memref<40x128xi32, #tpu.memory_space<vmem>>
        %dma_wait3A_135 = arith.constant 0 : i32
        %dma_wait3A_136 = tpu.memref_slice %arg3[%add3A_10, %dma_wait3A_135] : memref<2560x128xi32, #tpu.memory_space<hbm>> -> memref<40x128xi32, #tpu.memory_space<hbm>>
        tpu.wait_dma2 semaphore(%run_scoped3A : memref<!tpu.dma_semaphore, #tpu.memory_space<semaphore_mem>>) src(%dma_wait3A_136 : memref<40x128xi32, #tpu.memory_space<hbm>>) dst(%dma_wait3A_134 : memref<40x128xi32, #tpu.memory_space<vmem>>)
        tpu.yield
      }) : () -> ()
      "tpu.region"() ({
        %run_scoped3A = tpu.sem_alloc : memref<!tpu.dma_semaphore, #tpu.memory_space<semaphore_mem>>
        %dma_start3A_117 = arith.constant 0 : i32
        %dma_start3A_118 = arith.constant 0 : i32
        %dma_start3A_119 = tpu.memref_slice %arg8[%dma_start3A_117, %dma_start3A_118] : memref<120x128xi32, #tpu.memory_space<vmem>> -> memref<40x128xi32, #tpu.memory_space<vmem>>
        %dma_start3A_120 = arith.constant 0 : i32
        %dma_start3A_121 = tpu.memref_slice %arg4[%add3A_10, %dma_start3A_120] : memref<2560x128xi32, #tpu.memory_space<hbm>> -> memref<40x128xi32, #tpu.memory_space<hbm>>
        %dma_start3A_122 = arith.constant 0 : i32
        %dma_start3A_123 = arith.constant 0 : i32
        %dma_start3A_124 = tpu.memref_slice %arg8[%dma_start3A_122, %dma_start3A_123] : memref<120x128xi32, #tpu.memory_space<vmem>> -> memref<40x128xi32, #tpu.memory_space<vmem>>
        %dma_start3A_125 = arith.constant 0 : i32
        %dma_start3A_126 = tpu.memref_slice %arg4[%add3A_10, %dma_start3A_125] : memref<2560x128xi32, #tpu.memory_space<hbm>> -> memref<40x128xi32, #tpu.memory_space<hbm>>
        tpu.enqueue_dma source(%dma_start3A_126 : memref<40x128xi32, #tpu.memory_space<hbm>>) target(%dma_start3A_124 : memref<40x128xi32, #tpu.memory_space<vmem>>) target_semaphore(%run_scoped3A : memref<!tpu.dma_semaphore, #tpu.memory_space<semaphore_mem>>)
        %dma_wait3A_127 = arith.constant 0 : i32
        %dma_wait3A_128 = arith.constant 0 : i32
        %dma_wait3A_129 = tpu.memref_slice %arg8[%dma_wait3A_127, %dma_wait3A_128] : memref<120x128xi32, #tpu.memory_space<vmem>> -> memref<40x128xi32, #tpu.memory_space<vmem>>
        %dma_wait3A_130 = arith.constant 0 : i32
        %dma_wait3A_131 = tpu.memref_slice %arg4[%add3A_10, %dma_wait3A_130] : memref<2560x128xi32, #tpu.memory_space<hbm>> -> memref<40x128xi32, #tpu.memory_space<hbm>>
        %dma_wait3A_132 = arith.constant 0 : i32
        %dma_wait3A_133 = arith.constant 0 : i32
        %dma_wait3A_134 = tpu.memref_slice %arg8[%dma_wait3A_132, %dma_wait3A_133] : memref<120x128xi32, #tpu.memory_space<vmem>> -> memref<40x128xi32, #tpu.memory_space<vmem>>
        %dma_wait3A_135 = arith.constant 0 : i32
        %dma_wait3A_136 = tpu.memref_slice %arg4[%add3A_10, %dma_wait3A_135] : memref<2560x128xi32, #tpu.memory_space<hbm>> -> memref<40x128xi32, #tpu.memory_space<hbm>>
        tpu.wait_dma2 semaphore(%run_scoped3A : memref<!tpu.dma_semaphore, #tpu.memory_space<semaphore_mem>>) src(%dma_wait3A_136 : memref<40x128xi32, #tpu.memory_space<hbm>>) dst(%dma_wait3A_134 : memref<40x128xi32, #tpu.memory_space<vmem>>)
        tpu.yield
      }) : () -> ()
      %dma_start3A_14 = arith.constant 0 : i32
      %dma_start3A_15 = arith.constant 0 : i32
      %dma_start3A_16 = arith.constant 0 : i32
      %dma_start3A_17 = arith.constant 0 : i32
      %dma_start3A_18 = tpu.memref_slice %arg9[%dma_start3A_15, %dma_start3A_16, %dma_start3A_17] : memref<8x128x40xf32, #tpu.memory_space<vmem>> -> memref<1x128x40xf32, #tpu.memory_space<vmem>>
      %dma_start3A_19 = tpu.memref_squeeze %dma_start3A_18 : memref<1x128x40xf32, #tpu.memory_space<vmem>> -> memref<128x40xf32, #tpu.memory_space<vmem>>
      %dma_start3A_20 = arith.constant 0 : i32
      %dma_start3A_21 = tpu.memref_slice %arg7[%dma_start3A_14, %dma_start3A_20] : memref<120x128xi32, #tpu.memory_space<vmem>> -> memref<1x128xi32, #tpu.memory_space<vmem>>
      %dma_start3A_22 = tpu.memref_squeeze %dma_start3A_21 : memref<1x128xi32, #tpu.memory_space<vmem>> -> memref<128xi32, #tpu.memory_space<vmem>>
      %dma_start3A_23 = arith.constant 0 : i32
      %dma_start3A_24 = arith.constant 0 : i32
      %dma_start3A_25 = tpu.memref_slice %arg2[%dma_start3A_23, %dma_start3A_24] : memref<10112x40xf32, #tpu.memory_space<hbm>> -> memref<10112x40xf32, #tpu.memory_space<hbm>>
      tpu.enqueue_indirect_dma source(%dma_start3A_25 : memref<10112x40xf32, #tpu.memory_space<hbm>>) target(%dma_start3A_19 : memref<128x40xf32, #tpu.memory_space<vmem>>) offsets(%dma_start3A_22 : memref<128xi32, #tpu.memory_space<vmem>>) semaphore(%arg11 : memref<!tpu.dma_semaphore, #tpu.memory_space<semaphore_mem>>)
      %dma_start3A_26 = arith.constant 1 : i32
      %dma_start3A_27 = arith.constant 1 : i32
      %dma_start3A_28 = arith.constant 0 : i32
      %dma_start3A_29 = arith.constant 0 : i32
      %dma_start3A_30 = tpu.memref_slice %arg9[%dma_start3A_27, %dma_start3A_28, %dma_start3A_29] : memref<8x128x40xf32, #tpu.memory_space<vmem>> -> memref<1x128x40xf32, #tpu.memory_space<vmem>>
      %dma_start3A_31 = tpu.memref_squeeze %dma_start3A_30 : memref<1x128x40xf32, #tpu.memory_space<vmem>> -> memref<128x40xf32, #tpu.memory_space<vmem>>
      %dma_start3A_32 = arith.constant 0 : i32
      %dma_start3A_33 = tpu.memref_slice %arg7[%dma_start3A_26, %dma_start3A_32] : memref<120x128xi32, #tpu.memory_space<vmem>> -> memref<1x128xi32, #tpu.memory_space<vmem>>
      %dma_start3A_34 = tpu.memref_squeeze %dma_start3A_33 : memref<1x128xi32, #tpu.memory_space<vmem>> -> memref<128xi32, #tpu.memory_space<vmem>>
      %dma_start3A_35 = arith.constant 0 : i32
      %dma_start3A_36 = arith.constant 0 : i32
      %dma_start3A_37 = tpu.memref_slice %arg2[%dma_start3A_35, %dma_start3A_36] : memref<10112x40xf32, #tpu.memory_space<hbm>> -> memref<10112x40xf32, #tpu.memory_space<hbm>>
      tpu.enqueue_indirect_dma source(%dma_start3A_37 : memref<10112x40xf32, #tpu.memory_space<hbm>>) target(%dma_start3A_31 : memref<128x40xf32, #tpu.memory_space<vmem>>) offsets(%dma_start3A_34 : memref<128xi32, #tpu.memory_space<vmem>>) semaphore(%arg12 : memref<!tpu.dma_semaphore, #tpu.memory_space<semaphore_mem>>)
      %dma_start3A_38 = arith.constant 2 : i32
      %dma_start3A_39 = arith.constant 2 : i32
      %dma_start3A_40 = arith.constant 0 : i32
      %dma_start3A_41 = arith.constant 0 : i32
      %dma_start3A_42 = tpu.memref_slice %arg9[%dma_start3A_39, %dma_start3A_40, %dma_start3A_41] : memref<8x128x40xf32, #tpu.memory_space<vmem>> -> memref<1x128x40xf32, #tpu.memory_space<vmem>>
      %dma_start3A_43 = tpu.memref_squeeze %dma_start3A_42 : memref<1x128x40xf32, #tpu.memory_space<vmem>> -> memref<128x40xf32, #tpu.memory_space<vmem>>
      %dma_start3A_44 = arith.constant 0 : i32
      %dma_start3A_45 = tpu.memref_slice %arg7[%dma_start3A_38, %dma_start3A_44] : memref<120x128xi32, #tpu.memory_space<vmem>> -> memref<1x128xi32, #tpu.memory_space<vmem>>
      %dma_start3A_46 = tpu.memref_squeeze %dma_start3A_45 : memref<1x128xi32, #tpu.memory_space<vmem>> -> memref<128xi32, #tpu.memory_space<vmem>>
      %dma_start3A_47 = arith.constant 0 : i32
      %dma_start3A_48 = arith.constant 0 : i32
      %dma_start3A_49 = tpu.memref_slice %arg2[%dma_start3A_47, %dma_start3A_48] : memref<10112x40xf32, #tpu.memory_space<hbm>> -> memref<10112x40xf32, #tpu.memory_space<hbm>>
      tpu.enqueue_indirect_dma source(%dma_start3A_49 : memref<10112x40xf32, #tpu.memory_space<hbm>>) target(%dma_start3A_43 : memref<128x40xf32, #tpu.memory_space<vmem>>) offsets(%dma_start3A_46 : memref<128xi32, #tpu.memory_space<vmem>>) semaphore(%arg13 : memref<!tpu.dma_semaphore, #tpu.memory_space<semaphore_mem>>)
      %dma_start3A_50 = arith.constant 3 : i32
      %dma_start3A_51 = arith.constant 3 : i32
      %dma_start3A_52 = arith.constant 0 : i32
      %dma_start3A_53 = arith.constant 0 : i32
      %dma_start3A_54 = tpu.memref_slice %arg9[%dma_start3A_51, %dma_start3A_52, %dma_start3A_53] : memref<8x128x40xf32, #tpu.memory_space<vmem>> -> memref<1x128x40xf32, #tpu.memory_space<vmem>>
      %dma_start3A_55 = tpu.memref_squeeze %dma_start3A_54 : memref<1x128x40xf32, #tpu.memory_space<vmem>> -> memref<128x40xf32, #tpu.memory_space<vmem>>
      %dma_start3A_56 = arith.constant 0 : i32
      %dma_start3A_57 = tpu.memref_slice %arg7[%dma_start3A_50, %dma_start3A_56] : memref<120x128xi32, #tpu.memory_space<vmem>> -> memref<1x128xi32, #tpu.memory_space<vmem>>
      %dma_start3A_58 = tpu.memref_squeeze %dma_start3A_57 : memref<1x128xi32, #tpu.memory_space<vmem>> -> memref<128xi32, #tpu.memory_space<vmem>>
      %dma_start3A_59 = arith.constant 0 : i32
      %dma_start3A_60 = arith.constant 0 : i32
      %dma_start3A_61 = tpu.memref_slice %arg2[%dma_start3A_59, %dma_start3A_60] : memref<10112x40xf32, #tpu.memory_space<hbm>> -> memref<10112x40xf32, #tpu.memory_space<hbm>>
      tpu.enqueue_indirect_dma source(%dma_start3A_61 : memref<10112x40xf32, #tpu.memory_space<hbm>>) target(%dma_start3A_55 : memref<128x40xf32, #tpu.memory_space<vmem>>) offsets(%dma_start3A_58 : memref<128xi32, #tpu.memory_space<vmem>>) semaphore(%arg14 : memref<!tpu.dma_semaphore, #tpu.memory_space<semaphore_mem>>)
      %dma_start3A_62 = arith.constant 4 : i32
      %dma_start3A_63 = arith.constant 4 : i32
      %dma_start3A_64 = arith.constant 0 : i32
      %dma_start3A_65 = arith.constant 0 : i32
      %dma_start3A_66 = tpu.memref_slice %arg9[%dma_start3A_63, %dma_start3A_64, %dma_start3A_65] : memref<8x128x40xf32, #tpu.memory_space<vmem>> -> memref<1x128x40xf32, #tpu.memory_space<vmem>>
      %dma_start3A_67 = tpu.memref_squeeze %dma_start3A_66 : memref<1x128x40xf32, #tpu.memory_space<vmem>> -> memref<128x40xf32, #tpu.memory_space<vmem>>
      %dma_start3A_68 = arith.constant 0 : i32
      %dma_start3A_69 = tpu.memref_slice %arg7[%dma_start3A_62, %dma_start3A_68] : memref<120x128xi32, #tpu.memory_space<vmem>> -> memref<1x128xi32, #tpu.memory_space<vmem>>
      %dma_start3A_70 = tpu.memref_squeeze %dma_start3A_69 : memref<1x128xi32, #tpu.memory_space<vmem>> -> memref<128xi32, #tpu.memory_space<vmem>>
      %dma_start3A_71 = arith.constant 0 : i32
      %dma_start3A_72 = arith.constant 0 : i32
      %dma_start3A_73 = tpu.memref_slice %arg2[%dma_start3A_71, %dma_start3A_72] : memref<10112x40xf32, #tpu.memory_space<hbm>> -> memref<10112x40xf32, #tpu.memory_space<hbm>>
      tpu.enqueue_indirect_dma source(%dma_start3A_73 : memref<10112x40xf32, #tpu.memory_space<hbm>>) target(%dma_start3A_67 : memref<128x40xf32, #tpu.memory_space<vmem>>) offsets(%dma_start3A_70 : memref<128xi32, #tpu.memory_space<vmem>>) semaphore(%arg15 : memref<!tpu.dma_semaphore, #tpu.memory_space<semaphore_mem>>)
      %dma_start3A_74 = arith.constant 5 : i32
      %dma_start3A_75 = arith.constant 5 : i32
      %dma_start3A_76 = arith.constant 0 : i32
      %dma_start3A_77 = arith.constant 0 : i32
      %dma_start3A_78 = tpu.memref_slice %arg9[%dma_start3A_75, %dma_start3A_76, %dma_start3A_77] : memref<8x128x40xf32, #tpu.memory_space<vmem>> -> memref<1x128x40xf32, #tpu.memory_space<vmem>>
      %dma_start3A_79 = tpu.memref_squeeze %dma_start3A_78 : memref<1x128x40xf32, #tpu.memory_space<vmem>> -> memref<128x40xf32, #tpu.memory_space<vmem>>
      %dma_start3A_80 = arith.constant 0 : i32
      %dma_start3A_81 = tpu.memref_slice %arg7[%dma_start3A_74, %dma_start3A_80] : memref<120x128xi32, #tpu.memory_space<vmem>> -> memref<1x128xi32, #tpu.memory_space<vmem>>
      %dma_start3A_82 = tpu.memref_squeeze %dma_start3A_81 : memref<1x128xi32, #tpu.memory_space<vmem>> -> memref<128xi32, #tpu.memory_space<vmem>>
      %dma_start3A_83 = arith.constant 0 : i32
      %dma_start3A_84 = arith.constant 0 : i32
      %dma_start3A_85 = tpu.memref_slice %arg2[%dma_start3A_83, %dma_start3A_84] : memref<10112x40xf32, #tpu.memory_space<hbm>> -> memref<10112x40xf32, #tpu.memory_space<hbm>>
      tpu.enqueue_indirect_dma source(%dma_start3A_85 : memref<10112x40xf32, #tpu.memory_space<hbm>>) target(%dma_start3A_79 : memref<128x40xf32, #tpu.memory_space<vmem>>) offsets(%dma_start3A_82 : memref<128xi32, #tpu.memory_space<vmem>>) semaphore(%arg16 : memref<!tpu.dma_semaphore, #tpu.memory_space<semaphore_mem>>)
      %dma_start3A_86 = arith.constant 6 : i32
      %dma_start3A_87 = arith.constant 6 : i32
      %dma_start3A_88 = arith.constant 0 : i32
      %dma_start3A_89 = arith.constant 0 : i32
      %dma_start3A_90 = tpu.memref_slice %arg9[%dma_start3A_87, %dma_start3A_88, %dma_start3A_89] : memref<8x128x40xf32, #tpu.memory_space<vmem>> -> memref<1x128x40xf32, #tpu.memory_space<vmem>>
      %dma_start3A_91 = tpu.memref_squeeze %dma_start3A_90 : memref<1x128x40xf32, #tpu.memory_space<vmem>> -> memref<128x40xf32, #tpu.memory_space<vmem>>
      %dma_start3A_92 = arith.constant 0 : i32
      %dma_start3A_93 = tpu.memref_slice %arg7[%dma_start3A_86, %dma_start3A_92] : memref<120x128xi32, #tpu.memory_space<vmem>> -> memref<1x128xi32, #tpu.memory_space<vmem>>
      %dma_start3A_94 = tpu.memref_squeeze %dma_start3A_93 : memref<1x128xi32, #tpu.memory_space<vmem>> -> memref<128xi32, #tpu.memory_space<vmem>>
      %dma_start3A_95 = arith.constant 0 : i32
      %dma_start3A_96 = arith.constant 0 : i32
      %dma_start3A_97 = tpu.memref_slice %arg2[%dma_start3A_95, %dma_start3A_96] : memref<10112x40xf32, #tpu.memory_space<hbm>> -> memref<10112x40xf32, #tpu.memory_space<hbm>>
      tpu.enqueue_indirect_dma source(%dma_start3A_97 : memref<10112x40xf32, #tpu.memory_space<hbm>>) target(%dma_start3A_91 : memref<128x40xf32, #tpu.memory_space<vmem>>) offsets(%dma_start3A_94 : memref<128xi32, #tpu.memory_space<vmem>>) semaphore(%arg17 : memref<!tpu.dma_semaphore, #tpu.memory_space<semaphore_mem>>)
      %dma_start3A_98 = arith.constant 7 : i32
      %dma_start3A_99 = arith.constant 7 : i32
      %dma_start3A_100 = arith.constant 0 : i32
      %dma_start3A_101 = arith.constant 0 : i32
      %dma_start3A_102 = tpu.memref_slice %arg9[%dma_start3A_99, %dma_start3A_100, %dma_start3A_101] : memref<8x128x40xf32, #tpu.memory_space<vmem>> -> memref<1x128x40xf32, #tpu.memory_space<vmem>>
      %dma_start3A_103 = tpu.memref_squeeze %dma_start3A_102 : memref<1x128x40xf32, #tpu.memory_space<vmem>> -> memref<128x40xf32, #tpu.memory_space<vmem>>
      %dma_start3A_104 = arith.constant 0 : i32
      %dma_start3A_105 = tpu.memref_slice %arg7[%dma_start3A_98, %dma_start3A_104] : memref<120x128xi32, #tpu.memory_space<vmem>> -> memref<1x128xi32, #tpu.memory_space<vmem>>
      %dma_start3A_106 = tpu.memref_squeeze %dma_start3A_105 : memref<1x128xi32, #tpu.memory_space<vmem>> -> memref<128xi32, #tpu.memory_space<vmem>>
      %dma_start3A_107 = arith.constant 0 : i32
      %dma_start3A_108 = arith.constant 0 : i32
      %dma_start3A_109 = tpu.memref_slice %arg2[%dma_start3A_107, %dma_start3A_108] : memref<10112x40xf32, #tpu.memory_space<hbm>> -> memref<10112x40xf32, #tpu.memory_space<hbm>>
      tpu.enqueue_indirect_dma source(%dma_start3A_109 : memref<10112x40xf32, #tpu.memory_space<hbm>>) target(%dma_start3A_103 : memref<128x40xf32, #tpu.memory_space<vmem>>) offsets(%dma_start3A_106 : memref<128xi32, #tpu.memory_space<vmem>>) semaphore(%arg18 : memref<!tpu.dma_semaphore, #tpu.memory_space<semaphore_mem>>)
      %dma_wait3A = arith.constant 0 : i32
      %dma_wait3A_110 = tpu.memref_slice %arg10[%mul3A_12, %dma_wait3A] : memref<10112x40xf32, #tpu.memory_space<vmem_shared>> -> memref<632x40xf32, #tpu.memory_space<vmem_shared>>
      tpu.wait_dma2 semaphore(%arg19 : memref<!tpu.dma_semaphore, #tpu.memory_space<semaphore_mem>>) src(%arg5 : memref<632x40xf32, #tpu.memory_space<hbm>>) dst(%dma_wait3A_110 : memref<632x40xf32, #tpu.memory_space<vmem_shared>>)
      %barrier3A_111 = arith.constant 0 : index
      tpu.barrier barrier_id(%barrier3A_111)
      %scan3A = arith.constant 0 : i32
      %scan3A_112 = arith.constant 0 : i32
      %scan3A_113 = arith.constant 5 : i32
      %scan3A_114 = arith.addi %scan3A_112, %scan3A_113 : i32
      %scan3A_115 = arith.constant 1 : i32
      scf.for %scan3A_117 = %scan3A_112 to %scan3A_114 step %scan3A_115  : i32 {
        %mul3A_118 = arith.constant 8 : i32
        %mul3A_119 = arith.muli %scan3A_117, %mul3A_118 : i32
        %add3A_120 = arith.constant 0 : i32
        %add3A_121 = arith.addi %mul3A_119, %add3A_120 : i32
        %dma_wait3A_122 = arith.constant 0 : i32
        %dma_wait3A_123 = arith.constant 0 : i32
        %dma_wait3A_124 = arith.constant 0 : i32
        %dma_wait3A_125 = tpu.memref_slice %arg9[%dma_wait3A_122, %dma_wait3A_123, %dma_wait3A_124] : memref<8x128x40xf32, #tpu.memory_space<vmem>> -> memref<1x128x40xf32, #tpu.memory_space<vmem>>
        %dma_wait3A_126 = tpu.memref_squeeze %dma_wait3A_125 : memref<1x128x40xf32, #tpu.memory_space<vmem>> -> memref<128x40xf32, #tpu.memory_space<vmem>>
        %dma_wait3A_127 = arith.constant 0 : i32
        %dma_wait3A_128 = tpu.memref_slice %arg7[%add3A_121, %dma_wait3A_127] : memref<120x128xi32, #tpu.memory_space<vmem>> -> memref<1x128xi32, #tpu.memory_space<vmem>>
        %dma_wait3A_129 = tpu.memref_squeeze %dma_wait3A_128 : memref<1x128xi32, #tpu.memory_space<vmem>> -> memref<128xi32, #tpu.memory_space<vmem>>
        %dma_wait3A_130 = arith.constant 0 : i32
        %dma_wait3A_131 = arith.constant 0 : i32
        %dma_wait3A_132 = tpu.memref_slice %arg2[%dma_wait3A_130, %dma_wait3A_131] : memref<10112x40xf32, #tpu.memory_space<hbm>> -> memref<10112x40xf32, #tpu.memory_space<hbm>>
        tpu.wait_indirect_dma semaphore(%arg11 : memref<!tpu.dma_semaphore, #tpu.memory_space<semaphore_mem>>) src(%dma_wait3A_132 : memref<10112x40xf32, #tpu.memory_space<hbm>>) dst(%dma_wait3A_126 : memref<128x40xf32, #tpu.memory_space<vmem>>)
        %dma_start3A_133 = arith.constant 0 : i32
        %dma_start3A_134 = arith.constant 0 : i32
        %dma_start3A_135 = arith.constant 0 : i32
        %dma_start3A_136 = tpu.memref_slice %arg9[%dma_start3A_133, %dma_start3A_134, %dma_start3A_135] : memref<8x128x40xf32, #tpu.memory_space<vmem>> -> memref<1x128x40xf32, #tpu.memory_space<vmem>>
        %dma_start3A_137 = tpu.memref_squeeze %dma_start3A_136 : memref<1x128x40xf32, #tpu.memory_space<vmem>> -> memref<128x40xf32, #tpu.memory_space<vmem>>
        %dma_start3A_138 = arith.constant 0 : i32
        %dma_start3A_139 = tpu.memref_slice %arg8[%add3A_121, %dma_start3A_138] : memref<120x128xi32, #tpu.memory_space<vmem>> -> memref<1x128xi32, #tpu.memory_space<vmem>>
        %dma_start3A_140 = tpu.memref_squeeze %dma_start3A_139 : memref<1x128xi32, #tpu.memory_space<vmem>> -> memref<128xi32, #tpu.memory_space<vmem>>
        %dma_start3A_141 = arith.constant 0 : i32
        %dma_start3A_142 = arith.constant 0 : i32
        %dma_start3A_143 = tpu.memref_slice %arg10[%dma_start3A_141, %dma_start3A_142] : memref<10112x40xf32, #tpu.memory_space<vmem_shared>> -> memref<10112x40xf32, #tpu.memory_space<vmem_shared>>
        tpu.enqueue_indirect_dma source(%dma_start3A_137 : memref<128x40xf32, #tpu.memory_space<vmem>>) target(%dma_start3A_143 : memref<10112x40xf32, #tpu.memory_space<vmem_shared>>) offsets(%dma_start3A_140 : memref<128xi32, #tpu.memory_space<vmem>>) semaphore(%arg19 : memref<!tpu.dma_semaphore, #tpu.memory_space<semaphore_mem>>) {add = true}
        %mul3A_144 = arith.constant 8 : i32
        %mul3A_145 = arith.muli %scan3A_117, %mul3A_144 : i32
        %add3A_146 = arith.constant 1 : i32
        %add3A_147 = arith.addi %mul3A_145, %add3A_146 : i32
        %dma_wait3A_148 = arith.constant 1 : i32
        %dma_wait3A_149 = arith.constant 0 : i32
        %dma_wait3A_150 = arith.constant 0 : i32
        %dma_wait3A_151 = tpu.memref_slice %arg9[%dma_wait3A_148, %dma_wait3A_149, %dma_wait3A_150] : memref<8x128x40xf32, #tpu.memory_space<vmem>> -> memref<1x128x40xf32, #tpu.memory_space<vmem>>
        %dma_wait3A_152 = tpu.memref_squeeze %dma_wait3A_151 : memref<1x128x40xf32, #tpu.memory_space<vmem>> -> memref<128x40xf32, #tpu.memory_space<vmem>>
        %dma_wait3A_153 = arith.constant 0 : i32
        %dma_wait3A_154 = tpu.memref_slice %arg7[%add3A_147, %dma_wait3A_153] : memref<120x128xi32, #tpu.memory_space<vmem>> -> memref<1x128xi32, #tpu.memory_space<vmem>>
        %dma_wait3A_155 = tpu.memref_squeeze %dma_wait3A_154 : memref<1x128xi32, #tpu.memory_space<vmem>> -> memref<128xi32, #tpu.memory_space<vmem>>
        %dma_wait3A_156 = arith.constant 0 : i32
        %dma_wait3A_157 = arith.constant 0 : i32
        %dma_wait3A_158 = tpu.memref_slice %arg2[%dma_wait3A_156, %dma_wait3A_157] : memref<10112x40xf32, #tpu.memory_space<hbm>> -> memref<10112x40xf32, #tpu.memory_space<hbm>>
        tpu.wait_indirect_dma semaphore(%arg12 : memref<!tpu.dma_semaphore, #tpu.memory_space<semaphore_mem>>) src(%dma_wait3A_158 : memref<10112x40xf32, #tpu.memory_space<hbm>>) dst(%dma_wait3A_152 : memref<128x40xf32, #tpu.memory_space<vmem>>)
        %dma_start3A_159 = arith.constant 1 : i32
        %dma_start3A_160 = arith.constant 0 : i32
        %dma_start3A_161 = arith.constant 0 : i32
        %dma_start3A_162 = tpu.memref_slice %arg9[%dma_start3A_159, %dma_start3A_160, %dma_start3A_161] : memref<8x128x40xf32, #tpu.memory_space<vmem>> -> memref<1x128x40xf32, #tpu.memory_space<vmem>>
        %dma_start3A_163 = tpu.memref_squeeze %dma_start3A_162 : memref<1x128x40xf32, #tpu.memory_space<vmem>> -> memref<128x40xf32, #tpu.memory_space<vmem>>
        %dma_start3A_164 = arith.constant 0 : i32
        %dma_start3A_165 = tpu.memref_slice %arg8[%add3A_147, %dma_start3A_164] : memref<120x128xi32, #tpu.memory_space<vmem>> -> memref<1x128xi32, #tpu.memory_space<vmem>>
        %dma_start3A_166 = tpu.memref_squeeze %dma_start3A_165 : memref<1x128xi32, #tpu.memory_space<vmem>> -> memref<128xi32, #tpu.memory_space<vmem>>
        %dma_start3A_167 = arith.constant 0 : i32
        %dma_start3A_168 = arith.constant 0 : i32
        %dma_start3A_169 = tpu.memref_slice %arg10[%dma_start3A_167, %dma_start3A_168] : memref<10112x40xf32, #tpu.memory_space<vmem_shared>> -> memref<10112x40xf32, #tpu.memory_space<vmem_shared>>
        tpu.enqueue_indirect_dma source(%dma_start3A_163 : memref<128x40xf32, #tpu.memory_space<vmem>>) target(%dma_start3A_169 : memref<10112x40xf32, #tpu.memory_space<vmem_shared>>) offsets(%dma_start3A_166 : memref<128xi32, #tpu.memory_space<vmem>>) semaphore(%arg20 : memref<!tpu.dma_semaphore, #tpu.memory_space<semaphore_mem>>) {add = true}
        %mul3A_170 = arith.constant 8 : i32
        %mul3A_171 = arith.muli %scan3A_117, %mul3A_170 : i32
        %add3A_172 = arith.constant 2 : i32
        %add3A_173 = arith.addi %mul3A_171, %add3A_172 : i32
        %dma_wait3A_174 = arith.constant 2 : i32
        %dma_wait3A_175 = arith.constant 0 : i32
        %dma_wait3A_176 = arith.constant 0 : i32
        %dma_wait3A_177 = tpu.memref_slice %arg9[%dma_wait3A_174, %dma_wait3A_175, %dma_wait3A_176] : memref<8x128x40xf32, #tpu.memory_space<vmem>> -> memref<1x128x40xf32, #tpu.memory_space<vmem>>
        %dma_wait3A_178 = tpu.memref_squeeze %dma_wait3A_177 : memref<1x128x40xf32, #tpu.memory_space<vmem>> -> memref<128x40xf32, #tpu.memory_space<vmem>>
        %dma_wait3A_179 = arith.constant 0 : i32
        %dma_wait3A_180 = tpu.memref_slice %arg7[%add3A_173, %dma_wait3A_179] : memref<120x128xi32, #tpu.memory_space<vmem>> -> memref<1x128xi32, #tpu.memory_space<vmem>>
        %dma_wait3A_181 = tpu.memref_squeeze %dma_wait3A_180 : memref<1x128xi32, #tpu.memory_space<vmem>> -> memref<128xi32, #tpu.memory_space<vmem>>
        %dma_wait3A_182 = arith.constant 0 : i32
        %dma_wait3A_183 = arith.constant 0 : i32
        %dma_wait3A_184 = tpu.memref_slice %arg2[%dma_wait3A_182, %dma_wait3A_183] : memref<10112x40xf32, #tpu.memory_space<hbm>> -> memref<10112x40xf32, #tpu.memory_space<hbm>>
        tpu.wait_indirect_dma semaphore(%arg13 : memref<!tpu.dma_semaphore, #tpu.memory_space<semaphore_mem>>) src(%dma_wait3A_184 : memref<10112x40xf32, #tpu.memory_space<hbm>>) dst(%dma_wait3A_178 : memref<128x40xf32, #tpu.memory_space<vmem>>)
        %dma_start3A_185 = arith.constant 2 : i32
        %dma_start3A_186 = arith.constant 0 : i32
        %dma_start3A_187 = arith.constant 0 : i32
        %dma_start3A_188 = tpu.memref_slice %arg9[%dma_start3A_185, %dma_start3A_186, %dma_start3A_187] : memref<8x128x40xf32, #tpu.memory_space<vmem>> -> memref<1x128x40xf32, #tpu.memory_space<vmem>>
        %dma_start3A_189 = tpu.memref_squeeze %dma_start3A_188 : memref<1x128x40xf32, #tpu.memory_space<vmem>> -> memref<128x40xf32, #tpu.memory_space<vmem>>
        %dma_start3A_190 = arith.constant 0 : i32
        %dma_start3A_191 = tpu.memref_slice %arg8[%add3A_173, %dma_start3A_190] : memref<120x128xi32, #tpu.memory_space<vmem>> -> memref<1x128xi32, #tpu.memory_space<vmem>>
        %dma_start3A_192 = tpu.memref_squeeze %dma_start3A_191 : memref<1x128xi32, #tpu.memory_space<vmem>> -> memref<128xi32, #tpu.memory_space<vmem>>
        %dma_start3A_193 = arith.constant 0 : i32
        %dma_start3A_194 = arith.constant 0 : i32
        %dma_start3A_195 = tpu.memref_slice %arg10[%dma_start3A_193, %dma_start3A_194] : memref<10112x40xf32, #tpu.memory_space<vmem_shared>> -> memref<10112x40xf32, #tpu.memory_space<vmem_shared>>
        tpu.enqueue_indirect_dma source(%dma_start3A_189 : memref<128x40xf32, #tpu.memory_space<vmem>>) target(%dma_start3A_195 : memref<10112x40xf32, #tpu.memory_space<vmem_shared>>) offsets(%dma_start3A_192 : memref<128xi32, #tpu.memory_space<vmem>>) semaphore(%arg21 : memref<!tpu.dma_semaphore, #tpu.memory_space<semaphore_mem>>) {add = true}
        %mul3A_196 = arith.constant 8 : i32
        %mul3A_197 = arith.muli %scan3A_117, %mul3A_196 : i32
        %add3A_198 = arith.constant 3 : i32
        %add3A_199 = arith.addi %mul3A_197, %add3A_198 : i32
        %dma_wait3A_200 = arith.constant 3 : i32
        %dma_wait3A_201 = arith.constant 0 : i32
        %dma_wait3A_202 = arith.constant 0 : i32
        %dma_wait3A_203 = tpu.memref_slice %arg9[%dma_wait3A_200, %dma_wait3A_201, %dma_wait3A_202] : memref<8x128x40xf32, #tpu.memory_space<vmem>> -> memref<1x128x40xf32, #tpu.memory_space<vmem>>
        %dma_wait3A_204 = tpu.memref_squeeze %dma_wait3A_203 : memref<1x128x40xf32, #tpu.memory_space<vmem>> -> memref<128x40xf32, #tpu.memory_space<vmem>>
        %dma_wait3A_205 = arith.constant 0 : i32
        %dma_wait3A_206 = tpu.memref_slice %arg7[%add3A_199, %dma_wait3A_205] : memref<120x128xi32, #tpu.memory_space<vmem>> -> memref<1x128xi32, #tpu.memory_space<vmem>>
        %dma_wait3A_207 = tpu.memref_squeeze %dma_wait3A_206 : memref<1x128xi32, #tpu.memory_space<vmem>> -> memref<128xi32, #tpu.memory_space<vmem>>
        %dma_wait3A_208 = arith.constant 0 : i32
        %dma_wait3A_209 = arith.constant 0 : i32
        %dma_wait3A_210 = tpu.memref_slice %arg2[%dma_wait3A_208, %dma_wait3A_209] : memref<10112x40xf32, #tpu.memory_space<hbm>> -> memref<10112x40xf32, #tpu.memory_space<hbm>>
        tpu.wait_indirect_dma semaphore(%arg14 : memref<!tpu.dma_semaphore, #tpu.memory_space<semaphore_mem>>) src(%dma_wait3A_210 : memref<10112x40xf32, #tpu.memory_space<hbm>>) dst(%dma_wait3A_204 : memref<128x40xf32, #tpu.memory_space<vmem>>)
        %dma_start3A_211 = arith.constant 3 : i32
        %dma_start3A_212 = arith.constant 0 : i32
        %dma_start3A_213 = arith.constant 0 : i32
        %dma_start3A_214 = tpu.memref_slice %arg9[%dma_start3A_211, %dma_start3A_212, %dma_start3A_213] : memref<8x128x40xf32, #tpu.memory_space<vmem>> -> memref<1x128x40xf32, #tpu.memory_space<vmem>>
        %dma_start3A_215 = tpu.memref_squeeze %dma_start3A_214 : memref<1x128x40xf32, #tpu.memory_space<vmem>> -> memref<128x40xf32, #tpu.memory_space<vmem>>
        %dma_start3A_216 = arith.constant 0 : i32
        %dma_start3A_217 = tpu.memref_slice %arg8[%add3A_199, %dma_start3A_216] : memref<120x128xi32, #tpu.memory_space<vmem>> -> memref<1x128xi32, #tpu.memory_space<vmem>>
        %dma_start3A_218 = tpu.memref_squeeze %dma_start3A_217 : memref<1x128xi32, #tpu.memory_space<vmem>> -> memref<128xi32, #tpu.memory_space<vmem>>
        %dma_start3A_219 = arith.constant 0 : i32
        %dma_start3A_220 = arith.constant 0 : i32
        %dma_start3A_221 = tpu.memref_slice %arg10[%dma_start3A_219, %dma_start3A_220] : memref<10112x40xf32, #tpu.memory_space<vmem_shared>> -> memref<10112x40xf32, #tpu.memory_space<vmem_shared>>
        tpu.enqueue_indirect_dma source(%dma_start3A_215 : memref<128x40xf32, #tpu.memory_space<vmem>>) target(%dma_start3A_221 : memref<10112x40xf32, #tpu.memory_space<vmem_shared>>) offsets(%dma_start3A_218 : memref<128xi32, #tpu.memory_space<vmem>>) semaphore(%arg22 : memref<!tpu.dma_semaphore, #tpu.memory_space<semaphore_mem>>) {add = true}
        %mul3A_222 = arith.constant 8 : i32
        %mul3A_223 = arith.muli %scan3A_117, %mul3A_222 : i32
        %add3A_224 = arith.constant 4 : i32
        %add3A_225 = arith.addi %mul3A_223, %add3A_224 : i32
        %dma_wait3A_226 = arith.constant 4 : i32
        %dma_wait3A_227 = arith.constant 0 : i32
        %dma_wait3A_228 = arith.constant 0 : i32
        %dma_wait3A_229 = tpu.memref_slice %arg9[%dma_wait3A_226, %dma_wait3A_227, %dma_wait3A_228] : memref<8x128x40xf32, #tpu.memory_space<vmem>> -> memref<1x128x40xf32, #tpu.memory_space<vmem>>
        %dma_wait3A_230 = tpu.memref_squeeze %dma_wait3A_229 : memref<1x128x40xf32, #tpu.memory_space<vmem>> -> memref<128x40xf32, #tpu.memory_space<vmem>>
        %dma_wait3A_231 = arith.constant 0 : i32
        %dma_wait3A_232 = tpu.memref_slice %arg7[%add3A_225, %dma_wait3A_231] : memref<120x128xi32, #tpu.memory_space<vmem>> -> memref<1x128xi32, #tpu.memory_space<vmem>>
        %dma_wait3A_233 = tpu.memref_squeeze %dma_wait3A_232 : memref<1x128xi32, #tpu.memory_space<vmem>> -> memref<128xi32, #tpu.memory_space<vmem>>
        %dma_wait3A_234 = arith.constant 0 : i32
        %dma_wait3A_235 = arith.constant 0 : i32
        %dma_wait3A_236 = tpu.memref_slice %arg2[%dma_wait3A_234, %dma_wait3A_235] : memref<10112x40xf32, #tpu.memory_space<hbm>> -> memref<10112x40xf32, #tpu.memory_space<hbm>>
        tpu.wait_indirect_dma semaphore(%arg15 : memref<!tpu.dma_semaphore, #tpu.memory_space<semaphore_mem>>) src(%dma_wait3A_236 : memref<10112x40xf32, #tpu.memory_space<hbm>>) dst(%dma_wait3A_230 : memref<128x40xf32, #tpu.memory_space<vmem>>)
        %dma_start3A_237 = arith.constant 4 : i32
        %dma_start3A_238 = arith.constant 0 : i32
        %dma_start3A_239 = arith.constant 0 : i32
        %dma_start3A_240 = tpu.memref_slice %arg9[%dma_start3A_237, %dma_start3A_238, %dma_start3A_239] : memref<8x128x40xf32, #tpu.memory_space<vmem>> -> memref<1x128x40xf32, #tpu.memory_space<vmem>>
        %dma_start3A_241 = tpu.memref_squeeze %dma_start3A_240 : memref<1x128x40xf32, #tpu.memory_space<vmem>> -> memref<128x40xf32, #tpu.memory_space<vmem>>
        %dma_start3A_242 = arith.constant 0 : i32
        %dma_start3A_243 = tpu.memref_slice %arg8[%add3A_225, %dma_start3A_242] : memref<120x128xi32, #tpu.memory_space<vmem>> -> memref<1x128xi32, #tpu.memory_space<vmem>>
        %dma_start3A_244 = tpu.memref_squeeze %dma_start3A_243 : memref<1x128xi32, #tpu.memory_space<vmem>> -> memref<128xi32, #tpu.memory_space<vmem>>
        %dma_start3A_245 = arith.constant 0 : i32
        %dma_start3A_246 = arith.constant 0 : i32
        %dma_start3A_247 = tpu.memref_slice %arg10[%dma_start3A_245, %dma_start3A_246] : memref<10112x40xf32, #tpu.memory_space<vmem_shared>> -> memref<10112x40xf32, #tpu.memory_space<vmem_shared>>
        tpu.enqueue_indirect_dma source(%dma_start3A_241 : memref<128x40xf32, #tpu.memory_space<vmem>>) target(%dma_start3A_247 : memref<10112x40xf32, #tpu.memory_space<vmem_shared>>) offsets(%dma_start3A_244 : memref<128xi32, #tpu.memory_space<vmem>>) semaphore(%arg23 : memref<!tpu.dma_semaphore, #tpu.memory_space<semaphore_mem>>) {add = true}
        %mul3A_248 = arith.constant 8 : i32
        %mul3A_249 = arith.muli %scan3A_117, %mul3A_248 : i32
        %add3A_250 = arith.constant 5 : i32
        %add3A_251 = arith.addi %mul3A_249, %add3A_250 : i32
        %dma_wait3A_252 = arith.constant 5 : i32
        %dma_wait3A_253 = arith.constant 0 : i32
        %dma_wait3A_254 = arith.constant 0 : i32
        %dma_wait3A_255 = tpu.memref_slice %arg9[%dma_wait3A_252, %dma_wait3A_253, %dma_wait3A_254] : memref<8x128x40xf32, #tpu.memory_space<vmem>> -> memref<1x128x40xf32, #tpu.memory_space<vmem>>
        %dma_wait3A_256 = tpu.memref_squeeze %dma_wait3A_255 : memref<1x128x40xf32, #tpu.memory_space<vmem>> -> memref<128x40xf32, #tpu.memory_space<vmem>>
        %dma_wait3A_257 = arith.constant 0 : i32
        %dma_wait3A_258 = tpu.memref_slice %arg7[%add3A_251, %dma_wait3A_257] : memref<120x128xi32, #tpu.memory_space<vmem>> -> memref<1x128xi32, #tpu.memory_space<vmem>>
        %dma_wait3A_259 = tpu.memref_squeeze %dma_wait3A_258 : memref<1x128xi32, #tpu.memory_space<vmem>> -> memref<128xi32, #tpu.memory_space<vmem>>
        %dma_wait3A_260 = arith.constant 0 : i32
        %dma_wait3A_261 = arith.constant 0 : i32
        %dma_wait3A_262 = tpu.memref_slice %arg2[%dma_wait3A_260, %dma_wait3A_261] : memref<10112x40xf32, #tpu.memory_space<hbm>> -> memref<10112x40xf32, #tpu.memory_space<hbm>>
        tpu.wait_indirect_dma semaphore(%arg16 : memref<!tpu.dma_semaphore, #tpu.memory_space<semaphore_mem>>) src(%dma_wait3A_262 : memref<10112x40xf32, #tpu.memory_space<hbm>>) dst(%dma_wait3A_256 : memref<128x40xf32, #tpu.memory_space<vmem>>)
        %dma_start3A_263 = arith.constant 5 : i32
        %dma_start3A_264 = arith.constant 0 : i32
        %dma_start3A_265 = arith.constant 0 : i32
        %dma_start3A_266 = tpu.memref_slice %arg9[%dma_start3A_263, %dma_start3A_264, %dma_start3A_265] : memref<8x128x40xf32, #tpu.memory_space<vmem>> -> memref<1x128x40xf32, #tpu.memory_space<vmem>>
        %dma_start3A_267 = tpu.memref_squeeze %dma_start3A_266 : memref<1x128x40xf32, #tpu.memory_space<vmem>> -> memref<128x40xf32, #tpu.memory_space<vmem>>
        %dma_start3A_268 = arith.constant 0 : i32
        %dma_start3A_269 = tpu.memref_slice %arg8[%add3A_251, %dma_start3A_268] : memref<120x128xi32, #tpu.memory_space<vmem>> -> memref<1x128xi32, #tpu.memory_space<vmem>>
        %dma_start3A_270 = tpu.memref_squeeze %dma_start3A_269 : memref<1x128xi32, #tpu.memory_space<vmem>> -> memref<128xi32, #tpu.memory_space<vmem>>
        %dma_start3A_271 = arith.constant 0 : i32
        %dma_start3A_272 = arith.constant 0 : i32
        %dma_start3A_273 = tpu.memref_slice %arg10[%dma_start3A_271, %dma_start3A_272] : memref<10112x40xf32, #tpu.memory_space<vmem_shared>> -> memref<10112x40xf32, #tpu.memory_space<vmem_shared>>
        tpu.enqueue_indirect_dma source(%dma_start3A_267 : memref<128x40xf32, #tpu.memory_space<vmem>>) target(%dma_start3A_273 : memref<10112x40xf32, #tpu.memory_space<vmem_shared>>) offsets(%dma_start3A_270 : memref<128xi32, #tpu.memory_space<vmem>>) semaphore(%arg24 : memref<!tpu.dma_semaphore, #tpu.memory_space<semaphore_mem>>) {add = true}
        %mul3A_274 = arith.constant 8 : i32
        %mul3A_275 = arith.muli %scan3A_117, %mul3A_274 : i32
        %add3A_276 = arith.constant 6 : i32
        %add3A_277 = arith.addi %mul3A_275, %add3A_276 : i32
        %dma_wait3A_278 = arith.constant 6 : i32
        %dma_wait3A_279 = arith.constant 0 : i32
        %dma_wait3A_280 = arith.constant 0 : i32
        %dma_wait3A_281 = tpu.memref_slice %arg9[%dma_wait3A_278, %dma_wait3A_279, %dma_wait3A_280] : memref<8x128x40xf32, #tpu.memory_space<vmem>> -> memref<1x128x40xf32, #tpu.memory_space<vmem>>
        %dma_wait3A_282 = tpu.memref_squeeze %dma_wait3A_281 : memref<1x128x40xf32, #tpu.memory_space<vmem>> -> memref<128x40xf32, #tpu.memory_space<vmem>>
        %dma_wait3A_283 = arith.constant 0 : i32
        %dma_wait3A_284 = tpu.memref_slice %arg7[%add3A_277, %dma_wait3A_283] : memref<120x128xi32, #tpu.memory_space<vmem>> -> memref<1x128xi32, #tpu.memory_space<vmem>>
        %dma_wait3A_285 = tpu.memref_squeeze %dma_wait3A_284 : memref<1x128xi32, #tpu.memory_space<vmem>> -> memref<128xi32, #tpu.memory_space<vmem>>
        %dma_wait3A_286 = arith.constant 0 : i32
        %dma_wait3A_287 = arith.constant 0 : i32
        %dma_wait3A_288 = tpu.memref_slice %arg2[%dma_wait3A_286, %dma_wait3A_287] : memref<10112x40xf32, #tpu.memory_space<hbm>> -> memref<10112x40xf32, #tpu.memory_space<hbm>>
        tpu.wait_indirect_dma semaphore(%arg17 : memref<!tpu.dma_semaphore, #tpu.memory_space<semaphore_mem>>) src(%dma_wait3A_288 : memref<10112x40xf32, #tpu.memory_space<hbm>>) dst(%dma_wait3A_282 : memref<128x40xf32, #tpu.memory_space<vmem>>)
        %dma_start3A_289 = arith.constant 6 : i32
        %dma_start3A_290 = arith.constant 0 : i32
        %dma_start3A_291 = arith.constant 0 : i32
        %dma_start3A_292 = tpu.memref_slice %arg9[%dma_start3A_289, %dma_start3A_290, %dma_start3A_291] : memref<8x128x40xf32, #tpu.memory_space<vmem>> -> memref<1x128x40xf32, #tpu.memory_space<vmem>>
        %dma_start3A_293 = tpu.memref_squeeze %dma_start3A_292 : memref<1x128x40xf32, #tpu.memory_space<vmem>> -> memref<128x40xf32, #tpu.memory_space<vmem>>
        %dma_start3A_294 = arith.constant 0 : i32
        %dma_start3A_295 = tpu.memref_slice %arg8[%add3A_277, %dma_start3A_294] : memref<120x128xi32, #tpu.memory_space<vmem>> -> memref<1x128xi32, #tpu.memory_space<vmem>>
        %dma_start3A_296 = tpu.memref_squeeze %dma_start3A_295 : memref<1x128xi32, #tpu.memory_space<vmem>> -> memref<128xi32, #tpu.memory_space<vmem>>
        %dma_start3A_297 = arith.constant 0 : i32
        %dma_start3A_298 = arith.constant 0 : i32
        %dma_start3A_299 = tpu.memref_slice %arg10[%dma_start3A_297, %dma_start3A_298] : memref<10112x40xf32, #tpu.memory_space<vmem_shared>> -> memref<10112x40xf32, #tpu.memory_space<vmem_shared>>
        tpu.enqueue_indirect_dma source(%dma_start3A_293 : memref<128x40xf32, #tpu.memory_space<vmem>>) target(%dma_start3A_299 : memref<10112x40xf32, #tpu.memory_space<vmem_shared>>) offsets(%dma_start3A_296 : memref<128xi32, #tpu.memory_space<vmem>>) semaphore(%arg25 : memref<!tpu.dma_semaphore, #tpu.memory_space<semaphore_mem>>) {add = true}
        %mul3A_300 = arith.constant 8 : i32
        %mul3A_301 = arith.muli %scan3A_117, %mul3A_300 : i32
        %add3A_302 = arith.constant 7 : i32
        %add3A_303 = arith.addi %mul3A_301, %add3A_302 : i32
        %dma_wait3A_304 = arith.constant 7 : i32
        %dma_wait3A_305 = arith.constant 0 : i32
        %dma_wait3A_306 = arith.constant 0 : i32
        %dma_wait3A_307 = tpu.memref_slice %arg9[%dma_wait3A_304, %dma_wait3A_305, %dma_wait3A_306] : memref<8x128x40xf32, #tpu.memory_space<vmem>> -> memref<1x128x40xf32, #tpu.memory_space<vmem>>
        %dma_wait3A_308 = tpu.memref_squeeze %dma_wait3A_307 : memref<1x128x40xf32, #tpu.memory_space<vmem>> -> memref<128x40xf32, #tpu.memory_space<vmem>>
        %dma_wait3A_309 = arith.constant 0 : i32
        %dma_wait3A_310 = tpu.memref_slice %arg7[%add3A_303, %dma_wait3A_309] : memref<120x128xi32, #tpu.memory_space<vmem>> -> memref<1x128xi32, #tpu.memory_space<vmem>>
        %dma_wait3A_311 = tpu.memref_squeeze %dma_wait3A_310 : memref<1x128xi32, #tpu.memory_space<vmem>> -> memref<128xi32, #tpu.memory_space<vmem>>
        %dma_wait3A_312 = arith.constant 0 : i32
        %dma_wait3A_313 = arith.constant 0 : i32
        %dma_wait3A_314 = tpu.memref_slice %arg2[%dma_wait3A_312, %dma_wait3A_313] : memref<10112x40xf32, #tpu.memory_space<hbm>> -> memref<10112x40xf32, #tpu.memory_space<hbm>>
        tpu.wait_indirect_dma semaphore(%arg18 : memref<!tpu.dma_semaphore, #tpu.memory_space<semaphore_mem>>) src(%dma_wait3A_314 : memref<10112x40xf32, #tpu.memory_space<hbm>>) dst(%dma_wait3A_308 : memref<128x40xf32, #tpu.memory_space<vmem>>)
        %dma_start3A_315 = arith.constant 7 : i32
        %dma_start3A_316 = arith.constant 0 : i32
        %dma_start3A_317 = arith.constant 0 : i32
        %dma_start3A_318 = tpu.memref_slice %arg9[%dma_start3A_315, %dma_start3A_316, %dma_start3A_317] : memref<8x128x40xf32, #tpu.memory_space<vmem>> -> memref<1x128x40xf32, #tpu.memory_space<vmem>>
        %dma_start3A_319 = tpu.memref_squeeze %dma_start3A_318 : memref<1x128x40xf32, #tpu.memory_space<vmem>> -> memref<128x40xf32, #tpu.memory_space<vmem>>
        %dma_start3A_320 = arith.constant 0 : i32
        %dma_start3A_321 = tpu.memref_slice %arg8[%add3A_303, %dma_start3A_320] : memref<120x128xi32, #tpu.memory_space<vmem>> -> memref<1x128xi32, #tpu.memory_space<vmem>>
        %dma_start3A_322 = tpu.memref_squeeze %dma_start3A_321 : memref<1x128xi32, #tpu.memory_space<vmem>> -> memref<128xi32, #tpu.memory_space<vmem>>
        %dma_start3A_323 = arith.constant 0 : i32
        %dma_start3A_324 = arith.constant 0 : i32
        %dma_start3A_325 = tpu.memref_slice %arg10[%dma_start3A_323, %dma_start3A_324] : memref<10112x40xf32, #tpu.memory_space<vmem_shared>> -> memref<10112x40xf32, #tpu.memory_space<vmem_shared>>
        tpu.enqueue_indirect_dma source(%dma_start3A_319 : memref<128x40xf32, #tpu.memory_space<vmem>>) target(%dma_start3A_325 : memref<10112x40xf32, #tpu.memory_space<vmem_shared>>) offsets(%dma_start3A_322 : memref<128xi32, #tpu.memory_space<vmem>>) semaphore(%arg26 : memref<!tpu.dma_semaphore, #tpu.memory_space<semaphore_mem>>) {add = true}
        %mul3A_326 = arith.constant 8 : i32
        %mul3A_327 = arith.muli %scan3A_117, %mul3A_326 : i32
        %add3A_328 = arith.constant 0 : i32
        %add3A_329 = arith.addi %mul3A_327, %add3A_328 : i32
        %dma_wait3A_330 = arith.constant 0 : i32
        %dma_wait3A_331 = arith.constant 0 : i32
        %dma_wait3A_332 = arith.constant 0 : i32
        %dma_wait3A_333 = tpu.memref_slice %arg9[%dma_wait3A_330, %dma_wait3A_331, %dma_wait3A_332] : memref<8x128x40xf32, #tpu.memory_space<vmem>> -> memref<1x128x40xf32, #tpu.memory_space<vmem>>
        %dma_wait3A_334 = tpu.memref_squeeze %dma_wait3A_333 : memref<1x128x40xf32, #tpu.memory_space<vmem>> -> memref<128x40xf32, #tpu.memory_space<vmem>>
        %dma_wait3A_335 = arith.constant 0 : i32
        %dma_wait3A_336 = tpu.memref_slice %arg8[%add3A_121, %dma_wait3A_335] : memref<120x128xi32, #tpu.memory_space<vmem>> -> memref<1x128xi32, #tpu.memory_space<vmem>>
        %dma_wait3A_337 = tpu.memref_squeeze %dma_wait3A_336 : memref<1x128xi32, #tpu.memory_space<vmem>> -> memref<128xi32, #tpu.memory_space<vmem>>
        %dma_wait3A_338 = arith.constant 0 : i32
        %dma_wait3A_339 = arith.constant 0 : i32
        %dma_wait3A_340 = tpu.memref_slice %arg10[%dma_wait3A_338, %dma_wait3A_339] : memref<10112x40xf32, #tpu.memory_space<vmem_shared>> -> memref<10112x40xf32, #tpu.memory_space<vmem_shared>>
        tpu.wait_indirect_dma semaphore(%arg19 : memref<!tpu.dma_semaphore, #tpu.memory_space<semaphore_mem>>) src(%dma_wait3A_334 : memref<128x40xf32, #tpu.memory_space<vmem>>) dst(%dma_wait3A_340 : memref<10112x40xf32, #tpu.memory_space<vmem_shared>>)
        %lt3A = arith.constant 4 : i32
        %lt3A_341 = arith.cmpi slt, %scan3A_117, %lt3A : i32
        %convert_element_type3A_342 = arith.extui %lt3A_341 : i1 to i32
        %cond3A_343 = arith.constant 0 : i32
        %cond3A_344 = arith.cmpi ne, %convert_element_type3A_342, %cond3A_343 : i32
        scf.if %cond3A_344 {
          %add3A_485 = arith.constant 8 : i32
          %add3A_486 = arith.addi %add3A_329, %add3A_485 : i32
          %dma_start3A_487 = arith.constant 0 : i32
          %dma_start3A_488 = arith.constant 0 : i32
          %dma_start3A_489 = arith.constant 0 : i32
          %dma_start3A_490 = tpu.memref_slice %arg9[%dma_start3A_487, %dma_start3A_488, %dma_start3A_489] : memref<8x128x40xf32, #tpu.memory_space<vmem>> -> memref<1x128x40xf32, #tpu.memory_space<vmem>>
          %dma_start3A_491 = tpu.memref_squeeze %dma_start3A_490 : memref<1x128x40xf32, #tpu.memory_space<vmem>> -> memref<128x40xf32, #tpu.memory_space<vmem>>
          %dma_start3A_492 = arith.constant 0 : i32
          %dma_start3A_493 = tpu.memref_slice %arg7[%add3A_486, %dma_start3A_492] : memref<120x128xi32, #tpu.memory_space<vmem>> -> memref<1x128xi32, #tpu.memory_space<vmem>>
          %dma_start3A_494 = tpu.memref_squeeze %dma_start3A_493 : memref<1x128xi32, #tpu.memory_space<vmem>> -> memref<128xi32, #tpu.memory_space<vmem>>
          %dma_start3A_495 = arith.constant 0 : i32
          %dma_start3A_496 = arith.constant 0 : i32
          %dma_start3A_497 = tpu.memref_slice %arg2[%dma_start3A_495, %dma_start3A_496] : memref<10112x40xf32, #tpu.memory_space<hbm>> -> memref<10112x40xf32, #tpu.memory_space<hbm>>
          tpu.enqueue_indirect_dma source(%dma_start3A_497 : memref<10112x40xf32, #tpu.memory_space<hbm>>) target(%dma_start3A_491 : memref<128x40xf32, #tpu.memory_space<vmem>>) offsets(%dma_start3A_494 : memref<128xi32, #tpu.memory_space<vmem>>) semaphore(%arg11 : memref<!tpu.dma_semaphore, #tpu.memory_space<semaphore_mem>>)
        } else {
        }
        %mul3A_345 = arith.constant 8 : i32
        %mul3A_346 = arith.muli %scan3A_117, %mul3A_345 : i32
        %add3A_347 = arith.constant 1 : i32
        %add3A_348 = arith.addi %mul3A_346, %add3A_347 : i32
        %dma_wait3A_349 = arith.constant 1 : i32
        %dma_wait3A_350 = arith.constant 0 : i32
        %dma_wait3A_351 = arith.constant 0 : i32
        %dma_wait3A_352 = tpu.memref_slice %arg9[%dma_wait3A_349, %dma_wait3A_350, %dma_wait3A_351] : memref<8x128x40xf32, #tpu.memory_space<vmem>> -> memref<1x128x40xf32, #tpu.memory_space<vmem>>
        %dma_wait3A_353 = tpu.memref_squeeze %dma_wait3A_352 : memref<1x128x40xf32, #tpu.memory_space<vmem>> -> memref<128x40xf32, #tpu.memory_space<vmem>>
        %dma_wait3A_354 = arith.constant 0 : i32
        %dma_wait3A_355 = tpu.memref_slice %arg8[%add3A_147, %dma_wait3A_354] : memref<120x128xi32, #tpu.memory_space<vmem>> -> memref<1x128xi32, #tpu.memory_space<vmem>>
        %dma_wait3A_356 = tpu.memref_squeeze %dma_wait3A_355 : memref<1x128xi32, #tpu.memory_space<vmem>> -> memref<128xi32, #tpu.memory_space<vmem>>
        %dma_wait3A_357 = arith.constant 0 : i32
        %dma_wait3A_358 = arith.constant 0 : i32
        %dma_wait3A_359 = tpu.memref_slice %arg10[%dma_wait3A_357, %dma_wait3A_358] : memref<10112x40xf32, #tpu.memory_space<vmem_shared>> -> memref<10112x40xf32, #tpu.memory_space<vmem_shared>>
        tpu.wait_indirect_dma semaphore(%arg20 : memref<!tpu.dma_semaphore, #tpu.memory_space<semaphore_mem>>) src(%dma_wait3A_353 : memref<128x40xf32, #tpu.memory_space<vmem>>) dst(%dma_wait3A_359 : memref<10112x40xf32, #tpu.memory_space<vmem_shared>>)
        %lt3A_360 = arith.constant 4 : i32
        %lt3A_361 = arith.cmpi slt, %scan3A_117, %lt3A_360 : i32
        %convert_element_type3A_362 = arith.extui %lt3A_361 : i1 to i32
        %cond3A_363 = arith.constant 0 : i32
        %cond3A_364 = arith.cmpi ne, %convert_element_type3A_362, %cond3A_363 : i32
        scf.if %cond3A_364 {
          %add3A_485 = arith.constant 8 : i32
          %add3A_486 = arith.addi %add3A_348, %add3A_485 : i32
          %dma_start3A_487 = arith.constant 1 : i32
          %dma_start3A_488 = arith.constant 0 : i32
          %dma_start3A_489 = arith.constant 0 : i32
          %dma_start3A_490 = tpu.memref_slice %arg9[%dma_start3A_487, %dma_start3A_488, %dma_start3A_489] : memref<8x128x40xf32, #tpu.memory_space<vmem>> -> memref<1x128x40xf32, #tpu.memory_space<vmem>>
          %dma_start3A_491 = tpu.memref_squeeze %dma_start3A_490 : memref<1x128x40xf32, #tpu.memory_space<vmem>> -> memref<128x40xf32, #tpu.memory_space<vmem>>
          %dma_start3A_492 = arith.constant 0 : i32
          %dma_start3A_493 = tpu.memref_slice %arg7[%add3A_486, %dma_start3A_492] : memref<120x128xi32, #tpu.memory_space<vmem>> -> memref<1x128xi32, #tpu.memory_space<vmem>>
          %dma_start3A_494 = tpu.memref_squeeze %dma_start3A_493 : memref<1x128xi32, #tpu.memory_space<vmem>> -> memref<128xi32, #tpu.memory_space<vmem>>
          %dma_start3A_495 = arith.constant 0 : i32
          %dma_start3A_496 = arith.constant 0 : i32
          %dma_start3A_497 = tpu.memref_slice %arg2[%dma_start3A_495, %dma_start3A_496] : memref<10112x40xf32, #tpu.memory_space<hbm>> -> memref<10112x40xf32, #tpu.memory_space<hbm>>
          tpu.enqueue_indirect_dma source(%dma_start3A_497 : memref<10112x40xf32, #tpu.memory_space<hbm>>) target(%dma_start3A_491 : memref<128x40xf32, #tpu.memory_space<vmem>>) offsets(%dma_start3A_494 : memref<128xi32, #tpu.memory_space<vmem>>) semaphore(%arg12 : memref<!tpu.dma_semaphore, #tpu.memory_space<semaphore_mem>>)
        } else {
        }
        %mul3A_365 = arith.constant 8 : i32
        %mul3A_366 = arith.muli %scan3A_117, %mul3A_365 : i32
        %add3A_367 = arith.constant 2 : i32
        %add3A_368 = arith.addi %mul3A_366, %add3A_367 : i32
        %dma_wait3A_369 = arith.constant 2 : i32
        %dma_wait3A_370 = arith.constant 0 : i32
        %dma_wait3A_371 = arith.constant 0 : i32
        %dma_wait3A_372 = tpu.memref_slice %arg9[%dma_wait3A_369, %dma_wait3A_370, %dma_wait3A_371] : memref<8x128x40xf32, #tpu.memory_space<vmem>> -> memref<1x128x40xf32, #tpu.memory_space<vmem>>
        %dma_wait3A_373 = tpu.memref_squeeze %dma_wait3A_372 : memref<1x128x40xf32, #tpu.memory_space<vmem>> -> memref<128x40xf32, #tpu.memory_space<vmem>>
        %dma_wait3A_374 = arith.constant 0 : i32
        %dma_wait3A_375 = tpu.memref_slice %arg8[%add3A_173, %dma_wait3A_374] : memref<120x128xi32, #tpu.memory_space<vmem>> -> memref<1x128xi32, #tpu.memory_space<vmem>>
        %dma_wait3A_376 = tpu.memref_squeeze %dma_wait3A_375 : memref<1x128xi32, #tpu.memory_space<vmem>> -> memref<128xi32, #tpu.memory_space<vmem>>
        %dma_wait3A_377 = arith.constant 0 : i32
        %dma_wait3A_378 = arith.constant 0 : i32
        %dma_wait3A_379 = tpu.memref_slice %arg10[%dma_wait3A_377, %dma_wait3A_378] : memref<10112x40xf32, #tpu.memory_space<vmem_shared>> -> memref<10112x40xf32, #tpu.memory_space<vmem_shared>>
        tpu.wait_indirect_dma semaphore(%arg21 : memref<!tpu.dma_semaphore, #tpu.memory_space<semaphore_mem>>) src(%dma_wait3A_373 : memref<128x40xf32, #tpu.memory_space<vmem>>) dst(%dma_wait3A_379 : memref<10112x40xf32, #tpu.memory_space<vmem_shared>>)
        %lt3A_380 = arith.constant 4 : i32
        %lt3A_381 = arith.cmpi slt, %scan3A_117, %lt3A_380 : i32
        %convert_element_type3A_382 = arith.extui %lt3A_381 : i1 to i32
        %cond3A_383 = arith.constant 0 : i32
        %cond3A_384 = arith.cmpi ne, %convert_element_type3A_382, %cond3A_383 : i32
        scf.if %cond3A_384 {
          %add3A_485 = arith.constant 8 : i32
          %add3A_486 = arith.addi %add3A_368, %add3A_485 : i32
          %dma_start3A_487 = arith.constant 2 : i32
          %dma_start3A_488 = arith.constant 0 : i32
          %dma_start3A_489 = arith.constant 0 : i32
          %dma_start3A_490 = tpu.memref_slice %arg9[%dma_start3A_487, %dma_start3A_488, %dma_start3A_489] : memref<8x128x40xf32, #tpu.memory_space<vmem>> -> memref<1x128x40xf32, #tpu.memory_space<vmem>>
          %dma_start3A_491 = tpu.memref_squeeze %dma_start3A_490 : memref<1x128x40xf32, #tpu.memory_space<vmem>> -> memref<128x40xf32, #tpu.memory_space<vmem>>
          %dma_start3A_492 = arith.constant 0 : i32
          %dma_start3A_493 = tpu.memref_slice %arg7[%add3A_486, %dma_start3A_492] : memref<120x128xi32, #tpu.memory_space<vmem>> -> memref<1x128xi32, #tpu.memory_space<vmem>>
          %dma_start3A_494 = tpu.memref_squeeze %dma_start3A_493 : memref<1x128xi32, #tpu.memory_space<vmem>> -> memref<128xi32, #tpu.memory_space<vmem>>
          %dma_start3A_495 = arith.constant 0 : i32
          %dma_start3A_496 = arith.constant 0 : i32
          %dma_start3A_497 = tpu.memref_slice %arg2[%dma_start3A_495, %dma_start3A_496] : memref<10112x40xf32, #tpu.memory_space<hbm>> -> memref<10112x40xf32, #tpu.memory_space<hbm>>
          tpu.enqueue_indirect_dma source(%dma_start3A_497 : memref<10112x40xf32, #tpu.memory_space<hbm>>) target(%dma_start3A_491 : memref<128x40xf32, #tpu.memory_space<vmem>>) offsets(%dma_start3A_494 : memref<128xi32, #tpu.memory_space<vmem>>) semaphore(%arg13 : memref<!tpu.dma_semaphore, #tpu.memory_space<semaphore_mem>>)
        } else {
        }
        %mul3A_385 = arith.constant 8 : i32
        %mul3A_386 = arith.muli %scan3A_117, %mul3A_385 : i32
        %add3A_387 = arith.constant 3 : i32
        %add3A_388 = arith.addi %mul3A_386, %add3A_387 : i32
        %dma_wait3A_389 = arith.constant 3 : i32
        %dma_wait3A_390 = arith.constant 0 : i32
        %dma_wait3A_391 = arith.constant 0 : i32
        %dma_wait3A_392 = tpu.memref_slice %arg9[%dma_wait3A_389, %dma_wait3A_390, %dma_wait3A_391] : memref<8x128x40xf32, #tpu.memory_space<vmem>> -> memref<1x128x40xf32, #tpu.memory_space<vmem>>
        %dma_wait3A_393 = tpu.memref_squeeze %dma_wait3A_392 : memref<1x128x40xf32, #tpu.memory_space<vmem>> -> memref<128x40xf32, #tpu.memory_space<vmem>>
        %dma_wait3A_394 = arith.constant 0 : i32
        %dma_wait3A_395 = tpu.memref_slice %arg8[%add3A_199, %dma_wait3A_394] : memref<120x128xi32, #tpu.memory_space<vmem>> -> memref<1x128xi32, #tpu.memory_space<vmem>>
        %dma_wait3A_396 = tpu.memref_squeeze %dma_wait3A_395 : memref<1x128xi32, #tpu.memory_space<vmem>> -> memref<128xi32, #tpu.memory_space<vmem>>
        %dma_wait3A_397 = arith.constant 0 : i32
        %dma_wait3A_398 = arith.constant 0 : i32
        %dma_wait3A_399 = tpu.memref_slice %arg10[%dma_wait3A_397, %dma_wait3A_398] : memref<10112x40xf32, #tpu.memory_space<vmem_shared>> -> memref<10112x40xf32, #tpu.memory_space<vmem_shared>>
        tpu.wait_indirect_dma semaphore(%arg22 : memref<!tpu.dma_semaphore, #tpu.memory_space<semaphore_mem>>) src(%dma_wait3A_393 : memref<128x40xf32, #tpu.memory_space<vmem>>) dst(%dma_wait3A_399 : memref<10112x40xf32, #tpu.memory_space<vmem_shared>>)
        %lt3A_400 = arith.constant 4 : i32
        %lt3A_401 = arith.cmpi slt, %scan3A_117, %lt3A_400 : i32
        %convert_element_type3A_402 = arith.extui %lt3A_401 : i1 to i32
        %cond3A_403 = arith.constant 0 : i32
        %cond3A_404 = arith.cmpi ne, %convert_element_type3A_402, %cond3A_403 : i32
        scf.if %cond3A_404 {
          %add3A_485 = arith.constant 8 : i32
          %add3A_486 = arith.addi %add3A_388, %add3A_485 : i32
          %dma_start3A_487 = arith.constant 3 : i32
          %dma_start3A_488 = arith.constant 0 : i32
          %dma_start3A_489 = arith.constant 0 : i32
          %dma_start3A_490 = tpu.memref_slice %arg9[%dma_start3A_487, %dma_start3A_488, %dma_start3A_489] : memref<8x128x40xf32, #tpu.memory_space<vmem>> -> memref<1x128x40xf32, #tpu.memory_space<vmem>>
          %dma_start3A_491 = tpu.memref_squeeze %dma_start3A_490 : memref<1x128x40xf32, #tpu.memory_space<vmem>> -> memref<128x40xf32, #tpu.memory_space<vmem>>
          %dma_start3A_492 = arith.constant 0 : i32
          %dma_start3A_493 = tpu.memref_slice %arg7[%add3A_486, %dma_start3A_492] : memref<120x128xi32, #tpu.memory_space<vmem>> -> memref<1x128xi32, #tpu.memory_space<vmem>>
          %dma_start3A_494 = tpu.memref_squeeze %dma_start3A_493 : memref<1x128xi32, #tpu.memory_space<vmem>> -> memref<128xi32, #tpu.memory_space<vmem>>
          %dma_start3A_495 = arith.constant 0 : i32
          %dma_start3A_496 = arith.constant 0 : i32
          %dma_start3A_497 = tpu.memref_slice %arg2[%dma_start3A_495, %dma_start3A_496] : memref<10112x40xf32, #tpu.memory_space<hbm>> -> memref<10112x40xf32, #tpu.memory_space<hbm>>
          tpu.enqueue_indirect_dma source(%dma_start3A_497 : memref<10112x40xf32, #tpu.memory_space<hbm>>) target(%dma_start3A_491 : memref<128x40xf32, #tpu.memory_space<vmem>>) offsets(%dma_start3A_494 : memref<128xi32, #tpu.memory_space<vmem>>) semaphore(%arg14 : memref<!tpu.dma_semaphore, #tpu.memory_space<semaphore_mem>>)
        } else {
        }
        %mul3A_405 = arith.constant 8 : i32
        %mul3A_406 = arith.muli %scan3A_117, %mul3A_405 : i32
        %add3A_407 = arith.constant 4 : i32
        %add3A_408 = arith.addi %mul3A_406, %add3A_407 : i32
        %dma_wait3A_409 = arith.constant 4 : i32
        %dma_wait3A_410 = arith.constant 0 : i32
        %dma_wait3A_411 = arith.constant 0 : i32
        %dma_wait3A_412 = tpu.memref_slice %arg9[%dma_wait3A_409, %dma_wait3A_410, %dma_wait3A_411] : memref<8x128x40xf32, #tpu.memory_space<vmem>> -> memref<1x128x40xf32, #tpu.memory_space<vmem>>
        %dma_wait3A_413 = tpu.memref_squeeze %dma_wait3A_412 : memref<1x128x40xf32, #tpu.memory_space<vmem>> -> memref<128x40xf32, #tpu.memory_space<vmem>>
        %dma_wait3A_414 = arith.constant 0 : i32
        %dma_wait3A_415 = tpu.memref_slice %arg8[%add3A_225, %dma_wait3A_414] : memref<120x128xi32, #tpu.memory_space<vmem>> -> memref<1x128xi32, #tpu.memory_space<vmem>>
        %dma_wait3A_416 = tpu.memref_squeeze %dma_wait3A_415 : memref<1x128xi32, #tpu.memory_space<vmem>> -> memref<128xi32, #tpu.memory_space<vmem>>
        %dma_wait3A_417 = arith.constant 0 : i32
        %dma_wait3A_418 = arith.constant 0 : i32
        %dma_wait3A_419 = tpu.memref_slice %arg10[%dma_wait3A_417, %dma_wait3A_418] : memref<10112x40xf32, #tpu.memory_space<vmem_shared>> -> memref<10112x40xf32, #tpu.memory_space<vmem_shared>>
        tpu.wait_indirect_dma semaphore(%arg23 : memref<!tpu.dma_semaphore, #tpu.memory_space<semaphore_mem>>) src(%dma_wait3A_413 : memref<128x40xf32, #tpu.memory_space<vmem>>) dst(%dma_wait3A_419 : memref<10112x40xf32, #tpu.memory_space<vmem_shared>>)
        %lt3A_420 = arith.constant 4 : i32
        %lt3A_421 = arith.cmpi slt, %scan3A_117, %lt3A_420 : i32
        %convert_element_type3A_422 = arith.extui %lt3A_421 : i1 to i32
        %cond3A_423 = arith.constant 0 : i32
        %cond3A_424 = arith.cmpi ne, %convert_element_type3A_422, %cond3A_423 : i32
        scf.if %cond3A_424 {
          %add3A_485 = arith.constant 8 : i32
          %add3A_486 = arith.addi %add3A_408, %add3A_485 : i32
          %dma_start3A_487 = arith.constant 4 : i32
          %dma_start3A_488 = arith.constant 0 : i32
          %dma_start3A_489 = arith.constant 0 : i32
          %dma_start3A_490 = tpu.memref_slice %arg9[%dma_start3A_487, %dma_start3A_488, %dma_start3A_489] : memref<8x128x40xf32, #tpu.memory_space<vmem>> -> memref<1x128x40xf32, #tpu.memory_space<vmem>>
          %dma_start3A_491 = tpu.memref_squeeze %dma_start3A_490 : memref<1x128x40xf32, #tpu.memory_space<vmem>> -> memref<128x40xf32, #tpu.memory_space<vmem>>
          %dma_start3A_492 = arith.constant 0 : i32
          %dma_start3A_493 = tpu.memref_slice %arg7[%add3A_486, %dma_start3A_492] : memref<120x128xi32, #tpu.memory_space<vmem>> -> memref<1x128xi32, #tpu.memory_space<vmem>>
          %dma_start3A_494 = tpu.memref_squeeze %dma_start3A_493 : memref<1x128xi32, #tpu.memory_space<vmem>> -> memref<128xi32, #tpu.memory_space<vmem>>
          %dma_start3A_495 = arith.constant 0 : i32
          %dma_start3A_496 = arith.constant 0 : i32
          %dma_start3A_497 = tpu.memref_slice %arg2[%dma_start3A_495, %dma_start3A_496] : memref<10112x40xf32, #tpu.memory_space<hbm>> -> memref<10112x40xf32, #tpu.memory_space<hbm>>
          tpu.enqueue_indirect_dma source(%dma_start3A_497 : memref<10112x40xf32, #tpu.memory_space<hbm>>) target(%dma_start3A_491 : memref<128x40xf32, #tpu.memory_space<vmem>>) offsets(%dma_start3A_494 : memref<128xi32, #tpu.memory_space<vmem>>) semaphore(%arg15 : memref<!tpu.dma_semaphore, #tpu.memory_space<semaphore_mem>>)
        } else {
        }
        %mul3A_425 = arith.constant 8 : i32
        %mul3A_426 = arith.muli %scan3A_117, %mul3A_425 : i32
        %add3A_427 = arith.constant 5 : i32
        %add3A_428 = arith.addi %mul3A_426, %add3A_427 : i32
        %dma_wait3A_429 = arith.constant 5 : i32
        %dma_wait3A_430 = arith.constant 0 : i32
        %dma_wait3A_431 = arith.constant 0 : i32
        %dma_wait3A_432 = tpu.memref_slice %arg9[%dma_wait3A_429, %dma_wait3A_430, %dma_wait3A_431] : memref<8x128x40xf32, #tpu.memory_space<vmem>> -> memref<1x128x40xf32, #tpu.memory_space<vmem>>
        %dma_wait3A_433 = tpu.memref_squeeze %dma_wait3A_432 : memref<1x128x40xf32, #tpu.memory_space<vmem>> -> memref<128x40xf32, #tpu.memory_space<vmem>>
        %dma_wait3A_434 = arith.constant 0 : i32
        %dma_wait3A_435 = tpu.memref_slice %arg8[%add3A_251, %dma_wait3A_434] : memref<120x128xi32, #tpu.memory_space<vmem>> -> memref<1x128xi32, #tpu.memory_space<vmem>>
        %dma_wait3A_436 = tpu.memref_squeeze %dma_wait3A_435 : memref<1x128xi32, #tpu.memory_space<vmem>> -> memref<128xi32, #tpu.memory_space<vmem>>
        %dma_wait3A_437 = arith.constant 0 : i32
        %dma_wait3A_438 = arith.constant 0 : i32
        %dma_wait3A_439 = tpu.memref_slice %arg10[%dma_wait3A_437, %dma_wait3A_438] : memref<10112x40xf32, #tpu.memory_space<vmem_shared>> -> memref<10112x40xf32, #tpu.memory_space<vmem_shared>>
        tpu.wait_indirect_dma semaphore(%arg24 : memref<!tpu.dma_semaphore, #tpu.memory_space<semaphore_mem>>) src(%dma_wait3A_433 : memref<128x40xf32, #tpu.memory_space<vmem>>) dst(%dma_wait3A_439 : memref<10112x40xf32, #tpu.memory_space<vmem_shared>>)
        %lt3A_440 = arith.constant 4 : i32
        %lt3A_441 = arith.cmpi slt, %scan3A_117, %lt3A_440 : i32
        %convert_element_type3A_442 = arith.extui %lt3A_441 : i1 to i32
        %cond3A_443 = arith.constant 0 : i32
        %cond3A_444 = arith.cmpi ne, %convert_element_type3A_442, %cond3A_443 : i32
        scf.if %cond3A_444 {
          %add3A_485 = arith.constant 8 : i32
          %add3A_486 = arith.addi %add3A_428, %add3A_485 : i32
          %dma_start3A_487 = arith.constant 5 : i32
          %dma_start3A_488 = arith.constant 0 : i32
          %dma_start3A_489 = arith.constant 0 : i32
          %dma_start3A_490 = tpu.memref_slice %arg9[%dma_start3A_487, %dma_start3A_488, %dma_start3A_489] : memref<8x128x40xf32, #tpu.memory_space<vmem>> -> memref<1x128x40xf32, #tpu.memory_space<vmem>>
          %dma_start3A_491 = tpu.memref_squeeze %dma_start3A_490 : memref<1x128x40xf32, #tpu.memory_space<vmem>> -> memref<128x40xf32, #tpu.memory_space<vmem>>
          %dma_start3A_492 = arith.constant 0 : i32
          %dma_start3A_493 = tpu.memref_slice %arg7[%add3A_486, %dma_start3A_492] : memref<120x128xi32, #tpu.memory_space<vmem>> -> memref<1x128xi32, #tpu.memory_space<vmem>>
          %dma_start3A_494 = tpu.memref_squeeze %dma_start3A_493 : memref<1x128xi32, #tpu.memory_space<vmem>> -> memref<128xi32, #tpu.memory_space<vmem>>
          %dma_start3A_495 = arith.constant 0 : i32
          %dma_start3A_496 = arith.constant 0 : i32
          %dma_start3A_497 = tpu.memref_slice %arg2[%dma_start3A_495, %dma_start3A_496] : memref<10112x40xf32, #tpu.memory_space<hbm>> -> memref<10112x40xf32, #tpu.memory_space<hbm>>
          tpu.enqueue_indirect_dma source(%dma_start3A_497 : memref<10112x40xf32, #tpu.memory_space<hbm>>) target(%dma_start3A_491 : memref<128x40xf32, #tpu.memory_space<vmem>>) offsets(%dma_start3A_494 : memref<128xi32, #tpu.memory_space<vmem>>) semaphore(%arg16 : memref<!tpu.dma_semaphore, #tpu.memory_space<semaphore_mem>>)
        } else {
        }
        %mul3A_445 = arith.constant 8 : i32
        %mul3A_446 = arith.muli %scan3A_117, %mul3A_445 : i32
        %add3A_447 = arith.constant 6 : i32
        %add3A_448 = arith.addi %mul3A_446, %add3A_447 : i32
        %dma_wait3A_449 = arith.constant 6 : i32
        %dma_wait3A_450 = arith.constant 0 : i32
        %dma_wait3A_451 = arith.constant 0 : i32
        %dma_wait3A_452 = tpu.memref_slice %arg9[%dma_wait3A_449, %dma_wait3A_450, %dma_wait3A_451] : memref<8x128x40xf32, #tpu.memory_space<vmem>> -> memref<1x128x40xf32, #tpu.memory_space<vmem>>
        %dma_wait3A_453 = tpu.memref_squeeze %dma_wait3A_452 : memref<1x128x40xf32, #tpu.memory_space<vmem>> -> memref<128x40xf32, #tpu.memory_space<vmem>>
        %dma_wait3A_454 = arith.constant 0 : i32
        %dma_wait3A_455 = tpu.memref_slice %arg8[%add3A_277, %dma_wait3A_454] : memref<120x128xi32, #tpu.memory_space<vmem>> -> memref<1x128xi32, #tpu.memory_space<vmem>>
        %dma_wait3A_456 = tpu.memref_squeeze %dma_wait3A_455 : memref<1x128xi32, #tpu.memory_space<vmem>> -> memref<128xi32, #tpu.memory_space<vmem>>
        %dma_wait3A_457 = arith.constant 0 : i32
        %dma_wait3A_458 = arith.constant 0 : i32
        %dma_wait3A_459 = tpu.memref_slice %arg10[%dma_wait3A_457, %dma_wait3A_458] : memref<10112x40xf32, #tpu.memory_space<vmem_shared>> -> memref<10112x40xf32, #tpu.memory_space<vmem_shared>>
        tpu.wait_indirect_dma semaphore(%arg25 : memref<!tpu.dma_semaphore, #tpu.memory_space<semaphore_mem>>) src(%dma_wait3A_453 : memref<128x40xf32, #tpu.memory_space<vmem>>) dst(%dma_wait3A_459 : memref<10112x40xf32, #tpu.memory_space<vmem_shared>>)
        %lt3A_460 = arith.constant 4 : i32
        %lt3A_461 = arith.cmpi slt, %scan3A_117, %lt3A_460 : i32
        %convert_element_type3A_462 = arith.extui %lt3A_461 : i1 to i32
        %cond3A_463 = arith.constant 0 : i32
        %cond3A_464 = arith.cmpi ne, %convert_element_type3A_462, %cond3A_463 : i32
        scf.if %cond3A_464 {
          %add3A_485 = arith.constant 8 : i32
          %add3A_486 = arith.addi %add3A_448, %add3A_485 : i32
          %dma_start3A_487 = arith.constant 6 : i32
          %dma_start3A_488 = arith.constant 0 : i32
          %dma_start3A_489 = arith.constant 0 : i32
          %dma_start3A_490 = tpu.memref_slice %arg9[%dma_start3A_487, %dma_start3A_488, %dma_start3A_489] : memref<8x128x40xf32, #tpu.memory_space<vmem>> -> memref<1x128x40xf32, #tpu.memory_space<vmem>>
          %dma_start3A_491 = tpu.memref_squeeze %dma_start3A_490 : memref<1x128x40xf32, #tpu.memory_space<vmem>> -> memref<128x40xf32, #tpu.memory_space<vmem>>
          %dma_start3A_492 = arith.constant 0 : i32
          %dma_start3A_493 = tpu.memref_slice %arg7[%add3A_486, %dma_start3A_492] : memref<120x128xi32, #tpu.memory_space<vmem>> -> memref<1x128xi32, #tpu.memory_space<vmem>>
          %dma_start3A_494 = tpu.memref_squeeze %dma_start3A_493 : memref<1x128xi32, #tpu.memory_space<vmem>> -> memref<128xi32, #tpu.memory_space<vmem>>
          %dma_start3A_495 = arith.constant 0 : i32
          %dma_start3A_496 = arith.constant 0 : i32
          %dma_start3A_497 = tpu.memref_slice %arg2[%dma_start3A_495, %dma_start3A_496] : memref<10112x40xf32, #tpu.memory_space<hbm>> -> memref<10112x40xf32, #tpu.memory_space<hbm>>
          tpu.enqueue_indirect_dma source(%dma_start3A_497 : memref<10112x40xf32, #tpu.memory_space<hbm>>) target(%dma_start3A_491 : memref<128x40xf32, #tpu.memory_space<vmem>>) offsets(%dma_start3A_494 : memref<128xi32, #tpu.memory_space<vmem>>) semaphore(%arg17 : memref<!tpu.dma_semaphore, #tpu.memory_space<semaphore_mem>>)
        } else {
        }
        %mul3A_465 = arith.constant 8 : i32
        %mul3A_466 = arith.muli %scan3A_117, %mul3A_465 : i32
        %add3A_467 = arith.constant 7 : i32
        %add3A_468 = arith.addi %mul3A_466, %add3A_467 : i32
        %dma_wait3A_469 = arith.constant 7 : i32
        %dma_wait3A_470 = arith.constant 0 : i32
        %dma_wait3A_471 = arith.constant 0 : i32
        %dma_wait3A_472 = tpu.memref_slice %arg9[%dma_wait3A_469, %dma_wait3A_470, %dma_wait3A_471] : memref<8x128x40xf32, #tpu.memory_space<vmem>> -> memref<1x128x40xf32, #tpu.memory_space<vmem>>
        %dma_wait3A_473 = tpu.memref_squeeze %dma_wait3A_472 : memref<1x128x40xf32, #tpu.memory_space<vmem>> -> memref<128x40xf32, #tpu.memory_space<vmem>>
        %dma_wait3A_474 = arith.constant 0 : i32
        %dma_wait3A_475 = tpu.memref_slice %arg8[%add3A_303, %dma_wait3A_474] : memref<120x128xi32, #tpu.memory_space<vmem>> -> memref<1x128xi32, #tpu.memory_space<vmem>>
        %dma_wait3A_476 = tpu.memref_squeeze %dma_wait3A_475 : memref<1x128xi32, #tpu.memory_space<vmem>> -> memref<128xi32, #tpu.memory_space<vmem>>
        %dma_wait3A_477 = arith.constant 0 : i32
        %dma_wait3A_478 = arith.constant 0 : i32
        %dma_wait3A_479 = tpu.memref_slice %arg10[%dma_wait3A_477, %dma_wait3A_478] : memref<10112x40xf32, #tpu.memory_space<vmem_shared>> -> memref<10112x40xf32, #tpu.memory_space<vmem_shared>>
        tpu.wait_indirect_dma semaphore(%arg26 : memref<!tpu.dma_semaphore, #tpu.memory_space<semaphore_mem>>) src(%dma_wait3A_473 : memref<128x40xf32, #tpu.memory_space<vmem>>) dst(%dma_wait3A_479 : memref<10112x40xf32, #tpu.memory_space<vmem_shared>>)
        %lt3A_480 = arith.constant 4 : i32
        %lt3A_481 = arith.cmpi slt, %scan3A_117, %lt3A_480 : i32
        %convert_element_type3A_482 = arith.extui %lt3A_481 : i1 to i32
        %cond3A_483 = arith.constant 0 : i32
        %cond3A_484 = arith.cmpi ne, %convert_element_type3A_482, %cond3A_483 : i32
        scf.if %cond3A_484 {
          %add3A_485 = arith.constant 8 : i32
          %add3A_486 = arith.addi %add3A_468, %add3A_485 : i32
          %dma_start3A_487 = arith.constant 7 : i32
          %dma_start3A_488 = arith.constant 0 : i32
          %dma_start3A_489 = arith.constant 0 : i32
          %dma_start3A_490 = tpu.memref_slice %arg9[%dma_start3A_487, %dma_start3A_488, %dma_start3A_489] : memref<8x128x40xf32, #tpu.memory_space<vmem>> -> memref<1x128x40xf32, #tpu.memory_space<vmem>>
          %dma_start3A_491 = tpu.memref_squeeze %dma_start3A_490 : memref<1x128x40xf32, #tpu.memory_space<vmem>> -> memref<128x40xf32, #tpu.memory_space<vmem>>
          %dma_start3A_492 = arith.constant 0 : i32
          %dma_start3A_493 = tpu.memref_slice %arg7[%add3A_486, %dma_start3A_492] : memref<120x128xi32, #tpu.memory_space<vmem>> -> memref<1x128xi32, #tpu.memory_space<vmem>>
          %dma_start3A_494 = tpu.memref_squeeze %dma_start3A_493 : memref<1x128xi32, #tpu.memory_space<vmem>> -> memref<128xi32, #tpu.memory_space<vmem>>
          %dma_start3A_495 = arith.constant 0 : i32
          %dma_start3A_496 = arith.constant 0 : i32
          %dma_start3A_497 = tpu.memref_slice %arg2[%dma_start3A_495, %dma_start3A_496] : memref<10112x40xf32, #tpu.memory_space<hbm>> -> memref<10112x40xf32, #tpu.memory_space<hbm>>
          tpu.enqueue_indirect_dma source(%dma_start3A_497 : memref<10112x40xf32, #tpu.memory_space<hbm>>) target(%dma_start3A_491 : memref<128x40xf32, #tpu.memory_space<vmem>>) offsets(%dma_start3A_494 : memref<128xi32, #tpu.memory_space<vmem>>) semaphore(%arg18 : memref<!tpu.dma_semaphore, #tpu.memory_space<semaphore_mem>>)
        } else {
        }
      }
      %scan3A_116 = arith.constant 5 : i32
    } else {
    }
    %barrier3A = arith.constant 0 : index
    tpu.barrier barrier_id(%barrier3A)
    %mul3A = arith.constant 632 : i32
    %mul3A_7 = arith.muli %arg1, %mul3A : i32
    "tpu.region"() ({
      %run_scoped3A = tpu.sem_alloc : memref<!tpu.dma_semaphore, #tpu.memory_space<semaphore_mem>>
      %dma_start3A = arith.constant 0 : i32
      %dma_start3A_8 = arith.constant 0 : i32
      %dma_start3A_9 = tpu.memref_slice %arg6[%arg0, %dma_start3A, %dma_start3A_8] : memref<2x10112x40xf32, #tpu.memory_space<hbm>> -> memref<1x10112x40xf32, #tpu.memory_space<hbm>>
      %dma_start3A_10 = tpu.memref_squeeze %dma_start3A_9 : memref<1x10112x40xf32, #tpu.memory_space<hbm>> -> memref<10112x40xf32, #tpu.memory_space<hbm>>
      %dma_start3A_11 = arith.constant 0 : i32
      %dma_start3A_12 = tpu.memref_slice %dma_start3A_10[%mul3A_7, %dma_start3A_11] : memref<10112x40xf32, #tpu.memory_space<hbm>> -> memref<632x40xf32, #tpu.memory_space<hbm>>
      %dma_start3A_13 = arith.constant 0 : i32
      %dma_start3A_14 = tpu.memref_slice %arg10[%mul3A_7, %dma_start3A_13] : memref<10112x40xf32, #tpu.memory_space<vmem_shared>> -> memref<632x40xf32, #tpu.memory_space<vmem_shared>>
      tpu.enqueue_dma source(%dma_start3A_14 : memref<632x40xf32, #tpu.memory_space<vmem_shared>>) target(%dma_start3A_12 : memref<632x40xf32, #tpu.memory_space<hbm>>) target_semaphore(%run_scoped3A : memref<!tpu.dma_semaphore, #tpu.memory_space<semaphore_mem>>)
      %dma_wait3A = arith.constant 0 : i32
      %dma_wait3A_15 = arith.constant 0 : i32
      %dma_wait3A_16 = tpu.memref_slice %arg6[%arg0, %dma_wait3A, %dma_wait3A_15] : memref<2x10112x40xf32, #tpu.memory_space<hbm>> -> memref<1x10112x40xf32, #tpu.memory_space<hbm>>
      %dma_wait3A_17 = tpu.memref_squeeze %dma_wait3A_16 : memref<1x10112x40xf32, #tpu.memory_space<hbm>> -> memref<10112x40xf32, #tpu.memory_space<hbm>>
      %dma_wait3A_18 = arith.constant 0 : i32
      %dma_wait3A_19 = tpu.memref_slice %dma_wait3A_17[%mul3A_7, %dma_wait3A_18] : memref<10112x40xf32, #tpu.memory_space<hbm>> -> memref<632x40xf32, #tpu.memory_space<hbm>>
      %dma_wait3A_20 = arith.constant 0 : i32
      %dma_wait3A_21 = tpu.memref_slice %arg10[%mul3A_7, %dma_wait3A_20] : memref<10112x40xf32, #tpu.memory_space<vmem_shared>> -> memref<632x40xf32, #tpu.memory_space<vmem_shared>>
      tpu.wait_dma2 semaphore(%run_scoped3A : memref<!tpu.dma_semaphore, #tpu.memory_space<semaphore_mem>>) src(%dma_wait3A_21 : memref<632x40xf32, #tpu.memory_space<vmem_shared>>) dst(%dma_wait3A_19 : memref<632x40xf32, #tpu.memory_space<hbm>>)
      tpu.yield
    }) : () -> ()
    return
  }
}

module attributes {stable_mosaic.version = 14 : i64} {
  func.func @_tc1_body(%arg0: memref<10112x128xf32, #tpu.memory_space<vmem>>, %arg1: memref<128x32xf32, #tpu.memory_space<vmem>>, %arg2: memref<128x32xf32, #tpu.memory_space<vmem>>, %arg3: memref<1x32xf32, #tpu.memory_space<vmem>>, %arg4: memref<10112x40xf32, #tpu.memory_space<vmem>>, %arg5: memref<10112x32xf32, #tpu.memory_space<vmem>>) attributes {dimension_semantics = [], scalar_prefetch = 0 : i64, scratch_operands = 0 : i64, tpu.core_type = #tpu.core_type<tc>} {
    %get3A = arith.constant 0 : index
    %get3A_0 = arith.constant 0 : index
    %get3A_1 = vector.load %arg0[%get3A, %get3A_0] : memref<10112x128xf32, #tpu.memory_space<vmem>>, vector<10112x128xf32>
    %get3A_2 = arith.constant 0 : index
    %get3A_3 = arith.constant 0 : index
    %get3A_4 = vector.load %arg1[%get3A_2, %get3A_3] : memref<128x32xf32, #tpu.memory_space<vmem>>, vector<128x32xf32>
    %dot_general3A = arith.constant dense<0.000000e+00> : vector<10112x32xf32>
    %dot_general3A_5 = tpu.matmul %get3A_1, %get3A_4, %dot_general3A {dimension_numbers = #tpu.dot_dimension_numbers<[1], [0], [0], [1], [0, 0, 1, 1], [], []>, transpose_lhs_hint = false} : vector<10112x128xf32>, vector<128x32xf32>, vector<10112x32xf32> -> vector<10112x32xf32>
    %broadcast_in_dim3A = arith.constant 1.000000e+00 : f32
    %broadcast_in_dim3A_6 = vector.broadcast %broadcast_in_dim3A : f32 to vector<10112x8xf32>
    %concatenate3A = tpu.concatenate %dot_general3A_5, %broadcast_in_dim3A_6 in 1 : vector<10112x32xf32>, vector<10112x8xf32> -> vector<10112x40xf32>
    %iota3A = tpu.iota {dimensions = array<i32: 0>} : vector<10112x1xi32>
    %lt3A = arith.constant 10000 : i32
    %lt3A_7 = vector.broadcast %lt3A : i32 to vector<10112x1xi32>
    %lt3A_8 = arith.cmpi slt, %iota3A, %lt3A_7 : vector<10112x1xi32>
    %jit3A = arith.constant 0.000000e+00 : f32
    %broadcast_in_dim3A_9 = vector.shape_cast %lt3A_8 : vector<10112x1xi1> to vector<10112x1xi1>
    %broadcast_in_dim3A_10 = vector.broadcast %broadcast_in_dim3A_9 : vector<10112x1xi1> to vector<10112x40xi1>
    %broadcast_in_dim3A_11 = vector.broadcast %jit3A : f32 to vector<10112x40xf32>
    %select_n3A = arith.select %broadcast_in_dim3A_10, %concatenate3A, %broadcast_in_dim3A_11 : vector<10112x40xi1>, vector<10112x40xf32>
    %swap3A = arith.constant 0 : index
    %swap3A_12 = arith.constant 0 : index
    %swap3A_13 = vector.load %arg4[%swap3A, %swap3A_12] : memref<10112x40xf32, #tpu.memory_space<vmem>>, vector<10112x40xf32>
    tpu.vector_store %arg4[%swap3A, %swap3A_12], %select_n3A {strides = array<i32>} : memref<10112x40xf32, #tpu.memory_space<vmem>>, vector<10112x40xf32>,
    %get3A_14 = arith.constant 0 : index
    %get3A_15 = arith.constant 0 : index
    %get3A_16 = vector.load %arg2[%get3A_14, %get3A_15] : memref<128x32xf32, #tpu.memory_space<vmem>>, vector<128x32xf32>
    %dot_general3A_17 = arith.constant dense<0.000000e+00> : vector<10112x32xf32>
    %dot_general3A_18 = tpu.matmul %get3A_1, %get3A_16, %dot_general3A_17 {dimension_numbers = #tpu.dot_dimension_numbers<[1], [0], [0], [1], [0, 0, 1, 1], [], []>, transpose_lhs_hint = false} : vector<10112x128xf32>, vector<128x32xf32>, vector<10112x32xf32> -> vector<10112x32xf32>
    %get3A_19 = arith.constant 0 : index
    %get3A_20 = arith.constant 0 : index
    %get3A_21 = vector.load %arg3[%get3A_19, %get3A_20] : memref<1x32xf32, #tpu.memory_space<vmem>>, vector<1x32xf32>
    %add3A = vector.broadcast %get3A_21 : vector<1x32xf32> to vector<10112x32xf32>
    %add3A_22 = arith.addf %dot_general3A_18, %add3A : vector<10112x32xf32>
    %swap3A_23 = arith.constant 0 : index
    %swap3A_24 = arith.constant 0 : index
    %swap3A_25 = vector.load %arg5[%swap3A_23, %swap3A_24] : memref<10112x32xf32, #tpu.memory_space<vmem>>, vector<10112x32xf32>
    tpu.vector_store %arg5[%swap3A_23, %swap3A_24], %add3A_22 {strides = array<i32>} : memref<10112x32xf32, #tpu.memory_space<vmem>>, vector<10112x32xf32>,
    return
  }
}

module attributes {stable_mosaic.version = 14 : i64} {
  func.func @_tc2_body(%arg0: memref<2x10112x40xf32, #tpu.memory_space<vmem>>, %arg1: memref<10112x32xf32, #tpu.memory_space<vmem>>, %arg2: memref<32x32xf32, #tpu.memory_space<vmem>>, %arg3: memref<32x32xf32, #tpu.memory_space<vmem>>, %arg4: memref<1x32xf32, #tpu.memory_space<vmem>>, %arg5: memref<10112x32xf32, #tpu.memory_space<vmem>>, %arg6: memref<10112x32xf32, #tpu.memory_space<vmem>>) attributes {dimension_semantics = [], scalar_prefetch = 0 : i64, scratch_operands = 0 : i64, tpu.core_type = #tpu.core_type<tc>} {
    %get3A = arith.constant 0 : index
    %get3A_0 = arith.constant 0 : index
    %get3A_1 = arith.constant 0 : index
    %get3A_2 = vector.load %arg0[%get3A, %get3A_0, %get3A_1] : memref<2x10112x40xf32, #tpu.memory_space<vmem>>, vector<1x10112x32xf32>
    %get3A_3 = vector.shape_cast %get3A_2 : vector<1x10112x32xf32> to vector<10112x32xf32>
    %get3A_4 = arith.constant 1 : index
    %get3A_5 = arith.constant 0 : index
    %get3A_6 = arith.constant 0 : index
    %get3A_7 = vector.load %arg0[%get3A_4, %get3A_5, %get3A_6] : memref<2x10112x40xf32, #tpu.memory_space<vmem>>, vector<1x10112x32xf32>
    %get3A_8 = vector.shape_cast %get3A_7 : vector<1x10112x32xf32> to vector<10112x32xf32>
    %add3A = arith.addf %get3A_3, %get3A_8 : vector<10112x32xf32>
    %get3A_9 = arith.constant 0 : index
    %get3A_10 = arith.constant 0 : index
    %get3A_11 = arith.constant 32 : index
    %get3A_12 = vector.load %arg0[%get3A_9, %get3A_10, %get3A_11] : memref<2x10112x40xf32, #tpu.memory_space<vmem>>, vector<1x10112x1xf32>
    %get3A_13 = vector.shape_cast %get3A_12 : vector<1x10112x1xf32> to vector<10112x1xf32>
    %get3A_14 = arith.constant 1 : index
    %get3A_15 = arith.constant 0 : index
    %get3A_16 = arith.constant 32 : index
    %get3A_17 = vector.load %arg0[%get3A_14, %get3A_15, %get3A_16] : memref<2x10112x40xf32, #tpu.memory_space<vmem>>, vector<1x10112x1xf32>
    %get3A_18 = vector.shape_cast %get3A_17 : vector<1x10112x1xf32> to vector<10112x1xf32>
    %add3A_19 = arith.addf %get3A_13, %get3A_18 : vector<10112x1xf32>
    %max3A = arith.constant 1.000000e+00 : f32
    %max3A_20 = vector.broadcast %max3A : f32 to vector<10112x1xf32>
    %max3A_21 = arith.maximumf %add3A_19, %max3A_20 : vector<10112x1xf32>
    %div3A = vector.broadcast %max3A_21 : vector<10112x1xf32> to vector<10112x32xf32>
    %div3A_22 = arith.divf %add3A, %div3A : vector<10112x32xf32>
    %get3A_23 = arith.constant 0 : index
    %get3A_24 = arith.constant 0 : index
    %get3A_25 = vector.load %arg1[%get3A_23, %get3A_24] : memref<10112x32xf32, #tpu.memory_space<vmem>>, vector<10112x32xf32>
    %add3A_26 = arith.addf %div3A_22, %get3A_25 : vector<10112x32xf32>
    %max3A_27 = arith.constant 0.000000e+00 : f32
    %max3A_28 = vector.broadcast %max3A_27 : f32 to vector<10112x32xf32>
    %max3A_29 = arith.maximumf %add3A_26, %max3A_28 : vector<10112x32xf32>
    %get3A_30 = arith.constant 0 : index
    %get3A_31 = arith.constant 0 : index
    %get3A_32 = vector.load %arg2[%get3A_30, %get3A_31] : memref<32x32xf32, #tpu.memory_space<vmem>>, vector<32x32xf32>
    %dot_general3A = arith.constant dense<0.000000e+00> : vector<10112x32xf32>
    %dot_general3A_33 = tpu.matmul %max3A_29, %get3A_32, %dot_general3A {dimension_numbers = #tpu.dot_dimension_numbers<[1], [0], [0], [1], [0, 0, 1, 1], [], []>, transpose_lhs_hint = false} : vector<10112x32xf32>, vector<32x32xf32>, vector<10112x32xf32> -> vector<10112x32xf32>
    %iota3A = tpu.iota {dimensions = array<i32: 0>} : vector<10112x1xi32>
    %lt3A = arith.constant 10000 : i32
    %lt3A_34 = vector.broadcast %lt3A : i32 to vector<10112x1xi32>
    %lt3A_35 = arith.cmpi slt, %iota3A, %lt3A_34 : vector<10112x1xi32>
    %jit3A = arith.constant 0.000000e+00 : f32
    %broadcast_in_dim3A = vector.shape_cast %lt3A_35 : vector<10112x1xi1> to vector<10112x1xi1>
    %broadcast_in_dim3A_36 = vector.broadcast %broadcast_in_dim3A : vector<10112x1xi1> to vector<10112x32xi1>
    %broadcast_in_dim3A_37 = vector.broadcast %jit3A : f32 to vector<10112x32xf32>
    %select_n3A = arith.select %broadcast_in_dim3A_36, %dot_general3A_33, %broadcast_in_dim3A_37 : vector<10112x32xi1>, vector<10112x32xf32>
    %swap3A = arith.constant 0 : index
    %swap3A_38 = arith.constant 0 : index
    %swap3A_39 = vector.load %arg5[%swap3A, %swap3A_38] : memref<10112x32xf32, #tpu.memory_space<vmem>>, vector<10112x32xf32>
    tpu.vector_store %arg5[%swap3A, %swap3A_38], %select_n3A {strides = array<i32>} : memref<10112x32xf32, #tpu.memory_space<vmem>>, vector<10112x32xf32>,
    %get3A_40 = arith.constant 0 : index
    %get3A_41 = arith.constant 0 : index
    %get3A_42 = vector.load %arg3[%get3A_40, %get3A_41] : memref<32x32xf32, #tpu.memory_space<vmem>>, vector<32x32xf32>
    %dot_general3A_43 = arith.constant dense<0.000000e+00> : vector<10112x32xf32>
    %dot_general3A_44 = tpu.matmul %max3A_29, %get3A_42, %dot_general3A_43 {dimension_numbers = #tpu.dot_dimension_numbers<[1], [0], [0], [1], [0, 0, 1, 1], [], []>, transpose_lhs_hint = false} : vector<10112x32xf32>, vector<32x32xf32>, vector<10112x32xf32> -> vector<10112x32xf32>
    %get3A_45 = arith.constant 0 : index
    %get3A_46 = arith.constant 0 : index
    %get3A_47 = vector.load %arg4[%get3A_45, %get3A_46] : memref<1x32xf32, #tpu.memory_space<vmem>>, vector<1x32xf32>
    %add3A_48 = vector.broadcast %get3A_47 : vector<1x32xf32> to vector<10112x32xf32>
    %add3A_49 = arith.addf %dot_general3A_44, %add3A_48 : vector<10112x32xf32>
    %swap3A_50 = arith.constant 0 : index
    %swap3A_51 = arith.constant 0 : index
    %swap3A_52 = vector.load %arg6[%swap3A_50, %swap3A_51] : memref<10112x32xf32, #tpu.memory_space<vmem>>, vector<10112x32xf32>
    tpu.vector_store %arg6[%swap3A_50, %swap3A_51], %add3A_49 {strides = array<i32>} : memref<10112x32xf32, #tpu.memory_space<vmem>>, vector<10112x32xf32>,
    return
  }
}

module attributes {stable_mosaic.version = 14 : i64} {
  func.func @_tc3_body(%arg0: memref<2x10112x32xf32, #tpu.memory_space<vmem>>, %arg1: memref<2x10112x40xf32, #tpu.memory_space<vmem>>, %arg2: memref<10112x32xf32, #tpu.memory_space<vmem>>, %arg3: memref<1x32xf32, #tpu.memory_space<vmem>>, %arg4: memref<1x1xf32, #tpu.memory_space<vmem>>, %arg5: memref<10112x1xf32, #tpu.memory_space<vmem>>) attributes {dimension_semantics = [], scalar_prefetch = 0 : i64, scratch_operands = 0 : i64, tpu.core_type = #tpu.core_type<tc>} {
    %get3A = arith.constant 0 : index
    %get3A_0 = arith.constant 0 : index
    %get3A_1 = arith.constant 0 : index
    %get3A_2 = vector.load %arg0[%get3A, %get3A_0, %get3A_1] : memref<2x10112x32xf32, #tpu.memory_space<vmem>>, vector<1x10112x32xf32>
    %get3A_3 = vector.shape_cast %get3A_2 : vector<1x10112x32xf32> to vector<10112x32xf32>
    %get3A_4 = arith.constant 1 : index
    %get3A_5 = arith.constant 0 : index
    %get3A_6 = arith.constant 0 : index
    %get3A_7 = vector.load %arg0[%get3A_4, %get3A_5, %get3A_6] : memref<2x10112x32xf32, #tpu.memory_space<vmem>>, vector<1x10112x32xf32>
    %get3A_8 = vector.shape_cast %get3A_7 : vector<1x10112x32xf32> to vector<10112x32xf32>
    %add3A = arith.addf %get3A_3, %get3A_8 : vector<10112x32xf32>
    %get3A_9 = arith.constant 0 : index
    %get3A_10 = arith.constant 0 : index
    %get3A_11 = arith.constant 32 : index
    %get3A_12 = vector.load %arg1[%get3A_9, %get3A_10, %get3A_11] : memref<2x10112x40xf32, #tpu.memory_space<vmem>>, vector<1x10112x1xf32>
    %get3A_13 = vector.shape_cast %get3A_12 : vector<1x10112x1xf32> to vector<10112x1xf32>
    %get3A_14 = arith.constant 1 : index
    %get3A_15 = arith.constant 0 : index
    %get3A_16 = arith.constant 32 : index
    %get3A_17 = vector.load %arg1[%get3A_14, %get3A_15, %get3A_16] : memref<2x10112x40xf32, #tpu.memory_space<vmem>>, vector<1x10112x1xf32>
    %get3A_18 = vector.shape_cast %get3A_17 : vector<1x10112x1xf32> to vector<10112x1xf32>
    %add3A_19 = arith.addf %get3A_13, %get3A_18 : vector<10112x1xf32>
    %max3A = arith.constant 1.000000e+00 : f32
    %max3A_20 = vector.broadcast %max3A : f32 to vector<10112x1xf32>
    %max3A_21 = arith.maximumf %add3A_19, %max3A_20 : vector<10112x1xf32>
    %div3A = vector.broadcast %max3A_21 : vector<10112x1xf32> to vector<10112x32xf32>
    %div3A_22 = arith.divf %add3A, %div3A : vector<10112x32xf32>
    %get3A_23 = arith.constant 0 : index
    %get3A_24 = arith.constant 0 : index
    %get3A_25 = vector.load %arg2[%get3A_23, %get3A_24] : memref<10112x32xf32, #tpu.memory_space<vmem>>, vector<10112x32xf32>
    %add3A_26 = arith.addf %div3A_22, %get3A_25 : vector<10112x32xf32>
    %get3A_27 = arith.constant 0 : index
    %get3A_28 = arith.constant 0 : index
    %get3A_29 = vector.load %arg3[%get3A_27, %get3A_28] : memref<1x32xf32, #tpu.memory_space<vmem>>, vector<1x32xf32>
    %mul3A = vector.broadcast %get3A_29 : vector<1x32xf32> to vector<10112x32xf32>
    %mul3A_30 = arith.mulf %add3A_26, %mul3A : vector<10112x32xf32>
    %reduce_sum3A = arith.constant dense<0.000000e+00> : vector<10112xf32>
    %reduce_sum3A_31 = vector.multi_reduction <add>, %mul3A_30, %reduce_sum3A [1] : vector<10112x32xf32> to vector<10112xf32>
    %broadcast_in_dim3A = vector.shape_cast %reduce_sum3A_31 : vector<10112xf32> to vector<10112x1xf32>
    %get3A_32 = arith.constant 0 : index
    %get3A_33 = arith.constant 0 : index
    %get3A_34 = vector.load %arg4[%get3A_32, %get3A_33] : memref<1x1xf32, #tpu.memory_space<vmem>>, vector<1x1xf32>
    %add3A_35 = vector.broadcast %get3A_34 : vector<1x1xf32> to vector<10112x1xf32>
    %add3A_36 = arith.addf %broadcast_in_dim3A, %add3A_35 : vector<10112x1xf32>
    %swap3A = arith.constant 0 : index
    %swap3A_37 = arith.constant 0 : index
    %swap3A_38 = vector.load %arg5[%swap3A, %swap3A_37] : memref<10112x1xf32, #tpu.memory_space<vmem>>, vector<10112x1xf32>
    tpu.vector_store %arg5[%swap3A, %swap3A_37], %add3A_36 {strides = array<i32>} : memref<10112x1xf32, #tpu.memory_space<vmem>>, vector<10112x1xf32>,
    return
  }
}

</mosaic_0001>

<sc_bundles>
// kernel: kernel.10.cloned.1.call-start
scs
__scs_entry_jumppad:
0x0: {  	(pc) =	sbr.rel $0x88, $3  }
0x1: {  	(tag) =	ssettag $0x0;
	lr =	simm.s32 $0x1  }
0x2: {  	[smem:$0x3F97] =	sst lr;
	_ =	strace $0xD0000000  }
0x3: {  	_ = 	snop  }
0x4: {  	_ = 	snop  }
0x5: {  	_ = 	snop  }
0x6: {  	_ = 	snop  }
0x7: {  	_ = 	snop  }
__scs_overlays_trampoline_lowered:
0x8: {  	[smem:$0x3FA6] =	sst s0  }
0x9: {  	[smem:$0x3FA7] =	sst s1  }
0xa: {  	[smem:$0x3FA8] =	sst s2  }
0xb: {  	[smem:$0x3FA9] =	sst s3  }
0xc: {  	[smem:$0x3FAA] =	sst s4  }
0xd: {  	[smem:$0x3FAB] =	sst s5  }
0xe: {  	[smem:$0x3FAC] =	sst s6  }
0xf: {  	[smem:$0x3FAD] =	sst s7  }
0x10: {  	[smem:$0x3FAE] =	sst s8  }
0x11: {  	[smem:$0x3FAF] =	sst s9;
	s0 =	simm.s32 @!p0 $0x0  }
0x12: {  	s1 =	sld [smem:$0x3F95];
	s0 =	simm.s32 @p0 $0x1  }
0x13: {  	[smem:$0x3FB0] =	sst s0;
	s0 =	simm.s32 @!p1 $0x0  }
0x14: {  	s2 =	sld [smem:$0x3F94];
	s0 =	simm.s32 @p1 $0x1  }
0x15: {  	[smem:$0x3FB1] =	sst s0;
	s0 =	simm.s32 @!p2 $0x0  }
0x16: {  	s3 =	sld [smem:$0x3FDB];
	s0 =	simm.s32 @p2 $0x1  }
0x17: {  	s4 =	simm.s32 $0x1BF5;
	[smem:$0x3FB3] =	sst s0  }
0x18: {  	s0 =	sld [smem:$0x3F96];
	_ =	swait.ge [sflag:s4], $0x0  }
0x19: {  	s7 =	sld [smem:$0x3F97]  }
0x1a: {  	s8 =	sadd.s32 $0xFFFFE003, lr  }
0x1b: {  	s9 =	sadd.s32 $0xFFFFFEF7, lr;
	s5 =	simm.s32 $0xFFFFFFFF;
	p2 =	slt.u32 s8, $0xFFFFF086  }
0x1c: {  	p1 =	slt.u32 s9, $0xF7A;
	s5 =	simm.s32 @!p2 $0x0  }
0x1d: {  	s5 =	simm.s32 @p1 $0x1;
	p0 =	seq.s32 s7, s2  }
0x1e: {  	s7 =	smul.u32 @!p0 $0xF7A, s2;
	p2 =	seq.s32 @!p0 s5, $0x0  }
0x1f: {  	s9 =	smul.u32 $0xF7A, s1;
	s8 =	simm.s32 @!p0 $0x1BF5;
	p2 =	por !p2, p0  }
0x20: {  	[sflag:s8] =	ssyncset.s32 @!p0 $0xFFFFF086;
	s6 =	sadd.s32 @!p0 s3, s7;
	s7 =	simm.s32 @!p0 $0x108  }
0x21: {  	s3 =	sadd.s32 s3, s9;
	s6 =	sadd.s32 @!p0 $0x88, s6;
	s7 =	simm.s32 @p2 $0x1082  }
0x22: {  	[simem:s7], [sflag:s8] =	dma.local @!p0 [hbm:s6], $0xF7A  }
0x23: {  	s9 =	sor.u32 $0xD0000000, s2;
	s6 =	simm.s32 $0x108;
	_ =	swait.ge @!p0 [sflag:s8], $0x0  }
0x24: {  	s3 =	sadd.s32 $0x88, s3;
	s6 =	simm.s32 @!p1 $0x1082;
	[sflag:s4] =	ssyncset.s32 $0xFFFFF086  }
0x25: {  	[simem:s6], [sflag:s4] =	dma.local [hbm:s3], $0xF7A  }
0x26: {  	[smem:$0x3F97] =	sst s1;
	(tag) =	ssettag s2;
	_ =	strace s9  }
0x27: {  	s1 =	sld [smem:$0x3FA7]  }
0x28: {  	s2 =	sld [smem:$0x3FA8]  }
0x29: {  	s4 =	sld [smem:$0x3FAA]  }
0x2a: {  	p0 =	seq.s32 s5, $0x0;
	s5 =	sld [smem:$0x3FAB]  }
0x2b: {  	s6 =	sld [smem:$0x3FAC]  }
0x2c: {  	s7 =	sld [smem:$0x3FAD]  }
0x2d: {  	s3 =	simm.s32 $0x108;
	s8 =	sld [smem:$0x3FAE]  }
0x2e: {  	s3 =	simm.s32 @!p0 $0x1082;
	s9 =	sld [smem:$0x3FAF]  }
0x2f: {  	lr =	sadd.s32 s0, s3;
	s0 =	sld [smem:$0x3FA6]  }
0x30: {  	s3 =	sld [smem:$0x3FA9]  }
0x31: {  	[smem:$0x3FB2] =	sst s10  }
0x32: {  	s10 =	sld [smem:$0x3FB0];
	_ =	sdelay $0x3  }
0x33: {  	p0 =	seq.s32 s10, $0x1;
	s10 =	sld [smem:$0x3FB2];
	_ =	sdelay $0x3  }
0x34: {  	[smem:$0x3FB2] =	sst s10  }
0x35: {  	s10 =	sld [smem:$0x3FB1];
	_ =	sdelay $0x3  }
0x36: {  	p1 =	seq.s32 s10, $0x1;
	s10 =	sld [smem:$0x3FB2];
	_ =	sdelay $0x3  }
0x37: {  	[smem:$0x3FB2] =	sst s10  }
0x38: {  	s10 =	sld [smem:$0x3FB3]  }
0x39: {  	_ = 	snop;
	(pc) =	sbr.ind lr, $3  }
0x3a: {  	_ = 	snop  }
0x3b: {  	_ = 	snop  }
0x3c: {  	p2 =	seq.s32 s10, $0x1;
	s10 =	sld [smem:$0x3FB2]  }
0x3d: {  	_ =	shalt  }
0x3e: {  	_ =	shalt  }
0x3f: {  	_ =	shalt  }
0x40: {  	_ =	shalt  }
0x41: {  	_ =	shalt  }
0x42: {  	_ =	shalt  }
0x43: {  	_ =	shalt  }
0x44: {  	_ =	shalt  }
0x45: {  	_ =	shalt  }
0x46: {  	_ =	shalt  }
0x47: {  	_ =	shalt  }
0x48: {  	_ =	shalt  }
0x49: {  	_ =	shalt  }
0x4a: {  	_ =	shalt  }
0x4b: {  	_ =	shalt  }
0x4c: {  	_ =	shalt  }
0x4d: {  	_ =	shalt  }
0x4e: {  	_ =	shalt  }
0x4f: {  	_ =	shalt  }
0x50: {  	_ =	shalt  }
0x51: {  	_ =	shalt  }
0x52: {  	_ =	shalt  }
0x53: {  	_ =	shalt  }
0x54: {  	_ =	shalt  }
0x55: {  	_ =	shalt  }
0x56: {  	_ =	shalt  }
0x57: {  	_ =	shalt  }
0x58: {  	_ =	shalt  }
0x59: {  	_ =	shalt  }
0x5a: {  	_ =	shalt  }
0x5b: {  	_ =	shalt  }
0x5c: {  	_ =	shalt  }
0x5d: {  	_ =	shalt  }
0x5e: {  	_ =	shalt  }
0x5f: {  	_ =	shalt  }
0x60: {  	_ =	shalt  }
0x61: {  	_ =	shalt  }
0x62: {  	_ =	shalt  }
0x63: {  	_ =	shalt  }
0x64: {  	_ =	shalt  }
0x65: {  	_ =	shalt  }
0x66: {  	_ =	shalt  }
0x67: {  	_ =	shalt  }
0x68: {  	_ =	shalt  }
0x69: {  	_ =	shalt  }
0x6a: {  	_ =	shalt  }
0x6b: {  	_ =	shalt  }
0x6c: {  	_ =	shalt  }
0x6d: {  	_ =	shalt  }
0x6e: {  	_ =	shalt  }
0x6f: {  	_ =	shalt  }
0x70: {  	_ =	shalt  }
0x71: {  	_ =	shalt  }
0x72: {  	_ =	shalt  }
0x73: {  	_ =	shalt  }
0x74: {  	_ =	shalt  }
0x75: {  	_ =	shalt  }
0x76: {  	_ =	shalt  }
0x77: {  	_ =	shalt  }
0x78: {  	_ =	shalt  }
0x79: {  	_ =	shalt  }
0x7a: {  	_ =	shalt  }
0x7b: {  	_ =	shalt  }
0x7c: {  	_ =	shalt  }
0x7d: {  	_ =	shalt  }
0x7e: {  	_ =	shalt  }
0x7f: {  	_ =	shalt  }
0x80: {  	_ =	shalt  }
0x81: {  	_ =	shalt  }
0x82: {  	_ =	shalt  }
0x83: {  	_ =	shalt  }
0x84: {  	_ =	shalt  }
0x85: {  	_ =	shalt  }
0x86: {  	_ =	shalt  }
0x87: {  	_ =	shalt  }
.Lfunc_end0:
.L_simem_size_0:
called_computation.1_lowered:
.L_overlay_start_0:
0x88: {  	s2 =	sld [smem:$0x3FD9]  }
0x89: {  	s3 =	sld [smem:$0x3FFE];
	_ =	sdelay $0x1  }
0x8a: {  	s1 =	srdreg.scid  }
0x8b: {  	s0 =	sand.u32 $0x1, s1  }
0x8c: {  	s16 =	sshll.u32 s0, $0xA;
	s2 =	sadd.s32 s3, s2  }
0x8d: {  	s2 =	sadd.s32 s2, s16  }
0x8e: {  	[smem:$0x3FBE] =	sst s2  }
0x8f: {  	_ = 	snop  }
0x90: {  	(tm) =	ssettm $0x1  }
0x91: {  	s17 =	sld [smem:$0x3FFB];
	_ =	sdelay $0x3  }
0x92: {  	_ =	strace s17  }
0x93: {  	s2 =	sld [smem:$0x3FFC];
	_ =	sdelay $0x3  }
0x94: {  	_ =	strace s2  }
0x95: {  	s2 =	sld [smem:$0x3FFD];
	_ =	sdelay $0x3  }
0x96: {  	_ =	strace s2  }
0x97: {  	_ =	strace $0x8FFFFFFF  }
0x98: {  	s18 =	sld [smem:$0x3FDB];
	_ =	sdelay $0x1  }
0x99: {  	s19 =	simm.s32 $_scs_section_size  }
0x9a: {  	s4 =	simm.s32 $_size__tile_overlayer_lowered;
	s5 =	simm.s32 $_tile_overlayer_lowered  }
0x9b: {  	s22 =	simm.s32 $0x1BFF;
	s21 =	sshll.u32 s5, $0x1;
	s2 =	sadd.s32 s19, s18  }
0x9c: {  	s6 =	simm.s32 $0x0;
	s20 =	sshll.u32 s4, $0x1;
	s4 =	sadd.s32 s21, s2  }
0x9d: {  	[timem:s6], [sflag:s22] =	dma.local [hbm:s4], s20  }
0x9e: {  	_ =	swait.ge [sflag:s22], s20  }
0x9f: {  	s3 =	ssub.s32 $0x0, s20;
	[sflag:s22] =	ssyncset.done $0x0  }
0xa0: {  	[sflag:s22] =	ssyncadd.s32 s3;
	_ =	sdelay $0x1  }
0xa1: {  	s23 =	simm.s32 $0x1B8B  }
0xa2: {  	_ =	swait.ge [sflag:s23], $0x1  }
0xa3: {  	[sflag:s23] =	ssyncset.done $0x0  }
0xa4: {  	s25 =	simm.s32 $0x1B8E;
	s24 =	sld [smem:$0x3FFE];
	[sflag:s23] =	ssyncadd.s32 $0xFFFFFFFF  }
0xa5: {  	s26 =	simm.s32 $execute0_lowered;
	[smem:$0x3FD2] =	sst s25  }
0xa6: {  	s4 =	sshll.u32 s26, $0x1;
	_ =	strace $0x80000049;
	[dreg:$0x1] =	wrdreg $0xFFFFFFFF  }
0xa7: {  	s28 =	simm.s32 $_size_execute0_lowered;
	s2 =	sadd.s32 s2, s4;
	[dreg:$0x0] =	wrdreg $0x0  }
0xa8: {  	s4 =	sshll.u32 s28, $0x1;
	[dreg:$0x2] =	wrdreg s2  }
0xa9: {  	[dreg:$0x3] =	wrdreg s4  }
0xaa: {  	[dreg:$0x4] =	wrdreg $0xC0  }
0xab: {  	_ =	task [dreg:s6], $0x5FFFF  }
0xac: {  	[dreg:$0x1] =	wrdreg $0xFFFFFFFF  }
0xad: {  	[dreg:$0x0] =	wrdreg $0x60  }
0xae: {  	[dreg:$0x2] =	wrdreg s24  }
0xaf: {  	[dreg:$0x3] =	wrdreg $0xF8000  }
0xb0: {  	[dreg:$0x4] =	wrdreg $0x9  }
0xb1: {  	_ =	task.clear_ibuf [dreg:s6], $0x5FFFF;
	_ =	strace $0x90000049  }
0xb2: {  	s29 =	simm.s32 $0x9;
	_ =	strace $0x8000004B  }
0xb3: {  	_ =	swait.ge [sflag:s29], $0x1  }
0xb4: {  	[sflag:s29] =	ssyncadd.s32 $0xFFFFFFFF  }
0xb5: {  	_ =	strace $0x9000004B  }
0xb6: {  	_ =	sfence  }
0xb7: {  	s30 =	sld [smem:$0x0];
	_ =	sdelay $0x2  }
0xb8: {  	s31 =	sshll.u32 s1, $0xD;
	s1 =	sshrl.u32 s1, $0x2  }
0xb9: {  	s3 =	sand.u32 $0x4000, s31;
	s1 =	sadd.s32 s1, s30  }
0xba: {  	s0 =	sor.u32 s3, s0;
	s1 =	sshll.u32 s1, $0x11  }
0xbb: {  	s0 =	sor.u32 s1, s0  }
0xbc: {  	s0 =	sadd.s32 $0x8F2B, s0  }
0xbd: {  	[sflag:s0] =	ssyncadd.remote.s32 $0x1  }
0xbe: {  	_ =	sfence.sel $0xFFFF  }
0xbf: {  	[dreg:$0x0] =	wrdreg $0xFFFFFFFF;
	(pc) =	sbr.abs _section_cstart, $3  }
0xc0: {  	[dreg:$0x1] =	wrdreg $0xFFFFFFFF  }
0xc1: {  	_ =	task.clear_ibuf [dreg:s6], $0x2FFFF;
	_ =	strace $0x9FFFFFFF  }
0xc2: {  	(tm) =	ssettm $0x7FFFFFFF  }
0xc3: {  	_ =	shalt  }
tec
execute0_lowered:
.L_overlay_start_1:
0x0: {  	(tag) =	ssettag $0x1  }
0x1: {  	s0 =	rddreg [dreg:$0x0]  }
0x2: {  	s1 =	rddreg [dreg:$0x1];
	s2 =	simm.s32 $0x0;
	s4 =	srdreg.scid  }
0x3: {  	s11 =	stileid.u32;
	s22 =	simm.s32 $0xA800;
	s29 =	simm.s32 $0xC800  }
0x4: {  	s31 =	simm.s32 $0xD800;
	s28 =	simm.s32 $0x8;
	s30 =	simm.s32 $0xA  }
0x5: {  	[smem:$0x7FF] =	sst s2;
	s3 =	sadd.s32 $0x1000, s0;
	s9 =	smul.u32 $0x13C00, s11  }
0x6: {  	s5 =	sadd.s32 $0x17600, s0;
	s4 =	sand.u32 $0x1, s4;
	s10 =	smul.u32 $0x1400, s11  }
0x7: {  	s6 =	sadd.s32 $0xD600, s0;
	s8 =	sadd.s32 $0xAE00, s0;
	s15 =	smul.u32 $0x780, s11  }
0x8: {  	s19 =	smul.u32 $0x4F00, s11;
	s23 =	sshll.u32 s11, $0x6;
	s11 =	simm.s32 $0xD  }
0x9: {  	_ =	strace $0x8000004A;
	s7 =	smul.u32 $0x9E00, s4;
	[dreg:$0x3] =	wrdreg s8  }
0xa: {  	s12 =	ssub.s32 $0x2, s4;
	p0 =	seq.s32 s4, $0x1;
	[dreg:$0x8] =	wrdreg s23  }
0xb: {  	s25 =	sor.u32 $0x1C09, s23;
	s13 =	sshrl.u32 s12, $0x1;
	s14 =	sshrl.u32 s9, $0x2  }
0xc: {  	s17 =	sshrl.u32 s10, $0x3;
	s18 =	sadd.s32 s5, s15;
	s9 =	sadd.s32 s6, s15  }
0xd: {  	s21 =	sshrl.u32 s19, $0x3;
	s24 =	sadd.s32 s19, s1;
	[dreg:$0xa] =	wrdreg s25  }
0xe: {  	s15 =	simm.s32 $0x3;
	s19 =	simm.s32 $0x5;
	s10 =	simm.s32 $0x10  }
0xf: {  	s0 =	sadd.s32 s7, s0;
	s7 =	ssub.s32 s12, s13;
	[dreg:$0x4] =	wrdreg s18  }
0x10: {  	s16 =	sadd.s32 s14, s1;
	s8 =	sadd.s32 $0x7800, s17;
	[dreg:$0x5] =	wrdreg s9  }
0x11: {  	s17 =	simm.s32 $0x7800;
	s18 =	simm.s32 $0x8800;
	s26 =	sshrl.u32 s24, $0x3  }
0x12: {  	s9 =	simm.s32 $0x4;
	s24 =	simm.s32 $0x7;
	s12 =	simm.s32 $0xE  }
0x13: {  	s13 =	simm.s32 $0xF;
	s5 =	sadd.s32 s5, s8;
	s20 =	sadd.s32 s6, s8  }
0x14: {  	s0 =	sadd.s32 $0x21600, s0;
	s7 =	smax.u32 s7, $0x1;
	[dreg:$0xe] =	wrdreg s26  }
0x15: {  	s4 =	sshrl.u32 s16, $0x3;
	s16 =	simm.s32 $0x80;
	[dreg:$0x6] =	wrdreg s5  }
.Ltmp0:
0x16: {  	s26 =	simm.s32 $0xB800;
	[dreg:$0x7] =	wrdreg s20;
	(pc) =	sbr.rel .LBB2_1-.Ltmp0, $4  }
0x17: {  	s6 =	simm.s32 $0x9;
	s8 =	simm.s32 $0x2;
	[dreg:$0x9] =	wrdreg s7  }
0x18: {  	[dreg:$0xb] =	wrdreg s4;
	s20 =	simm.s32 $0x9800;
	s0 =	sadd.s32 s21, s0  }
0x19: {  	s4 =	simm.s32 $0xE800;
	s7 =	simm.s32 $0x1;
	s21 =	simm.s32 $0x6  }
0x1a: {  	s5 =	simm.s32 $0xC;
	[dreg:$0xd] =	wrdreg s0;
	s0 =	simm.s32 $0xB  }
.LBB2_8:
0x1b: {  	_ =	swait.ge [sflag:s30], $0x1000  }
0x1c: {  	[sflag:s30] =	ssyncset.done $0x0  }
0x1d: {  	[sflag:s30] =	ssyncadd.s32 $0xFFFFF000  }
0x1e: {  	_ =	swait.ge [sflag:s0], $0x1000  }
0x1f: {  	[sflag:s0] =	ssyncset.done $0x0  }
0x20: {  	[sflag:s0] =	ssyncadd.s32 $0xFFFFF000  }
0x21: {  	_ =	swait.ge [sflag:s5], $0x1000  }
0x22: {  	[sflag:s5] =	ssyncset.done $0x0  }
0x23: {  	[sflag:s5] =	ssyncadd.s32 $0xFFFFF000  }
0x24: {  	_ =	swait.ge [sflag:s11], $0x1000  }
0x25: {  	[sflag:s11] =	ssyncset.done $0x0  }
0x26: {  	[sflag:s11] =	ssyncadd.s32 $0xFFFFF000  }
0x27: {  	_ =	swait.ge [sflag:s12], $0x1000  }
0x28: {  	[sflag:s12] =	ssyncset.done $0x0  }
0x29: {  	[sflag:s12] =	ssyncadd.s32 $0xFFFFF000  }
0x2a: {  	_ =	swait.ge [sflag:s13], $0x1000  }
0x2b: {  	[sflag:s13] =	ssyncset.done $0x0  }
0x2c: {  	[sflag:s13] =	ssyncadd.s32 $0xFFFFF000  }
0x2d: {  	_ =	swait.ge [sflag:s10], $0x1000  }
0x2e: {  	[sflag:s10] =	ssyncset.done $0x0  }
0x2f: {  	[sflag:s10] =	ssyncadd.s32 $0xFFFFF000  }
0x30: {  	[bflag:$0x0] =	sbarrier.arrive $0xFFFF  }
0x31: {  	s14 =	rddreg [dreg:$0x8]  }
0x32: {  	s23 =	rddreg [dreg:$0xd]  }
0x33: {  	s25 =	rddreg [dreg:$0xe];
	s14 =	sor.u32 $0x1C11, s14  }
0x34: {  	[hbm:s23], [sflag:s14] =	dma.local [spmem:s25], $0x9E0  }
0x35: {  	s23 =	simm.s32 $0x11  }
0x36: {  	_ =	swait.ge [sflag:s23], $0x9E0  }
0x37: {  	s2 =	sadd.s32 $0x1, s2;
	s25 =	rddreg [dreg:$0x9]  }
0x38: {  	p1 =	sne.s32 s2, s25  }
.Ltmp1:
0x39: {  	_ = 	snop;
	(pc) =	sbr.rel @!p1 .LBB2_9-.Ltmp1, $3  }
0x3a: {  	_ =	sdelay $0x1  }
0x3b: {  	[sflag:s23] =	ssyncset.done $0x0  }
0x3c: {  	[sflag:s23] =	ssyncadd.s32 $0xFFFFF620  }
.LBB2_1:
0x3d: {  	[dreg:$0xc] =	wrdreg s2  }
.Ltmp2:
0x3e: {  	s14 =	rddreg [dreg:$0x3];
	(pc) =	sbr.rel @!p0 .LBB2_2-.Ltmp2, $4  }
0x3f: {  	s23 =	rddreg [dreg:$0xa]  }
0x40: {  	s25 =	rddreg [dreg:$0xb]  }
0x41: {  	[spmem:s25], [sflag:s23] =	dma.local [hbm:s14], $0x9E0  }
0x42: {  	s23 =	simm.s32 $0x0  }
0x43: {  	s14 =	rddreg [dreg:$0x6];
	s25 =	simm.s32 $0x11  }
0x44: {  	[tilespmem:s23], [sflag:$0x11] =	stream.linear.gather [hbm4b:s14+s23], $0x1400, $0x38;
	[tilespmem:$0x14700] =	vst v63  }
0x45: {  	_ =	swait.ge [sflag:s25], $0x1400  }
0x46: {  	[sflag:s25] =	ssyncset.done $0x0  }
0x47: {  	s2 =	simm.s32 $0x3C00;
	s14 =	rddreg [dreg:$0x7];
	[sflag:s25] =	ssyncadd.s32 $0xFFFFEC00  }
0x48: {  	[tilespmem:s2], [sflag:$0x11] =	stream.linear.gather [hbm4b:s14+s23], $0x1400, $0x38;
	[tilespmem:$0x14700] =	vst v63  }
0x49: {  	_ =	swait.ge [sflag:s25], $0x1400  }
0x4a: {  	[sflag:s25] =	ssyncset.done $0x0  }
0x4b: {  	[sflag:s25] =	ssyncadd.s32 $0xFFFFEC00  }
0x4c: {  	[tilespmem:s17], [sflag:$0x1] =	stream.indirect.gather [hbm4b:s3+s16], $0x20, s23, s16, $0xb8;
	[tilespmem:$0x14700] =	vst v63  }
0x4d: {  	_ = 	snop  }
0x4e: {  	[tilespmem:s18], [sflag:$0x2] =	stream.indirect.gather [hbm4b:s3+s16], $0x20, s16, s16, $0xb8;
	[tilespmem:$0x14700] =	vst v63  }
0x4f: {  	s14 =	simm.s32 $0x100  }
0x50: {  	[tilespmem:s20], [sflag:$0x3] =	stream.indirect.gather [hbm4b:s3+s16], $0x20, s14, s16, $0xb8;
	[tilespmem:$0x14700] =	vst v63  }
0x51: {  	s25 =	simm.s32 $0x180  }
0x52: {  	[tilespmem:s22], [sflag:$0x4] =	stream.indirect.gather [hbm4b:s3+s16], $0x20, s25, s16, $0xb8;
	[tilespmem:$0x14700] =	vst v63  }
0x53: {  	s14 =	simm.s32 $0x200  }
0x54: {  	[tilespmem:s26], [sflag:$0x5] =	stream.indirect.gather [hbm4b:s3+s16], $0x20, s14, s16, $0xb8;
	[tilespmem:$0x14700] =	vst v63  }
0x55: {  	s25 =	simm.s32 $0x280  }
0x56: {  	[tilespmem:s29], [sflag:$0x6] =	stream.indirect.gather [hbm4b:s3+s16], $0x20, s25, s16, $0xb8;
	[tilespmem:$0x14700] =	vst v63  }
0x57: {  	s14 =	simm.s32 $0x300  }
0x58: {  	[tilespmem:s31], [sflag:$0x7] =	stream.indirect.gather [hbm4b:s3+s16], $0x20, s14, s16, $0xb8;
	[tilespmem:$0x14700] =	vst v63  }
0x59: {  	s25 =	simm.s32 $0x380  }
0x5a: {  	[tilespmem:s4], [sflag:$0x8] =	stream.indirect.gather [hbm4b:s3+s16], $0x20, s25, s16, $0xb8;
	[tilespmem:$0x14700] =	vst v63  }
0x5b: {  	_ =	swait.ge [sflag:s6], $0x9E0  }
0x5c: {  	[sflag:s6] =	ssyncset.done $0x0  }
0x5d: {  	[sflag:s6] =	ssyncadd.s32 $0xFFFFF620  }
0x5e: {  	[bflag:$0x0] =	sbarrier.arrive $0xFFFF  }
0x5f: {  	s2 =	rddreg [dreg:$0xc]  }
.LBB2_6:
0x60: {  	_ =	swait.ge [sflag:s7], $0x1000  }
0x61: {  	s25 =	sshra.s32 s23, $0x2;
	[sflag:s7] =	ssyncset.done $0x0  }
0x62: {  	s14 =	sadd.s32 $0x3C00, s25;
	[sflag:s7] =	ssyncadd.s32 $0xFFFFF000  }
0x63: {  	[spmem:s1] =	stream.indirect.scatter.add.f32 [tilespmem:s17], [sflag:$0x9], $0x20, s14, s16, $0xb8;
	[tilespmem:$0x14700] =	vst v63  }
0x64: {  	_ =	swait.ge [sflag:s8], $0x1000  }
0x65: {  	[sflag:s8] =	ssyncset.done $0x0  }
0x66: {  	s14 =	sadd.s32 $0x3C80, s25;
	[sflag:s8] =	ssyncadd.s32 $0xFFFFF000  }
0x67: {  	[spmem:s1] =	stream.indirect.scatter.add.f32 [tilespmem:s18], [sflag:$0xA], $0x20, s14, s16, $0xb8;
	[tilespmem:$0x14700] =	vst v63  }
0x68: {  	_ =	swait.ge [sflag:s15], $0x1000  }
0x69: {  	[sflag:s15] =	ssyncset.done $0x0  }
0x6a: {  	s14 =	sadd.s32 $0x3D00, s25;
	[sflag:s15] =	ssyncadd.s32 $0xFFFFF000  }
0x6b: {  	[spmem:s1] =	stream.indirect.scatter.add.f32 [tilespmem:s20], [sflag:$0xB], $0x20, s14, s16, $0xb8;
	[tilespmem:$0x14700] =	vst v63  }
0x6c: {  	_ =	swait.ge [sflag:s9], $0x1000  }
0x6d: {  	[sflag:s9] =	ssyncset.done $0x0  }
0x6e: {  	s14 =	sadd.s32 $0x3D80, s25;
	[sflag:s9] =	ssyncadd.s32 $0xFFFFF000  }
0x6f: {  	[spmem:s1] =	stream.indirect.scatter.add.f32 [tilespmem:s22], [sflag:$0xC], $0x20, s14, s16, $0xb8;
	[tilespmem:$0x14700] =	vst v63  }
0x70: {  	_ =	swait.ge [sflag:s19], $0x1000  }
0x71: {  	[sflag:s19] =	ssyncset.done $0x0  }
0x72: {  	s14 =	sadd.s32 $0x3E00, s25;
	[sflag:s19] =	ssyncadd.s32 $0xFFFFF000  }
0x73: {  	[spmem:s1] =	stream.indirect.scatter.add.f32 [tilespmem:s26], [sflag:$0xD], $0x20, s14, s16, $0xb8;
	[tilespmem:$0x14700] =	vst v63  }
0x74: {  	_ =	swait.ge [sflag:s21], $0x1000  }
0x75: {  	[sflag:s21] =	ssyncset.done $0x0  }
0x76: {  	s14 =	sadd.s32 $0x3E80, s25;
	[sflag:s21] =	ssyncadd.s32 $0xFFFFF000  }
0x77: {  	[spmem:s1] =	stream.indirect.scatter.add.f32 [tilespmem:s29], [sflag:$0xE], $0x20, s14, s16, $0xb8;
	[tilespmem:$0x14700] =	vst v63  }
0x78: {  	_ =	swait.ge [sflag:s24], $0x1000  }
0x79: {  	[sflag:s24] =	ssyncset.done $0x0  }
0x7a: {  	s14 =	sadd.s32 $0x3F00, s25;
	[sflag:s24] =	ssyncadd.s32 $0xFFFFF000  }
0x7b: {  	[spmem:s1] =	stream.indirect.scatter.add.f32 [tilespmem:s31], [sflag:$0xF], $0x20, s14, s16, $0xb8;
	[tilespmem:$0x14700] =	vst v63  }
0x7c: {  	_ =	swait.ge [sflag:s28], $0x1000  }
0x7d: {  	p1 =	seq.s32 s23, $0x4000;
	[sflag:s28] =	ssyncset.done $0x0  }
.Ltmp3:
0x7e: {  	s14 =	sadd.s32 $0x3F80, s25;
	[sflag:s28] =	ssyncadd.s32 $0xFFFFF000;
	(pc) =	sbr.rel @p1 .LBB2_8-.Ltmp3, $4  }
0x7f: {  	[spmem:s1] =	stream.indirect.scatter.add.f32 [tilespmem:s4], [sflag:$0x10], $0x20, s14, s16, $0xb8;
	[tilespmem:$0x14700] =	vst v63  }
0x80: {  	_ =	swait.ge [sflag:s6], $0x1000  }
0x81: {  	[sflag:s6] =	ssyncset.done $0x0  }
0x82: {  	[sflag:s6] =	ssyncadd.s32 $0xFFFFF000  }
0x83: {  	s14 =	sadd.s32 $0x400, s25  }
0x84: {  	[tilespmem:s17], [sflag:$0x1] =	stream.indirect.gather [hbm4b:s3+s16], $0x20, s14, s16, $0xb8;
	[tilespmem:$0x14700] =	vst v63  }
0x85: {  	_ =	swait.ge [sflag:s30], $0x1000  }
0x86: {  	[sflag:s30] =	ssyncset.done $0x0  }
0x87: {  	s14 =	sadd.s32 $0x480, s25;
	[sflag:s30] =	ssyncadd.s32 $0xFFFFF000  }
0x88: {  	[tilespmem:s18], [sflag:$0x2] =	stream.indirect.gather [hbm4b:s3+s16], $0x20, s14, s16, $0xb8;
	[tilespmem:$0x14700] =	vst v63  }
0x89: {  	_ =	swait.ge [sflag:s0], $0x1000  }
0x8a: {  	[sflag:s0] =	ssyncset.done $0x0  }
0x8b: {  	s14 =	sadd.s32 $0x500, s25;
	[sflag:s0] =	ssyncadd.s32 $0xFFFFF000  }
0x8c: {  	[tilespmem:s20], [sflag:$0x3] =	stream.indirect.gather [hbm4b:s3+s16], $0x20, s14, s16, $0xb8;
	[tilespmem:$0x14700] =	vst v63  }
0x8d: {  	_ =	swait.ge [sflag:s5], $0x1000  }
0x8e: {  	[sflag:s5] =	ssyncset.done $0x0  }
0x8f: {  	s14 =	sadd.s32 $0x580, s25;
	[sflag:s5] =	ssyncadd.s32 $0xFFFFF000  }
0x90: {  	[tilespmem:s22], [sflag:$0x4] =	stream.indirect.gather [hbm4b:s3+s16], $0x20, s14, s16, $0xb8;
	[tilespmem:$0x14700] =	vst v63  }
0x91: {  	_ =	swait.ge [sflag:s11], $0x1000  }
0x92: {  	[sflag:s11] =	ssyncset.done $0x0  }
0x93: {  	s14 =	sadd.s32 $0x600, s25;
	[sflag:s11] =	ssyncadd.s32 $0xFFFFF000  }
0x94: {  	[tilespmem:s26], [sflag:$0x5] =	stream.indirect.gather [hbm4b:s3+s16], $0x20, s14, s16, $0xb8;
	[tilespmem:$0x14700] =	vst v63  }
0x95: {  	_ =	swait.ge [sflag:s12], $0x1000  }
0x96: {  	[sflag:s12] =	ssyncset.done $0x0  }
0x97: {  	s14 =	sadd.s32 $0x680, s25;
	[sflag:s12] =	ssyncadd.s32 $0xFFFFF000  }
0x98: {  	[tilespmem:s29], [sflag:$0x6] =	stream.indirect.gather [hbm4b:s3+s16], $0x20, s14, s16, $0xb8;
	[tilespmem:$0x14700] =	vst v63  }
0x99: {  	_ =	swait.ge [sflag:s13], $0x1000  }
0x9a: {  	[sflag:s13] =	ssyncset.done $0x0  }
0x9b: {  	s14 =	sadd.s32 $0x700, s25;
	[sflag:s13] =	ssyncadd.s32 $0xFFFFF000  }
0x9c: {  	[tilespmem:s31], [sflag:$0x7] =	stream.indirect.gather [hbm4b:s3+s16], $0x20, s14, s16, $0xb8;
	[tilespmem:$0x14700] =	vst v63  }
.Ltmp4:
0x9d: {  	_ = 	snop;
	(pc) =	sbr.rel .LBB2_6-.Ltmp4, $4  }
0x9e: {  	_ =	swait.ge [sflag:s10], $0x1000  }
0x9f: {  	[sflag:s10] =	ssyncset.done $0x0  }
0xa0: {  	s23 =	sadd.s32 $0x1000, s23;
	s25 =	sadd.s32 $0x780, s25;
	[sflag:s10] =	ssyncadd.s32 $0xFFFFF000  }
0xa1: {  	[tilespmem:s4], [sflag:$0x8] =	stream.indirect.gather [hbm4b:s3+s16], $0x20, s25, s16, $0xb8;
	[tilespmem:$0x14700] =	vst v63  }
.LBB2_2:
0xa2: {  	s14 =	rddreg [dreg:$0x4];
	s25 =	simm.s32 $0x11  }
0xa3: {  	[tilespmem:s23], [sflag:$0x11] =	stream.linear.gather [hbm4b:s14+s23], $0x3C00, $0x38;
	[tilespmem:$0x14700] =	vst v63  }
0xa4: {  	_ =	swait.ge [sflag:s25], $0x3C00  }
0xa5: {  	[sflag:s25] =	ssyncset.done $0x0  }
0xa6: {  	s2 =	simm.s32 $0x3C00;
	s14 =	rddreg [dreg:$0x5];
	[sflag:s25] =	ssyncadd.s32 $0xFFFFC400  }
0xa7: {  	[tilespmem:s2], [sflag:$0x11] =	stream.linear.gather [hbm4b:s14+s23], $0x3C00, $0x38;
	[tilespmem:$0x14700] =	vst v63  }
0xa8: {  	_ =	swait.ge [sflag:s25], $0x3C00  }
0xa9: {  	[sflag:s25] =	ssyncset.done $0x0  }
0xaa: {  	[sflag:s25] =	ssyncadd.s32 $0xFFFFC400  }
0xab: {  	[tilespmem:s17], [sflag:$0x1] =	stream.indirect.gather [hbm4b:s3+s16], $0x20, s23, s16, $0xb8;
	[tilespmem:$0x14700] =	vst v63  }
0xac: {  	_ = 	snop  }
0xad: {  	[tilespmem:s18], [sflag:$0x2] =	stream.indirect.gather [hbm4b:s3+s16], $0x20, s16, s16, $0xb8;
	[tilespmem:$0x14700] =	vst v63  }
0xae: {  	s14 =	simm.s32 $0x100  }
0xaf: {  	[tilespmem:s20], [sflag:$0x3] =	stream.indirect.gather [hbm4b:s3+s16], $0x20, s14, s16, $0xb8;
	[tilespmem:$0x14700] =	vst v63  }
0xb0: {  	s25 =	simm.s32 $0x180  }
0xb1: {  	[tilespmem:s22], [sflag:$0x4] =	stream.indirect.gather [hbm4b:s3+s16], $0x20, s25, s16, $0xb8;
	[tilespmem:$0x14700] =	vst v63  }
0xb2: {  	s14 =	simm.s32 $0x200  }
0xb3: {  	[tilespmem:s26], [sflag:$0x5] =	stream.indirect.gather [hbm4b:s3+s16], $0x20, s14, s16, $0xb8;
	[tilespmem:$0x14700] =	vst v63  }
0xb4: {  	s25 =	simm.s32 $0x280  }
0xb5: {  	[tilespmem:s29], [sflag:$0x6] =	stream.indirect.gather [hbm4b:s3+s16], $0x20, s25, s16, $0xb8;
	[tilespmem:$0x14700] =	vst v63  }
0xb6: {  	s14 =	simm.s32 $0x300  }
0xb7: {  	[tilespmem:s31], [sflag:$0x7] =	stream.indirect.gather [hbm4b:s3+s16], $0x20, s14, s16, $0xb8;
	[tilespmem:$0x14700] =	vst v63  }
0xb8: {  	s25 =	simm.s32 $0x380  }
0xb9: {  	[tilespmem:s4], [sflag:$0x8] =	stream.indirect.gather [hbm4b:s3+s16], $0x20, s25, s16, $0xb8;
	[tilespmem:$0x14700] =	vst v63  }
0xba: {  	_ =	swait.ge [sflag:s6], $0x9E0  }
0xbb: {  	[sflag:s6] =	ssyncset.done $0x0  }
0xbc: {  	[sflag:s6] =	ssyncadd.s32 $0xFFFFF620  }
0xbd: {  	[bflag:$0x0] =	sbarrier.arrive $0xFFFF  }
0xbe: {  	s2 =	rddreg [dreg:$0xc]  }
.LBB2_3:
0xbf: {  	_ =	swait.ge [sflag:s7], $0x1000  }
0xc0: {  	s25 =	sshra.s32 s23, $0x2;
	[sflag:s7] =	ssyncset.done $0x0  }
0xc1: {  	s14 =	sadd.s32 $0x3C00, s25;
	[sflag:s7] =	ssyncadd.s32 $0xFFFFF000  }
0xc2: {  	[spmem:s1] =	stream.indirect.scatter.add.f32 [tilespmem:s17], [sflag:$0x9], $0x20, s14, s16, $0xb8;
	[tilespmem:$0x14700] =	vst v63  }
0xc3: {  	_ =	swait.ge [sflag:s8], $0x1000  }
0xc4: {  	[sflag:s8] =	ssyncset.done $0x0  }
0xc5: {  	s14 =	sadd.s32 $0x3C80, s25;
	[sflag:s8] =	ssyncadd.s32 $0xFFFFF000  }
0xc6: {  	[spmem:s1] =	stream.indirect.scatter.add.f32 [tilespmem:s18], [sflag:$0xA], $0x20, s14, s16, $0xb8;
	[tilespmem:$0x14700] =	vst v63  }
0xc7: {  	_ =	swait.ge [sflag:s15], $0x1000  }
0xc8: {  	[sflag:s15] =	ssyncset.done $0x0  }
0xc9: {  	s14 =	sadd.s32 $0x3D00, s25;
	[sflag:s15] =	ssyncadd.s32 $0xFFFFF000  }
0xca: {  	[spmem:s1] =	stream.indirect.scatter.add.f32 [tilespmem:s20], [sflag:$0xB], $0x20, s14, s16, $0xb8;
	[tilespmem:$0x14700] =	vst v63  }
0xcb: {  	_ =	swait.ge [sflag:s9], $0x1000  }
0xcc: {  	[sflag:s9] =	ssyncset.done $0x0  }
0xcd: {  	s14 =	sadd.s32 $0x3D80, s25;
	[sflag:s9] =	ssyncadd.s32 $0xFFFFF000  }
0xce: {  	[spmem:s1] =	stream.indirect.scatter.add.f32 [tilespmem:s22], [sflag:$0xC], $0x20, s14, s16, $0xb8;
	[tilespmem:$0x14700] =	vst v63  }
0xcf: {  	_ =	swait.ge [sflag:s19], $0x1000  }
0xd0: {  	[sflag:s19] =	ssyncset.done $0x0  }
0xd1: {  	s14 =	sadd.s32 $0x3E00, s25;
	[sflag:s19] =	ssyncadd.s32 $0xFFFFF000  }
0xd2: {  	[spmem:s1] =	stream.indirect.scatter.add.f32 [tilespmem:s26], [sflag:$0xD], $0x20, s14, s16, $0xb8;
	[tilespmem:$0x14700] =	vst v63  }
0xd3: {  	_ =	swait.ge [sflag:s21], $0x1000  }
0xd4: {  	[sflag:s21] =	ssyncset.done $0x0  }
0xd5: {  	s14 =	sadd.s32 $0x3E80, s25;
	[sflag:s21] =	ssyncadd.s32 $0xFFFFF000  }
0xd6: {  	[spmem:s1] =	stream.indirect.scatter.add.f32 [tilespmem:s29], [sflag:$0xE], $0x20, s14, s16, $0xb8;
	[tilespmem:$0x14700] =	vst v63  }
0xd7: {  	_ =	swait.ge [sflag:s24], $0x1000  }
0xd8: {  	[sflag:s24] =	ssyncset.done $0x0  }
0xd9: {  	s14 =	sadd.s32 $0x3F00, s25;
	[sflag:s24] =	ssyncadd.s32 $0xFFFFF000  }
0xda: {  	[spmem:s1] =	stream.indirect.scatter.add.f32 [tilespmem:s31], [sflag:$0xF], $0x20, s14, s16, $0xb8;
	[tilespmem:$0x14700] =	vst v63  }
0xdb: {  	_ =	swait.ge [sflag:s28], $0x1000  }
0xdc: {  	p1 =	seq.s32 s23, $0xE000;
	[sflag:s28] =	ssyncset.done $0x0  }
.Ltmp5:
0xdd: {  	s14 =	sadd.s32 $0x3F80, s25;
	[sflag:s28] =	ssyncadd.s32 $0xFFFFF000;
	(pc) =	sbr.rel @p1 .LBB2_8-.Ltmp5, $4  }
0xde: {  	[spmem:s1] =	stream.indirect.scatter.add.f32 [tilespmem:s4], [sflag:$0x10], $0x20, s14, s16, $0xb8;
	[tilespmem:$0x14700] =	vst v63  }
0xdf: {  	_ =	swait.ge [sflag:s6], $0x1000  }
0xe0: {  	[sflag:s6] =	ssyncset.done $0x0  }
0xe1: {  	[sflag:s6] =	ssyncadd.s32 $0xFFFFF000  }
0xe2: {  	s14 =	sadd.s32 $0x400, s25  }
0xe3: {  	[tilespmem:s17], [sflag:$0x1] =	stream.indirect.gather [hbm4b:s3+s16], $0x20, s14, s16, $0xb8;
	[tilespmem:$0x14700] =	vst v63  }
0xe4: {  	_ =	swait.ge [sflag:s30], $0x1000  }
0xe5: {  	[sflag:s30] =	ssyncset.done $0x0  }
0xe6: {  	s14 =	sadd.s32 $0x480, s25;
	[sflag:s30] =	ssyncadd.s32 $0xFFFFF000  }
0xe7: {  	[tilespmem:s18], [sflag:$0x2] =	stream.indirect.gather [hbm4b:s3+s16], $0x20, s14, s16, $0xb8;
	[tilespmem:$0x14700] =	vst v63  }
0xe8: {  	_ =	swait.ge [sflag:s0], $0x1000  }
0xe9: {  	[sflag:s0] =	ssyncset.done $0x0  }
0xea: {  	s14 =	sadd.s32 $0x500, s25;
	[sflag:s0] =	ssyncadd.s32 $0xFFFFF000  }
0xeb: {  	[tilespmem:s20], [sflag:$0x3] =	stream.indirect.gather [hbm4b:s3+s16], $0x20, s14, s16, $0xb8;
	[tilespmem:$0x14700] =	vst v63  }
0xec: {  	_ =	swait.ge [sflag:s5], $0x1000  }
0xed: {  	[sflag:s5] =	ssyncset.done $0x0  }
0xee: {  	s14 =	sadd.s32 $0x580, s25;
	[sflag:s5] =	ssyncadd.s32 $0xFFFFF000  }
0xef: {  	[tilespmem:s22], [sflag:$0x4] =	stream.indirect.gather [hbm4b:s3+s16], $0x20, s14, s16, $0xb8;
	[tilespmem:$0x14700] =	vst v63  }
0xf0: {  	_ =	swait.ge [sflag:s11], $0x1000  }
0xf1: {  	[sflag:s11] =	ssyncset.done $0x0  }
0xf2: {  	s14 =	sadd.s32 $0x600, s25;
	[sflag:s11] =	ssyncadd.s32 $0xFFFFF000  }
0xf3: {  	[tilespmem:s26], [sflag:$0x5] =	stream.indirect.gather [hbm4b:s3+s16], $0x20, s14, s16, $0xb8;
	[tilespmem:$0x14700] =	vst v63  }
0xf4: {  	_ =	swait.ge [sflag:s12], $0x1000  }
0xf5: {  	[sflag:s12] =	ssyncset.done $0x0  }
0xf6: {  	s14 =	sadd.s32 $0x680, s25;
	[sflag:s12] =	ssyncadd.s32 $0xFFFFF000  }
0xf7: {  	[tilespmem:s29], [sflag:$0x6] =	stream.indirect.gather [hbm4b:s3+s16], $0x20, s14, s16, $0xb8;
	[tilespmem:$0x14700] =	vst v63  }
0xf8: {  	_ =	swait.ge [sflag:s13], $0x1000  }
0xf9: {  	[sflag:s13] =	ssyncset.done $0x0  }
0xfa: {  	s14 =	sadd.s32 $0x700, s25;
	[sflag:s13] =	ssyncadd.s32 $0xFFFFF000  }
0xfb: {  	[tilespmem:s31], [sflag:$0x7] =	stream.indirect.gather [hbm4b:s3+s16], $0x20, s14, s16, $0xb8;
	[tilespmem:$0x14700] =	vst v63  }
.Ltmp6:
0xfc: {  	_ = 	snop;
	(pc) =	sbr.rel .LBB2_3-.Ltmp6, $4  }
0xfd: {  	_ =	swait.ge [sflag:s10], $0x1000  }
0xfe: {  	[sflag:s10] =	ssyncset.done $0x0  }
0xff: {  	s23 =	sadd.s32 $0x1000, s23;
	s25 =	sadd.s32 $0x780, s25;
	[sflag:s10] =	ssyncadd.s32 $0xFFFFF000  }
0x100: {  	[tilespmem:s4], [sflag:$0x8] =	stream.indirect.gather [hbm4b:s3+s16], $0x20, s25, s16, $0xb8;
	[tilespmem:$0x14700] =	vst v63  }
.LBB2_9:
0x101: {  	_ =	sfence.sel $0x180000  }
0x102: {  	[bflag:$0x0] =	sbarrier.arrive $0xFFFF  }
0x103: {  	_ =	strace $0x9000004A  }
0x104: {  	s0 =	stileid.u32;
	[bflag:$0x2] =	sbarrier.arrive $0xFFFF  }
0x105: {  	p0 =	sne.s32 s0, $0x0;
	s0 =	rddreg [dreg:$0x2]  }
0x106: {  	s0 =	sadd.s32 @!p0 $0x100000, s0  }
0x107: {  	[sflag:s0] =	ssyncadd.tile.s32 @!p0 $0x1;
	_ =	shalt  }
.Lfunc_end2:
_tile_overlayer_lowered:
.L_overlay_start_2:
0x108: {  	(tag) =	ssettag $0x2  }
0x109: {  	s0 =	rddreg [dreg:$0x0];
	s2 =	stileid.u32  }
0x10a: {  	s1 =	rddreg [dreg:$0x1];
	p0 =	sne.s32 s2, $0x0  }
0x10b: {  	s3 =	rddreg [dreg:$0x2];
	[bflag:$0x3] =	sbarrier.arrive $0xFFFF;
	s2 =	simm.s32 @!p0 $0x1C11  }
0x10c: {  	[timem:s3], [sflag:s2] =	dma.local @!p0 [hbm:s0], s1  }
0x10d: {  	s0 =	simm.s32 @!p0 $0x11  }
0x10e: {  	_ =	swait.ge @!p0 [sflag:s0], s1  }
0x10f: {  	s1 =	ssub.s32 @!p0 $0x0, s1;
	[sflag:s0] =	ssyncset.done @!p0 $0x0  }
0x110: {  	[sflag:s0] =	ssyncadd.s32 @!p0 s1  }
0x111: {  	[bflag:$0x3] =	sbarrier.arrive $0xFFFF  }
0x112: {  	_ =	shalt  }

// kernel: kernel.7.cloned.1.call-start
scs
__scs_entry_jumppad:
0x0: {  	(pc) =	sbr.rel $0x88, $3  }
0x1: {  	(tag) =	ssettag $0x0;
	lr =	simm.s32 $0x1  }
0x2: {  	[smem:$0x3F97] =	sst lr;
	_ =	strace $0xD0000000  }
0x3: {  	_ = 	snop  }
0x4: {  	_ = 	snop  }
0x5: {  	_ = 	snop  }
0x6: {  	_ = 	snop  }
0x7: {  	_ = 	snop  }
__scs_overlays_trampoline_lowered:
0x8: {  	[smem:$0x3FA6] =	sst s0  }
0x9: {  	[smem:$0x3FA7] =	sst s1  }
0xa: {  	[smem:$0x3FA8] =	sst s2  }
0xb: {  	[smem:$0x3FA9] =	sst s3  }
0xc: {  	[smem:$0x3FAA] =	sst s4  }
0xd: {  	[smem:$0x3FAB] =	sst s5  }
0xe: {  	[smem:$0x3FAC] =	sst s6  }
0xf: {  	[smem:$0x3FAD] =	sst s7  }
0x10: {  	[smem:$0x3FAE] =	sst s8  }
0x11: {  	[smem:$0x3FAF] =	sst s9;
	s0 =	simm.s32 @!p0 $0x0  }
0x12: {  	s1 =	sld [smem:$0x3F95];
	s0 =	simm.s32 @p0 $0x1  }
0x13: {  	[smem:$0x3FB0] =	sst s0;
	s0 =	simm.s32 @!p1 $0x0  }
0x14: {  	s2 =	sld [smem:$0x3F94];
	s0 =	simm.s32 @p1 $0x1  }
0x15: {  	[smem:$0x3FB1] =	sst s0;
	s0 =	simm.s32 @!p2 $0x0  }
0x16: {  	s3 =	sld [smem:$0x3FDB];
	s0 =	simm.s32 @p2 $0x1  }
0x17: {  	s4 =	simm.s32 $0x1BF5;
	[smem:$0x3FB3] =	sst s0  }
0x18: {  	s0 =	sld [smem:$0x3F96];
	_ =	swait.ge [sflag:s4], $0x0  }
0x19: {  	s7 =	sld [smem:$0x3F97]  }
0x1a: {  	s8 =	sadd.s32 $0xFFFFE003, lr  }
0x1b: {  	s9 =	sadd.s32 $0xFFFFFEF7, lr;
	s5 =	simm.s32 $0xFFFFFFFF;
	p2 =	slt.u32 s8, $0xFFFFF086  }
0x1c: {  	p1 =	slt.u32 s9, $0xF7A;
	s5 =	simm.s32 @!p2 $0x0  }
0x1d: {  	s5 =	simm.s32 @p1 $0x1;
	p0 =	seq.s32 s7, s2  }
0x1e: {  	s7 =	smul.u32 @!p0 $0xF7A, s2;
	p2 =	seq.s32 @!p0 s5, $0x0  }
0x1f: {  	s9 =	smul.u32 $0xF7A, s1;
	s8 =	simm.s32 @!p0 $0x1BF5;
	p2 =	por !p2, p0  }
0x20: {  	[sflag:s8] =	ssyncset.s32 @!p0 $0xFFFFF086;
	s6 =	sadd.s32 @!p0 s3, s7;
	s7 =	simm.s32 @!p0 $0x108  }
0x21: {  	s3 =	sadd.s32 s3, s9;
	s6 =	sadd.s32 @!p0 $0x88, s6;
	s7 =	simm.s32 @p2 $0x1082  }
0x22: {  	[simem:s7], [sflag:s8] =	dma.local @!p0 [hbm:s6], $0xF7A  }
0x23: {  	s9 =	sor.u32 $0xD0000000, s2;
	s6 =	simm.s32 $0x108;
	_ =	swait.ge @!p0 [sflag:s8], $0x0  }
0x24: {  	s3 =	sadd.s32 $0x88, s3;
	s6 =	simm.s32 @!p1 $0x1082;
	[sflag:s4] =	ssyncset.s32 $0xFFFFF086  }
0x25: {  	[simem:s6], [sflag:s4] =	dma.local [hbm:s3], $0xF7A  }
0x26: {  	[smem:$0x3F97] =	sst s1;
	(tag) =	ssettag s2;
	_ =	strace s9  }
0x27: {  	s1 =	sld [smem:$0x3FA7]  }
0x28: {  	s2 =	sld [smem:$0x3FA8]  }
0x29: {  	s4 =	sld [smem:$0x3FAA]  }
0x2a: {  	p0 =	seq.s32 s5, $0x0;
	s5 =	sld [smem:$0x3FAB]  }
0x2b: {  	s6 =	sld [smem:$0x3FAC]  }
0x2c: {  	s7 =	sld [smem:$0x3FAD]  }
0x2d: {  	s3 =	simm.s32 $0x108;
	s8 =	sld [smem:$0x3FAE]  }
0x2e: {  	s3 =	simm.s32 @!p0 $0x1082;
	s9 =	sld [smem:$0x3FAF]  }
0x2f: {  	lr =	sadd.s32 s0, s3;
	s0 =	sld [smem:$0x3FA6]  }
0x30: {  	s3 =	sld [smem:$0x3FA9]  }
0x31: {  	[smem:$0x3FB2] =	sst s10  }
0x32: {  	s10 =	sld [smem:$0x3FB0];
	_ =	sdelay $0x3  }
0x33: {  	p0 =	seq.s32 s10, $0x1;
	s10 =	sld [smem:$0x3FB2];
	_ =	sdelay $0x3  }
0x34: {  	[smem:$0x3FB2] =	sst s10  }
0x35: {  	s10 =	sld [smem:$0x3FB1];
	_ =	sdelay $0x3  }
0x36: {  	p1 =	seq.s32 s10, $0x1;
	s10 =	sld [smem:$0x3FB2];
	_ =	sdelay $0x3  }
0x37: {  	[smem:$0x3FB2] =	sst s10  }
0x38: {  	s10 =	sld [smem:$0x3FB3]  }
0x39: {  	_ = 	snop;
	(pc) =	sbr.ind lr, $3  }
0x3a: {  	_ = 	snop  }
0x3b: {  	_ = 	snop  }
0x3c: {  	p2 =	seq.s32 s10, $0x1;
	s10 =	sld [smem:$0x3FB2]  }
0x3d: {  	_ =	shalt  }
0x3e: {  	_ =	shalt  }
0x3f: {  	_ =	shalt  }
0x40: {  	_ =	shalt  }
0x41: {  	_ =	shalt  }
0x42: {  	_ =	shalt  }
0x43: {  	_ =	shalt  }
0x44: {  	_ =	shalt  }
0x45: {  	_ =	shalt  }
0x46: {  	_ =	shalt  }
0x47: {  	_ =	shalt  }
0x48: {  	_ =	shalt  }
0x49: {  	_ =	shalt  }
0x4a: {  	_ =	shalt  }
0x4b: {  	_ =	shalt  }
0x4c: {  	_ =	shalt  }
0x4d: {  	_ =	shalt  }
0x4e: {  	_ =	shalt  }
0x4f: {  	_ =	shalt  }
0x50: {  	_ =	shalt  }
0x51: {  	_ =	shalt  }
0x52: {  	_ =	shalt  }
0x53: {  	_ =	shalt  }
0x54: {  	_ =	shalt  }
0x55: {  	_ =	shalt  }
0x56: {  	_ =	shalt  }
0x57: {  	_ =	shalt  }
0x58: {  	_ =	shalt  }
0x59: {  	_ =	shalt  }
0x5a: {  	_ =	shalt  }
0x5b: {  	_ =	shalt  }
0x5c: {  	_ =	shalt  }
0x5d: {  	_ =	shalt  }
0x5e: {  	_ =	shalt  }
0x5f: {  	_ =	shalt  }
0x60: {  	_ =	shalt  }
0x61: {  	_ =	shalt  }
0x62: {  	_ =	shalt  }
0x63: {  	_ =	shalt  }
0x64: {  	_ =	shalt  }
0x65: {  	_ =	shalt  }
0x66: {  	_ =	shalt  }
0x67: {  	_ =	shalt  }
0x68: {  	_ =	shalt  }
0x69: {  	_ =	shalt  }
0x6a: {  	_ =	shalt  }
0x6b: {  	_ =	shalt  }
0x6c: {  	_ =	shalt  }
0x6d: {  	_ =	shalt  }
0x6e: {  	_ =	shalt  }
0x6f: {  	_ =	shalt  }
0x70: {  	_ =	shalt  }
0x71: {  	_ =	shalt  }
0x72: {  	_ =	shalt  }
0x73: {  	_ =	shalt  }
0x74: {  	_ =	shalt  }
0x75: {  	_ =	shalt  }
0x76: {  	_ =	shalt  }
0x77: {  	_ =	shalt  }
0x78: {  	_ =	shalt  }
0x79: {  	_ =	shalt  }
0x7a: {  	_ =	shalt  }
0x7b: {  	_ =	shalt  }
0x7c: {  	_ =	shalt  }
0x7d: {  	_ =	shalt  }
0x7e: {  	_ =	shalt  }
0x7f: {  	_ =	shalt  }
0x80: {  	_ =	shalt  }
0x81: {  	_ =	shalt  }
0x82: {  	_ =	shalt  }
0x83: {  	_ =	shalt  }
0x84: {  	_ =	shalt  }
0x85: {  	_ =	shalt  }
0x86: {  	_ =	shalt  }
0x87: {  	_ =	shalt  }
.Lfunc_end0:
.L_simem_size_0:
called_computation_lowered:
.L_overlay_start_0:
0x88: {  	s2 =	sld [smem:$0x3FD9]  }
0x89: {  	s3 =	sld [smem:$0x3FFE];
	_ =	sdelay $0x1  }
0x8a: {  	s1 =	srdreg.scid  }
0x8b: {  	s0 =	sand.u32 $0x1, s1  }
0x8c: {  	s16 =	sshll.u32 s0, $0xA;
	s2 =	sadd.s32 s3, s2  }
0x8d: {  	s2 =	sadd.s32 s2, s16  }
0x8e: {  	[smem:$0x3FBE] =	sst s2  }
0x8f: {  	_ = 	snop  }
0x90: {  	(tm) =	ssettm $0x1  }
0x91: {  	s17 =	sld [smem:$0x3FFB];
	_ =	sdelay $0x3  }
0x92: {  	_ =	strace s17  }
0x93: {  	s2 =	sld [smem:$0x3FFC];
	_ =	sdelay $0x3  }
0x94: {  	_ =	strace s2  }
0x95: {  	s2 =	sld [smem:$0x3FFD];
	_ =	sdelay $0x3  }
0x96: {  	_ =	strace s2  }
0x97: {  	_ =	strace $0x8FFFFFFF  }
0x98: {  	s18 =	sld [smem:$0x3FDB];
	_ =	sdelay $0x1  }
0x99: {  	s19 =	simm.s32 $_scs_section_size  }
0x9a: {  	s4 =	simm.s32 $_size__tile_overlayer_lowered;
	s5 =	simm.s32 $_tile_overlayer_lowered  }
0x9b: {  	s22 =	simm.s32 $0x1BFF;
	s21 =	sshll.u32 s5, $0x1;
	s2 =	sadd.s32 s19, s18  }
0x9c: {  	s6 =	simm.s32 $0x0;
	s20 =	sshll.u32 s4, $0x1;
	s4 =	sadd.s32 s21, s2  }
0x9d: {  	[timem:s6], [sflag:s22] =	dma.local [hbm:s4], s20  }
0x9e: {  	_ =	swait.ge [sflag:s22], s20  }
0x9f: {  	s3 =	ssub.s32 $0x0, s20;
	[sflag:s22] =	ssyncset.done $0x0  }
0xa0: {  	[sflag:s22] =	ssyncadd.s32 s3;
	_ =	sdelay $0x1  }
0xa1: {  	s23 =	simm.s32 $0x1B8B  }
0xa2: {  	_ =	swait.ge [sflag:s23], $0x1  }
0xa3: {  	[sflag:s23] =	ssyncset.done $0x0  }
0xa4: {  	s25 =	simm.s32 $0x1B8E;
	s24 =	sld [smem:$0x3FFE];
	[sflag:s23] =	ssyncadd.s32 $0xFFFFFFFF  }
0xa5: {  	s26 =	simm.s32 $execute0_lowered;
	[smem:$0x3FD2] =	sst s25  }
0xa6: {  	s4 =	sshll.u32 s26, $0x1;
	_ =	strace $0x80000046;
	[dreg:$0x1] =	wrdreg $0xFFFFFFFF  }
0xa7: {  	s28 =	simm.s32 $_size_execute0_lowered;
	s2 =	sadd.s32 s2, s4;
	[dreg:$0x0] =	wrdreg $0x0  }
0xa8: {  	s4 =	sshll.u32 s28, $0x1;
	[dreg:$0x2] =	wrdreg s2  }
0xa9: {  	[dreg:$0x3] =	wrdreg s4  }
0xaa: {  	[dreg:$0x4] =	wrdreg $0xC0  }
0xab: {  	_ =	task [dreg:s6], $0x5FFFF  }
0xac: {  	[dreg:$0x1] =	wrdreg $0xFFFFFFFF  }
0xad: {  	[dreg:$0x0] =	wrdreg $0x60  }
0xae: {  	[dreg:$0x2] =	wrdreg s24  }
0xaf: {  	[dreg:$0x3] =	wrdreg $0x118000  }
0xb0: {  	[dreg:$0x4] =	wrdreg $0x9  }
0xb1: {  	_ =	task.clear_ibuf [dreg:s6], $0x5FFFF;
	_ =	strace $0x90000046  }
0xb2: {  	s29 =	simm.s32 $0x9;
	_ =	strace $0x80000048  }
0xb3: {  	_ =	swait.ge [sflag:s29], $0x1  }
0xb4: {  	[sflag:s29] =	ssyncadd.s32 $0xFFFFFFFF  }
0xb5: {  	_ =	strace $0x90000048  }
0xb6: {  	_ =	sfence  }
0xb7: {  	s30 =	sld [smem:$0x0];
	_ =	sdelay $0x2  }
0xb8: {  	s31 =	sshll.u32 s1, $0xD;
	s1 =	sshrl.u32 s1, $0x2  }
0xb9: {  	s3 =	sand.u32 $0x4000, s31;
	s1 =	sadd.s32 s1, s30  }
0xba: {  	s0 =	sor.u32 s3, s0;
	s1 =	sshll.u32 s1, $0x11  }
0xbb: {  	s0 =	sor.u32 s1, s0  }
0xbc: {  	s0 =	sadd.s32 $0x8F2B, s0  }
0xbd: {  	[sflag:s0] =	ssyncadd.remote.s32 $0x1  }
0xbe: {  	_ =	sfence.sel $0xFFFF  }
0xbf: {  	[dreg:$0x0] =	wrdreg $0xFFFFFFFF;
	(pc) =	sbr.abs _section_cstart, $3  }
0xc0: {  	[dreg:$0x1] =	wrdreg $0xFFFFFFFF  }
0xc1: {  	_ =	task.clear_ibuf [dreg:s6], $0x2FFFF;
	_ =	strace $0x9FFFFFFF  }
0xc2: {  	(tm) =	ssettm $0x7FFFFFFF  }
0xc3: {  	_ =	shalt  }
tec
execute0_lowered:
.L_overlay_start_1:
0x0: {  	(tag) =	ssettag $0x1  }
0x1: {  	s0 =	rddreg [dreg:$0x0]  }
0x2: {  	s1 =	rddreg [dreg:$0x1];
	s2 =	simm.s32 $0x0;
	s4 =	srdreg.scid  }
0x3: {  	s11 =	stileid.u32;
	s22 =	simm.s32 $0xB400;
	s29 =	simm.s32 $0xDC00  }
0x4: {  	s31 =	simm.s32 $0xF000;
	s28 =	simm.s32 $0x8;
	s30 =	simm.s32 $0xA  }
0x5: {  	[smem:$0x7FF] =	sst s2;
	s3 =	sadd.s32 $0x1000, s0;
	s9 =	smul.u32 $0x18B00, s11  }
0x6: {  	s5 =	sadd.s32 $0x17600, s0;
	s4 =	sand.u32 $0x1, s4;
	s10 =	smul.u32 $0x1400, s11  }
0x7: {  	s6 =	sadd.s32 $0xD600, s0;
	s8 =	sadd.s32 $0x21600, s0;
	s15 =	smul.u32 $0x780, s11  }
0x8: {  	s19 =	smul.u32 $0x62C0, s11;
	s23 =	sshll.u32 s11, $0x6;
	s11 =	simm.s32 $0xD  }
0x9: {  	_ =	strace $0x80000047;
	s7 =	smul.u32 $0xC580, s4;
	[dreg:$0x3] =	wrdreg s8  }
0xa: {  	s12 =	ssub.s32 $0x2, s4;
	p0 =	seq.s32 s4, $0x1;
	[dreg:$0x8] =	wrdreg s23  }
0xb: {  	s25 =	sor.u32 $0x1C09, s23;
	s13 =	sshrl.u32 s12, $0x1;
	s14 =	sshrl.u32 s9, $0x2  }
0xc: {  	s17 =	sshrl.u32 s10, $0x3;
	s18 =	sadd.s32 s5, s15;
	s9 =	sadd.s32 s6, s15  }
0xd: {  	s21 =	sshrl.u32 s19, $0x3;
	s24 =	sadd.s32 s19, s1;
	[dreg:$0xa] =	wrdreg s25  }
0xe: {  	s15 =	simm.s32 $0x3;
	s19 =	simm.s32 $0x5;
	s10 =	simm.s32 $0x10  }
0xf: {  	s0 =	sadd.s32 s7, s0;
	s7 =	ssub.s32 s12, s13;
	[dreg:$0x4] =	wrdreg s18  }
0x10: {  	s16 =	sadd.s32 s14, s1;
	s8 =	sadd.s32 $0x7800, s17;
	[dreg:$0x5] =	wrdreg s9  }
0x11: {  	s17 =	simm.s32 $0x7800;
	s18 =	simm.s32 $0x8C00;
	s26 =	sshrl.u32 s24, $0x3  }
0x12: {  	s9 =	simm.s32 $0x4;
	s24 =	simm.s32 $0x7;
	s12 =	simm.s32 $0xE  }
0x13: {  	s13 =	simm.s32 $0xF;
	s5 =	sadd.s32 s5, s8;
	s20 =	sadd.s32 s6, s8  }
0x14: {  	s0 =	sadd.s32 $0x22400, s0;
	s7 =	smax.u32 s7, $0x1;
	[dreg:$0xe] =	wrdreg s26  }
0x15: {  	s4 =	sshrl.u32 s16, $0x3;
	s16 =	simm.s32 $0x80;
	[dreg:$0x6] =	wrdreg s5  }
.Ltmp0:
0x16: {  	s26 =	simm.s32 $0xC800;
	[dreg:$0x7] =	wrdreg s20;
	(pc) =	sbr.rel .LBB2_1-.Ltmp0, $4  }
0x17: {  	s6 =	simm.s32 $0x9;
	s8 =	simm.s32 $0x2;
	[dreg:$0x9] =	wrdreg s7  }
0x18: {  	[dreg:$0xb] =	wrdreg s4;
	s20 =	simm.s32 $0xA000;
	s0 =	sadd.s32 s21, s0  }
0x19: {  	s4 =	simm.s32 $0x10400;
	s7 =	simm.s32 $0x1;
	s21 =	simm.s32 $0x6  }
0x1a: {  	s5 =	simm.s32 $0xC;
	[dreg:$0xd] =	wrdreg s0;
	s0 =	simm.s32 $0xB  }
.LBB2_8:
0x1b: {  	_ =	swait.ge [sflag:s30], $0x1400  }
0x1c: {  	[sflag:s30] =	ssyncset.done $0x0  }
0x1d: {  	[sflag:s30] =	ssyncadd.s32 $0xFFFFEC00  }
0x1e: {  	_ =	swait.ge [sflag:s0], $0x1400  }
0x1f: {  	[sflag:s0] =	ssyncset.done $0x0  }
0x20: {  	[sflag:s0] =	ssyncadd.s32 $0xFFFFEC00  }
0x21: {  	_ =	swait.ge [sflag:s5], $0x1400  }
0x22: {  	[sflag:s5] =	ssyncset.done $0x0  }
0x23: {  	[sflag:s5] =	ssyncadd.s32 $0xFFFFEC00  }
0x24: {  	_ =	swait.ge [sflag:s11], $0x1400  }
0x25: {  	[sflag:s11] =	ssyncset.done $0x0  }
0x26: {  	[sflag:s11] =	ssyncadd.s32 $0xFFFFEC00  }
0x27: {  	_ =	swait.ge [sflag:s12], $0x1400  }
0x28: {  	[sflag:s12] =	ssyncset.done $0x0  }
0x29: {  	[sflag:s12] =	ssyncadd.s32 $0xFFFFEC00  }
0x2a: {  	_ =	swait.ge [sflag:s13], $0x1400  }
0x2b: {  	[sflag:s13] =	ssyncset.done $0x0  }
0x2c: {  	[sflag:s13] =	ssyncadd.s32 $0xFFFFEC00  }
0x2d: {  	_ =	swait.ge [sflag:s10], $0x1400  }
0x2e: {  	[sflag:s10] =	ssyncset.done $0x0  }
0x2f: {  	[sflag:s10] =	ssyncadd.s32 $0xFFFFEC00  }
0x30: {  	[bflag:$0x0] =	sbarrier.arrive $0xFFFF  }
0x31: {  	s14 =	rddreg [dreg:$0x8]  }
0x32: {  	s23 =	rddreg [dreg:$0xd]  }
0x33: {  	s25 =	rddreg [dreg:$0xe];
	s14 =	sor.u32 $0x1C11, s14  }
0x34: {  	[hbm:s23], [sflag:s14] =	dma.local [spmem:s25], $0xC58  }
0x35: {  	s23 =	simm.s32 $0x11  }
0x36: {  	_ =	swait.ge [sflag:s23], $0xC58  }
0x37: {  	s2 =	sadd.s32 $0x1, s2;
	s25 =	rddreg [dreg:$0x9]  }
0x38: {  	p1 =	sne.s32 s2, s25  }
.Ltmp1:
0x39: {  	_ = 	snop;
	(pc) =	sbr.rel @!p1 .LBB2_9-.Ltmp1, $3  }
0x3a: {  	_ =	sdelay $0x1  }
0x3b: {  	[sflag:s23] =	ssyncset.done $0x0  }
0x3c: {  	[sflag:s23] =	ssyncadd.s32 $0xFFFFF3A8  }
.LBB2_1:
0x3d: {  	[dreg:$0xc] =	wrdreg s2  }
.Ltmp2:
0x3e: {  	s14 =	rddreg [dreg:$0x3];
	(pc) =	sbr.rel @!p0 .LBB2_2-.Ltmp2, $4  }
0x3f: {  	s23 =	rddreg [dreg:$0xa]  }
0x40: {  	s25 =	rddreg [dreg:$0xb]  }
0x41: {  	[spmem:s25], [sflag:s23] =	dma.local [hbm:s14], $0xC58  }
0x42: {  	s23 =	simm.s32 $0x0  }
0x43: {  	s14 =	rddreg [dreg:$0x6];
	s25 =	simm.s32 $0x11  }
0x44: {  	[tilespmem:s23], [sflag:$0x11] =	stream.linear.gather [hbm4b:s14+s23], $0x1400, $0x38;
	[tilespmem:$0x17AC0] =	vst v63  }
0x45: {  	_ =	swait.ge [sflag:s25], $0x1400  }
0x46: {  	[sflag:s25] =	ssyncset.done $0x0  }
0x47: {  	s2 =	simm.s32 $0x3C00;
	s14 =	rddreg [dreg:$0x7];
	[sflag:s25] =	ssyncadd.s32 $0xFFFFEC00  }
0x48: {  	[tilespmem:s2], [sflag:$0x11] =	stream.linear.gather [hbm4b:s14+s23], $0x1400, $0x38;
	[tilespmem:$0x17AC0] =	vst v63  }
0x49: {  	_ =	swait.ge [sflag:s25], $0x1400  }
0x4a: {  	[sflag:s25] =	ssyncset.done $0x0  }
0x4b: {  	[sflag:s25] =	ssyncadd.s32 $0xFFFFEC00  }
0x4c: {  	[tilespmem:s17], [sflag:$0x1] =	stream.indirect.gather [hbm4b:s3+s16], $0x28, s23, s16, $0xb8;
	[tilespmem:$0x17AC0] =	vst v63  }
0x4d: {  	_ = 	snop  }
0x4e: {  	[tilespmem:s18], [sflag:$0x2] =	stream.indirect.gather [hbm4b:s3+s16], $0x28, s16, s16, $0xb8;
	[tilespmem:$0x17AC0] =	vst v63  }
0x4f: {  	s14 =	simm.s32 $0x100  }
0x50: {  	[tilespmem:s20], [sflag:$0x3] =	stream.indirect.gather [hbm4b:s3+s16], $0x28, s14, s16, $0xb8;
	[tilespmem:$0x17AC0] =	vst v63  }
0x51: {  	s25 =	simm.s32 $0x180  }
0x52: {  	[tilespmem:s22], [sflag:$0x4] =	stream.indirect.gather [hbm4b:s3+s16], $0x28, s25, s16, $0xb8;
	[tilespmem:$0x17AC0] =	vst v63  }
0x53: {  	s14 =	simm.s32 $0x200  }
0x54: {  	[tilespmem:s26], [sflag:$0x5] =	stream.indirect.gather [hbm4b:s3+s16], $0x28, s14, s16, $0xb8;
	[tilespmem:$0x17AC0] =	vst v63  }
0x55: {  	s25 =	simm.s32 $0x280  }
0x56: {  	[tilespmem:s29], [sflag:$0x6] =	stream.indirect.gather [hbm4b:s3+s16], $0x28, s25, s16, $0xb8;
	[tilespmem:$0x17AC0] =	vst v63  }
0x57: {  	s14 =	simm.s32 $0x300  }
0x58: {  	[tilespmem:s31], [sflag:$0x7] =	stream.indirect.gather [hbm4b:s3+s16], $0x28, s14, s16, $0xb8;
	[tilespmem:$0x17AC0] =	vst v63  }
0x59: {  	s25 =	simm.s32 $0x380  }
0x5a: {  	[tilespmem:s4], [sflag:$0x8] =	stream.indirect.gather [hbm4b:s3+s16], $0x28, s25, s16, $0xb8;
	[tilespmem:$0x17AC0] =	vst v63  }
0x5b: {  	_ =	swait.ge [sflag:s6], $0xC58  }
0x5c: {  	[sflag:s6] =	ssyncset.done $0x0  }
0x5d: {  	[sflag:s6] =	ssyncadd.s32 $0xFFFFF3A8  }
0x5e: {  	[bflag:$0x0] =	sbarrier.arrive $0xFFFF  }
0x5f: {  	s2 =	rddreg [dreg:$0xc]  }
.LBB2_6:
0x60: {  	_ =	swait.ge [sflag:s7], $0x1400  }
0x61: {  	s25 =	sshra.s32 s23, $0x2;
	[sflag:s7] =	ssyncset.done $0x0  }
0x62: {  	s14 =	sadd.s32 $0x3C00, s25;
	[sflag:s7] =	ssyncadd.s32 $0xFFFFEC00  }
0x63: {  	[spmem:s1] =	stream.indirect.scatter.add.f32 [tilespmem:s17], [sflag:$0x9], $0x28, s14, s16, $0xb8;
	[tilespmem:$0x17AC0] =	vst v63  }
0x64: {  	_ =	swait.ge [sflag:s8], $0x1400  }
0x65: {  	[sflag:s8] =	ssyncset.done $0x0  }
0x66: {  	s14 =	sadd.s32 $0x3C80, s25;
	[sflag:s8] =	ssyncadd.s32 $0xFFFFEC00  }
0x67: {  	[spmem:s1] =	stream.indirect.scatter.add.f32 [tilespmem:s18], [sflag:$0xA], $0x28, s14, s16, $0xb8;
	[tilespmem:$0x17AC0] =	vst v63  }
0x68: {  	_ =	swait.ge [sflag:s15], $0x1400  }
0x69: {  	[sflag:s15] =	ssyncset.done $0x0  }
0x6a: {  	s14 =	sadd.s32 $0x3D00, s25;
	[sflag:s15] =	ssyncadd.s32 $0xFFFFEC00  }
0x6b: {  	[spmem:s1] =	stream.indirect.scatter.add.f32 [tilespmem:s20], [sflag:$0xB], $0x28, s14, s16, $0xb8;
	[tilespmem:$0x17AC0] =	vst v63  }
0x6c: {  	_ =	swait.ge [sflag:s9], $0x1400  }
0x6d: {  	[sflag:s9] =	ssyncset.done $0x0  }
0x6e: {  	s14 =	sadd.s32 $0x3D80, s25;
	[sflag:s9] =	ssyncadd.s32 $0xFFFFEC00  }
0x6f: {  	[spmem:s1] =	stream.indirect.scatter.add.f32 [tilespmem:s22], [sflag:$0xC], $0x28, s14, s16, $0xb8;
	[tilespmem:$0x17AC0] =	vst v63  }
0x70: {  	_ =	swait.ge [sflag:s19], $0x1400  }
0x71: {  	[sflag:s19] =	ssyncset.done $0x0  }
0x72: {  	s14 =	sadd.s32 $0x3E00, s25;
	[sflag:s19] =	ssyncadd.s32 $0xFFFFEC00  }
0x73: {  	[spmem:s1] =	stream.indirect.scatter.add.f32 [tilespmem:s26], [sflag:$0xD], $0x28, s14, s16, $0xb8;
	[tilespmem:$0x17AC0] =	vst v63  }
0x74: {  	_ =	swait.ge [sflag:s21], $0x1400  }
0x75: {  	[sflag:s21] =	ssyncset.done $0x0  }
0x76: {  	s14 =	sadd.s32 $0x3E80, s25;
	[sflag:s21] =	ssyncadd.s32 $0xFFFFEC00  }
0x77: {  	[spmem:s1] =	stream.indirect.scatter.add.f32 [tilespmem:s29], [sflag:$0xE], $0x28, s14, s16, $0xb8;
	[tilespmem:$0x17AC0] =	vst v63  }
0x78: {  	_ =	swait.ge [sflag:s24], $0x1400  }
0x79: {  	[sflag:s24] =	ssyncset.done $0x0  }
0x7a: {  	s14 =	sadd.s32 $0x3F00, s25;
	[sflag:s24] =	ssyncadd.s32 $0xFFFFEC00  }
0x7b: {  	[spmem:s1] =	stream.indirect.scatter.add.f32 [tilespmem:s31], [sflag:$0xF], $0x28, s14, s16, $0xb8;
	[tilespmem:$0x17AC0] =	vst v63  }
0x7c: {  	_ =	swait.ge [sflag:s28], $0x1400  }
0x7d: {  	p1 =	seq.s32 s23, $0x4000;
	[sflag:s28] =	ssyncset.done $0x0  }
.Ltmp3:
0x7e: {  	s14 =	sadd.s32 $0x3F80, s25;
	[sflag:s28] =	ssyncadd.s32 $0xFFFFEC00;
	(pc) =	sbr.rel @p1 .LBB2_8-.Ltmp3, $4  }
0x7f: {  	[spmem:s1] =	stream.indirect.scatter.add.f32 [tilespmem:s4], [sflag:$0x10], $0x28, s14, s16, $0xb8;
	[tilespmem:$0x17AC0] =	vst v63  }
0x80: {  	_ =	swait.ge [sflag:s6], $0x1400  }
0x81: {  	[sflag:s6] =	ssyncset.done $0x0  }
0x82: {  	[sflag:s6] =	ssyncadd.s32 $0xFFFFEC00  }
0x83: {  	s14 =	sadd.s32 $0x400, s25  }
0x84: {  	[tilespmem:s17], [sflag:$0x1] =	stream.indirect.gather [hbm4b:s3+s16], $0x28, s14, s16, $0xb8;
	[tilespmem:$0x17AC0] =	vst v63  }
0x85: {  	_ =	swait.ge [sflag:s30], $0x1400  }
0x86: {  	[sflag:s30] =	ssyncset.done $0x0  }
0x87: {  	s14 =	sadd.s32 $0x480, s25;
	[sflag:s30] =	ssyncadd.s32 $0xFFFFEC00  }
0x88: {  	[tilespmem:s18], [sflag:$0x2] =	stream.indirect.gather [hbm4b:s3+s16], $0x28, s14, s16, $0xb8;
	[tilespmem:$0x17AC0] =	vst v63  }
0x89: {  	_ =	swait.ge [sflag:s0], $0x1400  }
0x8a: {  	[sflag:s0] =	ssyncset.done $0x0  }
0x8b: {  	s14 =	sadd.s32 $0x500, s25;
	[sflag:s0] =	ssyncadd.s32 $0xFFFFEC00  }
0x8c: {  	[tilespmem:s20], [sflag:$0x3] =	stream.indirect.gather [hbm4b:s3+s16], $0x28, s14, s16, $0xb8;
	[tilespmem:$0x17AC0] =	vst v63  }
0x8d: {  	_ =	swait.ge [sflag:s5], $0x1400  }
0x8e: {  	[sflag:s5] =	ssyncset.done $0x0  }
0x8f: {  	s14 =	sadd.s32 $0x580, s25;
	[sflag:s5] =	ssyncadd.s32 $0xFFFFEC00  }
0x90: {  	[tilespmem:s22], [sflag:$0x4] =	stream.indirect.gather [hbm4b:s3+s16], $0x28, s14, s16, $0xb8;
	[tilespmem:$0x17AC0] =	vst v63  }
0x91: {  	_ =	swait.ge [sflag:s11], $0x1400  }
0x92: {  	[sflag:s11] =	ssyncset.done $0x0  }
0x93: {  	s14 =	sadd.s32 $0x600, s25;
	[sflag:s11] =	ssyncadd.s32 $0xFFFFEC00  }
0x94: {  	[tilespmem:s26], [sflag:$0x5] =	stream.indirect.gather [hbm4b:s3+s16], $0x28, s14, s16, $0xb8;
	[tilespmem:$0x17AC0] =	vst v63  }
0x95: {  	_ =	swait.ge [sflag:s12], $0x1400  }
0x96: {  	[sflag:s12] =	ssyncset.done $0x0  }
0x97: {  	s14 =	sadd.s32 $0x680, s25;
	[sflag:s12] =	ssyncadd.s32 $0xFFFFEC00  }
0x98: {  	[tilespmem:s29], [sflag:$0x6] =	stream.indirect.gather [hbm4b:s3+s16], $0x28, s14, s16, $0xb8;
	[tilespmem:$0x17AC0] =	vst v63  }
0x99: {  	_ =	swait.ge [sflag:s13], $0x1400  }
0x9a: {  	[sflag:s13] =	ssyncset.done $0x0  }
0x9b: {  	s14 =	sadd.s32 $0x700, s25;
	[sflag:s13] =	ssyncadd.s32 $0xFFFFEC00  }
0x9c: {  	[tilespmem:s31], [sflag:$0x7] =	stream.indirect.gather [hbm4b:s3+s16], $0x28, s14, s16, $0xb8;
	[tilespmem:$0x17AC0] =	vst v63  }
.Ltmp4:
0x9d: {  	_ = 	snop;
	(pc) =	sbr.rel .LBB2_6-.Ltmp4, $4  }
0x9e: {  	_ =	swait.ge [sflag:s10], $0x1400  }
0x9f: {  	[sflag:s10] =	ssyncset.done $0x0  }
0xa0: {  	s23 =	sadd.s32 $0x1000, s23;
	s25 =	sadd.s32 $0x780, s25;
	[sflag:s10] =	ssyncadd.s32 $0xFFFFEC00  }
0xa1: {  	[tilespmem:s4], [sflag:$0x8] =	stream.indirect.gather [hbm4b:s3+s16], $0x28, s25, s16, $0xb8;
	[tilespmem:$0x17AC0] =	vst v63  }
.LBB2_2:
0xa2: {  	s14 =	rddreg [dreg:$0x4];
	s25 =	simm.s32 $0x11  }
0xa3: {  	[tilespmem:s23], [sflag:$0x11] =	stream.linear.gather [hbm4b:s14+s23], $0x3C00, $0x38;
	[tilespmem:$0x17AC0] =	vst v63  }
0xa4: {  	_ =	swait.ge [sflag:s25], $0x3C00  }
0xa5: {  	[sflag:s25] =	ssyncset.done $0x0  }
0xa6: {  	s2 =	simm.s32 $0x3C00;
	s14 =	rddreg [dreg:$0x5];
	[sflag:s25] =	ssyncadd.s32 $0xFFFFC400  }
0xa7: {  	[tilespmem:s2], [sflag:$0x11] =	stream.linear.gather [hbm4b:s14+s23], $0x3C00, $0x38;
	[tilespmem:$0x17AC0] =	vst v63  }
0xa8: {  	_ =	swait.ge [sflag:s25], $0x3C00  }
0xa9: {  	[sflag:s25] =	ssyncset.done $0x0  }
0xaa: {  	[sflag:s25] =	ssyncadd.s32 $0xFFFFC400  }
0xab: {  	[tilespmem:s17], [sflag:$0x1] =	stream.indirect.gather [hbm4b:s3+s16], $0x28, s23, s16, $0xb8;
	[tilespmem:$0x17AC0] =	vst v63  }
0xac: {  	_ = 	snop  }
0xad: {  	[tilespmem:s18], [sflag:$0x2] =	stream.indirect.gather [hbm4b:s3+s16], $0x28, s16, s16, $0xb8;
	[tilespmem:$0x17AC0] =	vst v63  }
0xae: {  	s14 =	simm.s32 $0x100  }
0xaf: {  	[tilespmem:s20], [sflag:$0x3] =	stream.indirect.gather [hbm4b:s3+s16], $0x28, s14, s16, $0xb8;
	[tilespmem:$0x17AC0] =	vst v63  }
0xb0: {  	s25 =	simm.s32 $0x180  }
0xb1: {  	[tilespmem:s22], [sflag:$0x4] =	stream.indirect.gather [hbm4b:s3+s16], $0x28, s25, s16, $0xb8;
	[tilespmem:$0x17AC0] =	vst v63  }
0xb2: {  	s14 =	simm.s32 $0x200  }
0xb3: {  	[tilespmem:s26], [sflag:$0x5] =	stream.indirect.gather [hbm4b:s3+s16], $0x28, s14, s16, $0xb8;
	[tilespmem:$0x17AC0] =	vst v63  }
0xb4: {  	s25 =	simm.s32 $0x280  }
0xb5: {  	[tilespmem:s29], [sflag:$0x6] =	stream.indirect.gather [hbm4b:s3+s16], $0x28, s25, s16, $0xb8;
	[tilespmem:$0x17AC0] =	vst v63  }
0xb6: {  	s14 =	simm.s32 $0x300  }
0xb7: {  	[tilespmem:s31], [sflag:$0x7] =	stream.indirect.gather [hbm4b:s3+s16], $0x28, s14, s16, $0xb8;
	[tilespmem:$0x17AC0] =	vst v63  }
0xb8: {  	s25 =	simm.s32 $0x380  }
0xb9: {  	[tilespmem:s4], [sflag:$0x8] =	stream.indirect.gather [hbm4b:s3+s16], $0x28, s25, s16, $0xb8;
	[tilespmem:$0x17AC0] =	vst v63  }
0xba: {  	_ =	swait.ge [sflag:s6], $0xC58  }
0xbb: {  	[sflag:s6] =	ssyncset.done $0x0  }
0xbc: {  	[sflag:s6] =	ssyncadd.s32 $0xFFFFF3A8  }
0xbd: {  	[bflag:$0x0] =	sbarrier.arrive $0xFFFF  }
0xbe: {  	s2 =	rddreg [dreg:$0xc]  }
.LBB2_3:
0xbf: {  	_ =	swait.ge [sflag:s7], $0x1400  }
0xc0: {  	s25 =	sshra.s32 s23, $0x2;
	[sflag:s7] =	ssyncset.done $0x0  }
0xc1: {  	s14 =	sadd.s32 $0x3C00, s25;
	[sflag:s7] =	ssyncadd.s32 $0xFFFFEC00  }
0xc2: {  	[spmem:s1] =	stream.indirect.scatter.add.f32 [tilespmem:s17], [sflag:$0x9], $0x28, s14, s16, $0xb8;
	[tilespmem:$0x17AC0] =	vst v63  }
0xc3: {  	_ =	swait.ge [sflag:s8], $0x1400  }
0xc4: {  	[sflag:s8] =	ssyncset.done $0x0  }
0xc5: {  	s14 =	sadd.s32 $0x3C80, s25;
	[sflag:s8] =	ssyncadd.s32 $0xFFFFEC00  }
0xc6: {  	[spmem:s1] =	stream.indirect.scatter.add.f32 [tilespmem:s18], [sflag:$0xA], $0x28, s14, s16, $0xb8;
	[tilespmem:$0x17AC0] =	vst v63  }
0xc7: {  	_ =	swait.ge [sflag:s15], $0x1400  }
0xc8: {  	[sflag:s15] =	ssyncset.done $0x0  }
0xc9: {  	s14 =	sadd.s32 $0x3D00, s25;
	[sflag:s15] =	ssyncadd.s32 $0xFFFFEC00  }
0xca: {  	[spmem:s1] =	stream.indirect.scatter.add.f32 [tilespmem:s20], [sflag:$0xB], $0x28, s14, s16, $0xb8;
	[tilespmem:$0x17AC0] =	vst v63  }
0xcb: {  	_ =	swait.ge [sflag:s9], $0x1400  }
0xcc: {  	[sflag:s9] =	ssyncset.done $0x0  }
0xcd: {  	s14 =	sadd.s32 $0x3D80, s25;
	[sflag:s9] =	ssyncadd.s32 $0xFFFFEC00  }
0xce: {  	[spmem:s1] =	stream.indirect.scatter.add.f32 [tilespmem:s22], [sflag:$0xC], $0x28, s14, s16, $0xb8;
	[tilespmem:$0x17AC0] =	vst v63  }
0xcf: {  	_ =	swait.ge [sflag:s19], $0x1400  }
0xd0: {  	[sflag:s19] =	ssyncset.done $0x0  }
0xd1: {  	s14 =	sadd.s32 $0x3E00, s25;
	[sflag:s19] =	ssyncadd.s32 $0xFFFFEC00  }
0xd2: {  	[spmem:s1] =	stream.indirect.scatter.add.f32 [tilespmem:s26], [sflag:$0xD], $0x28, s14, s16, $0xb8;
	[tilespmem:$0x17AC0] =	vst v63  }
0xd3: {  	_ =	swait.ge [sflag:s21], $0x1400  }
0xd4: {  	[sflag:s21] =	ssyncset.done $0x0  }
0xd5: {  	s14 =	sadd.s32 $0x3E80, s25;
	[sflag:s21] =	ssyncadd.s32 $0xFFFFEC00  }
0xd6: {  	[spmem:s1] =	stream.indirect.scatter.add.f32 [tilespmem:s29], [sflag:$0xE], $0x28, s14, s16, $0xb8;
	[tilespmem:$0x17AC0] =	vst v63  }
0xd7: {  	_ =	swait.ge [sflag:s24], $0x1400  }
0xd8: {  	[sflag:s24] =	ssyncset.done $0x0  }
0xd9: {  	s14 =	sadd.s32 $0x3F00, s25;
	[sflag:s24] =	ssyncadd.s32 $0xFFFFEC00  }
0xda: {  	[spmem:s1] =	stream.indirect.scatter.add.f32 [tilespmem:s31], [sflag:$0xF], $0x28, s14, s16, $0xb8;
	[tilespmem:$0x17AC0] =	vst v63  }
0xdb: {  	_ =	swait.ge [sflag:s28], $0x1400  }
0xdc: {  	p1 =	seq.s32 s23, $0xE000;
	[sflag:s28] =	ssyncset.done $0x0  }
.Ltmp5:
0xdd: {  	s14 =	sadd.s32 $0x3F80, s25;
	[sflag:s28] =	ssyncadd.s32 $0xFFFFEC00;
	(pc) =	sbr.rel @p1 .LBB2_8-.Ltmp5, $4  }
0xde: {  	[spmem:s1] =	stream.indirect.scatter.add.f32 [tilespmem:s4], [sflag:$0x10], $0x28, s14, s16, $0xb8;
	[tilespmem:$0x17AC0] =	vst v63  }
0xdf: {  	_ =	swait.ge [sflag:s6], $0x1400  }
0xe0: {  	[sflag:s6] =	ssyncset.done $0x0  }
0xe1: {  	[sflag:s6] =	ssyncadd.s32 $0xFFFFEC00  }
0xe2: {  	s14 =	sadd.s32 $0x400, s25  }
0xe3: {  	[tilespmem:s17], [sflag:$0x1] =	stream.indirect.gather [hbm4b:s3+s16], $0x28, s14, s16, $0xb8;
	[tilespmem:$0x17AC0] =	vst v63  }
0xe4: {  	_ =	swait.ge [sflag:s30], $0x1400  }
0xe5: {  	[sflag:s30] =	ssyncset.done $0x0  }
0xe6: {  	s14 =	sadd.s32 $0x480, s25;
	[sflag:s30] =	ssyncadd.s32 $0xFFFFEC00  }
0xe7: {  	[tilespmem:s18], [sflag:$0x2] =	stream.indirect.gather [hbm4b:s3+s16], $0x28, s14, s16, $0xb8;
	[tilespmem:$0x17AC0] =	vst v63  }
0xe8: {  	_ =	swait.ge [sflag:s0], $0x1400  }
0xe9: {  	[sflag:s0] =	ssyncset.done $0x0  }
0xea: {  	s14 =	sadd.s32 $0x500, s25;
	[sflag:s0] =	ssyncadd.s32 $0xFFFFEC00  }
0xeb: {  	[tilespmem:s20], [sflag:$0x3] =	stream.indirect.gather [hbm4b:s3+s16], $0x28, s14, s16, $0xb8;
	[tilespmem:$0x17AC0] =	vst v63  }
0xec: {  	_ =	swait.ge [sflag:s5], $0x1400  }
0xed: {  	[sflag:s5] =	ssyncset.done $0x0  }
0xee: {  	s14 =	sadd.s32 $0x580, s25;
	[sflag:s5] =	ssyncadd.s32 $0xFFFFEC00  }
0xef: {  	[tilespmem:s22], [sflag:$0x4] =	stream.indirect.gather [hbm4b:s3+s16], $0x28, s14, s16, $0xb8;
	[tilespmem:$0x17AC0] =	vst v63  }
0xf0: {  	_ =	swait.ge [sflag:s11], $0x1400  }
0xf1: {  	[sflag:s11] =	ssyncset.done $0x0  }
0xf2: {  	s14 =	sadd.s32 $0x600, s25;
	[sflag:s11] =	ssyncadd.s32 $0xFFFFEC00  }
0xf3: {  	[tilespmem:s26], [sflag:$0x5] =	stream.indirect.gather [hbm4b:s3+s16], $0x28, s14, s16, $0xb8;
	[tilespmem:$0x17AC0] =	vst v63  }
0xf4: {  	_ =	swait.ge [sflag:s12], $0x1400  }
0xf5: {  	[sflag:s12] =	ssyncset.done $0x0  }
0xf6: {  	s14 =	sadd.s32 $0x680, s25;
	[sflag:s12] =	ssyncadd.s32 $0xFFFFEC00  }
0xf7: {  	[tilespmem:s29], [sflag:$0x6] =	stream.indirect.gather [hbm4b:s3+s16], $0x28, s14, s16, $0xb8;
	[tilespmem:$0x17AC0] =	vst v63  }
0xf8: {  	_ =	swait.ge [sflag:s13], $0x1400  }
0xf9: {  	[sflag:s13] =	ssyncset.done $0x0  }
0xfa: {  	s14 =	sadd.s32 $0x700, s25;
	[sflag:s13] =	ssyncadd.s32 $0xFFFFEC00  }
0xfb: {  	[tilespmem:s31], [sflag:$0x7] =	stream.indirect.gather [hbm4b:s3+s16], $0x28, s14, s16, $0xb8;
	[tilespmem:$0x17AC0] =	vst v63  }
.Ltmp6:
0xfc: {  	_ = 	snop;
	(pc) =	sbr.rel .LBB2_3-.Ltmp6, $4  }
0xfd: {  	_ =	swait.ge [sflag:s10], $0x1400  }
0xfe: {  	[sflag:s10] =	ssyncset.done $0x0  }
0xff: {  	s23 =	sadd.s32 $0x1000, s23;
	s25 =	sadd.s32 $0x780, s25;
	[sflag:s10] =	ssyncadd.s32 $0xFFFFEC00  }
0x100: {  	[tilespmem:s4], [sflag:$0x8] =	stream.indirect.gather [hbm4b:s3+s16], $0x28, s25, s16, $0xb8;
	[tilespmem:$0x17AC0] =	vst v63  }
.LBB2_9:
0x101: {  	_ =	sfence.sel $0x180000  }
0x102: {  	[bflag:$0x0] =	sbarrier.arrive $0xFFFF  }
0x103: {  	_ =	strace $0x90000047  }
0x104: {  	s0 =	stileid.u32;
	[bflag:$0x2] =	sbarrier.arrive $0xFFFF  }
0x105: {  	p0 =	sne.s32 s0, $0x0;
	s0 =	rddreg [dreg:$0x2]  }
0x106: {  	s0 =	sadd.s32 @!p0 $0x100000, s0  }
0x107: {  	[sflag:s0] =	ssyncadd.tile.s32 @!p0 $0x1;
	_ =	shalt  }
.Lfunc_end2:
_tile_overlayer_lowered:
.L_overlay_start_2:
0x108: {  	(tag) =	ssettag $0x2  }
0x109: {  	s0 =	rddreg [dreg:$0x0];
	s2 =	stileid.u32  }
0x10a: {  	s1 =	rddreg [dreg:$0x1];
	p0 =	sne.s32 s2, $0x0  }
0x10b: {  	s3 =	rddreg [dreg:$0x2];
	[bflag:$0x3] =	sbarrier.arrive $0xFFFF;
	s2 =	simm.s32 @!p0 $0x1C11  }
0x10c: {  	[timem:s3], [sflag:s2] =	dma.local @!p0 [hbm:s0], s1  }
0x10d: {  	s0 =	simm.s32 @!p0 $0x11  }
0x10e: {  	_ =	swait.ge @!p0 [sflag:s0], s1  }
0x10f: {  	s1 =	ssub.s32 @!p0 $0x0, s1;
	[sflag:s0] =	ssyncset.done @!p0 $0x0  }
0x110: {  	[sflag:s0] =	ssyncadd.s32 @!p0 s1  }
0x111: {  	[bflag:$0x3] =	sbarrier.arrive $0xFFFF  }
0x112: {  	_ =	shalt  }

</sc_bundles>
